<compile_context>
chip_gen: v7x
topology: tpu7x:2x2x1
jax: 0.10.2.dev20260603
libtpu: 0.0.44.dev20260713+nightly
codegen_flags: <defaults>
</compile_context>

<pallas_src>
import jax
import jax.numpy as jnp
from jax import lax
from jax.experimental import pallas as pl
from jax.experimental.pallas import tpu as pltpu
from jax.experimental.pallas import tpu_sc as plsc

N = 320000
D = 128
S = 10000
NCHUNK = 16
CH = N // NCHUNK
R = 200
NB = CH // R
NG = (R + 15) // 16
HF = D // 2
KV = HF // 16
RING = 4
REC = 6 * HF
IDP = R + 32


def _store_slot(slot_ref, base, sums, cnt):
  for r in range(5):
    for k in range(KV):
      slot_ref[pl.ds(base + r * HF + 16 * k, 16)] = sums[r * KV + k]
  slot_ref[pl.ds(base + 5 * HF, 16)] = jnp.full(
      (16,), cnt.astype(jnp.float32), dtype=jnp.float32)


def _rsqrt16(v):
  i = plsc.bitcast(v, jnp.int32)
  y = plsc.bitcast(jnp.int32(0x5F3759DF) - (i >> 1), jnp.float32)
  hv = -0.5 * v
  for _ in range(3):
    y = y * (1.5 + hv * y * y)
  return y


def _corr_vregs(sums, pv):
  out = []
  for k in range(KV):
    mux = sums[0 * KV + k] * pv
    muy = sums[1 * KV + k] * pv
    cov = sums[4 * KV + k] * pv - mux * muy
    vx = sums[2 * KV + k] * pv - mux * mux
    vy = sums[3 * KV + k] * pv - muy * muy
    out.append(cov * _rsqrt16(vx * vy))
  return out


def _sc_moments(x, y, idx):
  mesh = plsc.VectorSubcoreMesh(core_axis_name="c", subcore_axis_name="s")

  def body(x_hbm, y_hbm, idx_hbm, out_hbm,
           xbuf, ybuf, idbuf, stage, rec_stage, hdr_stage,
           recbuf, hdrbuf, accbuf, fin_stage, shared_rec, shared_hdr,
           in_sem, flush_sem):
    half = lax.axis_index("c")
    chunk = lax.axis_index("s")
    f0 = half * HF
    row0 = chunk * CH

    def in_copies(b, q):
      r0 = row0 + b * R
      return (
          pltpu.make_async_copy(
              x_hbm.at[pl.ds(r0, R), pl.ds(f0, HF)], xbuf.at[q], in_sem),
          pltpu.make_async_copy(
              y_hbm.at[pl.ds(r0, R), pl.ds(f0, HF)], ybuf.at[q], in_sem),
          pltpu.make_async_copy(
              idx_hbm.at[pl.ds(r0, R)],
              idbuf.at[pl.ds(q * IDP + 16, R)], in_sem),
      )

    def issue(b, q):
      for c_ in in_copies(b, q):
        c_.start()

    def wait(b, q):
      for c_ in in_copies(b, q):
        c_.wait()

    def drain_one_flush():
      pltpu.make_async_copy(
          stage.at[pl.ds(0, HF)], out_hbm.at[pl.ds(0, HF)],
          flush_sem).wait()

    issue(0, 0)
    wait(0, 0)
    first_id = idbuf[pl.ds(16, 16)][0]

    zero16 = jnp.zeros((16,), jnp.float32)
    lane = lax.iota(jnp.int32, 16)

    def flush_seg(cur_id, cnt, rp, inflight, sums):
      is_first = cur_id == first_id

      def write_record(rp, inflight):
        _store_slot(rec_stage, 0, sums, cnt)
        pltpu.sync_copy(
            rec_stage, shared_rec.at[pl.ds(chunk * 2 * REC, REC)])
        return rp, inflight

      def write_direct(rp, inflight):
        need = inflight >= RING

        @pl.when(need)
        def _():
          drain_one_flush()

        pv = 1.0 / jnp.full((16,), cnt.astype(jnp.float32),
                            dtype=jnp.float32)
        corr = _corr_vregs(sums, pv)
        for k in range(KV):
          stage[pl.ds(rp * HF + 16 * k, 16)] = corr[k]
        pltpu.async_copy(
            stage.at[pl.ds(rp * HF, HF)],
            out_hbm.at[pl.ds(cur_id * D + f0, HF)], flush_sem)
        return ((rp + 1) & (RING - 1),
                inflight + 1 - need.astype(jnp.int32))

      return lax.cond(is_first, write_record, write_direct, rp, inflight)

    def block_body_p(p, b, carry):
      base = p * IDP + 16

      @pl.when(b > 0)
      def _():
        wait(b, p)

      @pl.when(b + 1 < NB)
      def _():
        issue(b + 1, 1 - p)

      cur_id, cnt, rp, inflight = carry[:4]
      sums = carry[4:]

      idbuf[pl.ds(p * IDP, 16)] = jnp.full((16,), cur_id, dtype=jnp.int32)
      np_ = jnp.int32(0)
      for g in range(NG):
        idv = idbuf[pl.ds(base + g * 16, 16)]
        prevv = idbuf[pl.ds(base + g * 16 - 1, 16)]
        m = idv != prevv
        if (g + 1) * 16 > R:
          m = jnp.logical_and(m, lane < (R - g * 16))
        np_ = np_ + plsc.all_reduce_population_count(m)[0]

      def row_acc(i, sums):
        sums = list(sums)
        for k in range(KV):
          xv = xbuf[p, i, pl.ds(16 * k, 16)]
          yv = ybuf[p, i, pl.ds(16 * k, 16)]
          sums[0 * KV + k] = sums[0 * KV + k] + xv
          sums[1 * KV + k] = sums[1 * KV + k] + yv
          sums[2 * KV + k] = sums[2 * KV + k] + xv * xv
          sums[3 * KV + k] = sums[3 * KV + k] + yv * yv
          sums[4 * KV + k] = sums[4 * KV + k] + xv * yv
        return tuple(sums)

      def run_acc(pos, end, sums):
        return lax.fori_loop(pos, end, row_acc, tuple(sums))

      def find_end(pos, vid):
        vidv = jnp.full((16,), vid, dtype=jnp.int32)

        def fstep(g, found):
          def scan():
            q0 = g * 16
            w = idbuf[pl.ds(base + q0, 16)]
            m = jnp.logical_and(w != vidv, q0 + lane >= pos)
            f = plsc.all_reduce_ffs(m)[0]
            return jnp.where(f < 16, q0 + f, jnp.int32(-1))

          return lax.cond(found < 0, scan, lambda: found)

        found = lax.fori_loop(pos >> 4, NG, fstep, jnp.int32(-1))
        return found

      def seg_step(j, scarry):
        (pos, cur_id, cnt, rp, inflight) = scarry[:5]
        sums = scarry[5:]
        end = find_end(pos, cur_id)
        sums = run_acc(pos, end, tuple(sums))
        cnt = cnt + (end - pos)
        rp, inflight = flush_seg(cur_id, cnt, rp, inflight, sums)
        nid = idbuf[pl.ds(base + end, 16)][0]
        return (end, nid, jnp.int32(0), rp, inflight) + (zero16,) * 20

      scarry = (jnp.int32(0),) + tuple(carry)
      scarry = lax.fori_loop(0, np_, seg_step, scarry)
      (start, cur_id, cnt, rp, inflight) = scarry[:5]
      sums = run_acc(start, jnp.int32(R), tuple(scarry[5:]))
      cnt = cnt + (R - start)
      return (cur_id, cnt, rp, inflight) + tuple(sums)

    def block_pair(b2, carry):
      for p_ in (0, 1):
        carry = block_body_p(p_, b2 * 2 + p_, carry)
      return carry

    carry0 = (first_id, jnp.int32(0), jnp.int32(0), jnp.int32(0)) + \
        (zero16,) * 20
    carry = lax.fori_loop(0, NB // 2, block_pair, carry0)

    cur_id, cnt = carry[0], carry[1]
    inflight = carry[3]
    sums = carry[4:]

    last_diff = cur_id != first_id
    _store_slot(rec_stage, 0, sums, cnt)
    slot = jnp.where(last_diff, 1, 0).astype(jnp.int32)
    pltpu.sync_copy(
        rec_stage, shared_rec.at[pl.ds((chunk * 2 + slot) * REC, REC)])
    hdr_stage[pl.ds(0, 16)] = jnp.full((16,), first_id, dtype=jnp.int32)
    hdr_stage[pl.ds(16, 16)] = jnp.full(
        (16,), jnp.where(last_diff, cur_id, -1), dtype=jnp.int32)
    pltpu.sync_copy(hdr_stage, shared_hdr.at[pl.ds(chunk * 32, 32)])

    for j in range(RING):
      @pl.when(j < inflight)
      def _():
        drain_one_flush()

    plsc.subcore_barrier()

    @pl.when(chunk == 0)
    def _merge():
      pltpu.sync_copy(shared_rec, recbuf)
      pltpu.sync_copy(shared_hdr, hdrbuf)

      def flush_acc(prev):
        cntv = accbuf[pl.ds(5 * HF, 16)]
        pv = 1.0 / cntv
        moms = [accbuf[pl.ds(r * HF + 16 * k, 16)]
                for r in range(5) for k in range(KV)]
        corr = _corr_vregs(moms, pv)
        for k in range(KV):
          fin_stage[pl.ds(16 * k, 16)] = corr[k]
        pltpu.sync_copy(fin_stage, out_hbm.at[pl.ds(prev * D + f0, HF)])

      def slot_step(t, prev):
        hid = hdrbuf[pl.ds(t * 16, 16)][0]
        rb = t * REC

        def live(prev):
          same = hid == prev

          def addacc():
            for k in range(6 * KV):
              accbuf[pl.ds(16 * k, 16)] = (
                  accbuf[pl.ds(16 * k, 16)]
                  + recbuf[pl.ds(rb + 16 * k, 16)])

          def newacc():
            @pl.when(prev >= 0)
            def _():
              flush_acc(prev)
            for k in range(6 * KV):
              accbuf[pl.ds(16 * k, 16)] = recbuf[pl.ds(rb + 16 * k, 16)]

          lax.cond(same, addacc, newacc)
          return hid

        return lax.cond(hid >= 0, live, lambda p_: p_, prev)

      prev = lax.fori_loop(0, NCHUNK * 2, slot_step, jnp.int32(-1))

      @pl.when(prev >= 0)
      def _():
        flush_acc(prev)

  return pl.kernel(
      body,
      out_type=jax.ShapeDtypeStruct((S * D,), jnp.float32),
      mesh=mesh,
      compiler_params=pltpu.CompilerParams(use_tc_tiling_on_sc=False,
                                           needs_layout_passes=False),
      scratch_types=[
          pltpu.VMEM((2, R, HF), jnp.float32),
          pltpu.VMEM((2, R, HF), jnp.float32),
          pltpu.VMEM((2 * IDP,), jnp.int32),
          pltpu.VMEM((RING * HF,), jnp.float32),
          pltpu.VMEM((REC,), jnp.float32),
          pltpu.VMEM((32,), jnp.int32),
          pltpu.VMEM((NCHUNK * 2 * REC,), jnp.float32),
          pltpu.VMEM((NCHUNK * 2 * 16,), jnp.int32),
          pltpu.VMEM((REC,), jnp.float32),
          pltpu.VMEM((HF,), jnp.float32),
          pltpu.VMEM_SHARED((NCHUNK * 2 * REC,), jnp.float32),
          pltpu.VMEM_SHARED((NCHUNK * 2 * 16,), jnp.int32),
          pltpu.SemaphoreType.DMA,
          pltpu.SemaphoreType.DMA,
      ],
  )(x, y, idx)


def kernel(input, target, batch_idx):
  x = input.reshape(N, D).astype(jnp.float32)
  y = target.reshape(N, D).astype(jnp.float32)
  idx = batch_idx.reshape(N).astype(jnp.int32)
  return _sc_moments(x, y, idx).reshape(S, D)

# --- scband reference (transcript-rebuilt; emitter-appended) ---
"""Pipeline reference for scband-correlation-4234837754054 (READ-ONLY COPY).

The authoritative reference and input builder live on the scoring server;
editing this copy changes nothing except your own understanding.
"""

import jax, jax.numpy as jnp
import numpy as np

NUM_SEGMENTS = 10000


def setup_inputs(seed: int = 0) -> dict:
    key = jax.random.key(seed)
    k1, k2, k3 = jax.random.split(key, 3)
    inp = jax.random.normal(k1, (320000, 128), dtype=jnp.float32)
    tgt = jax.random.normal(k2, (320000, 128), dtype=jnp.float32)
    batch_idx = jnp.sort(jax.random.randint(k3, (320000,), 0, NUM_SEGMENTS, dtype=jnp.int64))
    return {"input": inp, "target": tgt, "batch_idx": batch_idx}


def reference(input, target, batch_idx):
    N = input.shape[0]
    x = input.reshape(N, -1)
    y = target.reshape(N, -1)
    idx = batch_idx.reshape(-1)
    ones = jnp.ones((N,), dtype=x.dtype)
    counts = jax.ops.segment_sum(ones, idx, num_segments=NUM_SEGMENTS)
    p = 1.0 / counts
    p_e = p[idx].reshape((N,) + (1,) * (x.ndim - 1))
    mu_x = jax.ops.segment_sum(p_e * x, idx, num_segments=NUM_SEGMENTS)
    mu_y = jax.ops.segment_sum(p_e * y, idx, num_segments=NUM_SEGMENTS)
    x0 = x - mu_x[idx]
    y0 = y - mu_y[idx]
    sigma_x = jnp.sqrt(jax.ops.segment_sum(p_e * jnp.square(x0), idx, num_segments=NUM_SEGMENTS))
    sigma_y = jnp.sqrt(jax.ops.segment_sum(p_e * jnp.square(y0), idx, num_segments=NUM_SEGMENTS))
    cov_xy = jax.ops.segment_sum(p_e * x0 * y0, idx, num_segments=NUM_SEGMENTS)
    return cov_xy / (sigma_x * sigma_y)

if __name__ == "__main__":
    import jax
    _d = setup_inputs()
    print(jax.jit(kernel)(*tuple(_d.values())))

</pallas_src>

<mosaic_0001>
#map = affine_map<(d0, d1) -> (0, 0)>
#map1 = affine_map<(d0, d1) -> (0)>
module attributes {stable_mosaic.version = 14 : i64} {
  func.func @body(%arg0: i32, %arg1: i32, %arg2: memref<320000x128xf32, #tpu.memory_space<hbm>>, %arg3: memref<320000x128xf32, #tpu.memory_space<hbm>>, %arg4: memref<320000xi32, #tpu.memory_space<hbm>>, %arg5: memref<1280000xf32, #tpu.memory_space<hbm>>, %arg6: memref<2x200x64xf32, #tpu.memory_space<vmem>>, %arg7: memref<2x200x64xf32, #tpu.memory_space<vmem>>, %arg8: memref<464xi32, #tpu.memory_space<vmem>>, %arg9: memref<256xf32, #tpu.memory_space<vmem>>, %arg10: memref<384xf32, #tpu.memory_space<vmem>>, %arg11: memref<32xi32, #tpu.memory_space<vmem>>, %arg12: memref<12288xf32, #tpu.memory_space<vmem>>, %arg13: memref<512xi32, #tpu.memory_space<vmem>>, %arg14: memref<384xf32, #tpu.memory_space<vmem>>, %arg15: memref<64xf32, #tpu.memory_space<vmem>>, %arg16: memref<12288xf32, #tpu.memory_space<vmem_shared>>, %arg17: memref<512xi32, #tpu.memory_space<vmem_shared>>, %arg18: memref<!tpu.dma_semaphore, #tpu.memory_space<semaphore_mem>>, %arg19: memref<!tpu.dma_semaphore, #tpu.memory_space<semaphore_mem>>) attributes {dimension_semantics = [#tpu.dimension_semantics<core_parallel>, #tpu.dimension_semantics<subcore_parallel>], iteration_bounds = array<i64: 2, 16>, scalar_prefetch = 0 : i64, scratch_operands = 14 : i64, tpu.core_type = #tpu.core_type<sc_vector_subcore>, window_params = [{transform_indices = #map}, {transform_indices = #map}, {transform_indices = #map1}, {transform_indices = #map1}]} {
    %mul3A = arith.constant 64 : i32
    %mul3A_0 = arith.muli %arg0, %mul3A : i32
    %mul3A_1 = arith.constant 20000 : i32
    %mul3A_2 = arith.muli %arg1, %mul3A_1 : i32
    %add3A = arith.constant 0 : i32
    %add3A_3 = arith.addi %mul3A_2, %add3A : i32
    %dma_start3A = arith.constant 0 : i32
    %dma_start3A_4 = arith.constant 0 : i32
    %dma_start3A_5 = arith.constant 0 : i32
    %dma_start3A_6 = tpu.memref_slice %arg6[%dma_start3A, %dma_start3A_4, %dma_start3A_5] : memref<2x200x64xf32, #tpu.memory_space<vmem>> -> memref<1x200x64xf32, #tpu.memory_space<vmem>>
    %dma_start3A_7 = tpu.memref_squeeze %dma_start3A_6 : memref<1x200x64xf32, #tpu.memory_space<vmem>> -> memref<200x64xf32, #tpu.memory_space<vmem>>
    %dma_start3A_8 = tpu.memref_slice %arg2[%add3A_3, %mul3A_0] : memref<320000x128xf32, #tpu.memory_space<hbm>> -> memref<200x64xf32, #tpu.memory_space<hbm>>
    %dma_start3A_9 = arith.constant 0 : i32
    %dma_start3A_10 = arith.constant 0 : i32
    %dma_start3A_11 = tpu.memref_slice %arg6[%dma_start3A, %dma_start3A_9, %dma_start3A_10] : memref<2x200x64xf32, #tpu.memory_space<vmem>> -> memref<1x200x64xf32, #tpu.memory_space<vmem>>
    %dma_start3A_12 = tpu.memref_squeeze %dma_start3A_11 : memref<1x200x64xf32, #tpu.memory_space<vmem>> -> memref<200x64xf32, #tpu.memory_space<vmem>>
    %dma_start3A_13 = tpu.memref_slice %arg2[%add3A_3, %mul3A_0] : memref<320000x128xf32, #tpu.memory_space<hbm>> -> memref<200x64xf32, #tpu.memory_space<hbm>>
    tpu.enqueue_dma source(%dma_start3A_13 : memref<200x64xf32, #tpu.memory_space<hbm>>) target(%dma_start3A_12 : memref<200x64xf32, #tpu.memory_space<vmem>>) target_semaphore(%arg18 : memref<!tpu.dma_semaphore, #tpu.memory_space<semaphore_mem>>)
    %dma_start3A_14 = arith.constant 0 : i32
    %dma_start3A_15 = arith.constant 0 : i32
    %dma_start3A_16 = arith.constant 0 : i32
    %dma_start3A_17 = tpu.memref_slice %arg7[%dma_start3A_14, %dma_start3A_15, %dma_start3A_16] : memref<2x200x64xf32, #tpu.memory_space<vmem>> -> memref<1x200x64xf32, #tpu.memory_space<vmem>>
    %dma_start3A_18 = tpu.memref_squeeze %dma_start3A_17 : memref<1x200x64xf32, #tpu.memory_space<vmem>> -> memref<200x64xf32, #tpu.memory_space<vmem>>
    %dma_start3A_19 = tpu.memref_slice %arg3[%add3A_3, %mul3A_0] : memref<320000x128xf32, #tpu.memory_space<hbm>> -> memref<200x64xf32, #tpu.memory_space<hbm>>
    %dma_start3A_20 = arith.constant 0 : i32
    %dma_start3A_21 = arith.constant 0 : i32
    %dma_start3A_22 = tpu.memref_slice %arg7[%dma_start3A_14, %dma_start3A_20, %dma_start3A_21] : memref<2x200x64xf32, #tpu.memory_space<vmem>> -> memref<1x200x64xf32, #tpu.memory_space<vmem>>
    %dma_start3A_23 = tpu.memref_squeeze %dma_start3A_22 : memref<1x200x64xf32, #tpu.memory_space<vmem>> -> memref<200x64xf32, #tpu.memory_space<vmem>>
    %dma_start3A_24 = tpu.memref_slice %arg3[%add3A_3, %mul3A_0] : memref<320000x128xf32, #tpu.memory_space<hbm>> -> memref<200x64xf32, #tpu.memory_space<hbm>>
    tpu.enqueue_dma source(%dma_start3A_24 : memref<200x64xf32, #tpu.memory_space<hbm>>) target(%dma_start3A_23 : memref<200x64xf32, #tpu.memory_space<vmem>>) target_semaphore(%arg18 : memref<!tpu.dma_semaphore, #tpu.memory_space<semaphore_mem>>)
    %dma_start3A_25 = arith.constant 16 : i32
    %dma_start3A_26 = tpu.memref_slice %arg8[%dma_start3A_25] : memref<464xi32, #tpu.memory_space<vmem>> -> memref<200xi32, #tpu.memory_space<vmem>>
    %dma_start3A_27 = tpu.memref_slice %arg4[%add3A_3] : memref<320000xi32, #tpu.memory_space<hbm>> -> memref<200xi32, #tpu.memory_space<hbm>>
    %dma_start3A_28 = arith.constant 16 : i32
    %dma_start3A_29 = tpu.memref_slice %arg8[%dma_start3A_28] : memref<464xi32, #tpu.memory_space<vmem>> -> memref<200xi32, #tpu.memory_space<vmem>>
    %dma_start3A_30 = tpu.memref_slice %arg4[%add3A_3] : memref<320000xi32, #tpu.memory_space<hbm>> -> memref<200xi32, #tpu.memory_space<hbm>>
    tpu.enqueue_dma source(%dma_start3A_30 : memref<200xi32, #tpu.memory_space<hbm>>) target(%dma_start3A_29 : memref<200xi32, #tpu.memory_space<vmem>>) target_semaphore(%arg18 : memref<!tpu.dma_semaphore, #tpu.memory_space<semaphore_mem>>)
    %add3A_31 = arith.constant 0 : i32
    %add3A_32 = arith.addi %mul3A_2, %add3A_31 : i32
    %dma_wait3A = arith.constant 0 : i32
    %dma_wait3A_33 = arith.constant 0 : i32
    %dma_wait3A_34 = arith.constant 0 : i32
    %dma_wait3A_35 = tpu.memref_slice %arg6[%dma_wait3A, %dma_wait3A_33, %dma_wait3A_34] : memref<2x200x64xf32, #tpu.memory_space<vmem>> -> memref<1x200x64xf32, #tpu.memory_space<vmem>>
    %dma_wait3A_36 = tpu.memref_squeeze %dma_wait3A_35 : memref<1x200x64xf32, #tpu.memory_space<vmem>> -> memref<200x64xf32, #tpu.memory_space<vmem>>
    %dma_wait3A_37 = tpu.memref_slice %arg2[%add3A_32, %mul3A_0] : memref<320000x128xf32, #tpu.memory_space<hbm>> -> memref<200x64xf32, #tpu.memory_space<hbm>>
    %dma_wait3A_38 = arith.constant 0 : i32
    %dma_wait3A_39 = arith.constant 0 : i32
    %dma_wait3A_40 = tpu.memref_slice %arg6[%dma_wait3A, %dma_wait3A_38, %dma_wait3A_39] : memref<2x200x64xf32, #tpu.memory_space<vmem>> -> memref<1x200x64xf32, #tpu.memory_space<vmem>>
    %dma_wait3A_41 = tpu.memref_squeeze %dma_wait3A_40 : memref<1x200x64xf32, #tpu.memory_space<vmem>> -> memref<200x64xf32, #tpu.memory_space<vmem>>
    %dma_wait3A_42 = tpu.memref_slice %arg2[%add3A_32, %mul3A_0] : memref<320000x128xf32, #tpu.memory_space<hbm>> -> memref<200x64xf32, #tpu.memory_space<hbm>>
    tpu.wait_dma2 semaphore(%arg18 : memref<!tpu.dma_semaphore, #tpu.memory_space<semaphore_mem>>) src(%dma_wait3A_42 : memref<200x64xf32, #tpu.memory_space<hbm>>) dst(%dma_wait3A_41 : memref<200x64xf32, #tpu.memory_space<vmem>>)
    %dma_wait3A_43 = arith.constant 0 : i32
    %dma_wait3A_44 = arith.constant 0 : i32
    %dma_wait3A_45 = arith.constant 0 : i32
    %dma_wait3A_46 = tpu.memref_slice %arg7[%dma_wait3A_43, %dma_wait3A_44, %dma_wait3A_45] : memref<2x200x64xf32, #tpu.memory_space<vmem>> -> memref<1x200x64xf32, #tpu.memory_space<vmem>>
    %dma_wait3A_47 = tpu.memref_squeeze %dma_wait3A_46 : memref<1x200x64xf32, #tpu.memory_space<vmem>> -> memref<200x64xf32, #tpu.memory_space<vmem>>
    %dma_wait3A_48 = tpu.memref_slice %arg3[%add3A_32, %mul3A_0] : memref<320000x128xf32, #tpu.memory_space<hbm>> -> memref<200x64xf32, #tpu.memory_space<hbm>>
    %dma_wait3A_49 = arith.constant 0 : i32
    %dma_wait3A_50 = arith.constant 0 : i32
    %dma_wait3A_51 = tpu.memref_slice %arg7[%dma_wait3A_43, %dma_wait3A_49, %dma_wait3A_50] : memref<2x200x64xf32, #tpu.memory_space<vmem>> -> memref<1x200x64xf32, #tpu.memory_space<vmem>>
    %dma_wait3A_52 = tpu.memref_squeeze %dma_wait3A_51 : memref<1x200x64xf32, #tpu.memory_space<vmem>> -> memref<200x64xf32, #tpu.memory_space<vmem>>
    %dma_wait3A_53 = tpu.memref_slice %arg3[%add3A_32, %mul3A_0] : memref<320000x128xf32, #tpu.memory_space<hbm>> -> memref<200x64xf32, #tpu.memory_space<hbm>>
    tpu.wait_dma2 semaphore(%arg18 : memref<!tpu.dma_semaphore, #tpu.memory_space<semaphore_mem>>) src(%dma_wait3A_53 : memref<200x64xf32, #tpu.memory_space<hbm>>) dst(%dma_wait3A_52 : memref<200x64xf32, #tpu.memory_space<vmem>>)
    %dma_wait3A_54 = arith.constant 16 : i32
    %dma_wait3A_55 = tpu.memref_slice %arg8[%dma_wait3A_54] : memref<464xi32, #tpu.memory_space<vmem>> -> memref<200xi32, #tpu.memory_space<vmem>>
    %dma_wait3A_56 = tpu.memref_slice %arg4[%add3A_32] : memref<320000xi32, #tpu.memory_space<hbm>> -> memref<200xi32, #tpu.memory_space<hbm>>
    %dma_wait3A_57 = arith.constant 16 : i32
    %dma_wait3A_58 = tpu.memref_slice %arg8[%dma_wait3A_57] : memref<464xi32, #tpu.memory_space<vmem>> -> memref<200xi32, #tpu.memory_space<vmem>>
    %dma_wait3A_59 = tpu.memref_slice %arg4[%add3A_32] : memref<320000xi32, #tpu.memory_space<hbm>> -> memref<200xi32, #tpu.memory_space<hbm>>
    tpu.wait_dma2 semaphore(%arg18 : memref<!tpu.dma_semaphore, #tpu.memory_space<semaphore_mem>>) src(%dma_wait3A_59 : memref<200xi32, #tpu.memory_space<hbm>>) dst(%dma_wait3A_58 : memref<200xi32, #tpu.memory_space<vmem>>)
    %get3A = arith.constant 16 : index
    %get3A_60 = tpu.vector_load %arg8[%get3A] {strides = array<i32>} : memref<464xi32, #tpu.memory_space<vmem>>, vector<16xi32>,
    %slice3A = vector.extract_strided_slice %get3A_60 {offsets = [0], sizes = [1], strides = [1]} : vector<16xi32> to vector<1xi32>
    %squeeze3A = vector.extract %slice3A[0] : i32 from vector<1xi32>
    %broadcast_in_dim3A = arith.constant 0.000000e+00 : f32
    %broadcast_in_dim3A_61 = vector.broadcast %broadcast_in_dim3A : f32 to vector<16xf32>
    %iota3A = tpu.iota {dimensions = array<i32: 0>} : vector<16xi32>
    %scan3A = arith.constant 0 : i32
    %scan3A_62 = arith.constant 0 : i32
    %scan3A_63 = arith.constant 0 : i32
    %scan3A_64 = arith.constant 0 : i32
    %scan3A_65 = arith.constant 50 : i32
    %scan3A_66 = arith.addi %scan3A_64, %scan3A_65 : i32
    %scan3A_67 = arith.constant 1 : i32
    %scan3A_68:24 = scf.for %scan3A_150 = %scan3A_64 to %scan3A_66 step %scan3A_67 iter_args(%scan3A_151 = %squeeze3A, %scan3A_152 = %scan3A, %scan3A_153 = %scan3A_62, %scan3A_154 = %scan3A_63, %scan3A_155 = %broadcast_in_dim3A_61, %scan3A_156 = %broadcast_in_dim3A_61, %scan3A_157 = %broadcast_in_dim3A_61, %scan3A_158 = %broadcast_in_dim3A_61, %scan3A_159 = %broadcast_in_dim3A_61, %scan3A_160 = %broadcast_in_dim3A_61, %scan3A_161 = %broadcast_in_dim3A_61, %scan3A_162 = %broadcast_in_dim3A_61, %scan3A_163 = %broadcast_in_dim3A_61, %scan3A_164 = %broadcast_in_dim3A_61, %scan3A_165 = %broadcast_in_dim3A_61, %scan3A_166 = %broadcast_in_dim3A_61, %scan3A_167 = %broadcast_in_dim3A_61, %scan3A_168 = %broadcast_in_dim3A_61, %scan3A_169 = %broadcast_in_dim3A_61, %scan3A_170 = %broadcast_in_dim3A_61, %scan3A_171 = %broadcast_in_dim3A_61, %scan3A_172 = %broadcast_in_dim3A_61, %scan3A_173 = %broadcast_in_dim3A_61, %scan3A_174 = %broadcast_in_dim3A_61) -> (i32, i32, i32, i32, vector<16xf32>, vector<16xf32>, vector<16xf32>, vector<16xf32>, vector<16xf32>, vector<16xf32>, vector<16xf32>, vector<16xf32>, vector<16xf32>, vector<16xf32>, vector<16xf32>, vector<16xf32>, vector<16xf32>, vector<16xf32>, vector<16xf32>, vector<16xf32>, vector<16xf32>, vector<16xf32>, vector<16xf32>, vector<16xf32>)  : i32 {
      %mul3A_175 = arith.constant 2 : i32
      %mul3A_176 = arith.muli %scan3A_150, %mul3A_175 : i32
      %add3A_177 = arith.constant 0 : i32
      %add3A_178 = arith.addi %mul3A_176, %add3A_177 : i32
      %gt3A_179 = arith.constant 0 : i32
      %gt3A_180 = arith.cmpi sgt, %add3A_178, %gt3A_179 : i32
      %convert_element_type3A_181 = arith.extui %gt3A_180 : i1 to i32
      %cond3A_182 = arith.constant 0 : i32
      %cond3A_183 = arith.cmpi ne, %convert_element_type3A_181, %cond3A_182 : i32
      scf.if %cond3A_183 {
        %mul3A_504 = arith.constant 200 : i32
        %mul3A_505 = arith.muli %add3A_178, %mul3A_504 : i32
        %add3A_506 = arith.addi %mul3A_2, %mul3A_505 : i32
        %dma_wait3A_507 = arith.constant 0 : i32
        %dma_wait3A_508 = arith.constant 0 : i32
        %dma_wait3A_509 = arith.constant 0 : i32
        %dma_wait3A_510 = tpu.memref_slice %arg6[%dma_wait3A_507, %dma_wait3A_508, %dma_wait3A_509] : memref<2x200x64xf32, #tpu.memory_space<vmem>> -> memref<1x200x64xf32, #tpu.memory_space<vmem>>
        %dma_wait3A_511 = tpu.memref_squeeze %dma_wait3A_510 : memref<1x200x64xf32, #tpu.memory_space<vmem>> -> memref<200x64xf32, #tpu.memory_space<vmem>>
        %dma_wait3A_512 = tpu.memref_slice %arg2[%add3A_506, %mul3A_0] : memref<320000x128xf32, #tpu.memory_space<hbm>> -> memref<200x64xf32, #tpu.memory_space<hbm>>
        %dma_wait3A_513 = arith.constant 0 : i32
        %dma_wait3A_514 = arith.constant 0 : i32
        %dma_wait3A_515 = tpu.memref_slice %arg6[%dma_wait3A_507, %dma_wait3A_513, %dma_wait3A_514] : memref<2x200x64xf32, #tpu.memory_space<vmem>> -> memref<1x200x64xf32, #tpu.memory_space<vmem>>
        %dma_wait3A_516 = tpu.memref_squeeze %dma_wait3A_515 : memref<1x200x64xf32, #tpu.memory_space<vmem>> -> memref<200x64xf32, #tpu.memory_space<vmem>>
        %dma_wait3A_517 = tpu.memref_slice %arg2[%add3A_506, %mul3A_0] : memref<320000x128xf32, #tpu.memory_space<hbm>> -> memref<200x64xf32, #tpu.memory_space<hbm>>
        tpu.wait_dma2 semaphore(%arg18 : memref<!tpu.dma_semaphore, #tpu.memory_space<semaphore_mem>>) src(%dma_wait3A_517 : memref<200x64xf32, #tpu.memory_space<hbm>>) dst(%dma_wait3A_516 : memref<200x64xf32, #tpu.memory_space<vmem>>)
        %dma_wait3A_518 = arith.constant 0 : i32
        %dma_wait3A_519 = arith.constant 0 : i32
        %dma_wait3A_520 = arith.constant 0 : i32
        %dma_wait3A_521 = tpu.memref_slice %arg7[%dma_wait3A_518, %dma_wait3A_519, %dma_wait3A_520] : memref<2x200x64xf32, #tpu.memory_space<vmem>> -> memref<1x200x64xf32, #tpu.memory_space<vmem>>
        %dma_wait3A_522 = tpu.memref_squeeze %dma_wait3A_521 : memref<1x200x64xf32, #tpu.memory_space<vmem>> -> memref<200x64xf32, #tpu.memory_space<vmem>>
        %dma_wait3A_523 = tpu.memref_slice %arg3[%add3A_506, %mul3A_0] : memref<320000x128xf32, #tpu.memory_space<hbm>> -> memref<200x64xf32, #tpu.memory_space<hbm>>
        %dma_wait3A_524 = arith.constant 0 : i32
        %dma_wait3A_525 = arith.constant 0 : i32
        %dma_wait3A_526 = tpu.memref_slice %arg7[%dma_wait3A_518, %dma_wait3A_524, %dma_wait3A_525] : memref<2x200x64xf32, #tpu.memory_space<vmem>> -> memref<1x200x64xf32, #tpu.memory_space<vmem>>
        %dma_wait3A_527 = tpu.memref_squeeze %dma_wait3A_526 : memref<1x200x64xf32, #tpu.memory_space<vmem>> -> memref<200x64xf32, #tpu.memory_space<vmem>>
        %dma_wait3A_528 = tpu.memref_slice %arg3[%add3A_506, %mul3A_0] : memref<320000x128xf32, #tpu.memory_space<hbm>> -> memref<200x64xf32, #tpu.memory_space<hbm>>
        tpu.wait_dma2 semaphore(%arg18 : memref<!tpu.dma_semaphore, #tpu.memory_space<semaphore_mem>>) src(%dma_wait3A_528 : memref<200x64xf32, #tpu.memory_space<hbm>>) dst(%dma_wait3A_527 : memref<200x64xf32, #tpu.memory_space<vmem>>)
        %dma_wait3A_529 = arith.constant 16 : i32
        %dma_wait3A_530 = tpu.memref_slice %arg8[%dma_wait3A_529] : memref<464xi32, #tpu.memory_space<vmem>> -> memref<200xi32, #tpu.memory_space<vmem>>
        %dma_wait3A_531 = tpu.memref_slice %arg4[%add3A_506] : memref<320000xi32, #tpu.memory_space<hbm>> -> memref<200xi32, #tpu.memory_space<hbm>>
        %dma_wait3A_532 = arith.constant 16 : i32
        %dma_wait3A_533 = tpu.memref_slice %arg8[%dma_wait3A_532] : memref<464xi32, #tpu.memory_space<vmem>> -> memref<200xi32, #tpu.memory_space<vmem>>
        %dma_wait3A_534 = tpu.memref_slice %arg4[%add3A_506] : memref<320000xi32, #tpu.memory_space<hbm>> -> memref<200xi32, #tpu.memory_space<hbm>>
        tpu.wait_dma2 semaphore(%arg18 : memref<!tpu.dma_semaphore, #tpu.memory_space<semaphore_mem>>) src(%dma_wait3A_534 : memref<200xi32, #tpu.memory_space<hbm>>) dst(%dma_wait3A_533 : memref<200xi32, #tpu.memory_space<vmem>>)
      } else {
      }
      %add3A_184 = arith.constant 1 : i32
      %add3A_185 = arith.addi %add3A_178, %add3A_184 : i32
      %lt3A = arith.constant 100 : i32
      %lt3A_186 = arith.cmpi slt, %add3A_185, %lt3A : i32
      %convert_element_type3A_187 = arith.extui %lt3A_186 : i1 to i32
      %cond3A_188 = arith.constant 0 : i32
      %cond3A_189 = arith.cmpi ne, %convert_element_type3A_187, %cond3A_188 : i32
      scf.if %cond3A_189 {
        %add3A_504 = arith.constant 1 : i32
        %add3A_505 = arith.addi %add3A_178, %add3A_504 : i32
        %mul3A_506 = arith.constant 200 : i32
        %mul3A_507 = arith.muli %add3A_505, %mul3A_506 : i32
        %add3A_508 = arith.addi %mul3A_2, %mul3A_507 : i32
        %dma_start3A_509 = arith.constant 1 : i32
        %dma_start3A_510 = arith.constant 0 : i32
        %dma_start3A_511 = arith.constant 0 : i32
        %dma_start3A_512 = tpu.memref_slice %arg6[%dma_start3A_509, %dma_start3A_510, %dma_start3A_511] : memref<2x200x64xf32, #tpu.memory_space<vmem>> -> memref<1x200x64xf32, #tpu.memory_space<vmem>>
        %dma_start3A_513 = tpu.memref_squeeze %dma_start3A_512 : memref<1x200x64xf32, #tpu.memory_space<vmem>> -> memref<200x64xf32, #tpu.memory_space<vmem>>
        %dma_start3A_514 = tpu.memref_slice %arg2[%add3A_508, %mul3A_0] : memref<320000x128xf32, #tpu.memory_space<hbm>> -> memref<200x64xf32, #tpu.memory_space<hbm>>
        %dma_start3A_515 = arith.constant 0 : i32
        %dma_start3A_516 = arith.constant 0 : i32
        %dma_start3A_517 = tpu.memref_slice %arg6[%dma_start3A_509, %dma_start3A_515, %dma_start3A_516] : memref<2x200x64xf32, #tpu.memory_space<vmem>> -> memref<1x200x64xf32, #tpu.memory_space<vmem>>
        %dma_start3A_518 = tpu.memref_squeeze %dma_start3A_517 : memref<1x200x64xf32, #tpu.memory_space<vmem>> -> memref<200x64xf32, #tpu.memory_space<vmem>>
        %dma_start3A_519 = tpu.memref_slice %arg2[%add3A_508, %mul3A_0] : memref<320000x128xf32, #tpu.memory_space<hbm>> -> memref<200x64xf32, #tpu.memory_space<hbm>>
        tpu.enqueue_dma source(%dma_start3A_519 : memref<200x64xf32, #tpu.memory_space<hbm>>) target(%dma_start3A_518 : memref<200x64xf32, #tpu.memory_space<vmem>>) target_semaphore(%arg18 : memref<!tpu.dma_semaphore, #tpu.memory_space<semaphore_mem>>)
        %dma_start3A_520 = arith.constant 1 : i32
        %dma_start3A_521 = arith.constant 0 : i32
        %dma_start3A_522 = arith.constant 0 : i32
        %dma_start3A_523 = tpu.memref_slice %arg7[%dma_start3A_520, %dma_start3A_521, %dma_start3A_522] : memref<2x200x64xf32, #tpu.memory_space<vmem>> -> memref<1x200x64xf32, #tpu.memory_space<vmem>>
        %dma_start3A_524 = tpu.memref_squeeze %dma_start3A_523 : memref<1x200x64xf32, #tpu.memory_space<vmem>> -> memref<200x64xf32, #tpu.memory_space<vmem>>
        %dma_start3A_525 = tpu.memref_slice %arg3[%add3A_508, %mul3A_0] : memref<320000x128xf32, #tpu.memory_space<hbm>> -> memref<200x64xf32, #tpu.memory_space<hbm>>
        %dma_start3A_526 = arith.constant 0 : i32
        %dma_start3A_527 = arith.constant 0 : i32
        %dma_start3A_528 = tpu.memref_slice %arg7[%dma_start3A_520, %dma_start3A_526, %dma_start3A_527] : memref<2x200x64xf32, #tpu.memory_space<vmem>> -> memref<1x200x64xf32, #tpu.memory_space<vmem>>
        %dma_start3A_529 = tpu.memref_squeeze %dma_start3A_528 : memref<1x200x64xf32, #tpu.memory_space<vmem>> -> memref<200x64xf32, #tpu.memory_space<vmem>>
        %dma_start3A_530 = tpu.memref_slice %arg3[%add3A_508, %mul3A_0] : memref<320000x128xf32, #tpu.memory_space<hbm>> -> memref<200x64xf32, #tpu.memory_space<hbm>>
        tpu.enqueue_dma source(%dma_start3A_530 : memref<200x64xf32, #tpu.memory_space<hbm>>) target(%dma_start3A_529 : memref<200x64xf32, #tpu.memory_space<vmem>>) target_semaphore(%arg18 : memref<!tpu.dma_semaphore, #tpu.memory_space<semaphore_mem>>)
        %dma_start3A_531 = arith.constant 248 : i32
        %dma_start3A_532 = tpu.memref_slice %arg8[%dma_start3A_531] : memref<464xi32, #tpu.memory_space<vmem>> -> memref<200xi32, #tpu.memory_space<vmem>>
        %dma_start3A_533 = tpu.memref_slice %arg4[%add3A_508] : memref<320000xi32, #tpu.memory_space<hbm>> -> memref<200xi32, #tpu.memory_space<hbm>>
        %dma_start3A_534 = arith.constant 248 : i32
        %dma_start3A_535 = tpu.memref_slice %arg8[%dma_start3A_534] : memref<464xi32, #tpu.memory_space<vmem>> -> memref<200xi32, #tpu.memory_space<vmem>>
        %dma_start3A_536 = tpu.memref_slice %arg4[%add3A_508] : memref<320000xi32, #tpu.memory_space<hbm>> -> memref<200xi32, #tpu.memory_space<hbm>>
        tpu.enqueue_dma source(%dma_start3A_536 : memref<200xi32, #tpu.memory_space<hbm>>) target(%dma_start3A_535 : memref<200xi32, #tpu.memory_space<vmem>>) target_semaphore(%arg18 : memref<!tpu.dma_semaphore, #tpu.memory_space<semaphore_mem>>)
      } else {
      }
      %broadcast_in_dim3A_190 = vector.broadcast %scan3A_151 : i32 to vector<16xi32>
      %swap3A_191 = arith.constant 0 : index
      %swap3A_192 = tpu.vector_load %arg8[%swap3A_191] {strides = array<i32>} : memref<464xi32, #tpu.memory_space<vmem>>, vector<16xi32>,
      tpu.vector_store %arg8[%swap3A_191], %broadcast_in_dim3A_190 {strides = array<i32>} : memref<464xi32, #tpu.memory_space<vmem>>, vector<16xi32>,
      %get3A_193 = arith.constant 16 : index
      %get3A_194 = tpu.vector_load %arg8[%get3A_193] {strides = array<i32>} : memref<464xi32, #tpu.memory_space<vmem>>, vector<16xi32>,
      %get3A_195 = arith.constant 15 : index
      %get3A_196 = tpu.vector_load %arg8[%get3A_195] {strides = array<i32>} : memref<464xi32, #tpu.memory_space<vmem>>, vector<16xi32>,
      %ne3A_197 = arith.cmpi ne, %get3A_194, %get3A_196 : vector<16xi32>
      %all_reduce_population_count3A = tpu.all_reduce %ne3A_197 {dim = 0 : i64, kind = #tpu.reduction_kind<sum>} : vector<16xi1> -> vector<16xi32>
      %slice3A_198 = vector.extract_strided_slice %all_reduce_population_count3A {offsets = [0], sizes = [1], strides = [1]} : vector<16xi32> to vector<1xi32>
      %squeeze3A_199 = vector.extract %slice3A_198[0] : i32 from vector<1xi32>
      %add3A_200 = arith.constant 0 : i32
      %add3A_201 = arith.addi %add3A_200, %squeeze3A_199 : i32
      %get3A_202 = arith.constant 32 : index
      %get3A_203 = tpu.vector_load %arg8[%get3A_202] {strides = array<i32>} : memref<464xi32, #tpu.memory_space<vmem>>, vector<16xi32>,
      %get3A_204 = arith.constant 31 : index
      %get3A_205 = tpu.vector_load %arg8[%get3A_204] {strides = array<i32>} : memref<464xi32, #tpu.memory_space<vmem>>, vector<16xi32>,
      %ne3A_206 = arith.cmpi ne, %get3A_203, %get3A_205 : vector<16xi32>
      %all_reduce_population_count3A_207 = tpu.all_reduce %ne3A_206 {dim = 0 : i64, kind = #tpu.reduction_kind<sum>} : vector<16xi1> -> vector<16xi32>
      %slice3A_208 = vector.extract_strided_slice %all_reduce_population_count3A_207 {offsets = [0], sizes = [1], strides = [1]} : vector<16xi32> to vector<1xi32>
      %squeeze3A_209 = vector.extract %slice3A_208[0] : i32 from vector<1xi32>
      %add3A_210 = arith.addi %add3A_201, %squeeze3A_209 : i32
      %get3A_211 = arith.constant 48 : index
      %get3A_212 = tpu.vector_load %arg8[%get3A_211] {strides = array<i32>} : memref<464xi32, #tpu.memory_space<vmem>>, vector<16xi32>,
      %get3A_213 = arith.constant 47 : index
      %get3A_214 = tpu.vector_load %arg8[%get3A_213] {strides = array<i32>} : memref<464xi32, #tpu.memory_space<vmem>>, vector<16xi32>,
      %ne3A_215 = arith.cmpi ne, %get3A_212, %get3A_214 : vector<16xi32>
      %all_reduce_population_count3A_216 = tpu.all_reduce %ne3A_215 {dim = 0 : i64, kind = #tpu.reduction_kind<sum>} : vector<16xi1> -> vector<16xi32>
      %slice3A_217 = vector.extract_strided_slice %all_reduce_population_count3A_216 {offsets = [0], sizes = [1], strides = [1]} : vector<16xi32> to vector<1xi32>
      %squeeze3A_218 = vector.extract %slice3A_217[0] : i32 from vector<1xi32>
      %add3A_219 = arith.addi %add3A_210, %squeeze3A_218 : i32
      %get3A_220 = arith.constant 64 : index
      %get3A_221 = tpu.vector_load %arg8[%get3A_220] {strides = array<i32>} : memref<464xi32, #tpu.memory_space<vmem>>, vector<16xi32>,
      %get3A_222 = arith.constant 63 : index
      %get3A_223 = tpu.vector_load %arg8[%get3A_222] {strides = array<i32>} : memref<464xi32, #tpu.memory_space<vmem>>, vector<16xi32>,
      %ne3A_224 = arith.cmpi ne, %get3A_221, %get3A_223 : vector<16xi32>
      %all_reduce_population_count3A_225 = tpu.all_reduce %ne3A_224 {dim = 0 : i64, kind = #tpu.reduction_kind<sum>} : vector<16xi1> -> vector<16xi32>
      %slice3A_226 = vector.extract_strided_slice %all_reduce_population_count3A_225 {offsets = [0], sizes = [1], strides = [1]} : vector<16xi32> to vector<1xi32>
      %squeeze3A_227 = vector.extract %slice3A_226[0] : i32 from vector<1xi32>
      %add3A_228 = arith.addi %add3A_219, %squeeze3A_227 : i32
      %get3A_229 = arith.constant 80 : index
      %get3A_230 = tpu.vector_load %arg8[%get3A_229] {strides = array<i32>} : memref<464xi32, #tpu.memory_space<vmem>>, vector<16xi32>,
      %get3A_231 = arith.constant 79 : index
      %get3A_232 = tpu.vector_load %arg8[%get3A_231] {strides = array<i32>} : memref<464xi32, #tpu.memory_space<vmem>>, vector<16xi32>,
      %ne3A_233 = arith.cmpi ne, %get3A_230, %get3A_232 : vector<16xi32>
      %all_reduce_population_count3A_234 = tpu.all_reduce %ne3A_233 {dim = 0 : i64, kind = #tpu.reduction_kind<sum>} : vector<16xi1> -> vector<16xi32>
      %slice3A_235 = vector.extract_strided_slice %all_reduce_population_count3A_234 {offsets = [0], sizes = [1], strides = [1]} : vector<16xi32> to vector<1xi32>
      %squeeze3A_236 = vector.extract %slice3A_235[0] : i32 from vector<1xi32>
      %add3A_237 = arith.addi %add3A_228, %squeeze3A_236 : i32
      %get3A_238 = arith.constant 96 : index
      %get3A_239 = tpu.vector_load %arg8[%get3A_238] {strides = array<i32>} : memref<464xi32, #tpu.memory_space<vmem>>, vector<16xi32>,
      %get3A_240 = arith.constant 95 : index
      %get3A_241 = tpu.vector_load %arg8[%get3A_240] {strides = array<i32>} : memref<464xi32, #tpu.memory_space<vmem>>, vector<16xi32>,
      %ne3A_242 = arith.cmpi ne, %get3A_239, %get3A_241 : vector<16xi32>
      %all_reduce_population_count3A_243 = tpu.all_reduce %ne3A_242 {dim = 0 : i64, kind = #tpu.reduction_kind<sum>} : vector<16xi1> -> vector<16xi32>
      %slice3A_244 = vector.extract_strided_slice %all_reduce_population_count3A_243 {offsets = [0], sizes = [1], strides = [1]} : vector<16xi32> to vector<1xi32>
      %squeeze3A_245 = vector.extract %slice3A_244[0] : i32 from vector<1xi32>
      %add3A_246 = arith.addi %add3A_237, %squeeze3A_245 : i32
      %get3A_247 = arith.constant 112 : index
      %get3A_248 = tpu.vector_load %arg8[%get3A_247] {strides = array<i32>} : memref<464xi32, #tpu.memory_space<vmem>>, vector<16xi32>,
      %get3A_249 = arith.constant 111 : index
      %get3A_250 = tpu.vector_load %arg8[%get3A_249] {strides = array<i32>} : memref<464xi32, #tpu.memory_space<vmem>>, vector<16xi32>,
      %ne3A_251 = arith.cmpi ne, %get3A_248, %get3A_250 : vector<16xi32>
      %all_reduce_population_count3A_252 = tpu.all_reduce %ne3A_251 {dim = 0 : i64, kind = #tpu.reduction_kind<sum>} : vector<16xi1> -> vector<16xi32>
      %slice3A_253 = vector.extract_strided_slice %all_reduce_population_count3A_252 {offsets = [0], sizes = [1], strides = [1]} : vector<16xi32> to vector<1xi32>
      %squeeze3A_254 = vector.extract %slice3A_253[0] : i32 from vector<1xi32>
      %add3A_255 = arith.addi %add3A_246, %squeeze3A_254 : i32
      %get3A_256 = arith.constant 128 : index
      %get3A_257 = tpu.vector_load %arg8[%get3A_256] {strides = array<i32>} : memref<464xi32, #tpu.memory_space<vmem>>, vector<16xi32>,
      %get3A_258 = arith.constant 127 : index
      %get3A_259 = tpu.vector_load %arg8[%get3A_258] {strides = array<i32>} : memref<464xi32, #tpu.memory_space<vmem>>, vector<16xi32>,
      %ne3A_260 = arith.cmpi ne, %get3A_257, %get3A_259 : vector<16xi32>
      %all_reduce_population_count3A_261 = tpu.all_reduce %ne3A_260 {dim = 0 : i64, kind = #tpu.reduction_kind<sum>} : vector<16xi1> -> vector<16xi32>
      %slice3A_262 = vector.extract_strided_slice %all_reduce_population_count3A_261 {offsets = [0], sizes = [1], strides = [1]} : vector<16xi32> to vector<1xi32>
      %squeeze3A_263 = vector.extract %slice3A_262[0] : i32 from vector<1xi32>
      %add3A_264 = arith.addi %add3A_255, %squeeze3A_263 : i32
      %get3A_265 = arith.constant 144 : index
      %get3A_266 = tpu.vector_load %arg8[%get3A_265] {strides = array<i32>} : memref<464xi32, #tpu.memory_space<vmem>>, vector<16xi32>,
      %get3A_267 = arith.constant 143 : index
      %get3A_268 = tpu.vector_load %arg8[%get3A_267] {strides = array<i32>} : memref<464xi32, #tpu.memory_space<vmem>>, vector<16xi32>,
      %ne3A_269 = arith.cmpi ne, %get3A_266, %get3A_268 : vector<16xi32>
      %all_reduce_population_count3A_270 = tpu.all_reduce %ne3A_269 {dim = 0 : i64, kind = #tpu.reduction_kind<sum>} : vector<16xi1> -> vector<16xi32>
      %slice3A_271 = vector.extract_strided_slice %all_reduce_population_count3A_270 {offsets = [0], sizes = [1], strides = [1]} : vector<16xi32> to vector<1xi32>
      %squeeze3A_272 = vector.extract %slice3A_271[0] : i32 from vector<1xi32>
      %add3A_273 = arith.addi %add3A_264, %squeeze3A_272 : i32
      %get3A_274 = arith.constant 160 : index
      %get3A_275 = tpu.vector_load %arg8[%get3A_274] {strides = array<i32>} : memref<464xi32, #tpu.memory_space<vmem>>, vector<16xi32>,
      %get3A_276 = arith.constant 159 : index
      %get3A_277 = tpu.vector_load %arg8[%get3A_276] {strides = array<i32>} : memref<464xi32, #tpu.memory_space<vmem>>, vector<16xi32>,
      %ne3A_278 = arith.cmpi ne, %get3A_275, %get3A_277 : vector<16xi32>
      %all_reduce_population_count3A_279 = tpu.all_reduce %ne3A_278 {dim = 0 : i64, kind = #tpu.reduction_kind<sum>} : vector<16xi1> -> vector<16xi32>
      %slice3A_280 = vector.extract_strided_slice %all_reduce_population_count3A_279 {offsets = [0], sizes = [1], strides = [1]} : vector<16xi32> to vector<1xi32>
      %squeeze3A_281 = vector.extract %slice3A_280[0] : i32 from vector<1xi32>
      %add3A_282 = arith.addi %add3A_273, %squeeze3A_281 : i32
      %get3A_283 = arith.constant 176 : index
      %get3A_284 = tpu.vector_load %arg8[%get3A_283] {strides = array<i32>} : memref<464xi32, #tpu.memory_space<vmem>>, vector<16xi32>,
      %get3A_285 = arith.constant 175 : index
      %get3A_286 = tpu.vector_load %arg8[%get3A_285] {strides = array<i32>} : memref<464xi32, #tpu.memory_space<vmem>>, vector<16xi32>,
      %ne3A_287 = arith.cmpi ne, %get3A_284, %get3A_286 : vector<16xi32>
      %all_reduce_population_count3A_288 = tpu.all_reduce %ne3A_287 {dim = 0 : i64, kind = #tpu.reduction_kind<sum>} : vector<16xi1> -> vector<16xi32>
      %slice3A_289 = vector.extract_strided_slice %all_reduce_population_count3A_288 {offsets = [0], sizes = [1], strides = [1]} : vector<16xi32> to vector<1xi32>
      %squeeze3A_290 = vector.extract %slice3A_289[0] : i32 from vector<1xi32>
      %add3A_291 = arith.addi %add3A_282, %squeeze3A_290 : i32
      %get3A_292 = arith.constant 192 : index
      %get3A_293 = tpu.vector_load %arg8[%get3A_292] {strides = array<i32>} : memref<464xi32, #tpu.memory_space<vmem>>, vector<16xi32>,
      %get3A_294 = arith.constant 191 : index
      %get3A_295 = tpu.vector_load %arg8[%get3A_294] {strides = array<i32>} : memref<464xi32, #tpu.memory_space<vmem>>, vector<16xi32>,
      %ne3A_296 = arith.cmpi ne, %get3A_293, %get3A_295 : vector<16xi32>
      %all_reduce_population_count3A_297 = tpu.all_reduce %ne3A_296 {dim = 0 : i64, kind = #tpu.reduction_kind<sum>} : vector<16xi1> -> vector<16xi32>
      %slice3A_298 = vector.extract_strided_slice %all_reduce_population_count3A_297 {offsets = [0], sizes = [1], strides = [1]} : vector<16xi32> to vector<1xi32>
      %squeeze3A_299 = vector.extract %slice3A_298[0] : i32 from vector<1xi32>
      %add3A_300 = arith.addi %add3A_291, %squeeze3A_299 : i32
      %get3A_301 = arith.constant 208 : index
      %get3A_302 = tpu.vector_load %arg8[%get3A_301] {strides = array<i32>} : memref<464xi32, #tpu.memory_space<vmem>>, vector<16xi32>,
      %get3A_303 = arith.constant 207 : index
      %get3A_304 = tpu.vector_load %arg8[%get3A_303] {strides = array<i32>} : memref<464xi32, #tpu.memory_space<vmem>>, vector<16xi32>,
      %ne3A_305 = arith.cmpi ne, %get3A_302, %get3A_304 : vector<16xi32>
      %lt3A_306 = arith.constant 8 : i32
      %lt3A_307 = vector.broadcast %lt3A_306 : i32 to vector<16xi32>
      %lt3A_308 = arith.cmpi slt, %iota3A, %lt3A_307 : vector<16xi32>
      %and3A = arith.andi %ne3A_305, %lt3A_308 : vector<16xi1>
      %all_reduce_population_count3A_309 = tpu.all_reduce %and3A {dim = 0 : i64, kind = #tpu.reduction_kind<sum>} : vector<16xi1> -> vector<16xi32>
      %slice3A_310 = vector.extract_strided_slice %all_reduce_population_count3A_309 {offsets = [0], sizes = [1], strides = [1]} : vector<16xi32> to vector<1xi32>
      %squeeze3A_311 = vector.extract %slice3A_310[0] : i32 from vector<1xi32>
      %add3A_312 = arith.addi %add3A_300, %squeeze3A_311 : i32
      %while3A = arith.constant 0 : i32
      %while3A_313 = arith.constant 0 : i32
      %while3A_314 = arith.subi %add3A_312, %while3A : i32
      %while3A_315 = arith.addi %while3A, %while3A_314 : i32
      %while3A_316 = arith.constant 1 : i32
      %while3A_317 = arith.divsi %while3A_314, %while3A_316 : i32
      %while3A_318 = arith.muli %while3A_317, %while3A_316 : i32
      %while3A_319 = arith.addi %while3A, %while3A_318 : i32
      %while3A_320 = arith.constant 1 : i32
      %while3A_321:25 = scf.for %while3A_504 = %while3A to %while3A_319 step %while3A_320 iter_args(%while3A_505 = %while3A_313, %while3A_506 = %scan3A_151, %while3A_507 = %scan3A_152, %while3A_508 = %scan3A_153, %while3A_509 = %scan3A_154, %while3A_510 = %scan3A_155, %while3A_511 = %scan3A_156, %while3A_512 = %scan3A_157, %while3A_513 = %scan3A_158, %while3A_514 = %scan3A_159, %while3A_515 = %scan3A_160, %while3A_516 = %scan3A_161, %while3A_517 = %scan3A_162, %while3A_518 = %scan3A_163, %while3A_519 = %scan3A_164, %while3A_520 = %scan3A_165, %while3A_521 = %scan3A_166, %while3A_522 = %scan3A_167, %while3A_523 = %scan3A_168, %while3A_524 = %scan3A_169, %while3A_525 = %scan3A_170, %while3A_526 = %scan3A_171, %while3A_527 = %scan3A_172, %while3A_528 = %scan3A_173, %while3A_529 = %scan3A_174) -> (i32, i32, i32, i32, i32, vector<16xf32>, vector<16xf32>, vector<16xf32>, vector<16xf32>, vector<16xf32>, vector<16xf32>, vector<16xf32>, vector<16xf32>, vector<16xf32>, vector<16xf32>, vector<16xf32>, vector<16xf32>, vector<16xf32>, vector<16xf32>, vector<16xf32>, vector<16xf32>, vector<16xf32>, vector<16xf32>, vector<16xf32>, vector<16xf32>)  : i32 {
        %broadcast_in_dim3A_530 = vector.broadcast %while3A_506 : i32 to vector<16xi32>
        %shift_right_arithmetic3A = arith.constant 4 : i32
        %shift_right_arithmetic3A_531 = arith.shrsi %while3A_505, %shift_right_arithmetic3A : i32
        %while3A_532 = arith.constant 13 : i32
        %while3A_533 = arith.constant -1 : i32
        %while3A_534 = arith.subi %while3A_532, %shift_right_arithmetic3A_531 : i32
        %while3A_535 = arith.addi %shift_right_arithmetic3A_531, %while3A_534 : i32
        %while3A_536 = arith.constant 1 : i32
        %while3A_537 = arith.divsi %while3A_534, %while3A_536 : i32
        %while3A_538 = arith.muli %while3A_537, %while3A_536 : i32
        %while3A_539 = arith.addi %shift_right_arithmetic3A_531, %while3A_538 : i32
        %while3A_540 = arith.constant 1 : i32
        %while3A_541 = scf.for %while3A_568 = %shift_right_arithmetic3A_531 to %while3A_539 step %while3A_540 iter_args(%while3A_569 = %while3A_533) -> (i32)  : i32 {
          %lt3A_570 = arith.constant 0 : i32
          %lt3A_571 = arith.cmpi slt, %while3A_569, %lt3A_570 : i32
          %convert_element_type3A_572 = arith.extui %lt3A_571 : i1 to i32
          %cond3A_573 = arith.constant 0 : i32
          %cond3A_574 = arith.cmpi ne, %convert_element_type3A_572, %cond3A_573 : i32
          %cond3A_575 = scf.if %cond3A_574 -> (i32) {
            %mul3A_576 = arith.constant 16 : i32
            %mul3A_577 = arith.muli %while3A_568, %mul3A_576 : i32
            %add3A_578 = arith.constant 16 : i32
            %add3A_579 = arith.addi %add3A_578, %mul3A_577 : i32
            %get3A_580 = arith.index_cast %add3A_579 : i32 to index
            %get3A_581 = tpu.vector_load %arg8[%get3A_580] {strides = array<i32>} : memref<464xi32, #tpu.memory_space<vmem>>, vector<16xi32>,
            %ne3A_582 = arith.cmpi ne, %get3A_581, %broadcast_in_dim3A_530 : vector<16xi32>
            %add3A_583 = vector.broadcast %mul3A_577 : i32 to vector<16xi32>
            %add3A_584 = arith.addi %add3A_583, %iota3A : vector<16xi32>
            %ge3A = vector.broadcast %while3A_505 : i32 to vector<16xi32>
            %ge3A_585 = arith.cmpi sge, %add3A_584, %ge3A : vector<16xi32>
            %and3A_586 = arith.andi %ne3A_582, %ge3A_585 : vector<16xi1>
            %all_reduce_ffs3A = tpu.all_reduce %and3A_586 {dim = 0 : i64, kind = #tpu.reduction_kind<find_first_set>} : vector<16xi1> -> vector<16xi32>
            %slice3A_587 = vector.extract_strided_slice %all_reduce_ffs3A {offsets = [0], sizes = [1], strides = [1]} : vector<16xi32> to vector<1xi32>
            %squeeze3A_588 = vector.extract %slice3A_587[0] : i32 from vector<1xi32>
            %lt3A_589 = arith.constant 16 : i32
            %lt3A_590 = arith.cmpi slt, %squeeze3A_588, %lt3A_589 : i32
            %add3A_591 = arith.addi %mul3A_577, %squeeze3A_588 : i32
            %jit3A_592 = arith.constant -1 : i32
            %select_n3A_593 = arith.select %lt3A_590, %add3A_591, %jit3A_592 : i32
            scf.yield %select_n3A_593 : i32
          } else {
            scf.yield %while3A_569 : i32
          }
          scf.yield %cond3A_575 : i32
        }
        %while3A_542 = arith.constant 1 : i32
        %while3A_543 = scf.for %while3A_568 = %while3A_539 to %while3A_535 step %while3A_542 iter_args(%while3A_569 = %while3A_541) -> (i32)  : i32 {
          %lt3A_570 = arith.constant 0 : i32
          %lt3A_571 = arith.cmpi slt, %while3A_569, %lt3A_570 : i32
          %convert_element_type3A_572 = arith.extui %lt3A_571 : i1 to i32
          %cond3A_573 = arith.constant 0 : i32
          %cond3A_574 = arith.cmpi ne, %convert_element_type3A_572, %cond3A_573 : i32
          %cond3A_575 = scf.if %cond3A_574 -> (i32) {
            %mul3A_576 = arith.constant 16 : i32
            %mul3A_577 = arith.muli %while3A_568, %mul3A_576 : i32
            %add3A_578 = arith.constant 16 : i32
            %add3A_579 = arith.addi %add3A_578, %mul3A_577 : i32
            %get3A_580 = arith.index_cast %add3A_579 : i32 to index
            %get3A_581 = tpu.vector_load %arg8[%get3A_580] {strides = array<i32>} : memref<464xi32, #tpu.memory_space<vmem>>, vector<16xi32>,
            %ne3A_582 = arith.cmpi ne, %get3A_581, %broadcast_in_dim3A_530 : vector<16xi32>
            %add3A_583 = vector.broadcast %mul3A_577 : i32 to vector<16xi32>
            %add3A_584 = arith.addi %add3A_583, %iota3A : vector<16xi32>
            %ge3A = vector.broadcast %while3A_505 : i32 to vector<16xi32>
            %ge3A_585 = arith.cmpi sge, %add3A_584, %ge3A : vector<16xi32>
            %and3A_586 = arith.andi %ne3A_582, %ge3A_585 : vector<16xi1>
            %all_reduce_ffs3A = tpu.all_reduce %and3A_586 {dim = 0 : i64, kind = #tpu.reduction_kind<find_first_set>} : vector<16xi1> -> vector<16xi32>
            %slice3A_587 = vector.extract_strided_slice %all_reduce_ffs3A {offsets = [0], sizes = [1], strides = [1]} : vector<16xi32> to vector<1xi32>
            %squeeze3A_588 = vector.extract %slice3A_587[0] : i32 from vector<1xi32>
            %lt3A_589 = arith.constant 16 : i32
            %lt3A_590 = arith.cmpi slt, %squeeze3A_588, %lt3A_589 : i32
            %add3A_591 = arith.addi %mul3A_577, %squeeze3A_588 : i32
            %jit3A_592 = arith.constant -1 : i32
            %select_n3A_593 = arith.select %lt3A_590, %add3A_591, %jit3A_592 : i32
            scf.yield %select_n3A_593 : i32
          } else {
            scf.yield %while3A_569 : i32
          }
          scf.yield %cond3A_575 : i32
        }
        %while3A_544 = arith.subi %while3A_543, %while3A_505 : i32
        %while3A_545 = arith.addi %while3A_505, %while3A_544 : i32
        %while3A_546 = arith.constant 1 : i32
        %while3A_547 = arith.divsi %while3A_544, %while3A_546 : i32
        %while3A_548 = arith.muli %while3A_547, %while3A_546 : i32
        %while3A_549 = arith.addi %while3A_505, %while3A_548 : i32
        %while3A_550 = arith.constant 1 : i32
        %while3A_551:20 = scf.for %while3A_568 = %while3A_505 to %while3A_549 step %while3A_550 iter_args(%while3A_569 = %while3A_510, %while3A_570 = %while3A_511, %while3A_571 = %while3A_512, %while3A_572 = %while3A_513, %while3A_573 = %while3A_514, %while3A_574 = %while3A_515, %while3A_575 = %while3A_516, %while3A_576 = %while3A_517, %while3A_577 = %while3A_518, %while3A_578 = %while3A_519, %while3A_579 = %while3A_520, %while3A_580 = %while3A_521, %while3A_581 = %while3A_522, %while3A_582 = %while3A_523, %while3A_583 = %while3A_524, %while3A_584 = %while3A_525, %while3A_585 = %while3A_526, %while3A_586 = %while3A_527, %while3A_587 = %while3A_528, %while3A_588 = %while3A_529) -> (vector<16xf32>, vector<16xf32>, vector<16xf32>, vector<16xf32>, vector<16xf32>, vector<16xf32>, vector<16xf32>, vector<16xf32>, vector<16xf32>, vector<16xf32>, vector<16xf32>, vector<16xf32>, vector<16xf32>, vector<16xf32>, vector<16xf32>, vector<16xf32>, vector<16xf32>, vector<16xf32>, vector<16xf32>, vector<16xf32>)  : i32 {
          %get3A_589 = arith.constant 0 : i32
          %get3A_590 = arith.index_cast %get3A_589 : i32 to index
          %get3A_591 = arith.index_cast %while3A_568 : i32 to index
          %get3A_592 = arith.constant 0 : index
          %get3A_593 = tpu.vector_load %arg6[%get3A_590, %get3A_591, %get3A_592] {strides = array<i32>} : memref<2x200x64xf32, #tpu.memory_space<vmem>>, vector<16xf32>,
          %get3A_594 = arith.constant 0 : i32
          %get3A_595 = arith.index_cast %get3A_594 : i32 to index
          %get3A_596 = arith.index_cast %while3A_568 : i32 to index
          %get3A_597 = arith.constant 0 : index
          %get3A_598 = tpu.vector_load %arg7[%get3A_595, %get3A_596, %get3A_597] {strides = array<i32>} : memref<2x200x64xf32, #tpu.memory_space<vmem>>, vector<16xf32>,
          %add3A_599 = arith.addf %while3A_569, %get3A_593 : vector<16xf32>
          %add3A_600 = arith.addf %while3A_573, %get3A_598 : vector<16xf32>
          %mul3A_601 = arith.mulf %get3A_593, %get3A_593 : vector<16xf32>
          %add3A_602 = arith.addf %while3A_577, %mul3A_601 : vector<16xf32>
          %mul3A_603 = arith.mulf %get3A_598, %get3A_598 : vector<16xf32>
          %add3A_604 = arith.addf %while3A_581, %mul3A_603 : vector<16xf32>
          %mul3A_605 = arith.mulf %get3A_593, %get3A_598 : vector<16xf32>
          %add3A_606 = arith.addf %while3A_585, %mul3A_605 : vector<16xf32>
          %get3A_607 = arith.constant 0 : i32
          %get3A_608 = arith.index_cast %get3A_607 : i32 to index
          %get3A_609 = arith.index_cast %while3A_568 : i32 to index
          %get3A_610 = arith.constant 16 : index
          %get3A_611 = tpu.vector_load %arg6[%get3A_608, %get3A_609, %get3A_610] {strides = array<i32>} : memref<2x200x64xf32, #tpu.memory_space<vmem>>, vector<16xf32>,
          %get3A_612 = arith.constant 0 : i32
          %get3A_613 = arith.index_cast %get3A_612 : i32 to index
          %get3A_614 = arith.index_cast %while3A_568 : i32 to index
          %get3A_615 = arith.constant 16 : index
          %get3A_616 = tpu.vector_load %arg7[%get3A_613, %get3A_614, %get3A_615] {strides = array<i32>} : memref<2x200x64xf32, #tpu.memory_space<vmem>>, vector<16xf32>,
          %add3A_617 = arith.addf %while3A_570, %get3A_611 : vector<16xf32>
          %add3A_618 = arith.addf %while3A_574, %get3A_616 : vector<16xf32>
          %mul3A_619 = arith.mulf %get3A_611, %get3A_611 : vector<16xf32>
          %add3A_620 = arith.addf %while3A_578, %mul3A_619 : vector<16xf32>
          %mul3A_621 = arith.mulf %get3A_616, %get3A_616 : vector<16xf32>
          %add3A_622 = arith.addf %while3A_582, %mul3A_621 : vector<16xf32>
          %mul3A_623 = arith.mulf %get3A_611, %get3A_616 : vector<16xf32>
          %add3A_624 = arith.addf %while3A_586, %mul3A_623 : vector<16xf32>
          %get3A_625 = arith.constant 0 : i32
          %get3A_626 = arith.index_cast %get3A_625 : i32 to index
          %get3A_627 = arith.index_cast %while3A_568 : i32 to index
          %get3A_628 = arith.constant 32 : index
          %get3A_629 = tpu.vector_load %arg6[%get3A_626, %get3A_627, %get3A_628] {strides = array<i32>} : memref<2x200x64xf32, #tpu.memory_space<vmem>>, vector<16xf32>,
          %get3A_630 = arith.constant 0 : i32
          %get3A_631 = arith.index_cast %get3A_630 : i32 to index
          %get3A_632 = arith.index_cast %while3A_568 : i32 to index
          %get3A_633 = arith.constant 32 : index
          %get3A_634 = tpu.vector_load %arg7[%get3A_631, %get3A_632, %get3A_633] {strides = array<i32>} : memref<2x200x64xf32, #tpu.memory_space<vmem>>, vector<16xf32>,
          %add3A_635 = arith.addf %while3A_571, %get3A_629 : vector<16xf32>
          %add3A_636 = arith.addf %while3A_575, %get3A_634 : vector<16xf32>
          %mul3A_637 = arith.mulf %get3A_629, %get3A_629 : vector<16xf32>
          %add3A_638 = arith.addf %while3A_579, %mul3A_637 : vector<16xf32>
          %mul3A_639 = arith.mulf %get3A_634, %get3A_634 : vector<16xf32>
          %add3A_640 = arith.addf %while3A_583, %mul3A_639 : vector<16xf32>
          %mul3A_641 = arith.mulf %get3A_629, %get3A_634 : vector<16xf32>
          %add3A_642 = arith.addf %while3A_587, %mul3A_641 : vector<16xf32>
          %get3A_643 = arith.constant 0 : i32
          %get3A_644 = arith.index_cast %get3A_643 : i32 to index
          %get3A_645 = arith.index_cast %while3A_568 : i32 to index
          %get3A_646 = arith.constant 48 : index
          %get3A_647 = tpu.vector_load %arg6[%get3A_644, %get3A_645, %get3A_646] {strides = array<i32>} : memref<2x200x64xf32, #tpu.memory_space<vmem>>, vector<16xf32>,
          %get3A_648 = arith.constant 0 : i32
          %get3A_649 = arith.index_cast %get3A_648 : i32 to index
          %get3A_650 = arith.index_cast %while3A_568 : i32 to index
          %get3A_651 = arith.constant 48 : index
          %get3A_652 = tpu.vector_load %arg7[%get3A_649, %get3A_650, %get3A_651] {strides = array<i32>} : memref<2x200x64xf32, #tpu.memory_space<vmem>>, vector<16xf32>,
          %add3A_653 = arith.addf %while3A_572, %get3A_647 : vector<16xf32>
          %add3A_654 = arith.addf %while3A_576, %get3A_652 : vector<16xf32>
          %mul3A_655 = arith.mulf %get3A_647, %get3A_647 : vector<16xf32>
          %add3A_656 = arith.addf %while3A_580, %mul3A_655 : vector<16xf32>
          %mul3A_657 = arith.mulf %get3A_652, %get3A_652 : vector<16xf32>
          %add3A_658 = arith.addf %while3A_584, %mul3A_657 : vector<16xf32>
          %mul3A_659 = arith.mulf %get3A_647, %get3A_652 : vector<16xf32>
          %add3A_660 = arith.addf %while3A_588, %mul3A_659 : vector<16xf32>
          scf.yield %add3A_599, %add3A_617, %add3A_635, %add3A_653, %add3A_600, %add3A_618, %add3A_636, %add3A_654, %add3A_602, %add3A_620, %add3A_638, %add3A_656, %add3A_604, %add3A_622, %add3A_640, %add3A_658, %add3A_606, %add3A_624, %add3A_642, %add3A_660 : vector<16xf32>, vector<16xf32>, vector<16xf32>, vector<16xf32>, vector<16xf32>, vector<16xf32>, vector<16xf32>, vector<16xf32>, vector<16xf32>, vector<16xf32>, vector<16xf32>, vector<16xf32>, vector<16xf32>, vector<16xf32>, vector<16xf32>, vector<16xf32>, vector<16xf32>, vector<16xf32>, vector<16xf32>, vector<16xf32>
        }
        %while3A_552 = arith.constant 1 : i32
        %while3A_553:20 = scf.for %while3A_568 = %while3A_549 to %while3A_545 step %while3A_552 iter_args(%while3A_569 = %while3A_551#0, %while3A_570 = %while3A_551#1, %while3A_571 = %while3A_551#2, %while3A_572 = %while3A_551#3, %while3A_573 = %while3A_551#4, %while3A_574 = %while3A_551#5, %while3A_575 = %while3A_551#6, %while3A_576 = %while3A_551#7, %while3A_577 = %while3A_551#8, %while3A_578 = %while3A_551#9, %while3A_579 = %while3A_551#10, %while3A_580 = %while3A_551#11, %while3A_581 = %while3A_551#12, %while3A_582 = %while3A_551#13, %while3A_583 = %while3A_551#14, %while3A_584 = %while3A_551#15, %while3A_585 = %while3A_551#16, %while3A_586 = %while3A_551#17, %while3A_587 = %while3A_551#18, %while3A_588 = %while3A_551#19) -> (vector<16xf32>, vector<16xf32>, vector<16xf32>, vector<16xf32>, vector<16xf32>, vector<16xf32>, vector<16xf32>, vector<16xf32>, vector<16xf32>, vector<16xf32>, vector<16xf32>, vector<16xf32>, vector<16xf32>, vector<16xf32>, vector<16xf32>, vector<16xf32>, vector<16xf32>, vector<16xf32>, vector<16xf32>, vector<16xf32>)  : i32 {
          %get3A_589 = arith.constant 0 : i32
          %get3A_590 = arith.index_cast %get3A_589 : i32 to index
          %get3A_591 = arith.index_cast %while3A_568 : i32 to index
          %get3A_592 = arith.constant 0 : index
          %get3A_593 = tpu.vector_load %arg6[%get3A_590, %get3A_591, %get3A_592] {strides = array<i32>} : memref<2x200x64xf32, #tpu.memory_space<vmem>>, vector<16xf32>,
          %get3A_594 = arith.constant 0 : i32
          %get3A_595 = arith.index_cast %get3A_594 : i32 to index
          %get3A_596 = arith.index_cast %while3A_568 : i32 to index
          %get3A_597 = arith.constant 0 : index
          %get3A_598 = tpu.vector_load %arg7[%get3A_595, %get3A_596, %get3A_597] {strides = array<i32>} : memref<2x200x64xf32, #tpu.memory_space<vmem>>, vector<16xf32>,
          %add3A_599 = arith.addf %while3A_569, %get3A_593 : vector<16xf32>
          %add3A_600 = arith.addf %while3A_573, %get3A_598 : vector<16xf32>
          %mul3A_601 = arith.mulf %get3A_593, %get3A_593 : vector<16xf32>
          %add3A_602 = arith.addf %while3A_577, %mul3A_601 : vector<16xf32>
          %mul3A_603 = arith.mulf %get3A_598, %get3A_598 : vector<16xf32>
          %add3A_604 = arith.addf %while3A_581, %mul3A_603 : vector<16xf32>
          %mul3A_605 = arith.mulf %get3A_593, %get3A_598 : vector<16xf32>
          %add3A_606 = arith.addf %while3A_585, %mul3A_605 : vector<16xf32>
          %get3A_607 = arith.constant 0 : i32
          %get3A_608 = arith.index_cast %get3A_607 : i32 to index
          %get3A_609 = arith.index_cast %while3A_568 : i32 to index
          %get3A_610 = arith.constant 16 : index
          %get3A_611 = tpu.vector_load %arg6[%get3A_608, %get3A_609, %get3A_610] {strides = array<i32>} : memref<2x200x64xf32, #tpu.memory_space<vmem>>, vector<16xf32>,
          %get3A_612 = arith.constant 0 : i32
          %get3A_613 = arith.index_cast %get3A_612 : i32 to index
          %get3A_614 = arith.index_cast %while3A_568 : i32 to index
          %get3A_615 = arith.constant 16 : index
          %get3A_616 = tpu.vector_load %arg7[%get3A_613, %get3A_614, %get3A_615] {strides = array<i32>} : memref<2x200x64xf32, #tpu.memory_space<vmem>>, vector<16xf32>,
          %add3A_617 = arith.addf %while3A_570, %get3A_611 : vector<16xf32>
          %add3A_618 = arith.addf %while3A_574, %get3A_616 : vector<16xf32>
          %mul3A_619 = arith.mulf %get3A_611, %get3A_611 : vector<16xf32>
          %add3A_620 = arith.addf %while3A_578, %mul3A_619 : vector<16xf32>
          %mul3A_621 = arith.mulf %get3A_616, %get3A_616 : vector<16xf32>
          %add3A_622 = arith.addf %while3A_582, %mul3A_621 : vector<16xf32>
          %mul3A_623 = arith.mulf %get3A_611, %get3A_616 : vector<16xf32>
          %add3A_624 = arith.addf %while3A_586, %mul3A_623 : vector<16xf32>
          %get3A_625 = arith.constant 0 : i32
          %get3A_626 = arith.index_cast %get3A_625 : i32 to index
          %get3A_627 = arith.index_cast %while3A_568 : i32 to index
          %get3A_628 = arith.constant 32 : index
          %get3A_629 = tpu.vector_load %arg6[%get3A_626, %get3A_627, %get3A_628] {strides = array<i32>} : memref<2x200x64xf32, #tpu.memory_space<vmem>>, vector<16xf32>,
          %get3A_630 = arith.constant 0 : i32
          %get3A_631 = arith.index_cast %get3A_630 : i32 to index
          %get3A_632 = arith.index_cast %while3A_568 : i32 to index
          %get3A_633 = arith.constant 32 : index
          %get3A_634 = tpu.vector_load %arg7[%get3A_631, %get3A_632, %get3A_633] {strides = array<i32>} : memref<2x200x64xf32, #tpu.memory_space<vmem>>, vector<16xf32>,
          %add3A_635 = arith.addf %while3A_571, %get3A_629 : vector<16xf32>
          %add3A_636 = arith.addf %while3A_575, %get3A_634 : vector<16xf32>
          %mul3A_637 = arith.mulf %get3A_629, %get3A_629 : vector<16xf32>
          %add3A_638 = arith.addf %while3A_579, %mul3A_637 : vector<16xf32>
          %mul3A_639 = arith.mulf %get3A_634, %get3A_634 : vector<16xf32>
          %add3A_640 = arith.addf %while3A_583, %mul3A_639 : vector<16xf32>
          %mul3A_641 = arith.mulf %get3A_629, %get3A_634 : vector<16xf32>
          %add3A_642 = arith.addf %while3A_587, %mul3A_641 : vector<16xf32>
          %get3A_643 = arith.constant 0 : i32
          %get3A_644 = arith.index_cast %get3A_643 : i32 to index
          %get3A_645 = arith.index_cast %while3A_568 : i32 to index
          %get3A_646 = arith.constant 48 : index
          %get3A_647 = tpu.vector_load %arg6[%get3A_644, %get3A_645, %get3A_646] {strides = array<i32>} : memref<2x200x64xf32, #tpu.memory_space<vmem>>, vector<16xf32>,
          %get3A_648 = arith.constant 0 : i32
          %get3A_649 = arith.index_cast %get3A_648 : i32 to index
          %get3A_650 = arith.index_cast %while3A_568 : i32 to index
          %get3A_651 = arith.constant 48 : index
          %get3A_652 = tpu.vector_load %arg7[%get3A_649, %get3A_650, %get3A_651] {strides = array<i32>} : memref<2x200x64xf32, #tpu.memory_space<vmem>>, vector<16xf32>,
          %add3A_653 = arith.addf %while3A_572, %get3A_647 : vector<16xf32>
          %add3A_654 = arith.addf %while3A_576, %get3A_652 : vector<16xf32>
          %mul3A_655 = arith.mulf %get3A_647, %get3A_647 : vector<16xf32>
          %add3A_656 = arith.addf %while3A_580, %mul3A_655 : vector<16xf32>
          %mul3A_657 = arith.mulf %get3A_652, %get3A_652 : vector<16xf32>
          %add3A_658 = arith.addf %while3A_584, %mul3A_657 : vector<16xf32>
          %mul3A_659 = arith.mulf %get3A_647, %get3A_652 : vector<16xf32>
          %add3A_660 = arith.addf %while3A_588, %mul3A_659 : vector<16xf32>
          scf.yield %add3A_599, %add3A_617, %add3A_635, %add3A_653, %add3A_600, %add3A_618, %add3A_636, %add3A_654, %add3A_602, %add3A_620, %add3A_638, %add3A_656, %add3A_604, %add3A_622, %add3A_640, %add3A_658, %add3A_606, %add3A_624, %add3A_642, %add3A_660 : vector<16xf32>, vector<16xf32>, vector<16xf32>, vector<16xf32>, vector<16xf32>, vector<16xf32>, vector<16xf32>, vector<16xf32>, vector<16xf32>, vector<16xf32>, vector<16xf32>, vector<16xf32>, vector<16xf32>, vector<16xf32>, vector<16xf32>, vector<16xf32>, vector<16xf32>, vector<16xf32>, vector<16xf32>, vector<16xf32>
        }
        %sub3A_554 = arith.subi %while3A_543, %while3A_505 : i32
        %add3A_555 = arith.addi %while3A_507, %sub3A_554 : i32
        %eq3A_556 = arith.cmpi eq, %while3A_506, %squeeze3A : i32
        %convert_element_type3A_557 = arith.extui %eq3A_556 : i1 to i32
        %cond3A_558 = arith.constant 0 : i32
        %cond3A_559 = arith.cmpi ne, %convert_element_type3A_557, %cond3A_558 : i32
        %cond3A_560:2 = scf.if %cond3A_559 -> (i32, i32) {
          %swap3A_568 = arith.constant 0 : index
          %swap3A_569 = tpu.vector_load %arg10[%swap3A_568] {strides = array<i32>} : memref<384xf32, #tpu.memory_space<vmem>>, vector<16xf32>,
          tpu.vector_store %arg10[%swap3A_568], %while3A_553#0 {strides = array<i32>} : memref<384xf32, #tpu.memory_space<vmem>>, vector<16xf32>,
          %swap3A_570 = arith.constant 16 : index
          %swap3A_571 = tpu.vector_load %arg10[%swap3A_570] {strides = array<i32>} : memref<384xf32, #tpu.memory_space<vmem>>, vector<16xf32>,
          tpu.vector_store %arg10[%swap3A_570], %while3A_553#1 {strides = array<i32>} : memref<384xf32, #tpu.memory_space<vmem>>, vector<16xf32>,
          %swap3A_572 = arith.constant 32 : index
          %swap3A_573 = tpu.vector_load %arg10[%swap3A_572] {strides = array<i32>} : memref<384xf32, #tpu.memory_space<vmem>>, vector<16xf32>,
          tpu.vector_store %arg10[%swap3A_572], %while3A_553#2 {strides = array<i32>} : memref<384xf32, #tpu.memory_space<vmem>>, vector<16xf32>,
          %swap3A_574 = arith.constant 48 : index
          %swap3A_575 = tpu.vector_load %arg10[%swap3A_574] {strides = array<i32>} : memref<384xf32, #tpu.memory_space<vmem>>, vector<16xf32>,
          tpu.vector_store %arg10[%swap3A_574], %while3A_553#3 {strides = array<i32>} : memref<384xf32, #tpu.memory_space<vmem>>, vector<16xf32>,
          %swap3A_576 = arith.constant 64 : index
          %swap3A_577 = tpu.vector_load %arg10[%swap3A_576] {strides = array<i32>} : memref<384xf32, #tpu.memory_space<vmem>>, vector<16xf32>,
          tpu.vector_store %arg10[%swap3A_576], %while3A_553#4 {strides = array<i32>} : memref<384xf32, #tpu.memory_space<vmem>>, vector<16xf32>,
          %swap3A_578 = arith.constant 80 : index
          %swap3A_579 = tpu.vector_load %arg10[%swap3A_578] {strides = array<i32>} : memref<384xf32, #tpu.memory_space<vmem>>, vector<16xf32>,
          tpu.vector_store %arg10[%swap3A_578], %while3A_553#5 {strides = array<i32>} : memref<384xf32, #tpu.memory_space<vmem>>, vector<16xf32>,
          %swap3A_580 = arith.constant 96 : index
          %swap3A_581 = tpu.vector_load %arg10[%swap3A_580] {strides = array<i32>} : memref<384xf32, #tpu.memory_space<vmem>>, vector<16xf32>,
          tpu.vector_store %arg10[%swap3A_580], %while3A_553#6 {strides = array<i32>} : memref<384xf32, #tpu.memory_space<vmem>>, vector<16xf32>,
          %swap3A_582 = arith.constant 112 : index
          %swap3A_583 = tpu.vector_load %arg10[%swap3A_582] {strides = array<i32>} : memref<384xf32, #tpu.memory_space<vmem>>, vector<16xf32>,
          tpu.vector_store %arg10[%swap3A_582], %while3A_553#7 {strides = array<i32>} : memref<384xf32, #tpu.memory_space<vmem>>, vector<16xf32>,
          %swap3A_584 = arith.constant 128 : index
          %swap3A_585 = tpu.vector_load %arg10[%swap3A_584] {strides = array<i32>} : memref<384xf32, #tpu.memory_space<vmem>>, vector<16xf32>,
          tpu.vector_store %arg10[%swap3A_584], %while3A_553#8 {strides = array<i32>} : memref<384xf32, #tpu.memory_space<vmem>>, vector<16xf32>,
          %swap3A_586 = arith.constant 144 : index
          %swap3A_587 = tpu.vector_load %arg10[%swap3A_586] {strides = array<i32>} : memref<384xf32, #tpu.memory_space<vmem>>, vector<16xf32>,
          tpu.vector_store %arg10[%swap3A_586], %while3A_553#9 {strides = array<i32>} : memref<384xf32, #tpu.memory_space<vmem>>, vector<16xf32>,
          %swap3A_588 = arith.constant 160 : index
          %swap3A_589 = tpu.vector_load %arg10[%swap3A_588] {strides = array<i32>} : memref<384xf32, #tpu.memory_space<vmem>>, vector<16xf32>,
          tpu.vector_store %arg10[%swap3A_588], %while3A_553#10 {strides = array<i32>} : memref<384xf32, #tpu.memory_space<vmem>>, vector<16xf32>,
          %swap3A_590 = arith.constant 176 : index
          %swap3A_591 = tpu.vector_load %arg10[%swap3A_590] {strides = array<i32>} : memref<384xf32, #tpu.memory_space<vmem>>, vector<16xf32>,
          tpu.vector_store %arg10[%swap3A_590], %while3A_553#11 {strides = array<i32>} : memref<384xf32, #tpu.memory_space<vmem>>, vector<16xf32>,
          %swap3A_592 = arith.constant 192 : index
          %swap3A_593 = tpu.vector_load %arg10[%swap3A_592] {strides = array<i32>} : memref<384xf32, #tpu.memory_space<vmem>>, vector<16xf32>,
          tpu.vector_store %arg10[%swap3A_592], %while3A_553#12 {strides = array<i32>} : memref<384xf32, #tpu.memory_space<vmem>>, vector<16xf32>,
          %swap3A_594 = arith.constant 208 : index
          %swap3A_595 = tpu.vector_load %arg10[%swap3A_594] {strides = array<i32>} : memref<384xf32, #tpu.memory_space<vmem>>, vector<16xf32>,
          tpu.vector_store %arg10[%swap3A_594], %while3A_553#13 {strides = array<i32>} : memref<384xf32, #tpu.memory_space<vmem>>, vector<16xf32>,
          %swap3A_596 = arith.constant 224 : index
          %swap3A_597 = tpu.vector_load %arg10[%swap3A_596] {strides = array<i32>} : memref<384xf32, #tpu.memory_space<vmem>>, vector<16xf32>,
          tpu.vector_store %arg10[%swap3A_596], %while3A_553#14 {strides = array<i32>} : memref<384xf32, #tpu.memory_space<vmem>>, vector<16xf32>,
          %swap3A_598 = arith.constant 240 : index
          %swap3A_599 = tpu.vector_load %arg10[%swap3A_598] {strides = array<i32>} : memref<384xf32, #tpu.memory_space<vmem>>, vector<16xf32>,
          tpu.vector_store %arg10[%swap3A_598], %while3A_553#15 {strides = array<i32>} : memref<384xf32, #tpu.memory_space<vmem>>, vector<16xf32>,
          %swap3A_600 = arith.constant 256 : index
          %swap3A_601 = tpu.vector_load %arg10[%swap3A_600] {strides = array<i32>} : memref<384xf32, #tpu.memory_space<vmem>>, vector<16xf32>,
          tpu.vector_store %arg10[%swap3A_600], %while3A_553#16 {strides = array<i32>} : memref<384xf32, #tpu.memory_space<vmem>>, vector<16xf32>,
          %swap3A_602 = arith.constant 272 : index
          %swap3A_603 = tpu.vector_load %arg10[%swap3A_602] {strides = array<i32>} : memref<384xf32, #tpu.memory_space<vmem>>, vector<16xf32>,
          tpu.vector_store %arg10[%swap3A_602], %while3A_553#17 {strides = array<i32>} : memref<384xf32, #tpu.memory_space<vmem>>, vector<16xf32>,
          %swap3A_604 = arith.constant 288 : index
          %swap3A_605 = tpu.vector_load %arg10[%swap3A_604] {strides = array<i32>} : memref<384xf32, #tpu.memory_space<vmem>>, vector<16xf32>,
          tpu.vector_store %arg10[%swap3A_604], %while3A_553#18 {strides = array<i32>} : memref<384xf32, #tpu.memory_space<vmem>>, vector<16xf32>,
          %swap3A_606 = arith.constant 304 : index
          %swap3A_607 = tpu.vector_load %arg10[%swap3A_606] {strides = array<i32>} : memref<384xf32, #tpu.memory_space<vmem>>, vector<16xf32>,
          tpu.vector_store %arg10[%swap3A_606], %while3A_553#19 {strides = array<i32>} : memref<384xf32, #tpu.memory_space<vmem>>, vector<16xf32>,
          %convert_element_type3A_608 = arith.sitofp %add3A_555 : i32 to f32
          %broadcast_in_dim3A_609 = vector.broadcast %convert_element_type3A_608 : f32 to vector<16xf32>
          %swap3A_610 = arith.constant 320 : index
          %swap3A_611 = tpu.vector_load %arg10[%swap3A_610] {strides = array<i32>} : memref<384xf32, #tpu.memory_space<vmem>>, vector<16xf32>,
          tpu.vector_store %arg10[%swap3A_610], %broadcast_in_dim3A_609 {strides = array<i32>} : memref<384xf32, #tpu.memory_space<vmem>>, vector<16xf32>,
          %mul3A_612 = arith.constant 2 : i32
          %mul3A_613 = arith.muli %arg1, %mul3A_612 : i32
          %mul3A_614 = arith.constant 384 : i32
          %mul3A_615 = arith.muli %mul3A_613, %mul3A_614 : i32
          "tpu.region"() ({
            %run_scoped3A = tpu.sem_alloc : memref<!tpu.dma_semaphore, #tpu.memory_space<semaphore_mem>>
            %dma_start3A_616 = tpu.memref_slice %arg16[%mul3A_615] : memref<12288xf32, #tpu.memory_space<vmem_shared>> -> memref<384xf32, #tpu.memory_space<vmem_shared>>
            %dma_start3A_617 = tpu.memref_slice %arg16[%mul3A_615] : memref<12288xf32, #tpu.memory_space<vmem_shared>> -> memref<384xf32, #tpu.memory_space<vmem_shared>>
            tpu.enqueue_dma source(%arg10 : memref<384xf32, #tpu.memory_space<vmem>>) target(%dma_start3A_617 : memref<384xf32, #tpu.memory_space<vmem_shared>>) target_semaphore(%run_scoped3A : memref<!tpu.dma_semaphore, #tpu.memory_space<semaphore_mem>>)
            %dma_wait3A_618 = tpu.memref_slice %arg16[%mul3A_615] : memref<12288xf32, #tpu.memory_space<vmem_shared>> -> memref<384xf32, #tpu.memory_space<vmem_shared>>
            %dma_wait3A_619 = tpu.memref_slice %arg16[%mul3A_615] : memref<12288xf32, #tpu.memory_space<vmem_shared>> -> memref<384xf32, #tpu.memory_space<vmem_shared>>
            tpu.wait_dma2 semaphore(%run_scoped3A : memref<!tpu.dma_semaphore, #tpu.memory_space<semaphore_mem>>) src(%arg10 : memref<384xf32, #tpu.memory_space<vmem>>) dst(%dma_wait3A_619 : memref<384xf32, #tpu.memory_space<vmem_shared>>)
            tpu.yield
          }) : () -> ()
          scf.yield %while3A_508, %while3A_509 : i32, i32
        } else {
          %ge3A = arith.constant 4 : i32
          %ge3A_568 = arith.cmpi sge, %while3A_509, %ge3A : i32
          %convert_element_type3A_569 = arith.extui %ge3A_568 : i1 to i32
          %cond3A_570 = arith.constant 0 : i32
          %cond3A_571 = arith.cmpi ne, %convert_element_type3A_569, %cond3A_570 : i32
          scf.if %cond3A_571 {
            %dma_wait3A_784 = arith.constant 0 : i32
            %dma_wait3A_785 = tpu.memref_slice %arg9[%dma_wait3A_784] : memref<256xf32, #tpu.memory_space<vmem>> -> memref<64xf32, #tpu.memory_space<vmem>>
            %dma_wait3A_786 = arith.constant 0 : i32
            %dma_wait3A_787 = tpu.memref_slice %arg5[%dma_wait3A_786] : memref<1280000xf32, #tpu.memory_space<hbm>> -> memref<64xf32, #tpu.memory_space<hbm>>
            %dma_wait3A_788 = arith.constant 0 : i32
            %dma_wait3A_789 = tpu.memref_slice %arg5[%dma_wait3A_788] : memref<1280000xf32, #tpu.memory_space<hbm>> -> memref<64xf32, #tpu.memory_space<hbm>>
            %dma_wait3A_790 = arith.constant 0 : i32
            %dma_wait3A_791 = tpu.memref_slice %arg9[%dma_wait3A_790] : memref<256xf32, #tpu.memory_space<vmem>> -> memref<64xf32, #tpu.memory_space<vmem>>
            tpu.wait_dma2 semaphore(%arg19 : memref<!tpu.dma_semaphore, #tpu.memory_space<semaphore_mem>>) src(%dma_wait3A_791 : memref<64xf32, #tpu.memory_space<vmem>>) dst(%dma_wait3A_789 : memref<64xf32, #tpu.memory_space<hbm>>)
          } else {
          }
          %convert_element_type3A_572 = arith.sitofp %add3A_555 : i32 to f32
          %broadcast_in_dim3A_573 = vector.broadcast %convert_element_type3A_572 : f32 to vector<16xf32>
          %div3A = arith.constant 1.000000e+00 : f32
          %div3A_574 = vector.broadcast %div3A : f32 to vector<16xf32>
          %div3A_575 = arith.divf %div3A_574, %broadcast_in_dim3A_573 : vector<16xf32>
          %mul3A_576 = arith.mulf %while3A_553#0, %div3A_575 : vector<16xf32>
          %mul3A_577 = arith.mulf %while3A_553#4, %div3A_575 : vector<16xf32>
          %mul3A_578 = arith.mulf %while3A_553#16, %div3A_575 : vector<16xf32>
          %mul3A_579 = arith.mulf %mul3A_576, %mul3A_577 : vector<16xf32>
          %sub3A_580 = arith.subf %mul3A_578, %mul3A_579 : vector<16xf32>
          %mul3A_581 = arith.mulf %while3A_553#8, %div3A_575 : vector<16xf32>
          %mul3A_582 = arith.mulf %mul3A_576, %mul3A_576 : vector<16xf32>
          %sub3A_583 = arith.subf %mul3A_581, %mul3A_582 : vector<16xf32>
          %mul3A_584 = arith.mulf %while3A_553#12, %div3A_575 : vector<16xf32>
          %mul3A_585 = arith.mulf %mul3A_577, %mul3A_577 : vector<16xf32>
          %sub3A_586 = arith.subf %mul3A_584, %mul3A_585 : vector<16xf32>
          %mul3A_587 = arith.mulf %sub3A_583, %sub3A_586 : vector<16xf32>
          %bitcast3A = vector.bitcast %mul3A_587 : vector<16xf32> to vector<16xi32>
          %shift_right_arithmetic3A_588 = arith.constant 1 : i32
          %shift_right_arithmetic3A_589 = vector.broadcast %shift_right_arithmetic3A_588 : i32 to vector<16xi32>
          %shift_right_arithmetic3A_590 = arith.shrsi %bitcast3A, %shift_right_arithmetic3A_589 : vector<16xi32>
          %sub3A_591 = arith.constant 1597463007 : i32
          %sub3A_592 = vector.broadcast %sub3A_591 : i32 to vector<16xi32>
          %sub3A_593 = arith.subi %sub3A_592, %shift_right_arithmetic3A_590 : vector<16xi32>
          %bitcast3A_594 = vector.bitcast %sub3A_593 : vector<16xi32> to vector<16xf32>
          %mul3A_595 = arith.constant -5.000000e-01 : f32
          %mul3A_596 = vector.broadcast %mul3A_595 : f32 to vector<16xf32>
          %mul3A_597 = arith.mulf %mul3A_596, %mul3A_587 : vector<16xf32>
          %mul3A_598 = arith.mulf %mul3A_597, %bitcast3A_594 : vector<16xf32>
          %mul3A_599 = arith.mulf %mul3A_598, %bitcast3A_594 : vector<16xf32>
          %add3A_600 = arith.constant 1.500000e+00 : f32
          %add3A_601 = vector.broadcast %add3A_600 : f32 to vector<16xf32>
          %add3A_602 = arith.addf %add3A_601, %mul3A_599 : vector<16xf32>
          %mul3A_603 = arith.mulf %bitcast3A_594, %add3A_602 : vector<16xf32>
          %mul3A_604 = arith.mulf %mul3A_597, %mul3A_603 : vector<16xf32>
          %mul3A_605 = arith.mulf %mul3A_604, %mul3A_603 : vector<16xf32>
          %add3A_606 = arith.constant 1.500000e+00 : f32
          %add3A_607 = vector.broadcast %add3A_606 : f32 to vector<16xf32>
          %add3A_608 = arith.addf %add3A_607, %mul3A_605 : vector<16xf32>
          %mul3A_609 = arith.mulf %mul3A_603, %add3A_608 : vector<16xf32>
          %mul3A_610 = arith.mulf %mul3A_597, %mul3A_609 : vector<16xf32>
          %mul3A_611 = arith.mulf %mul3A_610, %mul3A_609 : vector<16xf32>
          %add3A_612 = arith.constant 1.500000e+00 : f32
          %add3A_613 = vector.broadcast %add3A_612 : f32 to vector<16xf32>
          %add3A_614 = arith.addf %add3A_613, %mul3A_611 : vector<16xf32>
          %mul3A_615 = arith.mulf %mul3A_609, %add3A_614 : vector<16xf32>
          %mul3A_616 = arith.mulf %sub3A_580, %mul3A_615 : vector<16xf32>
          %mul3A_617 = arith.mulf %while3A_553#1, %div3A_575 : vector<16xf32>
          %mul3A_618 = arith.mulf %while3A_553#5, %div3A_575 : vector<16xf32>
          %mul3A_619 = arith.mulf %while3A_553#17, %div3A_575 : vector<16xf32>
          %mul3A_620 = arith.mulf %mul3A_617, %mul3A_618 : vector<16xf32>
          %sub3A_621 = arith.subf %mul3A_619, %mul3A_620 : vector<16xf32>
          %mul3A_622 = arith.mulf %while3A_553#9, %div3A_575 : vector<16xf32>
          %mul3A_623 = arith.mulf %mul3A_617, %mul3A_617 : vector<16xf32>
          %sub3A_624 = arith.subf %mul3A_622, %mul3A_623 : vector<16xf32>
          %mul3A_625 = arith.mulf %while3A_553#13, %div3A_575 : vector<16xf32>
          %mul3A_626 = arith.mulf %mul3A_618, %mul3A_618 : vector<16xf32>
          %sub3A_627 = arith.subf %mul3A_625, %mul3A_626 : vector<16xf32>
          %mul3A_628 = arith.mulf %sub3A_624, %sub3A_627 : vector<16xf32>
          %bitcast3A_629 = vector.bitcast %mul3A_628 : vector<16xf32> to vector<16xi32>
          %shift_right_arithmetic3A_630 = arith.constant 1 : i32
          %shift_right_arithmetic3A_631 = vector.broadcast %shift_right_arithmetic3A_630 : i32 to vector<16xi32>
          %shift_right_arithmetic3A_632 = arith.shrsi %bitcast3A_629, %shift_right_arithmetic3A_631 : vector<16xi32>
          %sub3A_633 = arith.constant 1597463007 : i32
          %sub3A_634 = vector.broadcast %sub3A_633 : i32 to vector<16xi32>
          %sub3A_635 = arith.subi %sub3A_634, %shift_right_arithmetic3A_632 : vector<16xi32>
          %bitcast3A_636 = vector.bitcast %sub3A_635 : vector<16xi32> to vector<16xf32>
          %mul3A_637 = arith.constant -5.000000e-01 : f32
          %mul3A_638 = vector.broadcast %mul3A_637 : f32 to vector<16xf32>
          %mul3A_639 = arith.mulf %mul3A_638, %mul3A_628 : vector<16xf32>
          %mul3A_640 = arith.mulf %mul3A_639, %bitcast3A_636 : vector<16xf32>
          %mul3A_641 = arith.mulf %mul3A_640, %bitcast3A_636 : vector<16xf32>
          %add3A_642 = arith.constant 1.500000e+00 : f32
          %add3A_643 = vector.broadcast %add3A_642 : f32 to vector<16xf32>
          %add3A_644 = arith.addf %add3A_643, %mul3A_641 : vector<16xf32>
          %mul3A_645 = arith.mulf %bitcast3A_636, %add3A_644 : vector<16xf32>
          %mul3A_646 = arith.mulf %mul3A_639, %mul3A_645 : vector<16xf32>
          %mul3A_647 = arith.mulf %mul3A_646, %mul3A_645 : vector<16xf32>
          %add3A_648 = arith.constant 1.500000e+00 : f32
          %add3A_649 = vector.broadcast %add3A_648 : f32 to vector<16xf32>
          %add3A_650 = arith.addf %add3A_649, %mul3A_647 : vector<16xf32>
          %mul3A_651 = arith.mulf %mul3A_645, %add3A_650 : vector<16xf32>
          %mul3A_652 = arith.mulf %mul3A_639, %mul3A_651 : vector<16xf32>
          %mul3A_653 = arith.mulf %mul3A_652, %mul3A_651 : vector<16xf32>
          %add3A_654 = arith.constant 1.500000e+00 : f32
          %add3A_655 = vector.broadcast %add3A_654 : f32 to vector<16xf32>
          %add3A_656 = arith.addf %add3A_655, %mul3A_653 : vector<16xf32>
          %mul3A_657 = arith.mulf %mul3A_651, %add3A_656 : vector<16xf32>
          %mul3A_658 = arith.mulf %sub3A_621, %mul3A_657 : vector<16xf32>
          %mul3A_659 = arith.mulf %while3A_553#2, %div3A_575 : vector<16xf32>
          %mul3A_660 = arith.mulf %while3A_553#6, %div3A_575 : vector<16xf32>
          %mul3A_661 = arith.mulf %while3A_553#18, %div3A_575 : vector<16xf32>
          %mul3A_662 = arith.mulf %mul3A_659, %mul3A_660 : vector<16xf32>
          %sub3A_663 = arith.subf %mul3A_661, %mul3A_662 : vector<16xf32>
          %mul3A_664 = arith.mulf %while3A_553#10, %div3A_575 : vector<16xf32>
          %mul3A_665 = arith.mulf %mul3A_659, %mul3A_659 : vector<16xf32>
          %sub3A_666 = arith.subf %mul3A_664, %mul3A_665 : vector<16xf32>
          %mul3A_667 = arith.mulf %while3A_553#14, %div3A_575 : vector<16xf32>
          %mul3A_668 = arith.mulf %mul3A_660, %mul3A_660 : vector<16xf32>
          %sub3A_669 = arith.subf %mul3A_667, %mul3A_668 : vector<16xf32>
          %mul3A_670 = arith.mulf %sub3A_666, %sub3A_669 : vector<16xf32>
          %bitcast3A_671 = vector.bitcast %mul3A_670 : vector<16xf32> to vector<16xi32>
          %shift_right_arithmetic3A_672 = arith.constant 1 : i32
          %shift_right_arithmetic3A_673 = vector.broadcast %shift_right_arithmetic3A_672 : i32 to vector<16xi32>
          %shift_right_arithmetic3A_674 = arith.shrsi %bitcast3A_671, %shift_right_arithmetic3A_673 : vector<16xi32>
          %sub3A_675 = arith.constant 1597463007 : i32
          %sub3A_676 = vector.broadcast %sub3A_675 : i32 to vector<16xi32>
          %sub3A_677 = arith.subi %sub3A_676, %shift_right_arithmetic3A_674 : vector<16xi32>
          %bitcast3A_678 = vector.bitcast %sub3A_677 : vector<16xi32> to vector<16xf32>
          %mul3A_679 = arith.constant -5.000000e-01 : f32
          %mul3A_680 = vector.broadcast %mul3A_679 : f32 to vector<16xf32>
          %mul3A_681 = arith.mulf %mul3A_680, %mul3A_670 : vector<16xf32>
          %mul3A_682 = arith.mulf %mul3A_681, %bitcast3A_678 : vector<16xf32>
          %mul3A_683 = arith.mulf %mul3A_682, %bitcast3A_678 : vector<16xf32>
          %add3A_684 = arith.constant 1.500000e+00 : f32
          %add3A_685 = vector.broadcast %add3A_684 : f32 to vector<16xf32>
          %add3A_686 = arith.addf %add3A_685, %mul3A_683 : vector<16xf32>
          %mul3A_687 = arith.mulf %bitcast3A_678, %add3A_686 : vector<16xf32>
          %mul3A_688 = arith.mulf %mul3A_681, %mul3A_687 : vector<16xf32>
          %mul3A_689 = arith.mulf %mul3A_688, %mul3A_687 : vector<16xf32>
          %add3A_690 = arith.constant 1.500000e+00 : f32
          %add3A_691 = vector.broadcast %add3A_690 : f32 to vector<16xf32>
          %add3A_692 = arith.addf %add3A_691, %mul3A_689 : vector<16xf32>
          %mul3A_693 = arith.mulf %mul3A_687, %add3A_692 : vector<16xf32>
          %mul3A_694 = arith.mulf %mul3A_681, %mul3A_693 : vector<16xf32>
          %mul3A_695 = arith.mulf %mul3A_694, %mul3A_693 : vector<16xf32>
          %add3A_696 = arith.constant 1.500000e+00 : f32
          %add3A_697 = vector.broadcast %add3A_696 : f32 to vector<16xf32>
          %add3A_698 = arith.addf %add3A_697, %mul3A_695 : vector<16xf32>
          %mul3A_699 = arith.mulf %mul3A_693, %add3A_698 : vector<16xf32>
          %mul3A_700 = arith.mulf %sub3A_663, %mul3A_699 : vector<16xf32>
          %mul3A_701 = arith.mulf %while3A_553#3, %div3A_575 : vector<16xf32>
          %mul3A_702 = arith.mulf %while3A_553#7, %div3A_575 : vector<16xf32>
          %mul3A_703 = arith.mulf %while3A_553#19, %div3A_575 : vector<16xf32>
          %mul3A_704 = arith.mulf %mul3A_701, %mul3A_702 : vector<16xf32>
          %sub3A_705 = arith.subf %mul3A_703, %mul3A_704 : vector<16xf32>
          %mul3A_706 = arith.mulf %while3A_553#11, %div3A_575 : vector<16xf32>
          %mul3A_707 = arith.mulf %mul3A_701, %mul3A_701 : vector<16xf32>
          %sub3A_708 = arith.subf %mul3A_706, %mul3A_707 : vector<16xf32>
          %mul3A_709 = arith.mulf %while3A_553#15, %div3A_575 : vector<16xf32>
          %mul3A_710 = arith.mulf %mul3A_702, %mul3A_702 : vector<16xf32>
          %sub3A_711 = arith.subf %mul3A_709, %mul3A_710 : vector<16xf32>
          %mul3A_712 = arith.mulf %sub3A_708, %sub3A_711 : vector<16xf32>
          %bitcast3A_713 = vector.bitcast %mul3A_712 : vector<16xf32> to vector<16xi32>
          %shift_right_arithmetic3A_714 = arith.constant 1 : i32
          %shift_right_arithmetic3A_715 = vector.broadcast %shift_right_arithmetic3A_714 : i32 to vector<16xi32>
          %shift_right_arithmetic3A_716 = arith.shrsi %bitcast3A_713, %shift_right_arithmetic3A_715 : vector<16xi32>
          %sub3A_717 = arith.constant 1597463007 : i32
          %sub3A_718 = vector.broadcast %sub3A_717 : i32 to vector<16xi32>
          %sub3A_719 = arith.subi %sub3A_718, %shift_right_arithmetic3A_716 : vector<16xi32>
          %bitcast3A_720 = vector.bitcast %sub3A_719 : vector<16xi32> to vector<16xf32>
          %mul3A_721 = arith.constant -5.000000e-01 : f32
          %mul3A_722 = vector.broadcast %mul3A_721 : f32 to vector<16xf32>
          %mul3A_723 = arith.mulf %mul3A_722, %mul3A_712 : vector<16xf32>
          %mul3A_724 = arith.mulf %mul3A_723, %bitcast3A_720 : vector<16xf32>
          %mul3A_725 = arith.mulf %mul3A_724, %bitcast3A_720 : vector<16xf32>
          %add3A_726 = arith.constant 1.500000e+00 : f32
          %add3A_727 = vector.broadcast %add3A_726 : f32 to vector<16xf32>
          %add3A_728 = arith.addf %add3A_727, %mul3A_725 : vector<16xf32>
          %mul3A_729 = arith.mulf %bitcast3A_720, %add3A_728 : vector<16xf32>
          %mul3A_730 = arith.mulf %mul3A_723, %mul3A_729 : vector<16xf32>
          %mul3A_731 = arith.mulf %mul3A_730, %mul3A_729 : vector<16xf32>
          %add3A_732 = arith.constant 1.500000e+00 : f32
          %add3A_733 = vector.broadcast %add3A_732 : f32 to vector<16xf32>
          %add3A_734 = arith.addf %add3A_733, %mul3A_731 : vector<16xf32>
          %mul3A_735 = arith.mulf %mul3A_729, %add3A_734 : vector<16xf32>
          %mul3A_736 = arith.mulf %mul3A_723, %mul3A_735 : vector<16xf32>
          %mul3A_737 = arith.mulf %mul3A_736, %mul3A_735 : vector<16xf32>
          %add3A_738 = arith.constant 1.500000e+00 : f32
          %add3A_739 = vector.broadcast %add3A_738 : f32 to vector<16xf32>
          %add3A_740 = arith.addf %add3A_739, %mul3A_737 : vector<16xf32>
          %mul3A_741 = arith.mulf %mul3A_735, %add3A_740 : vector<16xf32>
          %mul3A_742 = arith.mulf %sub3A_705, %mul3A_741 : vector<16xf32>
          %mul3A_743 = arith.constant 64 : i32
          %mul3A_744 = arith.muli %while3A_508, %mul3A_743 : i32
          %add3A_745 = arith.constant 0 : i32
          %add3A_746 = arith.addi %mul3A_744, %add3A_745 : i32
          %swap3A_747 = arith.index_cast %add3A_746 : i32 to index
          %swap3A_748 = tpu.vector_load %arg9[%swap3A_747] {strides = array<i32>} : memref<256xf32, #tpu.memory_space<vmem>>, vector<16xf32>,
          tpu.vector_store %arg9[%swap3A_747], %mul3A_616 {strides = array<i32>} : memref<256xf32, #tpu.memory_space<vmem>>, vector<16xf32>,
          %mul3A_749 = arith.constant 64 : i32
          %mul3A_750 = arith.muli %while3A_508, %mul3A_749 : i32
          %add3A_751 = arith.constant 16 : i32
          %add3A_752 = arith.addi %mul3A_750, %add3A_751 : i32
          %swap3A_753 = arith.index_cast %add3A_752 : i32 to index
          %swap3A_754 = tpu.vector_load %arg9[%swap3A_753] {strides = array<i32>} : memref<256xf32, #tpu.memory_space<vmem>>, vector<16xf32>,
          tpu.vector_store %arg9[%swap3A_753], %mul3A_658 {strides = array<i32>} : memref<256xf32, #tpu.memory_space<vmem>>, vector<16xf32>,
          %mul3A_755 = arith.constant 64 : i32
          %mul3A_756 = arith.muli %while3A_508, %mul3A_755 : i32
          %add3A_757 = arith.constant 32 : i32
          %add3A_758 = arith.addi %mul3A_756, %add3A_757 : i32
          %swap3A_759 = arith.index_cast %add3A_758 : i32 to index
          %swap3A_760 = tpu.vector_load %arg9[%swap3A_759] {strides = array<i32>} : memref<256xf32, #tpu.memory_space<vmem>>, vector<16xf32>,
          tpu.vector_store %arg9[%swap3A_759], %mul3A_700 {strides = array<i32>} : memref<256xf32, #tpu.memory_space<vmem>>, vector<16xf32>,
          %mul3A_761 = arith.constant 64 : i32
          %mul3A_762 = arith.muli %while3A_508, %mul3A_761 : i32
          %add3A_763 = arith.constant 48 : i32
          %add3A_764 = arith.addi %mul3A_762, %add3A_763 : i32
          %swap3A_765 = arith.index_cast %add3A_764 : i32 to index
          %swap3A_766 = tpu.vector_load %arg9[%swap3A_765] {strides = array<i32>} : memref<256xf32, #tpu.memory_space<vmem>>, vector<16xf32>,
          tpu.vector_store %arg9[%swap3A_765], %mul3A_742 {strides = array<i32>} : memref<256xf32, #tpu.memory_space<vmem>>, vector<16xf32>,
          %mul3A_767 = arith.constant 64 : i32
          %mul3A_768 = arith.muli %while3A_508, %mul3A_767 : i32
          %mul3A_769 = arith.constant 128 : i32
          %mul3A_770 = arith.muli %while3A_506, %mul3A_769 : i32
          %add3A_771 = arith.addi %mul3A_770, %mul3A_0 : i32
          %dma_start3A_772 = tpu.memref_slice %arg9[%mul3A_768] : memref<256xf32, #tpu.memory_space<vmem>> -> memref<64xf32, #tpu.memory_space<vmem>>
          %dma_start3A_773 = tpu.memref_slice %arg5[%add3A_771] : memref<1280000xf32, #tpu.memory_space<hbm>> -> memref<64xf32, #tpu.memory_space<hbm>>
          %dma_start3A_774 = tpu.memref_slice %arg5[%add3A_771] : memref<1280000xf32, #tpu.memory_space<hbm>> -> memref<64xf32, #tpu.memory_space<hbm>>
          %dma_start3A_775 = tpu.memref_slice %arg9[%mul3A_768] : memref<256xf32, #tpu.memory_space<vmem>> -> memref<64xf32, #tpu.memory_space<vmem>>
          tpu.enqueue_dma source(%dma_start3A_775 : memref<64xf32, #tpu.memory_space<vmem>>) target(%dma_start3A_774 : memref<64xf32, #tpu.memory_space<hbm>>) target_semaphore(%arg19 : memref<!tpu.dma_semaphore, #tpu.memory_space<semaphore_mem>>)
          %add3A_776 = arith.constant 1 : i32
          %add3A_777 = arith.addi %while3A_508, %add3A_776 : i32
          %and3A_778 = arith.constant 3 : i32
          %and3A_779 = arith.andi %add3A_777, %and3A_778 : i32
          %add3A_780 = arith.constant 1 : i32
          %add3A_781 = arith.addi %while3A_509, %add3A_780 : i32
          %convert_element_type3A_782 = arith.extui %ge3A_568 : i1 to i32
          %sub3A_783 = arith.subi %add3A_781, %convert_element_type3A_782 : i32
          scf.yield %and3A_779, %sub3A_783 : i32, i32
        }
        %add3A_561 = arith.constant 16 : i32
        %add3A_562 = arith.addi %add3A_561, %while3A_543 : i32
        %get3A_563 = arith.index_cast %add3A_562 : i32 to index
        %get3A_564 = tpu.vector_load %arg8[%get3A_563] {strides = array<i32>} : memref<464xi32, #tpu.memory_space<vmem>>, vector<16xi32>,
        %slice3A_565 = vector.extract_strided_slice %get3A_564 {offsets = [0], sizes = [1], strides = [1]} : vector<16xi32> to vector<1xi32>
        %squeeze3A_566 = vector.extract %slice3A_565[0] : i32 from vector<1xi32>
        %while3A_567 = arith.constant 0 : i32
        scf.yield %while3A_543, %squeeze3A_566, %while3A_567, %cond3A_560#0, %cond3A_560#1, %broadcast_in_dim3A_61, %broadcast_in_dim3A_61, %broadcast_in_dim3A_61, %broadcast_in_dim3A_61, %broadcast_in_dim3A_61, %broadcast_in_dim3A_61, %broadcast_in_dim3A_61, %broadcast_in_dim3A_61, %broadcast_in_dim3A_61, %broadcast_in_dim3A_61, %broadcast_in_dim3A_61, %broadcast_in_dim3A_61, %broadcast_in_dim3A_61, %broadcast_in_dim3A_61, %broadcast_in_dim3A_61, %broadcast_in_dim3A_61, %broadcast_in_dim3A_61, %broadcast_in_dim3A_61, %broadcast_in_dim3A_61, %broadcast_in_dim3A_61 : i32, i32, i32, i32, i32, vector<16xf32>, vector<16xf32>, vector<16xf32>, vector<16xf32>, vector<16xf32>, vector<16xf32>, vector<16xf32>, vector<16xf32>, vector<16xf32>, vector<16xf32>, vector<16xf32>, vector<16xf32>, vector<16xf32>, vector<16xf32>, vector<16xf32>, vector<16xf32>, vector<16xf32>, vector<16xf32>, vector<16xf32>, vector<16xf32>
      }
      %while3A_322 = arith.constant 1 : i32
      %while3A_323:25 = scf.for %while3A_504 = %while3A_319 to %while3A_315 step %while3A_322 iter_args(%while3A_505 = %while3A_321#0, %while3A_506 = %while3A_321#1, %while3A_507 = %while3A_321#2, %while3A_508 = %while3A_321#3, %while3A_509 = %while3A_321#4, %while3A_510 = %while3A_321#5, %while3A_511 = %while3A_321#6, %while3A_512 = %while3A_321#7, %while3A_513 = %while3A_321#8, %while3A_514 = %while3A_321#9, %while3A_515 = %while3A_321#10, %while3A_516 = %while3A_321#11, %while3A_517 = %while3A_321#12, %while3A_518 = %while3A_321#13, %while3A_519 = %while3A_321#14, %while3A_520 = %while3A_321#15, %while3A_521 = %while3A_321#16, %while3A_522 = %while3A_321#17, %while3A_523 = %while3A_321#18, %while3A_524 = %while3A_321#19, %while3A_525 = %while3A_321#20, %while3A_526 = %while3A_321#21, %while3A_527 = %while3A_321#22, %while3A_528 = %while3A_321#23, %while3A_529 = %while3A_321#24) -> (i32, i32, i32, i32, i32, vector<16xf32>, vector<16xf32>, vector<16xf32>, vector<16xf32>, vector<16xf32>, vector<16xf32>, vector<16xf32>, vector<16xf32>, vector<16xf32>, vector<16xf32>, vector<16xf32>, vector<16xf32>, vector<16xf32>, vector<16xf32>, vector<16xf32>, vector<16xf32>, vector<16xf32>, vector<16xf32>, vector<16xf32>, vector<16xf32>)  : i32 {
        %broadcast_in_dim3A_530 = vector.broadcast %while3A_506 : i32 to vector<16xi32>
        %shift_right_arithmetic3A = arith.constant 4 : i32
        %shift_right_arithmetic3A_531 = arith.shrsi %while3A_505, %shift_right_arithmetic3A : i32
        %while3A_532 = arith.constant 13 : i32
        %while3A_533 = arith.constant -1 : i32
        %while3A_534 = arith.subi %while3A_532, %shift_right_arithmetic3A_531 : i32
        %while3A_535 = arith.addi %shift_right_arithmetic3A_531, %while3A_534 : i32
        %while3A_536 = arith.constant 1 : i32
        %while3A_537 = arith.divsi %while3A_534, %while3A_536 : i32
        %while3A_538 = arith.muli %while3A_537, %while3A_536 : i32
        %while3A_539 = arith.addi %shift_right_arithmetic3A_531, %while3A_538 : i32
        %while3A_540 = arith.constant 1 : i32
        %while3A_541 = scf.for %while3A_568 = %shift_right_arithmetic3A_531 to %while3A_539 step %while3A_540 iter_args(%while3A_569 = %while3A_533) -> (i32)  : i32 {
          %lt3A_570 = arith.constant 0 : i32
          %lt3A_571 = arith.cmpi slt, %while3A_569, %lt3A_570 : i32
          %convert_element_type3A_572 = arith.extui %lt3A_571 : i1 to i32
          %cond3A_573 = arith.constant 0 : i32
          %cond3A_574 = arith.cmpi ne, %convert_element_type3A_572, %cond3A_573 : i32
          %cond3A_575 = scf.if %cond3A_574 -> (i32) {
            %mul3A_576 = arith.constant 16 : i32
            %mul3A_577 = arith.muli %while3A_568, %mul3A_576 : i32
            %add3A_578 = arith.constant 16 : i32
            %add3A_579 = arith.addi %add3A_578, %mul3A_577 : i32
            %get3A_580 = arith.index_cast %add3A_579 : i32 to index
            %get3A_581 = tpu.vector_load %arg8[%get3A_580] {strides = array<i32>} : memref<464xi32, #tpu.memory_space<vmem>>, vector<16xi32>,
            %ne3A_582 = arith.cmpi ne, %get3A_581, %broadcast_in_dim3A_530 : vector<16xi32>
            %add3A_583 = vector.broadcast %mul3A_577 : i32 to vector<16xi32>
            %add3A_584 = arith.addi %add3A_583, %iota3A : vector<16xi32>
            %ge3A = vector.broadcast %while3A_505 : i32 to vector<16xi32>
            %ge3A_585 = arith.cmpi sge, %add3A_584, %ge3A : vector<16xi32>
            %and3A_586 = arith.andi %ne3A_582, %ge3A_585 : vector<16xi1>
            %all_reduce_ffs3A = tpu.all_reduce %and3A_586 {dim = 0 : i64, kind = #tpu.reduction_kind<find_first_set>} : vector<16xi1> -> vector<16xi32>
            %slice3A_587 = vector.extract_strided_slice %all_reduce_ffs3A {offsets = [0], sizes = [1], strides = [1]} : vector<16xi32> to vector<1xi32>
            %squeeze3A_588 = vector.extract %slice3A_587[0] : i32 from vector<1xi32>
            %lt3A_589 = arith.constant 16 : i32
            %lt3A_590 = arith.cmpi slt, %squeeze3A_588, %lt3A_589 : i32
            %add3A_591 = arith.addi %mul3A_577, %squeeze3A_588 : i32
            %jit3A_592 = arith.constant -1 : i32
            %select_n3A_593 = arith.select %lt3A_590, %add3A_591, %jit3A_592 : i32
            scf.yield %select_n3A_593 : i32
          } else {
            scf.yield %while3A_569 : i32
          }
          scf.yield %cond3A_575 : i32
        }
        %while3A_542 = arith.constant 1 : i32
        %while3A_543 = scf.for %while3A_568 = %while3A_539 to %while3A_535 step %while3A_542 iter_args(%while3A_569 = %while3A_541) -> (i32)  : i32 {
          %lt3A_570 = arith.constant 0 : i32
          %lt3A_571 = arith.cmpi slt, %while3A_569, %lt3A_570 : i32
          %convert_element_type3A_572 = arith.extui %lt3A_571 : i1 to i32
          %cond3A_573 = arith.constant 0 : i32
          %cond3A_574 = arith.cmpi ne, %convert_element_type3A_572, %cond3A_573 : i32
          %cond3A_575 = scf.if %cond3A_574 -> (i32) {
            %mul3A_576 = arith.constant 16 : i32
            %mul3A_577 = arith.muli %while3A_568, %mul3A_576 : i32
            %add3A_578 = arith.constant 16 : i32
            %add3A_579 = arith.addi %add3A_578, %mul3A_577 : i32
            %get3A_580 = arith.index_cast %add3A_579 : i32 to index
            %get3A_581 = tpu.vector_load %arg8[%get3A_580] {strides = array<i32>} : memref<464xi32, #tpu.memory_space<vmem>>, vector<16xi32>,
            %ne3A_582 = arith.cmpi ne, %get3A_581, %broadcast_in_dim3A_530 : vector<16xi32>
            %add3A_583 = vector.broadcast %mul3A_577 : i32 to vector<16xi32>
            %add3A_584 = arith.addi %add3A_583, %iota3A : vector<16xi32>
            %ge3A = vector.broadcast %while3A_505 : i32 to vector<16xi32>
            %ge3A_585 = arith.cmpi sge, %add3A_584, %ge3A : vector<16xi32>
            %and3A_586 = arith.andi %ne3A_582, %ge3A_585 : vector<16xi1>
            %all_reduce_ffs3A = tpu.all_reduce %and3A_586 {dim = 0 : i64, kind = #tpu.reduction_kind<find_first_set>} : vector<16xi1> -> vector<16xi32>
            %slice3A_587 = vector.extract_strided_slice %all_reduce_ffs3A {offsets = [0], sizes = [1], strides = [1]} : vector<16xi32> to vector<1xi32>
            %squeeze3A_588 = vector.extract %slice3A_587[0] : i32 from vector<1xi32>
            %lt3A_589 = arith.constant 16 : i32
            %lt3A_590 = arith.cmpi slt, %squeeze3A_588, %lt3A_589 : i32
            %add3A_591 = arith.addi %mul3A_577, %squeeze3A_588 : i32
            %jit3A_592 = arith.constant -1 : i32
            %select_n3A_593 = arith.select %lt3A_590, %add3A_591, %jit3A_592 : i32
            scf.yield %select_n3A_593 : i32
          } else {
            scf.yield %while3A_569 : i32
          }
          scf.yield %cond3A_575 : i32
        }
        %while3A_544 = arith.subi %while3A_543, %while3A_505 : i32
        %while3A_545 = arith.addi %while3A_505, %while3A_544 : i32
        %while3A_546 = arith.constant 1 : i32
        %while3A_547 = arith.divsi %while3A_544, %while3A_546 : i32
        %while3A_548 = arith.muli %while3A_547, %while3A_546 : i32
        %while3A_549 = arith.addi %while3A_505, %while3A_548 : i32
        %while3A_550 = arith.constant 1 : i32
        %while3A_551:20 = scf.for %while3A_568 = %while3A_505 to %while3A_549 step %while3A_550 iter_args(%while3A_569 = %while3A_510, %while3A_570 = %while3A_511, %while3A_571 = %while3A_512, %while3A_572 = %while3A_513, %while3A_573 = %while3A_514, %while3A_574 = %while3A_515, %while3A_575 = %while3A_516, %while3A_576 = %while3A_517, %while3A_577 = %while3A_518, %while3A_578 = %while3A_519, %while3A_579 = %while3A_520, %while3A_580 = %while3A_521, %while3A_581 = %while3A_522, %while3A_582 = %while3A_523, %while3A_583 = %while3A_524, %while3A_584 = %while3A_525, %while3A_585 = %while3A_526, %while3A_586 = %while3A_527, %while3A_587 = %while3A_528, %while3A_588 = %while3A_529) -> (vector<16xf32>, vector<16xf32>, vector<16xf32>, vector<16xf32>, vector<16xf32>, vector<16xf32>, vector<16xf32>, vector<16xf32>, vector<16xf32>, vector<16xf32>, vector<16xf32>, vector<16xf32>, vector<16xf32>, vector<16xf32>, vector<16xf32>, vector<16xf32>, vector<16xf32>, vector<16xf32>, vector<16xf32>, vector<16xf32>)  : i32 {
          %get3A_589 = arith.constant 0 : i32
          %get3A_590 = arith.index_cast %get3A_589 : i32 to index
          %get3A_591 = arith.index_cast %while3A_568 : i32 to index
          %get3A_592 = arith.constant 0 : index
          %get3A_593 = tpu.vector_load %arg6[%get3A_590, %get3A_591, %get3A_592] {strides = array<i32>} : memref<2x200x64xf32, #tpu.memory_space<vmem>>, vector<16xf32>,
          %get3A_594 = arith.constant 0 : i32
          %get3A_595 = arith.index_cast %get3A_594 : i32 to index
          %get3A_596 = arith.index_cast %while3A_568 : i32 to index
          %get3A_597 = arith.constant 0 : index
          %get3A_598 = tpu.vector_load %arg7[%get3A_595, %get3A_596, %get3A_597] {strides = array<i32>} : memref<2x200x64xf32, #tpu.memory_space<vmem>>, vector<16xf32>,
          %add3A_599 = arith.addf %while3A_569, %get3A_593 : vector<16xf32>
          %add3A_600 = arith.addf %while3A_573, %get3A_598 : vector<16xf32>
          %mul3A_601 = arith.mulf %get3A_593, %get3A_593 : vector<16xf32>
          %add3A_602 = arith.addf %while3A_577, %mul3A_601 : vector<16xf32>
          %mul3A_603 = arith.mulf %get3A_598, %get3A_598 : vector<16xf32>
          %add3A_604 = arith.addf %while3A_581, %mul3A_603 : vector<16xf32>
          %mul3A_605 = arith.mulf %get3A_593, %get3A_598 : vector<16xf32>
          %add3A_606 = arith.addf %while3A_585, %mul3A_605 : vector<16xf32>
          %get3A_607 = arith.constant 0 : i32
          %get3A_608 = arith.index_cast %get3A_607 : i32 to index
          %get3A_609 = arith.index_cast %while3A_568 : i32 to index
          %get3A_610 = arith.constant 16 : index
          %get3A_611 = tpu.vector_load %arg6[%get3A_608, %get3A_609, %get3A_610] {strides = array<i32>} : memref<2x200x64xf32, #tpu.memory_space<vmem>>, vector<16xf32>,
          %get3A_612 = arith.constant 0 : i32
          %get3A_613 = arith.index_cast %get3A_612 : i32 to index
          %get3A_614 = arith.index_cast %while3A_568 : i32 to index
          %get3A_615 = arith.constant 16 : index
          %get3A_616 = tpu.vector_load %arg7[%get3A_613, %get3A_614, %get3A_615] {strides = array<i32>} : memref<2x200x64xf32, #tpu.memory_space<vmem>>, vector<16xf32>,
          %add3A_617 = arith.addf %while3A_570, %get3A_611 : vector<16xf32>
          %add3A_618 = arith.addf %while3A_574, %get3A_616 : vector<16xf32>
          %mul3A_619 = arith.mulf %get3A_611, %get3A_611 : vector<16xf32>
          %add3A_620 = arith.addf %while3A_578, %mul3A_619 : vector<16xf32>
          %mul3A_621 = arith.mulf %get3A_616, %get3A_616 : vector<16xf32>
          %add3A_622 = arith.addf %while3A_582, %mul3A_621 : vector<16xf32>
          %mul3A_623 = arith.mulf %get3A_611, %get3A_616 : vector<16xf32>
          %add3A_624 = arith.addf %while3A_586, %mul3A_623 : vector<16xf32>
          %get3A_625 = arith.constant 0 : i32
          %get3A_626 = arith.index_cast %get3A_625 : i32 to index
          %get3A_627 = arith.index_cast %while3A_568 : i32 to index
          %get3A_628 = arith.constant 32 : index
          %get3A_629 = tpu.vector_load %arg6[%get3A_626, %get3A_627, %get3A_628] {strides = array<i32>} : memref<2x200x64xf32, #tpu.memory_space<vmem>>, vector<16xf32>,
          %get3A_630 = arith.constant 0 : i32
          %get3A_631 = arith.index_cast %get3A_630 : i32 to index
          %get3A_632 = arith.index_cast %while3A_568 : i32 to index
          %get3A_633 = arith.constant 32 : index
          %get3A_634 = tpu.vector_load %arg7[%get3A_631, %get3A_632, %get3A_633] {strides = array<i32>} : memref<2x200x64xf32, #tpu.memory_space<vmem>>, vector<16xf32>,
          %add3A_635 = arith.addf %while3A_571, %get3A_629 : vector<16xf32>
          %add3A_636 = arith.addf %while3A_575, %get3A_634 : vector<16xf32>
          %mul3A_637 = arith.mulf %get3A_629, %get3A_629 : vector<16xf32>
          %add3A_638 = arith.addf %while3A_579, %mul3A_637 : vector<16xf32>
          %mul3A_639 = arith.mulf %get3A_634, %get3A_634 : vector<16xf32>
          %add3A_640 = arith.addf %while3A_583, %mul3A_639 : vector<16xf32>
          %mul3A_641 = arith.mulf %get3A_629, %get3A_634 : vector<16xf32>
          %add3A_642 = arith.addf %while3A_587, %mul3A_641 : vector<16xf32>
          %get3A_643 = arith.constant 0 : i32
          %get3A_644 = arith.index_cast %get3A_643 : i32 to index
          %get3A_645 = arith.index_cast %while3A_568 : i32 to index
          %get3A_646 = arith.constant 48 : index
          %get3A_647 = tpu.vector_load %arg6[%get3A_644, %get3A_645, %get3A_646] {strides = array<i32>} : memref<2x200x64xf32, #tpu.memory_space<vmem>>, vector<16xf32>,
          %get3A_648 = arith.constant 0 : i32
          %get3A_649 = arith.index_cast %get3A_648 : i32 to index
          %get3A_650 = arith.index_cast %while3A_568 : i32 to index
          %get3A_651 = arith.constant 48 : index
          %get3A_652 = tpu.vector_load %arg7[%get3A_649, %get3A_650, %get3A_651] {strides = array<i32>} : memref<2x200x64xf32, #tpu.memory_space<vmem>>, vector<16xf32>,
          %add3A_653 = arith.addf %while3A_572, %get3A_647 : vector<16xf32>
          %add3A_654 = arith.addf %while3A_576, %get3A_652 : vector<16xf32>
          %mul3A_655 = arith.mulf %get3A_647, %get3A_647 : vector<16xf32>
          %add3A_656 = arith.addf %while3A_580, %mul3A_655 : vector<16xf32>
          %mul3A_657 = arith.mulf %get3A_652, %get3A_652 : vector<16xf32>
          %add3A_658 = arith.addf %while3A_584, %mul3A_657 : vector<16xf32>
          %mul3A_659 = arith.mulf %get3A_647, %get3A_652 : vector<16xf32>
          %add3A_660 = arith.addf %while3A_588, %mul3A_659 : vector<16xf32>
          scf.yield %add3A_599, %add3A_617, %add3A_635, %add3A_653, %add3A_600, %add3A_618, %add3A_636, %add3A_654, %add3A_602, %add3A_620, %add3A_638, %add3A_656, %add3A_604, %add3A_622, %add3A_640, %add3A_658, %add3A_606, %add3A_624, %add3A_642, %add3A_660 : vector<16xf32>, vector<16xf32>, vector<16xf32>, vector<16xf32>, vector<16xf32>, vector<16xf32>, vector<16xf32>, vector<16xf32>, vector<16xf32>, vector<16xf32>, vector<16xf32>, vector<16xf32>, vector<16xf32>, vector<16xf32>, vector<16xf32>, vector<16xf32>, vector<16xf32>, vector<16xf32>, vector<16xf32>, vector<16xf32>
        }
        %while3A_552 = arith.constant 1 : i32
        %while3A_553:20 = scf.for %while3A_568 = %while3A_549 to %while3A_545 step %while3A_552 iter_args(%while3A_569 = %while3A_551#0, %while3A_570 = %while3A_551#1, %while3A_571 = %while3A_551#2, %while3A_572 = %while3A_551#3, %while3A_573 = %while3A_551#4, %while3A_574 = %while3A_551#5, %while3A_575 = %while3A_551#6, %while3A_576 = %while3A_551#7, %while3A_577 = %while3A_551#8, %while3A_578 = %while3A_551#9, %while3A_579 = %while3A_551#10, %while3A_580 = %while3A_551#11, %while3A_581 = %while3A_551#12, %while3A_582 = %while3A_551#13, %while3A_583 = %while3A_551#14, %while3A_584 = %while3A_551#15, %while3A_585 = %while3A_551#16, %while3A_586 = %while3A_551#17, %while3A_587 = %while3A_551#18, %while3A_588 = %while3A_551#19) -> (vector<16xf32>, vector<16xf32>, vector<16xf32>, vector<16xf32>, vector<16xf32>, vector<16xf32>, vector<16xf32>, vector<16xf32>, vector<16xf32>, vector<16xf32>, vector<16xf32>, vector<16xf32>, vector<16xf32>, vector<16xf32>, vector<16xf32>, vector<16xf32>, vector<16xf32>, vector<16xf32>, vector<16xf32>, vector<16xf32>)  : i32 {
          %get3A_589 = arith.constant 0 : i32
          %get3A_590 = arith.index_cast %get3A_589 : i32 to index
          %get3A_591 = arith.index_cast %while3A_568 : i32 to index
          %get3A_592 = arith.constant 0 : index
          %get3A_593 = tpu.vector_load %arg6[%get3A_590, %get3A_591, %get3A_592] {strides = array<i32>} : memref<2x200x64xf32, #tpu.memory_space<vmem>>, vector<16xf32>,
          %get3A_594 = arith.constant 0 : i32
          %get3A_595 = arith.index_cast %get3A_594 : i32 to index
          %get3A_596 = arith.index_cast %while3A_568 : i32 to index
          %get3A_597 = arith.constant 0 : index
          %get3A_598 = tpu.vector_load %arg7[%get3A_595, %get3A_596, %get3A_597] {strides = array<i32>} : memref<2x200x64xf32, #tpu.memory_space<vmem>>, vector<16xf32>,
          %add3A_599 = arith.addf %while3A_569, %get3A_593 : vector<16xf32>
          %add3A_600 = arith.addf %while3A_573, %get3A_598 : vector<16xf32>
          %mul3A_601 = arith.mulf %get3A_593, %get3A_593 : vector<16xf32>
          %add3A_602 = arith.addf %while3A_577, %mul3A_601 : vector<16xf32>
          %mul3A_603 = arith.mulf %get3A_598, %get3A_598 : vector<16xf32>
          %add3A_604 = arith.addf %while3A_581, %mul3A_603 : vector<16xf32>
          %mul3A_605 = arith.mulf %get3A_593, %get3A_598 : vector<16xf32>
          %add3A_606 = arith.addf %while3A_585, %mul3A_605 : vector<16xf32>
          %get3A_607 = arith.constant 0 : i32
          %get3A_608 = arith.index_cast %get3A_607 : i32 to index
          %get3A_609 = arith.index_cast %while3A_568 : i32 to index
          %get3A_610 = arith.constant 16 : index
          %get3A_611 = tpu.vector_load %arg6[%get3A_608, %get3A_609, %get3A_610] {strides = array<i32>} : memref<2x200x64xf32, #tpu.memory_space<vmem>>, vector<16xf32>,
          %get3A_612 = arith.constant 0 : i32
          %get3A_613 = arith.index_cast %get3A_612 : i32 to index
          %get3A_614 = arith.index_cast %while3A_568 : i32 to index
          %get3A_615 = arith.constant 16 : index
          %get3A_616 = tpu.vector_load %arg7[%get3A_613, %get3A_614, %get3A_615] {strides = array<i32>} : memref<2x200x64xf32, #tpu.memory_space<vmem>>, vector<16xf32>,
          %add3A_617 = arith.addf %while3A_570, %get3A_611 : vector<16xf32>
          %add3A_618 = arith.addf %while3A_574, %get3A_616 : vector<16xf32>
          %mul3A_619 = arith.mulf %get3A_611, %get3A_611 : vector<16xf32>
          %add3A_620 = arith.addf %while3A_578, %mul3A_619 : vector<16xf32>
          %mul3A_621 = arith.mulf %get3A_616, %get3A_616 : vector<16xf32>
          %add3A_622 = arith.addf %while3A_582, %mul3A_621 : vector<16xf32>
          %mul3A_623 = arith.mulf %get3A_611, %get3A_616 : vector<16xf32>
          %add3A_624 = arith.addf %while3A_586, %mul3A_623 : vector<16xf32>
          %get3A_625 = arith.constant 0 : i32
          %get3A_626 = arith.index_cast %get3A_625 : i32 to index
          %get3A_627 = arith.index_cast %while3A_568 : i32 to index
          %get3A_628 = arith.constant 32 : index
          %get3A_629 = tpu.vector_load %arg6[%get3A_626, %get3A_627, %get3A_628] {strides = array<i32>} : memref<2x200x64xf32, #tpu.memory_space<vmem>>, vector<16xf32>,
          %get3A_630 = arith.constant 0 : i32
          %get3A_631 = arith.index_cast %get3A_630 : i32 to index
          %get3A_632 = arith.index_cast %while3A_568 : i32 to index
          %get3A_633 = arith.constant 32 : index
          %get3A_634 = tpu.vector_load %arg7[%get3A_631, %get3A_632, %get3A_633] {strides = array<i32>} : memref<2x200x64xf32, #tpu.memory_space<vmem>>, vector<16xf32>,
          %add3A_635 = arith.addf %while3A_571, %get3A_629 : vector<16xf32>
          %add3A_636 = arith.addf %while3A_575, %get3A_634 : vector<16xf32>
          %mul3A_637 = arith.mulf %get3A_629, %get3A_629 : vector<16xf32>
          %add3A_638 = arith.addf %while3A_579, %mul3A_637 : vector<16xf32>
          %mul3A_639 = arith.mulf %get3A_634, %get3A_634 : vector<16xf32>
          %add3A_640 = arith.addf %while3A_583, %mul3A_639 : vector<16xf32>
          %mul3A_641 = arith.mulf %get3A_629, %get3A_634 : vector<16xf32>
          %add3A_642 = arith.addf %while3A_587, %mul3A_641 : vector<16xf32>
          %get3A_643 = arith.constant 0 : i32
          %get3A_644 = arith.index_cast %get3A_643 : i32 to index
          %get3A_645 = arith.index_cast %while3A_568 : i32 to index
          %get3A_646 = arith.constant 48 : index
          %get3A_647 = tpu.vector_load %arg6[%get3A_644, %get3A_645, %get3A_646] {strides = array<i32>} : memref<2x200x64xf32, #tpu.memory_space<vmem>>, vector<16xf32>,
          %get3A_648 = arith.constant 0 : i32
          %get3A_649 = arith.index_cast %get3A_648 : i32 to index
          %get3A_650 = arith.index_cast %while3A_568 : i32 to index
          %get3A_651 = arith.constant 48 : index
          %get3A_652 = tpu.vector_load %arg7[%get3A_649, %get3A_650, %get3A_651] {strides = array<i32>} : memref<2x200x64xf32, #tpu.memory_space<vmem>>, vector<16xf32>,
          %add3A_653 = arith.addf %while3A_572, %get3A_647 : vector<16xf32>
          %add3A_654 = arith.addf %while3A_576, %get3A_652 : vector<16xf32>
          %mul3A_655 = arith.mulf %get3A_647, %get3A_647 : vector<16xf32>
          %add3A_656 = arith.addf %while3A_580, %mul3A_655 : vector<16xf32>
          %mul3A_657 = arith.mulf %get3A_652, %get3A_652 : vector<16xf32>
          %add3A_658 = arith.addf %while3A_584, %mul3A_657 : vector<16xf32>
          %mul3A_659 = arith.mulf %get3A_647, %get3A_652 : vector<16xf32>
          %add3A_660 = arith.addf %while3A_588, %mul3A_659 : vector<16xf32>
          scf.yield %add3A_599, %add3A_617, %add3A_635, %add3A_653, %add3A_600, %add3A_618, %add3A_636, %add3A_654, %add3A_602, %add3A_620, %add3A_638, %add3A_656, %add3A_604, %add3A_622, %add3A_640, %add3A_658, %add3A_606, %add3A_624, %add3A_642, %add3A_660 : vector<16xf32>, vector<16xf32>, vector<16xf32>, vector<16xf32>, vector<16xf32>, vector<16xf32>, vector<16xf32>, vector<16xf32>, vector<16xf32>, vector<16xf32>, vector<16xf32>, vector<16xf32>, vector<16xf32>, vector<16xf32>, vector<16xf32>, vector<16xf32>, vector<16xf32>, vector<16xf32>, vector<16xf32>, vector<16xf32>
        }
        %sub3A_554 = arith.subi %while3A_543, %while3A_505 : i32
        %add3A_555 = arith.addi %while3A_507, %sub3A_554 : i32
        %eq3A_556 = arith.cmpi eq, %while3A_506, %squeeze3A : i32
        %convert_element_type3A_557 = arith.extui %eq3A_556 : i1 to i32
        %cond3A_558 = arith.constant 0 : i32
        %cond3A_559 = arith.cmpi ne, %convert_element_type3A_557, %cond3A_558 : i32
        %cond3A_560:2 = scf.if %cond3A_559 -> (i32, i32) {
          %swap3A_568 = arith.constant 0 : index
          %swap3A_569 = tpu.vector_load %arg10[%swap3A_568] {strides = array<i32>} : memref<384xf32, #tpu.memory_space<vmem>>, vector<16xf32>,
          tpu.vector_store %arg10[%swap3A_568], %while3A_553#0 {strides = array<i32>} : memref<384xf32, #tpu.memory_space<vmem>>, vector<16xf32>,
          %swap3A_570 = arith.constant 16 : index
          %swap3A_571 = tpu.vector_load %arg10[%swap3A_570] {strides = array<i32>} : memref<384xf32, #tpu.memory_space<vmem>>, vector<16xf32>,
          tpu.vector_store %arg10[%swap3A_570], %while3A_553#1 {strides = array<i32>} : memref<384xf32, #tpu.memory_space<vmem>>, vector<16xf32>,
          %swap3A_572 = arith.constant 32 : index
          %swap3A_573 = tpu.vector_load %arg10[%swap3A_572] {strides = array<i32>} : memref<384xf32, #tpu.memory_space<vmem>>, vector<16xf32>,
          tpu.vector_store %arg10[%swap3A_572], %while3A_553#2 {strides = array<i32>} : memref<384xf32, #tpu.memory_space<vmem>>, vector<16xf32>,
          %swap3A_574 = arith.constant 48 : index
          %swap3A_575 = tpu.vector_load %arg10[%swap3A_574] {strides = array<i32>} : memref<384xf32, #tpu.memory_space<vmem>>, vector<16xf32>,
          tpu.vector_store %arg10[%swap3A_574], %while3A_553#3 {strides = array<i32>} : memref<384xf32, #tpu.memory_space<vmem>>, vector<16xf32>,
          %swap3A_576 = arith.constant 64 : index
          %swap3A_577 = tpu.vector_load %arg10[%swap3A_576] {strides = array<i32>} : memref<384xf32, #tpu.memory_space<vmem>>, vector<16xf32>,
          tpu.vector_store %arg10[%swap3A_576], %while3A_553#4 {strides = array<i32>} : memref<384xf32, #tpu.memory_space<vmem>>, vector<16xf32>,
          %swap3A_578 = arith.constant 80 : index
          %swap3A_579 = tpu.vector_load %arg10[%swap3A_578] {strides = array<i32>} : memref<384xf32, #tpu.memory_space<vmem>>, vector<16xf32>,
          tpu.vector_store %arg10[%swap3A_578], %while3A_553#5 {strides = array<i32>} : memref<384xf32, #tpu.memory_space<vmem>>, vector<16xf32>,
          %swap3A_580 = arith.constant 96 : index
          %swap3A_581 = tpu.vector_load %arg10[%swap3A_580] {strides = array<i32>} : memref<384xf32, #tpu.memory_space<vmem>>, vector<16xf32>,
          tpu.vector_store %arg10[%swap3A_580], %while3A_553#6 {strides = array<i32>} : memref<384xf32, #tpu.memory_space<vmem>>, vector<16xf32>,
          %swap3A_582 = arith.constant 112 : index
          %swap3A_583 = tpu.vector_load %arg10[%swap3A_582] {strides = array<i32>} : memref<384xf32, #tpu.memory_space<vmem>>, vector<16xf32>,
          tpu.vector_store %arg10[%swap3A_582], %while3A_553#7 {strides = array<i32>} : memref<384xf32, #tpu.memory_space<vmem>>, vector<16xf32>,
          %swap3A_584 = arith.constant 128 : index
          %swap3A_585 = tpu.vector_load %arg10[%swap3A_584] {strides = array<i32>} : memref<384xf32, #tpu.memory_space<vmem>>, vector<16xf32>,
          tpu.vector_store %arg10[%swap3A_584], %while3A_553#8 {strides = array<i32>} : memref<384xf32, #tpu.memory_space<vmem>>, vector<16xf32>,
          %swap3A_586 = arith.constant 144 : index
          %swap3A_587 = tpu.vector_load %arg10[%swap3A_586] {strides = array<i32>} : memref<384xf32, #tpu.memory_space<vmem>>, vector<16xf32>,
          tpu.vector_store %arg10[%swap3A_586], %while3A_553#9 {strides = array<i32>} : memref<384xf32, #tpu.memory_space<vmem>>, vector<16xf32>,
          %swap3A_588 = arith.constant 160 : index
          %swap3A_589 = tpu.vector_load %arg10[%swap3A_588] {strides = array<i32>} : memref<384xf32, #tpu.memory_space<vmem>>, vector<16xf32>,
          tpu.vector_store %arg10[%swap3A_588], %while3A_553#10 {strides = array<i32>} : memref<384xf32, #tpu.memory_space<vmem>>, vector<16xf32>,
          %swap3A_590 = arith.constant 176 : index
          %swap3A_591 = tpu.vector_load %arg10[%swap3A_590] {strides = array<i32>} : memref<384xf32, #tpu.memory_space<vmem>>, vector<16xf32>,
          tpu.vector_store %arg10[%swap3A_590], %while3A_553#11 {strides = array<i32>} : memref<384xf32, #tpu.memory_space<vmem>>, vector<16xf32>,
          %swap3A_592 = arith.constant 192 : index
          %swap3A_593 = tpu.vector_load %arg10[%swap3A_592] {strides = array<i32>} : memref<384xf32, #tpu.memory_space<vmem>>, vector<16xf32>,
          tpu.vector_store %arg10[%swap3A_592], %while3A_553#12 {strides = array<i32>} : memref<384xf32, #tpu.memory_space<vmem>>, vector<16xf32>,
          %swap3A_594 = arith.constant 208 : index
          %swap3A_595 = tpu.vector_load %arg10[%swap3A_594] {strides = array<i32>} : memref<384xf32, #tpu.memory_space<vmem>>, vector<16xf32>,
          tpu.vector_store %arg10[%swap3A_594], %while3A_553#13 {strides = array<i32>} : memref<384xf32, #tpu.memory_space<vmem>>, vector<16xf32>,
          %swap3A_596 = arith.constant 224 : index
          %swap3A_597 = tpu.vector_load %arg10[%swap3A_596] {strides = array<i32>} : memref<384xf32, #tpu.memory_space<vmem>>, vector<16xf32>,
          tpu.vector_store %arg10[%swap3A_596], %while3A_553#14 {strides = array<i32>} : memref<384xf32, #tpu.memory_space<vmem>>, vector<16xf32>,
          %swap3A_598 = arith.constant 240 : index
          %swap3A_599 = tpu.vector_load %arg10[%swap3A_598] {strides = array<i32>} : memref<384xf32, #tpu.memory_space<vmem>>, vector<16xf32>,
          tpu.vector_store %arg10[%swap3A_598], %while3A_553#15 {strides = array<i32>} : memref<384xf32, #tpu.memory_space<vmem>>, vector<16xf32>,
          %swap3A_600 = arith.constant 256 : index
          %swap3A_601 = tpu.vector_load %arg10[%swap3A_600] {strides = array<i32>} : memref<384xf32, #tpu.memory_space<vmem>>, vector<16xf32>,
          tpu.vector_store %arg10[%swap3A_600], %while3A_553#16 {strides = array<i32>} : memref<384xf32, #tpu.memory_space<vmem>>, vector<16xf32>,
          %swap3A_602 = arith.constant 272 : index
          %swap3A_603 = tpu.vector_load %arg10[%swap3A_602] {strides = array<i32>} : memref<384xf32, #tpu.memory_space<vmem>>, vector<16xf32>,
          tpu.vector_store %arg10[%swap3A_602], %while3A_553#17 {strides = array<i32>} : memref<384xf32, #tpu.memory_space<vmem>>, vector<16xf32>,
          %swap3A_604 = arith.constant 288 : index
          %swap3A_605 = tpu.vector_load %arg10[%swap3A_604] {strides = array<i32>} : memref<384xf32, #tpu.memory_space<vmem>>, vector<16xf32>,
          tpu.vector_store %arg10[%swap3A_604], %while3A_553#18 {strides = array<i32>} : memref<384xf32, #tpu.memory_space<vmem>>, vector<16xf32>,
          %swap3A_606 = arith.constant 304 : index
          %swap3A_607 = tpu.vector_load %arg10[%swap3A_606] {strides = array<i32>} : memref<384xf32, #tpu.memory_space<vmem>>, vector<16xf32>,
          tpu.vector_store %arg10[%swap3A_606], %while3A_553#19 {strides = array<i32>} : memref<384xf32, #tpu.memory_space<vmem>>, vector<16xf32>,
          %convert_element_type3A_608 = arith.sitofp %add3A_555 : i32 to f32
          %broadcast_in_dim3A_609 = vector.broadcast %convert_element_type3A_608 : f32 to vector<16xf32>
          %swap3A_610 = arith.constant 320 : index
          %swap3A_611 = tpu.vector_load %arg10[%swap3A_610] {strides = array<i32>} : memref<384xf32, #tpu.memory_space<vmem>>, vector<16xf32>,
          tpu.vector_store %arg10[%swap3A_610], %broadcast_in_dim3A_609 {strides = array<i32>} : memref<384xf32, #tpu.memory_space<vmem>>, vector<16xf32>,
          %mul3A_612 = arith.constant 2 : i32
          %mul3A_613 = arith.muli %arg1, %mul3A_612 : i32
          %mul3A_614 = arith.constant 384 : i32
          %mul3A_615 = arith.muli %mul3A_613, %mul3A_614 : i32
          "tpu.region"() ({
            %run_scoped3A = tpu.sem_alloc : memref<!tpu.dma_semaphore, #tpu.memory_space<semaphore_mem>>
            %dma_start3A_616 = tpu.memref_slice %arg16[%mul3A_615] : memref<12288xf32, #tpu.memory_space<vmem_shared>> -> memref<384xf32, #tpu.memory_space<vmem_shared>>
            %dma_start3A_617 = tpu.memref_slice %arg16[%mul3A_615] : memref<12288xf32, #tpu.memory_space<vmem_shared>> -> memref<384xf32, #tpu.memory_space<vmem_shared>>
            tpu.enqueue_dma source(%arg10 : memref<384xf32, #tpu.memory_space<vmem>>) target(%dma_start3A_617 : memref<384xf32, #tpu.memory_space<vmem_shared>>) target_semaphore(%run_scoped3A : memref<!tpu.dma_semaphore, #tpu.memory_space<semaphore_mem>>)
            %dma_wait3A_618 = tpu.memref_slice %arg16[%mul3A_615] : memref<12288xf32, #tpu.memory_space<vmem_shared>> -> memref<384xf32, #tpu.memory_space<vmem_shared>>
            %dma_wait3A_619 = tpu.memref_slice %arg16[%mul3A_615] : memref<12288xf32, #tpu.memory_space<vmem_shared>> -> memref<384xf32, #tpu.memory_space<vmem_shared>>
            tpu.wait_dma2 semaphore(%run_scoped3A : memref<!tpu.dma_semaphore, #tpu.memory_space<semaphore_mem>>) src(%arg10 : memref<384xf32, #tpu.memory_space<vmem>>) dst(%dma_wait3A_619 : memref<384xf32, #tpu.memory_space<vmem_shared>>)
            tpu.yield
          }) : () -> ()
          scf.yield %while3A_508, %while3A_509 : i32, i32
        } else {
          %ge3A = arith.constant 4 : i32
          %ge3A_568 = arith.cmpi sge, %while3A_509, %ge3A : i32
          %convert_element_type3A_569 = arith.extui %ge3A_568 : i1 to i32
          %cond3A_570 = arith.constant 0 : i32
          %cond3A_571 = arith.cmpi ne, %convert_element_type3A_569, %cond3A_570 : i32
          scf.if %cond3A_571 {
            %dma_wait3A_784 = arith.constant 0 : i32
            %dma_wait3A_785 = tpu.memref_slice %arg9[%dma_wait3A_784] : memref<256xf32, #tpu.memory_space<vmem>> -> memref<64xf32, #tpu.memory_space<vmem>>
            %dma_wait3A_786 = arith.constant 0 : i32
            %dma_wait3A_787 = tpu.memref_slice %arg5[%dma_wait3A_786] : memref<1280000xf32, #tpu.memory_space<hbm>> -> memref<64xf32, #tpu.memory_space<hbm>>
            %dma_wait3A_788 = arith.constant 0 : i32
            %dma_wait3A_789 = tpu.memref_slice %arg5[%dma_wait3A_788] : memref<1280000xf32, #tpu.memory_space<hbm>> -> memref<64xf32, #tpu.memory_space<hbm>>
            %dma_wait3A_790 = arith.constant 0 : i32
            %dma_wait3A_791 = tpu.memref_slice %arg9[%dma_wait3A_790] : memref<256xf32, #tpu.memory_space<vmem>> -> memref<64xf32, #tpu.memory_space<vmem>>
            tpu.wait_dma2 semaphore(%arg19 : memref<!tpu.dma_semaphore, #tpu.memory_space<semaphore_mem>>) src(%dma_wait3A_791 : memref<64xf32, #tpu.memory_space<vmem>>) dst(%dma_wait3A_789 : memref<64xf32, #tpu.memory_space<hbm>>)
          } else {
          }
          %convert_element_type3A_572 = arith.sitofp %add3A_555 : i32 to f32
          %broadcast_in_dim3A_573 = vector.broadcast %convert_element_type3A_572 : f32 to vector<16xf32>
          %div3A = arith.constant 1.000000e+00 : f32
          %div3A_574 = vector.broadcast %div3A : f32 to vector<16xf32>
          %div3A_575 = arith.divf %div3A_574, %broadcast_in_dim3A_573 : vector<16xf32>
          %mul3A_576 = arith.mulf %while3A_553#0, %div3A_575 : vector<16xf32>
          %mul3A_577 = arith.mulf %while3A_553#4, %div3A_575 : vector<16xf32>
          %mul3A_578 = arith.mulf %while3A_553#16, %div3A_575 : vector<16xf32>
          %mul3A_579 = arith.mulf %mul3A_576, %mul3A_577 : vector<16xf32>
          %sub3A_580 = arith.subf %mul3A_578, %mul3A_579 : vector<16xf32>
          %mul3A_581 = arith.mulf %while3A_553#8, %div3A_575 : vector<16xf32>
          %mul3A_582 = arith.mulf %mul3A_576, %mul3A_576 : vector<16xf32>
          %sub3A_583 = arith.subf %mul3A_581, %mul3A_582 : vector<16xf32>
          %mul3A_584 = arith.mulf %while3A_553#12, %div3A_575 : vector<16xf32>
          %mul3A_585 = arith.mulf %mul3A_577, %mul3A_577 : vector<16xf32>
          %sub3A_586 = arith.subf %mul3A_584, %mul3A_585 : vector<16xf32>
          %mul3A_587 = arith.mulf %sub3A_583, %sub3A_586 : vector<16xf32>
          %bitcast3A = vector.bitcast %mul3A_587 : vector<16xf32> to vector<16xi32>
          %shift_right_arithmetic3A_588 = arith.constant 1 : i32
          %shift_right_arithmetic3A_589 = vector.broadcast %shift_right_arithmetic3A_588 : i32 to vector<16xi32>
          %shift_right_arithmetic3A_590 = arith.shrsi %bitcast3A, %shift_right_arithmetic3A_589 : vector<16xi32>
          %sub3A_591 = arith.constant 1597463007 : i32
          %sub3A_592 = vector.broadcast %sub3A_591 : i32 to vector<16xi32>
          %sub3A_593 = arith.subi %sub3A_592, %shift_right_arithmetic3A_590 : vector<16xi32>
          %bitcast3A_594 = vector.bitcast %sub3A_593 : vector<16xi32> to vector<16xf32>
          %mul3A_595 = arith.constant -5.000000e-01 : f32
          %mul3A_596 = vector.broadcast %mul3A_595 : f32 to vector<16xf32>
          %mul3A_597 = arith.mulf %mul3A_596, %mul3A_587 : vector<16xf32>
          %mul3A_598 = arith.mulf %mul3A_597, %bitcast3A_594 : vector<16xf32>
          %mul3A_599 = arith.mulf %mul3A_598, %bitcast3A_594 : vector<16xf32>
          %add3A_600 = arith.constant 1.500000e+00 : f32
          %add3A_601 = vector.broadcast %add3A_600 : f32 to vector<16xf32>
          %add3A_602 = arith.addf %add3A_601, %mul3A_599 : vector<16xf32>
          %mul3A_603 = arith.mulf %bitcast3A_594, %add3A_602 : vector<16xf32>
          %mul3A_604 = arith.mulf %mul3A_597, %mul3A_603 : vector<16xf32>
          %mul3A_605 = arith.mulf %mul3A_604, %mul3A_603 : vector<16xf32>
          %add3A_606 = arith.constant 1.500000e+00 : f32
          %add3A_607 = vector.broadcast %add3A_606 : f32 to vector<16xf32>
          %add3A_608 = arith.addf %add3A_607, %mul3A_605 : vector<16xf32>
          %mul3A_609 = arith.mulf %mul3A_603, %add3A_608 : vector<16xf32>
          %mul3A_610 = arith.mulf %mul3A_597, %mul3A_609 : vector<16xf32>
          %mul3A_611 = arith.mulf %mul3A_610, %mul3A_609 : vector<16xf32>
          %add3A_612 = arith.constant 1.500000e+00 : f32
          %add3A_613 = vector.broadcast %add3A_612 : f32 to vector<16xf32>
          %add3A_614 = arith.addf %add3A_613, %mul3A_611 : vector<16xf32>
          %mul3A_615 = arith.mulf %mul3A_609, %add3A_614 : vector<16xf32>
          %mul3A_616 = arith.mulf %sub3A_580, %mul3A_615 : vector<16xf32>
          %mul3A_617 = arith.mulf %while3A_553#1, %div3A_575 : vector<16xf32>
          %mul3A_618 = arith.mulf %while3A_553#5, %div3A_575 : vector<16xf32>
          %mul3A_619 = arith.mulf %while3A_553#17, %div3A_575 : vector<16xf32>
          %mul3A_620 = arith.mulf %mul3A_617, %mul3A_618 : vector<16xf32>
          %sub3A_621 = arith.subf %mul3A_619, %mul3A_620 : vector<16xf32>
          %mul3A_622 = arith.mulf %while3A_553#9, %div3A_575 : vector<16xf32>
          %mul3A_623 = arith.mulf %mul3A_617, %mul3A_617 : vector<16xf32>
          %sub3A_624 = arith.subf %mul3A_622, %mul3A_623 : vector<16xf32>
          %mul3A_625 = arith.mulf %while3A_553#13, %div3A_575 : vector<16xf32>
          %mul3A_626 = arith.mulf %mul3A_618, %mul3A_618 : vector<16xf32>
          %sub3A_627 = arith.subf %mul3A_625, %mul3A_626 : vector<16xf32>
          %mul3A_628 = arith.mulf %sub3A_624, %sub3A_627 : vector<16xf32>
          %bitcast3A_629 = vector.bitcast %mul3A_628 : vector<16xf32> to vector<16xi32>
          %shift_right_arithmetic3A_630 = arith.constant 1 : i32
          %shift_right_arithmetic3A_631 = vector.broadcast %shift_right_arithmetic3A_630 : i32 to vector<16xi32>
          %shift_right_arithmetic3A_632 = arith.shrsi %bitcast3A_629, %shift_right_arithmetic3A_631 : vector<16xi32>
          %sub3A_633 = arith.constant 1597463007 : i32
          %sub3A_634 = vector.broadcast %sub3A_633 : i32 to vector<16xi32>
          %sub3A_635 = arith.subi %sub3A_634, %shift_right_arithmetic3A_632 : vector<16xi32>
          %bitcast3A_636 = vector.bitcast %sub3A_635 : vector<16xi32> to vector<16xf32>
          %mul3A_637 = arith.constant -5.000000e-01 : f32
          %mul3A_638 = vector.broadcast %mul3A_637 : f32 to vector<16xf32>
          %mul3A_639 = arith.mulf %mul3A_638, %mul3A_628 : vector<16xf32>
          %mul3A_640 = arith.mulf %mul3A_639, %bitcast3A_636 : vector<16xf32>
          %mul3A_641 = arith.mulf %mul3A_640, %bitcast3A_636 : vector<16xf32>
          %add3A_642 = arith.constant 1.500000e+00 : f32
          %add3A_643 = vector.broadcast %add3A_642 : f32 to vector<16xf32>
          %add3A_644 = arith.addf %add3A_643, %mul3A_641 : vector<16xf32>
          %mul3A_645 = arith.mulf %bitcast3A_636, %add3A_644 : vector<16xf32>
          %mul3A_646 = arith.mulf %mul3A_639, %mul3A_645 : vector<16xf32>
          %mul3A_647 = arith.mulf %mul3A_646, %mul3A_645 : vector<16xf32>
          %add3A_648 = arith.constant 1.500000e+00 : f32
          %add3A_649 = vector.broadcast %add3A_648 : f32 to vector<16xf32>
          %add3A_650 = arith.addf %add3A_649, %mul3A_647 : vector<16xf32>
          %mul3A_651 = arith.mulf %mul3A_645, %add3A_650 : vector<16xf32>
          %mul3A_652 = arith.mulf %mul3A_639, %mul3A_651 : vector<16xf32>
          %mul3A_653 = arith.mulf %mul3A_652, %mul3A_651 : vector<16xf32>
          %add3A_654 = arith.constant 1.500000e+00 : f32
          %add3A_655 = vector.broadcast %add3A_654 : f32 to vector<16xf32>
          %add3A_656 = arith.addf %add3A_655, %mul3A_653 : vector<16xf32>
          %mul3A_657 = arith.mulf %mul3A_651, %add3A_656 : vector<16xf32>
          %mul3A_658 = arith.mulf %sub3A_621, %mul3A_657 : vector<16xf32>
          %mul3A_659 = arith.mulf %while3A_553#2, %div3A_575 : vector<16xf32>
          %mul3A_660 = arith.mulf %while3A_553#6, %div3A_575 : vector<16xf32>
          %mul3A_661 = arith.mulf %while3A_553#18, %div3A_575 : vector<16xf32>
          %mul3A_662 = arith.mulf %mul3A_659, %mul3A_660 : vector<16xf32>
          %sub3A_663 = arith.subf %mul3A_661, %mul3A_662 : vector<16xf32>
          %mul3A_664 = arith.mulf %while3A_553#10, %div3A_575 : vector<16xf32>
          %mul3A_665 = arith.mulf %mul3A_659, %mul3A_659 : vector<16xf32>
          %sub3A_666 = arith.subf %mul3A_664, %mul3A_665 : vector<16xf32>
          %mul3A_667 = arith.mulf %while3A_553#14, %div3A_575 : vector<16xf32>
          %mul3A_668 = arith.mulf %mul3A_660, %mul3A_660 : vector<16xf32>
          %sub3A_669 = arith.subf %mul3A_667, %mul3A_668 : vector<16xf32>
          %mul3A_670 = arith.mulf %sub3A_666, %sub3A_669 : vector<16xf32>
          %bitcast3A_671 = vector.bitcast %mul3A_670 : vector<16xf32> to vector<16xi32>
          %shift_right_arithmetic3A_672 = arith.constant 1 : i32
          %shift_right_arithmetic3A_673 = vector.broadcast %shift_right_arithmetic3A_672 : i32 to vector<16xi32>
          %shift_right_arithmetic3A_674 = arith.shrsi %bitcast3A_671, %shift_right_arithmetic3A_673 : vector<16xi32>
          %sub3A_675 = arith.constant 1597463007 : i32
          %sub3A_676 = vector.broadcast %sub3A_675 : i32 to vector<16xi32>
          %sub3A_677 = arith.subi %sub3A_676, %shift_right_arithmetic3A_674 : vector<16xi32>
          %bitcast3A_678 = vector.bitcast %sub3A_677 : vector<16xi32> to vector<16xf32>
          %mul3A_679 = arith.constant -5.000000e-01 : f32
          %mul3A_680 = vector.broadcast %mul3A_679 : f32 to vector<16xf32>
          %mul3A_681 = arith.mulf %mul3A_680, %mul3A_670 : vector<16xf32>
          %mul3A_682 = arith.mulf %mul3A_681, %bitcast3A_678 : vector<16xf32>
          %mul3A_683 = arith.mulf %mul3A_682, %bitcast3A_678 : vector<16xf32>
          %add3A_684 = arith.constant 1.500000e+00 : f32
          %add3A_685 = vector.broadcast %add3A_684 : f32 to vector<16xf32>
          %add3A_686 = arith.addf %add3A_685, %mul3A_683 : vector<16xf32>
          %mul3A_687 = arith.mulf %bitcast3A_678, %add3A_686 : vector<16xf32>
          %mul3A_688 = arith.mulf %mul3A_681, %mul3A_687 : vector<16xf32>
          %mul3A_689 = arith.mulf %mul3A_688, %mul3A_687 : vector<16xf32>
          %add3A_690 = arith.constant 1.500000e+00 : f32
          %add3A_691 = vector.broadcast %add3A_690 : f32 to vector<16xf32>
          %add3A_692 = arith.addf %add3A_691, %mul3A_689 : vector<16xf32>
          %mul3A_693 = arith.mulf %mul3A_687, %add3A_692 : vector<16xf32>
          %mul3A_694 = arith.mulf %mul3A_681, %mul3A_693 : vector<16xf32>
          %mul3A_695 = arith.mulf %mul3A_694, %mul3A_693 : vector<16xf32>
          %add3A_696 = arith.constant 1.500000e+00 : f32
          %add3A_697 = vector.broadcast %add3A_696 : f32 to vector<16xf32>
          %add3A_698 = arith.addf %add3A_697, %mul3A_695 : vector<16xf32>
          %mul3A_699 = arith.mulf %mul3A_693, %add3A_698 : vector<16xf32>
          %mul3A_700 = arith.mulf %sub3A_663, %mul3A_699 : vector<16xf32>
          %mul3A_701 = arith.mulf %while3A_553#3, %div3A_575 : vector<16xf32>
          %mul3A_702 = arith.mulf %while3A_553#7, %div3A_575 : vector<16xf32>
          %mul3A_703 = arith.mulf %while3A_553#19, %div3A_575 : vector<16xf32>
          %mul3A_704 = arith.mulf %mul3A_701, %mul3A_702 : vector<16xf32>
          %sub3A_705 = arith.subf %mul3A_703, %mul3A_704 : vector<16xf32>
          %mul3A_706 = arith.mulf %while3A_553#11, %div3A_575 : vector<16xf32>
          %mul3A_707 = arith.mulf %mul3A_701, %mul3A_701 : vector<16xf32>
          %sub3A_708 = arith.subf %mul3A_706, %mul3A_707 : vector<16xf32>
          %mul3A_709 = arith.mulf %while3A_553#15, %div3A_575 : vector<16xf32>
          %mul3A_710 = arith.mulf %mul3A_702, %mul3A_702 : vector<16xf32>
          %sub3A_711 = arith.subf %mul3A_709, %mul3A_710 : vector<16xf32>
          %mul3A_712 = arith.mulf %sub3A_708, %sub3A_711 : vector<16xf32>
          %bitcast3A_713 = vector.bitcast %mul3A_712 : vector<16xf32> to vector<16xi32>
          %shift_right_arithmetic3A_714 = arith.constant 1 : i32
          %shift_right_arithmetic3A_715 = vector.broadcast %shift_right_arithmetic3A_714 : i32 to vector<16xi32>
          %shift_right_arithmetic3A_716 = arith.shrsi %bitcast3A_713, %shift_right_arithmetic3A_715 : vector<16xi32>
          %sub3A_717 = arith.constant 1597463007 : i32
          %sub3A_718 = vector.broadcast %sub3A_717 : i32 to vector<16xi32>
          %sub3A_719 = arith.subi %sub3A_718, %shift_right_arithmetic3A_716 : vector<16xi32>
          %bitcast3A_720 = vector.bitcast %sub3A_719 : vector<16xi32> to vector<16xf32>
          %mul3A_721 = arith.constant -5.000000e-01 : f32
          %mul3A_722 = vector.broadcast %mul3A_721 : f32 to vector<16xf32>
          %mul3A_723 = arith.mulf %mul3A_722, %mul3A_712 : vector<16xf32>
          %mul3A_724 = arith.mulf %mul3A_723, %bitcast3A_720 : vector<16xf32>
          %mul3A_725 = arith.mulf %mul3A_724, %bitcast3A_720 : vector<16xf32>
          %add3A_726 = arith.constant 1.500000e+00 : f32
          %add3A_727 = vector.broadcast %add3A_726 : f32 to vector<16xf32>
          %add3A_728 = arith.addf %add3A_727, %mul3A_725 : vector<16xf32>
          %mul3A_729 = arith.mulf %bitcast3A_720, %add3A_728 : vector<16xf32>
          %mul3A_730 = arith.mulf %mul3A_723, %mul3A_729 : vector<16xf32>
          %mul3A_731 = arith.mulf %mul3A_730, %mul3A_729 : vector<16xf32>
          %add3A_732 = arith.constant 1.500000e+00 : f32
          %add3A_733 = vector.broadcast %add3A_732 : f32 to vector<16xf32>
          %add3A_734 = arith.addf %add3A_733, %mul3A_731 : vector<16xf32>
          %mul3A_735 = arith.mulf %mul3A_729, %add3A_734 : vector<16xf32>
          %mul3A_736 = arith.mulf %mul3A_723, %mul3A_735 : vector<16xf32>
          %mul3A_737 = arith.mulf %mul3A_736, %mul3A_735 : vector<16xf32>
          %add3A_738 = arith.constant 1.500000e+00 : f32
          %add3A_739 = vector.broadcast %add3A_738 : f32 to vector<16xf32>
          %add3A_740 = arith.addf %add3A_739, %mul3A_737 : vector<16xf32>
          %mul3A_741 = arith.mulf %mul3A_735, %add3A_740 : vector<16xf32>
          %mul3A_742 = arith.mulf %sub3A_705, %mul3A_741 : vector<16xf32>
          %mul3A_743 = arith.constant 64 : i32
          %mul3A_744 = arith.muli %while3A_508, %mul3A_743 : i32
          %add3A_745 = arith.constant 0 : i32
          %add3A_746 = arith.addi %mul3A_744, %add3A_745 : i32
          %swap3A_747 = arith.index_cast %add3A_746 : i32 to index
          %swap3A_748 = tpu.vector_load %arg9[%swap3A_747] {strides = array<i32>} : memref<256xf32, #tpu.memory_space<vmem>>, vector<16xf32>,
          tpu.vector_store %arg9[%swap3A_747], %mul3A_616 {strides = array<i32>} : memref<256xf32, #tpu.memory_space<vmem>>, vector<16xf32>,
          %mul3A_749 = arith.constant 64 : i32
          %mul3A_750 = arith.muli %while3A_508, %mul3A_749 : i32
          %add3A_751 = arith.constant 16 : i32
          %add3A_752 = arith.addi %mul3A_750, %add3A_751 : i32
          %swap3A_753 = arith.index_cast %add3A_752 : i32 to index
          %swap3A_754 = tpu.vector_load %arg9[%swap3A_753] {strides = array<i32>} : memref<256xf32, #tpu.memory_space<vmem>>, vector<16xf32>,
          tpu.vector_store %arg9[%swap3A_753], %mul3A_658 {strides = array<i32>} : memref<256xf32, #tpu.memory_space<vmem>>, vector<16xf32>,
          %mul3A_755 = arith.constant 64 : i32
          %mul3A_756 = arith.muli %while3A_508, %mul3A_755 : i32
          %add3A_757 = arith.constant 32 : i32
          %add3A_758 = arith.addi %mul3A_756, %add3A_757 : i32
          %swap3A_759 = arith.index_cast %add3A_758 : i32 to index
          %swap3A_760 = tpu.vector_load %arg9[%swap3A_759] {strides = array<i32>} : memref<256xf32, #tpu.memory_space<vmem>>, vector<16xf32>,
          tpu.vector_store %arg9[%swap3A_759], %mul3A_700 {strides = array<i32>} : memref<256xf32, #tpu.memory_space<vmem>>, vector<16xf32>,
          %mul3A_761 = arith.constant 64 : i32
          %mul3A_762 = arith.muli %while3A_508, %mul3A_761 : i32
          %add3A_763 = arith.constant 48 : i32
          %add3A_764 = arith.addi %mul3A_762, %add3A_763 : i32
          %swap3A_765 = arith.index_cast %add3A_764 : i32 to index
          %swap3A_766 = tpu.vector_load %arg9[%swap3A_765] {strides = array<i32>} : memref<256xf32, #tpu.memory_space<vmem>>, vector<16xf32>,
          tpu.vector_store %arg9[%swap3A_765], %mul3A_742 {strides = array<i32>} : memref<256xf32, #tpu.memory_space<vmem>>, vector<16xf32>,
          %mul3A_767 = arith.constant 64 : i32
          %mul3A_768 = arith.muli %while3A_508, %mul3A_767 : i32
          %mul3A_769 = arith.constant 128 : i32
          %mul3A_770 = arith.muli %while3A_506, %mul3A_769 : i32
          %add3A_771 = arith.addi %mul3A_770, %mul3A_0 : i32
          %dma_start3A_772 = tpu.memref_slice %arg9[%mul3A_768] : memref<256xf32, #tpu.memory_space<vmem>> -> memref<64xf32, #tpu.memory_space<vmem>>
          %dma_start3A_773 = tpu.memref_slice %arg5[%add3A_771] : memref<1280000xf32, #tpu.memory_space<hbm>> -> memref<64xf32, #tpu.memory_space<hbm>>
          %dma_start3A_774 = tpu.memref_slice %arg5[%add3A_771] : memref<1280000xf32, #tpu.memory_space<hbm>> -> memref<64xf32, #tpu.memory_space<hbm>>
          %dma_start3A_775 = tpu.memref_slice %arg9[%mul3A_768] : memref<256xf32, #tpu.memory_space<vmem>> -> memref<64xf32, #tpu.memory_space<vmem>>
          tpu.enqueue_dma source(%dma_start3A_775 : memref<64xf32, #tpu.memory_space<vmem>>) target(%dma_start3A_774 : memref<64xf32, #tpu.memory_space<hbm>>) target_semaphore(%arg19 : memref<!tpu.dma_semaphore, #tpu.memory_space<semaphore_mem>>)
          %add3A_776 = arith.constant 1 : i32
          %add3A_777 = arith.addi %while3A_508, %add3A_776 : i32
          %and3A_778 = arith.constant 3 : i32
          %and3A_779 = arith.andi %add3A_777, %and3A_778 : i32
          %add3A_780 = arith.constant 1 : i32
          %add3A_781 = arith.addi %while3A_509, %add3A_780 : i32
          %convert_element_type3A_782 = arith.extui %ge3A_568 : i1 to i32
          %sub3A_783 = arith.subi %add3A_781, %convert_element_type3A_782 : i32
          scf.yield %and3A_779, %sub3A_783 : i32, i32
        }
        %add3A_561 = arith.constant 16 : i32
        %add3A_562 = arith.addi %add3A_561, %while3A_543 : i32
        %get3A_563 = arith.index_cast %add3A_562 : i32 to index
        %get3A_564 = tpu.vector_load %arg8[%get3A_563] {strides = array<i32>} : memref<464xi32, #tpu.memory_space<vmem>>, vector<16xi32>,
        %slice3A_565 = vector.extract_strided_slice %get3A_564 {offsets = [0], sizes = [1], strides = [1]} : vector<16xi32> to vector<1xi32>
        %squeeze3A_566 = vector.extract %slice3A_565[0] : i32 from vector<1xi32>
        %while3A_567 = arith.constant 0 : i32
        scf.yield %while3A_543, %squeeze3A_566, %while3A_567, %cond3A_560#0, %cond3A_560#1, %broadcast_in_dim3A_61, %broadcast_in_dim3A_61, %broadcast_in_dim3A_61, %broadcast_in_dim3A_61, %broadcast_in_dim3A_61, %broadcast_in_dim3A_61, %broadcast_in_dim3A_61, %broadcast_in_dim3A_61, %broadcast_in_dim3A_61, %broadcast_in_dim3A_61, %broadcast_in_dim3A_61, %broadcast_in_dim3A_61, %broadcast_in_dim3A_61, %broadcast_in_dim3A_61, %broadcast_in_dim3A_61, %broadcast_in_dim3A_61, %broadcast_in_dim3A_61, %broadcast_in_dim3A_61, %broadcast_in_dim3A_61, %broadcast_in_dim3A_61 : i32, i32, i32, i32, i32, vector<16xf32>, vector<16xf32>, vector<16xf32>, vector<16xf32>, vector<16xf32>, vector<16xf32>, vector<16xf32>, vector<16xf32>, vector<16xf32>, vector<16xf32>, vector<16xf32>, vector<16xf32>, vector<16xf32>, vector<16xf32>, vector<16xf32>, vector<16xf32>, vector<16xf32>, vector<16xf32>, vector<16xf32>, vector<16xf32>
      }
      %while3A_324 = arith.constant 200 : i32
      %while3A_325 = arith.subi %while3A_324, %while3A_323#0 : i32
      %while3A_326 = arith.addi %while3A_323#0, %while3A_325 : i32
      %while3A_327 = arith.constant 1 : i32
      %while3A_328 = arith.divsi %while3A_325, %while3A_327 : i32
      %while3A_329 = arith.muli %while3A_328, %while3A_327 : i32
      %while3A_330 = arith.addi %while3A_323#0, %while3A_329 : i32
      %while3A_331 = arith.constant 1 : i32
      %while3A_332:20 = scf.for %while3A_504 = %while3A_323#0 to %while3A_330 step %while3A_331 iter_args(%while3A_505 = %while3A_323#5, %while3A_506 = %while3A_323#6, %while3A_507 = %while3A_323#7, %while3A_508 = %while3A_323#8, %while3A_509 = %while3A_323#9, %while3A_510 = %while3A_323#10, %while3A_511 = %while3A_323#11, %while3A_512 = %while3A_323#12, %while3A_513 = %while3A_323#13, %while3A_514 = %while3A_323#14, %while3A_515 = %while3A_323#15, %while3A_516 = %while3A_323#16, %while3A_517 = %while3A_323#17, %while3A_518 = %while3A_323#18, %while3A_519 = %while3A_323#19, %while3A_520 = %while3A_323#20, %while3A_521 = %while3A_323#21, %while3A_522 = %while3A_323#22, %while3A_523 = %while3A_323#23, %while3A_524 = %while3A_323#24) -> (vector<16xf32>, vector<16xf32>, vector<16xf32>, vector<16xf32>, vector<16xf32>, vector<16xf32>, vector<16xf32>, vector<16xf32>, vector<16xf32>, vector<16xf32>, vector<16xf32>, vector<16xf32>, vector<16xf32>, vector<16xf32>, vector<16xf32>, vector<16xf32>, vector<16xf32>, vector<16xf32>, vector<16xf32>, vector<16xf32>)  : i32 {
        %get3A_525 = arith.constant 0 : i32
        %get3A_526 = arith.index_cast %get3A_525 : i32 to index
        %get3A_527 = arith.index_cast %while3A_504 : i32 to index
        %get3A_528 = arith.constant 0 : index
        %get3A_529 = tpu.vector_load %arg6[%get3A_526, %get3A_527, %get3A_528] {strides = array<i32>} : memref<2x200x64xf32, #tpu.memory_space<vmem>>, vector<16xf32>,
        %get3A_530 = arith.constant 0 : i32
        %get3A_531 = arith.index_cast %get3A_530 : i32 to index
        %get3A_532 = arith.index_cast %while3A_504 : i32 to index
        %get3A_533 = arith.constant 0 : index
        %get3A_534 = tpu.vector_load %arg7[%get3A_531, %get3A_532, %get3A_533] {strides = array<i32>} : memref<2x200x64xf32, #tpu.memory_space<vmem>>, vector<16xf32>,
        %add3A_535 = arith.addf %while3A_505, %get3A_529 : vector<16xf32>
        %add3A_536 = arith.addf %while3A_509, %get3A_534 : vector<16xf32>
        %mul3A_537 = arith.mulf %get3A_529, %get3A_529 : vector<16xf32>
        %add3A_538 = arith.addf %while3A_513, %mul3A_537 : vector<16xf32>
        %mul3A_539 = arith.mulf %get3A_534, %get3A_534 : vector<16xf32>
        %add3A_540 = arith.addf %while3A_517, %mul3A_539 : vector<16xf32>
        %mul3A_541 = arith.mulf %get3A_529, %get3A_534 : vector<16xf32>
        %add3A_542 = arith.addf %while3A_521, %mul3A_541 : vector<16xf32>
        %get3A_543 = arith.constant 0 : i32
        %get3A_544 = arith.index_cast %get3A_543 : i32 to index
        %get3A_545 = arith.index_cast %while3A_504 : i32 to index
        %get3A_546 = arith.constant 16 : index
        %get3A_547 = tpu.vector_load %arg6[%get3A_544, %get3A_545, %get3A_546] {strides = array<i32>} : memref<2x200x64xf32, #tpu.memory_space<vmem>>, vector<16xf32>,
        %get3A_548 = arith.constant 0 : i32
        %get3A_549 = arith.index_cast %get3A_548 : i32 to index
        %get3A_550 = arith.index_cast %while3A_504 : i32 to index
        %get3A_551 = arith.constant 16 : index
        %get3A_552 = tpu.vector_load %arg7[%get3A_549, %get3A_550, %get3A_551] {strides = array<i32>} : memref<2x200x64xf32, #tpu.memory_space<vmem>>, vector<16xf32>,
        %add3A_553 = arith.addf %while3A_506, %get3A_547 : vector<16xf32>
        %add3A_554 = arith.addf %while3A_510, %get3A_552 : vector<16xf32>
        %mul3A_555 = arith.mulf %get3A_547, %get3A_547 : vector<16xf32>
        %add3A_556 = arith.addf %while3A_514, %mul3A_555 : vector<16xf32>
        %mul3A_557 = arith.mulf %get3A_552, %get3A_552 : vector<16xf32>
        %add3A_558 = arith.addf %while3A_518, %mul3A_557 : vector<16xf32>
        %mul3A_559 = arith.mulf %get3A_547, %get3A_552 : vector<16xf32>
        %add3A_560 = arith.addf %while3A_522, %mul3A_559 : vector<16xf32>
        %get3A_561 = arith.constant 0 : i32
        %get3A_562 = arith.index_cast %get3A_561 : i32 to index
        %get3A_563 = arith.index_cast %while3A_504 : i32 to index
        %get3A_564 = arith.constant 32 : index
        %get3A_565 = tpu.vector_load %arg6[%get3A_562, %get3A_563, %get3A_564] {strides = array<i32>} : memref<2x200x64xf32, #tpu.memory_space<vmem>>, vector<16xf32>,
        %get3A_566 = arith.constant 0 : i32
        %get3A_567 = arith.index_cast %get3A_566 : i32 to index
        %get3A_568 = arith.index_cast %while3A_504 : i32 to index
        %get3A_569 = arith.constant 32 : index
        %get3A_570 = tpu.vector_load %arg7[%get3A_567, %get3A_568, %get3A_569] {strides = array<i32>} : memref<2x200x64xf32, #tpu.memory_space<vmem>>, vector<16xf32>,
        %add3A_571 = arith.addf %while3A_507, %get3A_565 : vector<16xf32>
        %add3A_572 = arith.addf %while3A_511, %get3A_570 : vector<16xf32>
        %mul3A_573 = arith.mulf %get3A_565, %get3A_565 : vector<16xf32>
        %add3A_574 = arith.addf %while3A_515, %mul3A_573 : vector<16xf32>
        %mul3A_575 = arith.mulf %get3A_570, %get3A_570 : vector<16xf32>
        %add3A_576 = arith.addf %while3A_519, %mul3A_575 : vector<16xf32>
        %mul3A_577 = arith.mulf %get3A_565, %get3A_570 : vector<16xf32>
        %add3A_578 = arith.addf %while3A_523, %mul3A_577 : vector<16xf32>
        %get3A_579 = arith.constant 0 : i32
        %get3A_580 = arith.index_cast %get3A_579 : i32 to index
        %get3A_581 = arith.index_cast %while3A_504 : i32 to index
        %get3A_582 = arith.constant 48 : index
        %get3A_583 = tpu.vector_load %arg6[%get3A_580, %get3A_581, %get3A_582] {strides = array<i32>} : memref<2x200x64xf32, #tpu.memory_space<vmem>>, vector<16xf32>,
        %get3A_584 = arith.constant 0 : i32
        %get3A_585 = arith.index_cast %get3A_584 : i32 to index
        %get3A_586 = arith.index_cast %while3A_504 : i32 to index
        %get3A_587 = arith.constant 48 : index
        %get3A_588 = tpu.vector_load %arg7[%get3A_585, %get3A_586, %get3A_587] {strides = array<i32>} : memref<2x200x64xf32, #tpu.memory_space<vmem>>, vector<16xf32>,
        %add3A_589 = arith.addf %while3A_508, %get3A_583 : vector<16xf32>
        %add3A_590 = arith.addf %while3A_512, %get3A_588 : vector<16xf32>
        %mul3A_591 = arith.mulf %get3A_583, %get3A_583 : vector<16xf32>
        %add3A_592 = arith.addf %while3A_516, %mul3A_591 : vector<16xf32>
        %mul3A_593 = arith.mulf %get3A_588, %get3A_588 : vector<16xf32>
        %add3A_594 = arith.addf %while3A_520, %mul3A_593 : vector<16xf32>
        %mul3A_595 = arith.mulf %get3A_583, %get3A_588 : vector<16xf32>
        %add3A_596 = arith.addf %while3A_524, %mul3A_595 : vector<16xf32>
        scf.yield %add3A_535, %add3A_553, %add3A_571, %add3A_589, %add3A_536, %add3A_554, %add3A_572, %add3A_590, %add3A_538, %add3A_556, %add3A_574, %add3A_592, %add3A_540, %add3A_558, %add3A_576, %add3A_594, %add3A_542, %add3A_560, %add3A_578, %add3A_596 : vector<16xf32>, vector<16xf32>, vector<16xf32>, vector<16xf32>, vector<16xf32>, vector<16xf32>, vector<16xf32>, vector<16xf32>, vector<16xf32>, vector<16xf32>, vector<16xf32>, vector<16xf32>, vector<16xf32>, vector<16xf32>, vector<16xf32>, vector<16xf32>, vector<16xf32>, vector<16xf32>, vector<16xf32>, vector<16xf32>
      }
      %while3A_333 = arith.constant 1 : i32
      %while3A_334:20 = scf.for %while3A_504 = %while3A_330 to %while3A_326 step %while3A_333 iter_args(%while3A_505 = %while3A_332#0, %while3A_506 = %while3A_332#1, %while3A_507 = %while3A_332#2, %while3A_508 = %while3A_332#3, %while3A_509 = %while3A_332#4, %while3A_510 = %while3A_332#5, %while3A_511 = %while3A_332#6, %while3A_512 = %while3A_332#7, %while3A_513 = %while3A_332#8, %while3A_514 = %while3A_332#9, %while3A_515 = %while3A_332#10, %while3A_516 = %while3A_332#11, %while3A_517 = %while3A_332#12, %while3A_518 = %while3A_332#13, %while3A_519 = %while3A_332#14, %while3A_520 = %while3A_332#15, %while3A_521 = %while3A_332#16, %while3A_522 = %while3A_332#17, %while3A_523 = %while3A_332#18, %while3A_524 = %while3A_332#19) -> (vector<16xf32>, vector<16xf32>, vector<16xf32>, vector<16xf32>, vector<16xf32>, vector<16xf32>, vector<16xf32>, vector<16xf32>, vector<16xf32>, vector<16xf32>, vector<16xf32>, vector<16xf32>, vector<16xf32>, vector<16xf32>, vector<16xf32>, vector<16xf32>, vector<16xf32>, vector<16xf32>, vector<16xf32>, vector<16xf32>)  : i32 {
        %get3A_525 = arith.constant 0 : i32
        %get3A_526 = arith.index_cast %get3A_525 : i32 to index
        %get3A_527 = arith.index_cast %while3A_504 : i32 to index
        %get3A_528 = arith.constant 0 : index
        %get3A_529 = tpu.vector_load %arg6[%get3A_526, %get3A_527, %get3A_528] {strides = array<i32>} : memref<2x200x64xf32, #tpu.memory_space<vmem>>, vector<16xf32>,
        %get3A_530 = arith.constant 0 : i32
        %get3A_531 = arith.index_cast %get3A_530 : i32 to index
        %get3A_532 = arith.index_cast %while3A_504 : i32 to index
        %get3A_533 = arith.constant 0 : index
        %get3A_534 = tpu.vector_load %arg7[%get3A_531, %get3A_532, %get3A_533] {strides = array<i32>} : memref<2x200x64xf32, #tpu.memory_space<vmem>>, vector<16xf32>,
        %add3A_535 = arith.addf %while3A_505, %get3A_529 : vector<16xf32>
        %add3A_536 = arith.addf %while3A_509, %get3A_534 : vector<16xf32>
        %mul3A_537 = arith.mulf %get3A_529, %get3A_529 : vector<16xf32>
        %add3A_538 = arith.addf %while3A_513, %mul3A_537 : vector<16xf32>
        %mul3A_539 = arith.mulf %get3A_534, %get3A_534 : vector<16xf32>
        %add3A_540 = arith.addf %while3A_517, %mul3A_539 : vector<16xf32>
        %mul3A_541 = arith.mulf %get3A_529, %get3A_534 : vector<16xf32>
        %add3A_542 = arith.addf %while3A_521, %mul3A_541 : vector<16xf32>
        %get3A_543 = arith.constant 0 : i32
        %get3A_544 = arith.index_cast %get3A_543 : i32 to index
        %get3A_545 = arith.index_cast %while3A_504 : i32 to index
        %get3A_546 = arith.constant 16 : index
        %get3A_547 = tpu.vector_load %arg6[%get3A_544, %get3A_545, %get3A_546] {strides = array<i32>} : memref<2x200x64xf32, #tpu.memory_space<vmem>>, vector<16xf32>,
        %get3A_548 = arith.constant 0 : i32
        %get3A_549 = arith.index_cast %get3A_548 : i32 to index
        %get3A_550 = arith.index_cast %while3A_504 : i32 to index
        %get3A_551 = arith.constant 16 : index
        %get3A_552 = tpu.vector_load %arg7[%get3A_549, %get3A_550, %get3A_551] {strides = array<i32>} : memref<2x200x64xf32, #tpu.memory_space<vmem>>, vector<16xf32>,
        %add3A_553 = arith.addf %while3A_506, %get3A_547 : vector<16xf32>
        %add3A_554 = arith.addf %while3A_510, %get3A_552 : vector<16xf32>
        %mul3A_555 = arith.mulf %get3A_547, %get3A_547 : vector<16xf32>
        %add3A_556 = arith.addf %while3A_514, %mul3A_555 : vector<16xf32>
        %mul3A_557 = arith.mulf %get3A_552, %get3A_552 : vector<16xf32>
        %add3A_558 = arith.addf %while3A_518, %mul3A_557 : vector<16xf32>
        %mul3A_559 = arith.mulf %get3A_547, %get3A_552 : vector<16xf32>
        %add3A_560 = arith.addf %while3A_522, %mul3A_559 : vector<16xf32>
        %get3A_561 = arith.constant 0 : i32
        %get3A_562 = arith.index_cast %get3A_561 : i32 to index
        %get3A_563 = arith.index_cast %while3A_504 : i32 to index
        %get3A_564 = arith.constant 32 : index
        %get3A_565 = tpu.vector_load %arg6[%get3A_562, %get3A_563, %get3A_564] {strides = array<i32>} : memref<2x200x64xf32, #tpu.memory_space<vmem>>, vector<16xf32>,
        %get3A_566 = arith.constant 0 : i32
        %get3A_567 = arith.index_cast %get3A_566 : i32 to index
        %get3A_568 = arith.index_cast %while3A_504 : i32 to index
        %get3A_569 = arith.constant 32 : index
        %get3A_570 = tpu.vector_load %arg7[%get3A_567, %get3A_568, %get3A_569] {strides = array<i32>} : memref<2x200x64xf32, #tpu.memory_space<vmem>>, vector<16xf32>,
        %add3A_571 = arith.addf %while3A_507, %get3A_565 : vector<16xf32>
        %add3A_572 = arith.addf %while3A_511, %get3A_570 : vector<16xf32>
        %mul3A_573 = arith.mulf %get3A_565, %get3A_565 : vector<16xf32>
        %add3A_574 = arith.addf %while3A_515, %mul3A_573 : vector<16xf32>
        %mul3A_575 = arith.mulf %get3A_570, %get3A_570 : vector<16xf32>
        %add3A_576 = arith.addf %while3A_519, %mul3A_575 : vector<16xf32>
        %mul3A_577 = arith.mulf %get3A_565, %get3A_570 : vector<16xf32>
        %add3A_578 = arith.addf %while3A_523, %mul3A_577 : vector<16xf32>
        %get3A_579 = arith.constant 0 : i32
        %get3A_580 = arith.index_cast %get3A_579 : i32 to index
        %get3A_581 = arith.index_cast %while3A_504 : i32 to index
        %get3A_582 = arith.constant 48 : index
        %get3A_583 = tpu.vector_load %arg6[%get3A_580, %get3A_581, %get3A_582] {strides = array<i32>} : memref<2x200x64xf32, #tpu.memory_space<vmem>>, vector<16xf32>,
        %get3A_584 = arith.constant 0 : i32
        %get3A_585 = arith.index_cast %get3A_584 : i32 to index
        %get3A_586 = arith.index_cast %while3A_504 : i32 to index
        %get3A_587 = arith.constant 48 : index
        %get3A_588 = tpu.vector_load %arg7[%get3A_585, %get3A_586, %get3A_587] {strides = array<i32>} : memref<2x200x64xf32, #tpu.memory_space<vmem>>, vector<16xf32>,
        %add3A_589 = arith.addf %while3A_508, %get3A_583 : vector<16xf32>
        %add3A_590 = arith.addf %while3A_512, %get3A_588 : vector<16xf32>
        %mul3A_591 = arith.mulf %get3A_583, %get3A_583 : vector<16xf32>
        %add3A_592 = arith.addf %while3A_516, %mul3A_591 : vector<16xf32>
        %mul3A_593 = arith.mulf %get3A_588, %get3A_588 : vector<16xf32>
        %add3A_594 = arith.addf %while3A_520, %mul3A_593 : vector<16xf32>
        %mul3A_595 = arith.mulf %get3A_583, %get3A_588 : vector<16xf32>
        %add3A_596 = arith.addf %while3A_524, %mul3A_595 : vector<16xf32>
        scf.yield %add3A_535, %add3A_553, %add3A_571, %add3A_589, %add3A_536, %add3A_554, %add3A_572, %add3A_590, %add3A_538, %add3A_556, %add3A_574, %add3A_592, %add3A_540, %add3A_558, %add3A_576, %add3A_594, %add3A_542, %add3A_560, %add3A_578, %add3A_596 : vector<16xf32>, vector<16xf32>, vector<16xf32>, vector<16xf32>, vector<16xf32>, vector<16xf32>, vector<16xf32>, vector<16xf32>, vector<16xf32>, vector<16xf32>, vector<16xf32>, vector<16xf32>, vector<16xf32>, vector<16xf32>, vector<16xf32>, vector<16xf32>, vector<16xf32>, vector<16xf32>, vector<16xf32>, vector<16xf32>
      }
      %sub3A = arith.constant 200 : i32
      %sub3A_335 = arith.subi %sub3A, %while3A_323#0 : i32
      %add3A_336 = arith.addi %while3A_323#2, %sub3A_335 : i32
      %mul3A_337 = arith.constant 2 : i32
      %mul3A_338 = arith.muli %scan3A_150, %mul3A_337 : i32
      %add3A_339 = arith.constant 1 : i32
      %add3A_340 = arith.addi %mul3A_338, %add3A_339 : i32
      %gt3A_341 = arith.constant 0 : i32
      %gt3A_342 = arith.cmpi sgt, %add3A_340, %gt3A_341 : i32
      %convert_element_type3A_343 = arith.extui %gt3A_342 : i1 to i32
      %cond3A_344 = arith.constant 0 : i32
      %cond3A_345 = arith.cmpi ne, %convert_element_type3A_343, %cond3A_344 : i32
      scf.if %cond3A_345 {
        %mul3A_504 = arith.constant 200 : i32
        %mul3A_505 = arith.muli %add3A_340, %mul3A_504 : i32
        %add3A_506 = arith.addi %mul3A_2, %mul3A_505 : i32
        %dma_wait3A_507 = arith.constant 1 : i32
        %dma_wait3A_508 = arith.constant 0 : i32
        %dma_wait3A_509 = arith.constant 0 : i32
        %dma_wait3A_510 = tpu.memref_slice %arg6[%dma_wait3A_507, %dma_wait3A_508, %dma_wait3A_509] : memref<2x200x64xf32, #tpu.memory_space<vmem>> -> memref<1x200x64xf32, #tpu.memory_space<vmem>>
        %dma_wait3A_511 = tpu.memref_squeeze %dma_wait3A_510 : memref<1x200x64xf32, #tpu.memory_space<vmem>> -> memref<200x64xf32, #tpu.memory_space<vmem>>
        %dma_wait3A_512 = tpu.memref_slice %arg2[%add3A_506, %mul3A_0] : memref<320000x128xf32, #tpu.memory_space<hbm>> -> memref<200x64xf32, #tpu.memory_space<hbm>>
        %dma_wait3A_513 = arith.constant 0 : i32
        %dma_wait3A_514 = arith.constant 0 : i32
        %dma_wait3A_515 = tpu.memref_slice %arg6[%dma_wait3A_507, %dma_wait3A_513, %dma_wait3A_514] : memref<2x200x64xf32, #tpu.memory_space<vmem>> -> memref<1x200x64xf32, #tpu.memory_space<vmem>>
        %dma_wait3A_516 = tpu.memref_squeeze %dma_wait3A_515 : memref<1x200x64xf32, #tpu.memory_space<vmem>> -> memref<200x64xf32, #tpu.memory_space<vmem>>
        %dma_wait3A_517 = tpu.memref_slice %arg2[%add3A_506, %mul3A_0] : memref<320000x128xf32, #tpu.memory_space<hbm>> -> memref<200x64xf32, #tpu.memory_space<hbm>>
        tpu.wait_dma2 semaphore(%arg18 : memref<!tpu.dma_semaphore, #tpu.memory_space<semaphore_mem>>) src(%dma_wait3A_517 : memref<200x64xf32, #tpu.memory_space<hbm>>) dst(%dma_wait3A_516 : memref<200x64xf32, #tpu.memory_space<vmem>>)
        %dma_wait3A_518 = arith.constant 1 : i32
        %dma_wait3A_519 = arith.constant 0 : i32
        %dma_wait3A_520 = arith.constant 0 : i32
        %dma_wait3A_521 = tpu.memref_slice %arg7[%dma_wait3A_518, %dma_wait3A_519, %dma_wait3A_520] : memref<2x200x64xf32, #tpu.memory_space<vmem>> -> memref<1x200x64xf32, #tpu.memory_space<vmem>>
        %dma_wait3A_522 = tpu.memref_squeeze %dma_wait3A_521 : memref<1x200x64xf32, #tpu.memory_space<vmem>> -> memref<200x64xf32, #tpu.memory_space<vmem>>
        %dma_wait3A_523 = tpu.memref_slice %arg3[%add3A_506, %mul3A_0] : memref<320000x128xf32, #tpu.memory_space<hbm>> -> memref<200x64xf32, #tpu.memory_space<hbm>>
        %dma_wait3A_524 = arith.constant 0 : i32
        %dma_wait3A_525 = arith.constant 0 : i32
        %dma_wait3A_526 = tpu.memref_slice %arg7[%dma_wait3A_518, %dma_wait3A_524, %dma_wait3A_525] : memref<2x200x64xf32, #tpu.memory_space<vmem>> -> memref<1x200x64xf32, #tpu.memory_space<vmem>>
        %dma_wait3A_527 = tpu.memref_squeeze %dma_wait3A_526 : memref<1x200x64xf32, #tpu.memory_space<vmem>> -> memref<200x64xf32, #tpu.memory_space<vmem>>
        %dma_wait3A_528 = tpu.memref_slice %arg3[%add3A_506, %mul3A_0] : memref<320000x128xf32, #tpu.memory_space<hbm>> -> memref<200x64xf32, #tpu.memory_space<hbm>>
        tpu.wait_dma2 semaphore(%arg18 : memref<!tpu.dma_semaphore, #tpu.memory_space<semaphore_mem>>) src(%dma_wait3A_528 : memref<200x64xf32, #tpu.memory_space<hbm>>) dst(%dma_wait3A_527 : memref<200x64xf32, #tpu.memory_space<vmem>>)
        %dma_wait3A_529 = arith.constant 248 : i32
        %dma_wait3A_530 = tpu.memref_slice %arg8[%dma_wait3A_529] : memref<464xi32, #tpu.memory_space<vmem>> -> memref<200xi32, #tpu.memory_space<vmem>>
        %dma_wait3A_531 = tpu.memref_slice %arg4[%add3A_506] : memref<320000xi32, #tpu.memory_space<hbm>> -> memref<200xi32, #tpu.memory_space<hbm>>
        %dma_wait3A_532 = arith.constant 248 : i32
        %dma_wait3A_533 = tpu.memref_slice %arg8[%dma_wait3A_532] : memref<464xi32, #tpu.memory_space<vmem>> -> memref<200xi32, #tpu.memory_space<vmem>>
        %dma_wait3A_534 = tpu.memref_slice %arg4[%add3A_506] : memref<320000xi32, #tpu.memory_space<hbm>> -> memref<200xi32, #tpu.memory_space<hbm>>
        tpu.wait_dma2 semaphore(%arg18 : memref<!tpu.dma_semaphore, #tpu.memory_space<semaphore_mem>>) src(%dma_wait3A_534 : memref<200xi32, #tpu.memory_space<hbm>>) dst(%dma_wait3A_533 : memref<200xi32, #tpu.memory_space<vmem>>)
      } else {
      }
      %add3A_346 = arith.constant 1 : i32
      %add3A_347 = arith.addi %add3A_340, %add3A_346 : i32
      %lt3A_348 = arith.constant 100 : i32
      %lt3A_349 = arith.cmpi slt, %add3A_347, %lt3A_348 : i32
      %convert_element_type3A_350 = arith.extui %lt3A_349 : i1 to i32
      %cond3A_351 = arith.constant 0 : i32
      %cond3A_352 = arith.cmpi ne, %convert_element_type3A_350, %cond3A_351 : i32
      scf.if %cond3A_352 {
        %add3A_504 = arith.constant 1 : i32
        %add3A_505 = arith.addi %add3A_340, %add3A_504 : i32
        %mul3A_506 = arith.constant 200 : i32
        %mul3A_507 = arith.muli %add3A_505, %mul3A_506 : i32
        %add3A_508 = arith.addi %mul3A_2, %mul3A_507 : i32
        %dma_start3A_509 = arith.constant 0 : i32
        %dma_start3A_510 = arith.constant 0 : i32
        %dma_start3A_511 = arith.constant 0 : i32
        %dma_start3A_512 = tpu.memref_slice %arg6[%dma_start3A_509, %dma_start3A_510, %dma_start3A_511] : memref<2x200x64xf32, #tpu.memory_space<vmem>> -> memref<1x200x64xf32, #tpu.memory_space<vmem>>
        %dma_start3A_513 = tpu.memref_squeeze %dma_start3A_512 : memref<1x200x64xf32, #tpu.memory_space<vmem>> -> memref<200x64xf32, #tpu.memory_space<vmem>>
        %dma_start3A_514 = tpu.memref_slice %arg2[%add3A_508, %mul3A_0] : memref<320000x128xf32, #tpu.memory_space<hbm>> -> memref<200x64xf32, #tpu.memory_space<hbm>>
        %dma_start3A_515 = arith.constant 0 : i32
        %dma_start3A_516 = arith.constant 0 : i32
        %dma_start3A_517 = tpu.memref_slice %arg6[%dma_start3A_509, %dma_start3A_515, %dma_start3A_516] : memref<2x200x64xf32, #tpu.memory_space<vmem>> -> memref<1x200x64xf32, #tpu.memory_space<vmem>>
        %dma_start3A_518 = tpu.memref_squeeze %dma_start3A_517 : memref<1x200x64xf32, #tpu.memory_space<vmem>> -> memref<200x64xf32, #tpu.memory_space<vmem>>
        %dma_start3A_519 = tpu.memref_slice %arg2[%add3A_508, %mul3A_0] : memref<320000x128xf32, #tpu.memory_space<hbm>> -> memref<200x64xf32, #tpu.memory_space<hbm>>
        tpu.enqueue_dma source(%dma_start3A_519 : memref<200x64xf32, #tpu.memory_space<hbm>>) target(%dma_start3A_518 : memref<200x64xf32, #tpu.memory_space<vmem>>) target_semaphore(%arg18 : memref<!tpu.dma_semaphore, #tpu.memory_space<semaphore_mem>>)
        %dma_start3A_520 = arith.constant 0 : i32
        %dma_start3A_521 = arith.constant 0 : i32
        %dma_start3A_522 = arith.constant 0 : i32
        %dma_start3A_523 = tpu.memref_slice %arg7[%dma_start3A_520, %dma_start3A_521, %dma_start3A_522] : memref<2x200x64xf32, #tpu.memory_space<vmem>> -> memref<1x200x64xf32, #tpu.memory_space<vmem>>
        %dma_start3A_524 = tpu.memref_squeeze %dma_start3A_523 : memref<1x200x64xf32, #tpu.memory_space<vmem>> -> memref<200x64xf32, #tpu.memory_space<vmem>>
        %dma_start3A_525 = tpu.memref_slice %arg3[%add3A_508, %mul3A_0] : memref<320000x128xf32, #tpu.memory_space<hbm>> -> memref<200x64xf32, #tpu.memory_space<hbm>>
        %dma_start3A_526 = arith.constant 0 : i32
        %dma_start3A_527 = arith.constant 0 : i32
        %dma_start3A_528 = tpu.memref_slice %arg7[%dma_start3A_520, %dma_start3A_526, %dma_start3A_527] : memref<2x200x64xf32, #tpu.memory_space<vmem>> -> memref<1x200x64xf32, #tpu.memory_space<vmem>>
        %dma_start3A_529 = tpu.memref_squeeze %dma_start3A_528 : memref<1x200x64xf32, #tpu.memory_space<vmem>> -> memref<200x64xf32, #tpu.memory_space<vmem>>
        %dma_start3A_530 = tpu.memref_slice %arg3[%add3A_508, %mul3A_0] : memref<320000x128xf32, #tpu.memory_space<hbm>> -> memref<200x64xf32, #tpu.memory_space<hbm>>
        tpu.enqueue_dma source(%dma_start3A_530 : memref<200x64xf32, #tpu.memory_space<hbm>>) target(%dma_start3A_529 : memref<200x64xf32, #tpu.memory_space<vmem>>) target_semaphore(%arg18 : memref<!tpu.dma_semaphore, #tpu.memory_space<semaphore_mem>>)
        %dma_start3A_531 = arith.constant 16 : i32
        %dma_start3A_532 = tpu.memref_slice %arg8[%dma_start3A_531] : memref<464xi32, #tpu.memory_space<vmem>> -> memref<200xi32, #tpu.memory_space<vmem>>
        %dma_start3A_533 = tpu.memref_slice %arg4[%add3A_508] : memref<320000xi32, #tpu.memory_space<hbm>> -> memref<200xi32, #tpu.memory_space<hbm>>
        %dma_start3A_534 = arith.constant 16 : i32
        %dma_start3A_535 = tpu.memref_slice %arg8[%dma_start3A_534] : memref<464xi32, #tpu.memory_space<vmem>> -> memref<200xi32, #tpu.memory_space<vmem>>
        %dma_start3A_536 = tpu.memref_slice %arg4[%add3A_508] : memref<320000xi32, #tpu.memory_space<hbm>> -> memref<200xi32, #tpu.memory_space<hbm>>
        tpu.enqueue_dma source(%dma_start3A_536 : memref<200xi32, #tpu.memory_space<hbm>>) target(%dma_start3A_535 : memref<200xi32, #tpu.memory_space<vmem>>) target_semaphore(%arg18 : memref<!tpu.dma_semaphore, #tpu.memory_space<semaphore_mem>>)
      } else {
      }
      %broadcast_in_dim3A_353 = vector.broadcast %while3A_323#1 : i32 to vector<16xi32>
      %swap3A_354 = arith.constant 232 : index
      %swap3A_355 = tpu.vector_load %arg8[%swap3A_354] {strides = array<i32>} : memref<464xi32, #tpu.memory_space<vmem>>, vector<16xi32>,
      tpu.vector_store %arg8[%swap3A_354], %broadcast_in_dim3A_353 {strides = array<i32>} : memref<464xi32, #tpu.memory_space<vmem>>, vector<16xi32>,
      %get3A_356 = arith.constant 248 : index
      %get3A_357 = tpu.vector_load %arg8[%get3A_356] {strides = array<i32>} : memref<464xi32, #tpu.memory_space<vmem>>, vector<16xi32>,
      %get3A_358 = arith.constant 247 : index
      %get3A_359 = tpu.vector_load %arg8[%get3A_358] {strides = array<i32>} : memref<464xi32, #tpu.memory_space<vmem>>, vector<16xi32>,
      %ne3A_360 = arith.cmpi ne, %get3A_357, %get3A_359 : vector<16xi32>
      %all_reduce_population_count3A_361 = tpu.all_reduce %ne3A_360 {dim = 0 : i64, kind = #tpu.reduction_kind<sum>} : vector<16xi1> -> vector<16xi32>
      %slice3A_362 = vector.extract_strided_slice %all_reduce_population_count3A_361 {offsets = [0], sizes = [1], strides = [1]} : vector<16xi32> to vector<1xi32>
      %squeeze3A_363 = vector.extract %slice3A_362[0] : i32 from vector<1xi32>
      %add3A_364 = arith.constant 0 : i32
      %add3A_365 = arith.addi %add3A_364, %squeeze3A_363 : i32
      %get3A_366 = arith.constant 264 : index
      %get3A_367 = tpu.vector_load %arg8[%get3A_366] {strides = array<i32>} : memref<464xi32, #tpu.memory_space<vmem>>, vector<16xi32>,
      %get3A_368 = arith.constant 263 : index
      %get3A_369 = tpu.vector_load %arg8[%get3A_368] {strides = array<i32>} : memref<464xi32, #tpu.memory_space<vmem>>, vector<16xi32>,
      %ne3A_370 = arith.cmpi ne, %get3A_367, %get3A_369 : vector<16xi32>
      %all_reduce_population_count3A_371 = tpu.all_reduce %ne3A_370 {dim = 0 : i64, kind = #tpu.reduction_kind<sum>} : vector<16xi1> -> vector<16xi32>
      %slice3A_372 = vector.extract_strided_slice %all_reduce_population_count3A_371 {offsets = [0], sizes = [1], strides = [1]} : vector<16xi32> to vector<1xi32>
      %squeeze3A_373 = vector.extract %slice3A_372[0] : i32 from vector<1xi32>
      %add3A_374 = arith.addi %add3A_365, %squeeze3A_373 : i32
      %get3A_375 = arith.constant 280 : index
      %get3A_376 = tpu.vector_load %arg8[%get3A_375] {strides = array<i32>} : memref<464xi32, #tpu.memory_space<vmem>>, vector<16xi32>,
      %get3A_377 = arith.constant 279 : index
      %get3A_378 = tpu.vector_load %arg8[%get3A_377] {strides = array<i32>} : memref<464xi32, #tpu.memory_space<vmem>>, vector<16xi32>,
      %ne3A_379 = arith.cmpi ne, %get3A_376, %get3A_378 : vector<16xi32>
      %all_reduce_population_count3A_380 = tpu.all_reduce %ne3A_379 {dim = 0 : i64, kind = #tpu.reduction_kind<sum>} : vector<16xi1> -> vector<16xi32>
      %slice3A_381 = vector.extract_strided_slice %all_reduce_population_count3A_380 {offsets = [0], sizes = [1], strides = [1]} : vector<16xi32> to vector<1xi32>
      %squeeze3A_382 = vector.extract %slice3A_381[0] : i32 from vector<1xi32>
      %add3A_383 = arith.addi %add3A_374, %squeeze3A_382 : i32
      %get3A_384 = arith.constant 296 : index
      %get3A_385 = tpu.vector_load %arg8[%get3A_384] {strides = array<i32>} : memref<464xi32, #tpu.memory_space<vmem>>, vector<16xi32>,
      %get3A_386 = arith.constant 295 : index
      %get3A_387 = tpu.vector_load %arg8[%get3A_386] {strides = array<i32>} : memref<464xi32, #tpu.memory_space<vmem>>, vector<16xi32>,
      %ne3A_388 = arith.cmpi ne, %get3A_385, %get3A_387 : vector<16xi32>
      %all_reduce_population_count3A_389 = tpu.all_reduce %ne3A_388 {dim = 0 : i64, kind = #tpu.reduction_kind<sum>} : vector<16xi1> -> vector<16xi32>
      %slice3A_390 = vector.extract_strided_slice %all_reduce_population_count3A_389 {offsets = [0], sizes = [1], strides = [1]} : vector<16xi32> to vector<1xi32>
      %squeeze3A_391 = vector.extract %slice3A_390[0] : i32 from vector<1xi32>
      %add3A_392 = arith.addi %add3A_383, %squeeze3A_391 : i32
      %get3A_393 = arith.constant 312 : index
      %get3A_394 = tpu.vector_load %arg8[%get3A_393] {strides = array<i32>} : memref<464xi32, #tpu.memory_space<vmem>>, vector<16xi32>,
      %get3A_395 = arith.constant 311 : index
      %get3A_396 = tpu.vector_load %arg8[%get3A_395] {strides = array<i32>} : memref<464xi32, #tpu.memory_space<vmem>>, vector<16xi32>,
      %ne3A_397 = arith.cmpi ne, %get3A_394, %get3A_396 : vector<16xi32>
      %all_reduce_population_count3A_398 = tpu.all_reduce %ne3A_397 {dim = 0 : i64, kind = #tpu.reduction_kind<sum>} : vector<16xi1> -> vector<16xi32>
      %slice3A_399 = vector.extract_strided_slice %all_reduce_population_count3A_398 {offsets = [0], sizes = [1], strides = [1]} : vector<16xi32> to vector<1xi32>
      %squeeze3A_400 = vector.extract %slice3A_399[0] : i32 from vector<1xi32>
      %add3A_401 = arith.addi %add3A_392, %squeeze3A_400 : i32
      %get3A_402 = arith.constant 328 : index
      %get3A_403 = tpu.vector_load %arg8[%get3A_402] {strides = array<i32>} : memref<464xi32, #tpu.memory_space<vmem>>, vector<16xi32>,
      %get3A_404 = arith.constant 327 : index
      %get3A_405 = tpu.vector_load %arg8[%get3A_404] {strides = array<i32>} : memref<464xi32, #tpu.memory_space<vmem>>, vector<16xi32>,
      %ne3A_406 = arith.cmpi ne, %get3A_403, %get3A_405 : vector<16xi32>
      %all_reduce_population_count3A_407 = tpu.all_reduce %ne3A_406 {dim = 0 : i64, kind = #tpu.reduction_kind<sum>} : vector<16xi1> -> vector<16xi32>
      %slice3A_408 = vector.extract_strided_slice %all_reduce_population_count3A_407 {offsets = [0], sizes = [1], strides = [1]} : vector<16xi32> to vector<1xi32>
      %squeeze3A_409 = vector.extract %slice3A_408[0] : i32 from vector<1xi32>
      %add3A_410 = arith.addi %add3A_401, %squeeze3A_409 : i32
      %get3A_411 = arith.constant 344 : index
      %get3A_412 = tpu.vector_load %arg8[%get3A_411] {strides = array<i32>} : memref<464xi32, #tpu.memory_space<vmem>>, vector<16xi32>,
      %get3A_413 = arith.constant 343 : index
      %get3A_414 = tpu.vector_load %arg8[%get3A_413] {strides = array<i32>} : memref<464xi32, #tpu.memory_space<vmem>>, vector<16xi32>,
      %ne3A_415 = arith.cmpi ne, %get3A_412, %get3A_414 : vector<16xi32>
      %all_reduce_population_count3A_416 = tpu.all_reduce %ne3A_415 {dim = 0 : i64, kind = #tpu.reduction_kind<sum>} : vector<16xi1> -> vector<16xi32>
      %slice3A_417 = vector.extract_strided_slice %all_reduce_population_count3A_416 {offsets = [0], sizes = [1], strides = [1]} : vector<16xi32> to vector<1xi32>
      %squeeze3A_418 = vector.extract %slice3A_417[0] : i32 from vector<1xi32>
      %add3A_419 = arith.addi %add3A_410, %squeeze3A_418 : i32
      %get3A_420 = arith.constant 360 : index
      %get3A_421 = tpu.vector_load %arg8[%get3A_420] {strides = array<i32>} : memref<464xi32, #tpu.memory_space<vmem>>, vector<16xi32>,
      %get3A_422 = arith.constant 359 : index
      %get3A_423 = tpu.vector_load %arg8[%get3A_422] {strides = array<i32>} : memref<464xi32, #tpu.memory_space<vmem>>, vector<16xi32>,
      %ne3A_424 = arith.cmpi ne, %get3A_421, %get3A_423 : vector<16xi32>
      %all_reduce_population_count3A_425 = tpu.all_reduce %ne3A_424 {dim = 0 : i64, kind = #tpu.reduction_kind<sum>} : vector<16xi1> -> vector<16xi32>
      %slice3A_426 = vector.extract_strided_slice %all_reduce_population_count3A_425 {offsets = [0], sizes = [1], strides = [1]} : vector<16xi32> to vector<1xi32>
      %squeeze3A_427 = vector.extract %slice3A_426[0] : i32 from vector<1xi32>
      %add3A_428 = arith.addi %add3A_419, %squeeze3A_427 : i32
      %get3A_429 = arith.constant 376 : index
      %get3A_430 = tpu.vector_load %arg8[%get3A_429] {strides = array<i32>} : memref<464xi32, #tpu.memory_space<vmem>>, vector<16xi32>,
      %get3A_431 = arith.constant 375 : index
      %get3A_432 = tpu.vector_load %arg8[%get3A_431] {strides = array<i32>} : memref<464xi32, #tpu.memory_space<vmem>>, vector<16xi32>,
      %ne3A_433 = arith.cmpi ne, %get3A_430, %get3A_432 : vector<16xi32>
      %all_reduce_population_count3A_434 = tpu.all_reduce %ne3A_433 {dim = 0 : i64, kind = #tpu.reduction_kind<sum>} : vector<16xi1> -> vector<16xi32>
      %slice3A_435 = vector.extract_strided_slice %all_reduce_population_count3A_434 {offsets = [0], sizes = [1], strides = [1]} : vector<16xi32> to vector<1xi32>
      %squeeze3A_436 = vector.extract %slice3A_435[0] : i32 from vector<1xi32>
      %add3A_437 = arith.addi %add3A_428, %squeeze3A_436 : i32
      %get3A_438 = arith.constant 392 : index
      %get3A_439 = tpu.vector_load %arg8[%get3A_438] {strides = array<i32>} : memref<464xi32, #tpu.memory_space<vmem>>, vector<16xi32>,
      %get3A_440 = arith.constant 391 : index
      %get3A_441 = tpu.vector_load %arg8[%get3A_440] {strides = array<i32>} : memref<464xi32, #tpu.memory_space<vmem>>, vector<16xi32>,
      %ne3A_442 = arith.cmpi ne, %get3A_439, %get3A_441 : vector<16xi32>
      %all_reduce_population_count3A_443 = tpu.all_reduce %ne3A_442 {dim = 0 : i64, kind = #tpu.reduction_kind<sum>} : vector<16xi1> -> vector<16xi32>
      %slice3A_444 = vector.extract_strided_slice %all_reduce_population_count3A_443 {offsets = [0], sizes = [1], strides = [1]} : vector<16xi32> to vector<1xi32>
      %squeeze3A_445 = vector.extract %slice3A_444[0] : i32 from vector<1xi32>
      %add3A_446 = arith.addi %add3A_437, %squeeze3A_445 : i32
      %get3A_447 = arith.constant 408 : index
      %get3A_448 = tpu.vector_load %arg8[%get3A_447] {strides = array<i32>} : memref<464xi32, #tpu.memory_space<vmem>>, vector<16xi32>,
      %get3A_449 = arith.constant 407 : index
      %get3A_450 = tpu.vector_load %arg8[%get3A_449] {strides = array<i32>} : memref<464xi32, #tpu.memory_space<vmem>>, vector<16xi32>,
      %ne3A_451 = arith.cmpi ne, %get3A_448, %get3A_450 : vector<16xi32>
      %all_reduce_population_count3A_452 = tpu.all_reduce %ne3A_451 {dim = 0 : i64, kind = #tpu.reduction_kind<sum>} : vector<16xi1> -> vector<16xi32>
      %slice3A_453 = vector.extract_strided_slice %all_reduce_population_count3A_452 {offsets = [0], sizes = [1], strides = [1]} : vector<16xi32> to vector<1xi32>
      %squeeze3A_454 = vector.extract %slice3A_453[0] : i32 from vector<1xi32>
      %add3A_455 = arith.addi %add3A_446, %squeeze3A_454 : i32
      %get3A_456 = arith.constant 424 : index
      %get3A_457 = tpu.vector_load %arg8[%get3A_456] {strides = array<i32>} : memref<464xi32, #tpu.memory_space<vmem>>, vector<16xi32>,
      %get3A_458 = arith.constant 423 : index
      %get3A_459 = tpu.vector_load %arg8[%get3A_458] {strides = array<i32>} : memref<464xi32, #tpu.memory_space<vmem>>, vector<16xi32>,
      %ne3A_460 = arith.cmpi ne, %get3A_457, %get3A_459 : vector<16xi32>
      %all_reduce_population_count3A_461 = tpu.all_reduce %ne3A_460 {dim = 0 : i64, kind = #tpu.reduction_kind<sum>} : vector<16xi1> -> vector<16xi32>
      %slice3A_462 = vector.extract_strided_slice %all_reduce_population_count3A_461 {offsets = [0], sizes = [1], strides = [1]} : vector<16xi32> to vector<1xi32>
      %squeeze3A_463 = vector.extract %slice3A_462[0] : i32 from vector<1xi32>
      %add3A_464 = arith.addi %add3A_455, %squeeze3A_463 : i32
      %get3A_465 = arith.constant 440 : index
      %get3A_466 = tpu.vector_load %arg8[%get3A_465] {strides = array<i32>} : memref<464xi32, #tpu.memory_space<vmem>>, vector<16xi32>,
      %get3A_467 = arith.constant 439 : index
      %get3A_468 = tpu.vector_load %arg8[%get3A_467] {strides = array<i32>} : memref<464xi32, #tpu.memory_space<vmem>>, vector<16xi32>,
      %ne3A_469 = arith.cmpi ne, %get3A_466, %get3A_468 : vector<16xi32>
      %lt3A_470 = arith.constant 8 : i32
      %lt3A_471 = vector.broadcast %lt3A_470 : i32 to vector<16xi32>
      %lt3A_472 = arith.cmpi slt, %iota3A, %lt3A_471 : vector<16xi32>
      %and3A_473 = arith.andi %ne3A_469, %lt3A_472 : vector<16xi1>
      %all_reduce_population_count3A_474 = tpu.all_reduce %and3A_473 {dim = 0 : i64, kind = #tpu.reduction_kind<sum>} : vector<16xi1> -> vector<16xi32>
      %slice3A_475 = vector.extract_strided_slice %all_reduce_population_count3A_474 {offsets = [0], sizes = [1], strides = [1]} : vector<16xi32> to vector<1xi32>
      %squeeze3A_476 = vector.extract %slice3A_475[0] : i32 from vector<1xi32>
      %add3A_477 = arith.addi %add3A_464, %squeeze3A_476 : i32
      %while3A_478 = arith.constant 0 : i32
      %while3A_479 = arith.constant 0 : i32
      %while3A_480 = arith.subi %add3A_477, %while3A_478 : i32
      %while3A_481 = arith.addi %while3A_478, %while3A_480 : i32
      %while3A_482 = arith.constant 1 : i32
      %while3A_483 = arith.divsi %while3A_480, %while3A_482 : i32
      %while3A_484 = arith.muli %while3A_483, %while3A_482 : i32
      %while3A_485 = arith.addi %while3A_478, %while3A_484 : i32
      %while3A_486 = arith.constant 1 : i32
      %while3A_487:25 = scf.for %while3A_504 = %while3A_478 to %while3A_485 step %while3A_486 iter_args(%while3A_505 = %while3A_479, %while3A_506 = %while3A_323#1, %while3A_507 = %add3A_336, %while3A_508 = %while3A_323#3, %while3A_509 = %while3A_323#4, %while3A_510 = %while3A_334#0, %while3A_511 = %while3A_334#1, %while3A_512 = %while3A_334#2, %while3A_513 = %while3A_334#3, %while3A_514 = %while3A_334#4, %while3A_515 = %while3A_334#5, %while3A_516 = %while3A_334#6, %while3A_517 = %while3A_334#7, %while3A_518 = %while3A_334#8, %while3A_519 = %while3A_334#9, %while3A_520 = %while3A_334#10, %while3A_521 = %while3A_334#11, %while3A_522 = %while3A_334#12, %while3A_523 = %while3A_334#13, %while3A_524 = %while3A_334#14, %while3A_525 = %while3A_334#15, %while3A_526 = %while3A_334#16, %while3A_527 = %while3A_334#17, %while3A_528 = %while3A_334#18, %while3A_529 = %while3A_334#19) -> (i32, i32, i32, i32, i32, vector<16xf32>, vector<16xf32>, vector<16xf32>, vector<16xf32>, vector<16xf32>, vector<16xf32>, vector<16xf32>, vector<16xf32>, vector<16xf32>, vector<16xf32>, vector<16xf32>, vector<16xf32>, vector<16xf32>, vector<16xf32>, vector<16xf32>, vector<16xf32>, vector<16xf32>, vector<16xf32>, vector<16xf32>, vector<16xf32>)  : i32 {
        %broadcast_in_dim3A_530 = vector.broadcast %while3A_506 : i32 to vector<16xi32>
        %shift_right_arithmetic3A = arith.constant 4 : i32
        %shift_right_arithmetic3A_531 = arith.shrsi %while3A_505, %shift_right_arithmetic3A : i32
        %while3A_532 = arith.constant 13 : i32
        %while3A_533 = arith.constant -1 : i32
        %while3A_534 = arith.subi %while3A_532, %shift_right_arithmetic3A_531 : i32
        %while3A_535 = arith.addi %shift_right_arithmetic3A_531, %while3A_534 : i32
        %while3A_536 = arith.constant 1 : i32
        %while3A_537 = arith.divsi %while3A_534, %while3A_536 : i32
        %while3A_538 = arith.muli %while3A_537, %while3A_536 : i32
        %while3A_539 = arith.addi %shift_right_arithmetic3A_531, %while3A_538 : i32
        %while3A_540 = arith.constant 1 : i32
        %while3A_541 = scf.for %while3A_568 = %shift_right_arithmetic3A_531 to %while3A_539 step %while3A_540 iter_args(%while3A_569 = %while3A_533) -> (i32)  : i32 {
          %lt3A_570 = arith.constant 0 : i32
          %lt3A_571 = arith.cmpi slt, %while3A_569, %lt3A_570 : i32
          %convert_element_type3A_572 = arith.extui %lt3A_571 : i1 to i32
          %cond3A_573 = arith.constant 0 : i32
          %cond3A_574 = arith.cmpi ne, %convert_element_type3A_572, %cond3A_573 : i32
          %cond3A_575 = scf.if %cond3A_574 -> (i32) {
            %mul3A_576 = arith.constant 16 : i32
            %mul3A_577 = arith.muli %while3A_568, %mul3A_576 : i32
            %add3A_578 = arith.constant 248 : i32
            %add3A_579 = arith.addi %add3A_578, %mul3A_577 : i32
            %get3A_580 = arith.index_cast %add3A_579 : i32 to index
            %get3A_581 = tpu.vector_load %arg8[%get3A_580] {strides = array<i32>} : memref<464xi32, #tpu.memory_space<vmem>>, vector<16xi32>,
            %ne3A_582 = arith.cmpi ne, %get3A_581, %broadcast_in_dim3A_530 : vector<16xi32>
            %add3A_583 = vector.broadcast %mul3A_577 : i32 to vector<16xi32>
            %add3A_584 = arith.addi %add3A_583, %iota3A : vector<16xi32>
            %ge3A = vector.broadcast %while3A_505 : i32 to vector<16xi32>
            %ge3A_585 = arith.cmpi sge, %add3A_584, %ge3A : vector<16xi32>
            %and3A_586 = arith.andi %ne3A_582, %ge3A_585 : vector<16xi1>
            %all_reduce_ffs3A = tpu.all_reduce %and3A_586 {dim = 0 : i64, kind = #tpu.reduction_kind<find_first_set>} : vector<16xi1> -> vector<16xi32>
            %slice3A_587 = vector.extract_strided_slice %all_reduce_ffs3A {offsets = [0], sizes = [1], strides = [1]} : vector<16xi32> to vector<1xi32>
            %squeeze3A_588 = vector.extract %slice3A_587[0] : i32 from vector<1xi32>
            %lt3A_589 = arith.constant 16 : i32
            %lt3A_590 = arith.cmpi slt, %squeeze3A_588, %lt3A_589 : i32
            %add3A_591 = arith.addi %mul3A_577, %squeeze3A_588 : i32
            %jit3A_592 = arith.constant -1 : i32
            %select_n3A_593 = arith.select %lt3A_590, %add3A_591, %jit3A_592 : i32
            scf.yield %select_n3A_593 : i32
          } else {
            scf.yield %while3A_569 : i32
          }
          scf.yield %cond3A_575 : i32
        }
        %while3A_542 = arith.constant 1 : i32
        %while3A_543 = scf.for %while3A_568 = %while3A_539 to %while3A_535 step %while3A_542 iter_args(%while3A_569 = %while3A_541) -> (i32)  : i32 {
          %lt3A_570 = arith.constant 0 : i32
          %lt3A_571 = arith.cmpi slt, %while3A_569, %lt3A_570 : i32
          %convert_element_type3A_572 = arith.extui %lt3A_571 : i1 to i32
          %cond3A_573 = arith.constant 0 : i32
          %cond3A_574 = arith.cmpi ne, %convert_element_type3A_572, %cond3A_573 : i32
          %cond3A_575 = scf.if %cond3A_574 -> (i32) {
            %mul3A_576 = arith.constant 16 : i32
            %mul3A_577 = arith.muli %while3A_568, %mul3A_576 : i32
            %add3A_578 = arith.constant 248 : i32
            %add3A_579 = arith.addi %add3A_578, %mul3A_577 : i32
            %get3A_580 = arith.index_cast %add3A_579 : i32 to index
            %get3A_581 = tpu.vector_load %arg8[%get3A_580] {strides = array<i32>} : memref<464xi32, #tpu.memory_space<vmem>>, vector<16xi32>,
            %ne3A_582 = arith.cmpi ne, %get3A_581, %broadcast_in_dim3A_530 : vector<16xi32>
            %add3A_583 = vector.broadcast %mul3A_577 : i32 to vector<16xi32>
            %add3A_584 = arith.addi %add3A_583, %iota3A : vector<16xi32>
            %ge3A = vector.broadcast %while3A_505 : i32 to vector<16xi32>
            %ge3A_585 = arith.cmpi sge, %add3A_584, %ge3A : vector<16xi32>
            %and3A_586 = arith.andi %ne3A_582, %ge3A_585 : vector<16xi1>
            %all_reduce_ffs3A = tpu.all_reduce %and3A_586 {dim = 0 : i64, kind = #tpu.reduction_kind<find_first_set>} : vector<16xi1> -> vector<16xi32>
            %slice3A_587 = vector.extract_strided_slice %all_reduce_ffs3A {offsets = [0], sizes = [1], strides = [1]} : vector<16xi32> to vector<1xi32>
            %squeeze3A_588 = vector.extract %slice3A_587[0] : i32 from vector<1xi32>
            %lt3A_589 = arith.constant 16 : i32
            %lt3A_590 = arith.cmpi slt, %squeeze3A_588, %lt3A_589 : i32
            %add3A_591 = arith.addi %mul3A_577, %squeeze3A_588 : i32
            %jit3A_592 = arith.constant -1 : i32
            %select_n3A_593 = arith.select %lt3A_590, %add3A_591, %jit3A_592 : i32
            scf.yield %select_n3A_593 : i32
          } else {
            scf.yield %while3A_569 : i32
          }
          scf.yield %cond3A_575 : i32
        }
        %while3A_544 = arith.subi %while3A_543, %while3A_505 : i32
        %while3A_545 = arith.addi %while3A_505, %while3A_544 : i32
        %while3A_546 = arith.constant 1 : i32
        %while3A_547 = arith.divsi %while3A_544, %while3A_546 : i32
        %while3A_548 = arith.muli %while3A_547, %while3A_546 : i32
        %while3A_549 = arith.addi %while3A_505, %while3A_548 : i32
        %while3A_550 = arith.constant 1 : i32
        %while3A_551:20 = scf.for %while3A_568 = %while3A_505 to %while3A_549 step %while3A_550 iter_args(%while3A_569 = %while3A_510, %while3A_570 = %while3A_511, %while3A_571 = %while3A_512, %while3A_572 = %while3A_513, %while3A_573 = %while3A_514, %while3A_574 = %while3A_515, %while3A_575 = %while3A_516, %while3A_576 = %while3A_517, %while3A_577 = %while3A_518, %while3A_578 = %while3A_519, %while3A_579 = %while3A_520, %while3A_580 = %while3A_521, %while3A_581 = %while3A_522, %while3A_582 = %while3A_523, %while3A_583 = %while3A_524, %while3A_584 = %while3A_525, %while3A_585 = %while3A_526, %while3A_586 = %while3A_527, %while3A_587 = %while3A_528, %while3A_588 = %while3A_529) -> (vector<16xf32>, vector<16xf32>, vector<16xf32>, vector<16xf32>, vector<16xf32>, vector<16xf32>, vector<16xf32>, vector<16xf32>, vector<16xf32>, vector<16xf32>, vector<16xf32>, vector<16xf32>, vector<16xf32>, vector<16xf32>, vector<16xf32>, vector<16xf32>, vector<16xf32>, vector<16xf32>, vector<16xf32>, vector<16xf32>)  : i32 {
          %get3A_589 = arith.constant 1 : i32
          %get3A_590 = arith.index_cast %get3A_589 : i32 to index
          %get3A_591 = arith.index_cast %while3A_568 : i32 to index
          %get3A_592 = arith.constant 0 : index
          %get3A_593 = tpu.vector_load %arg6[%get3A_590, %get3A_591, %get3A_592] {strides = array<i32>} : memref<2x200x64xf32, #tpu.memory_space<vmem>>, vector<16xf32>,
          %get3A_594 = arith.constant 1 : i32
          %get3A_595 = arith.index_cast %get3A_594 : i32 to index
          %get3A_596 = arith.index_cast %while3A_568 : i32 to index
          %get3A_597 = arith.constant 0 : index
          %get3A_598 = tpu.vector_load %arg7[%get3A_595, %get3A_596, %get3A_597] {strides = array<i32>} : memref<2x200x64xf32, #tpu.memory_space<vmem>>, vector<16xf32>,
          %add3A_599 = arith.addf %while3A_569, %get3A_593 : vector<16xf32>
          %add3A_600 = arith.addf %while3A_573, %get3A_598 : vector<16xf32>
          %mul3A_601 = arith.mulf %get3A_593, %get3A_593 : vector<16xf32>
          %add3A_602 = arith.addf %while3A_577, %mul3A_601 : vector<16xf32>
          %mul3A_603 = arith.mulf %get3A_598, %get3A_598 : vector<16xf32>
          %add3A_604 = arith.addf %while3A_581, %mul3A_603 : vector<16xf32>
          %mul3A_605 = arith.mulf %get3A_593, %get3A_598 : vector<16xf32>
          %add3A_606 = arith.addf %while3A_585, %mul3A_605 : vector<16xf32>
          %get3A_607 = arith.constant 1 : i32
          %get3A_608 = arith.index_cast %get3A_607 : i32 to index
          %get3A_609 = arith.index_cast %while3A_568 : i32 to index
          %get3A_610 = arith.constant 16 : index
          %get3A_611 = tpu.vector_load %arg6[%get3A_608, %get3A_609, %get3A_610] {strides = array<i32>} : memref<2x200x64xf32, #tpu.memory_space<vmem>>, vector<16xf32>,
          %get3A_612 = arith.constant 1 : i32
          %get3A_613 = arith.index_cast %get3A_612 : i32 to index
          %get3A_614 = arith.index_cast %while3A_568 : i32 to index
          %get3A_615 = arith.constant 16 : index
          %get3A_616 = tpu.vector_load %arg7[%get3A_613, %get3A_614, %get3A_615] {strides = array<i32>} : memref<2x200x64xf32, #tpu.memory_space<vmem>>, vector<16xf32>,
          %add3A_617 = arith.addf %while3A_570, %get3A_611 : vector<16xf32>
          %add3A_618 = arith.addf %while3A_574, %get3A_616 : vector<16xf32>
          %mul3A_619 = arith.mulf %get3A_611, %get3A_611 : vector<16xf32>
          %add3A_620 = arith.addf %while3A_578, %mul3A_619 : vector<16xf32>
          %mul3A_621 = arith.mulf %get3A_616, %get3A_616 : vector<16xf32>
          %add3A_622 = arith.addf %while3A_582, %mul3A_621 : vector<16xf32>
          %mul3A_623 = arith.mulf %get3A_611, %get3A_616 : vector<16xf32>
          %add3A_624 = arith.addf %while3A_586, %mul3A_623 : vector<16xf32>
          %get3A_625 = arith.constant 1 : i32
          %get3A_626 = arith.index_cast %get3A_625 : i32 to index
          %get3A_627 = arith.index_cast %while3A_568 : i32 to index
          %get3A_628 = arith.constant 32 : index
          %get3A_629 = tpu.vector_load %arg6[%get3A_626, %get3A_627, %get3A_628] {strides = array<i32>} : memref<2x200x64xf32, #tpu.memory_space<vmem>>, vector<16xf32>,
          %get3A_630 = arith.constant 1 : i32
          %get3A_631 = arith.index_cast %get3A_630 : i32 to index
          %get3A_632 = arith.index_cast %while3A_568 : i32 to index
          %get3A_633 = arith.constant 32 : index
          %get3A_634 = tpu.vector_load %arg7[%get3A_631, %get3A_632, %get3A_633] {strides = array<i32>} : memref<2x200x64xf32, #tpu.memory_space<vmem>>, vector<16xf32>,
          %add3A_635 = arith.addf %while3A_571, %get3A_629 : vector<16xf32>
          %add3A_636 = arith.addf %while3A_575, %get3A_634 : vector<16xf32>
          %mul3A_637 = arith.mulf %get3A_629, %get3A_629 : vector<16xf32>
          %add3A_638 = arith.addf %while3A_579, %mul3A_637 : vector<16xf32>
          %mul3A_639 = arith.mulf %get3A_634, %get3A_634 : vector<16xf32>
          %add3A_640 = arith.addf %while3A_583, %mul3A_639 : vector<16xf32>
          %mul3A_641 = arith.mulf %get3A_629, %get3A_634 : vector<16xf32>
          %add3A_642 = arith.addf %while3A_587, %mul3A_641 : vector<16xf32>
          %get3A_643 = arith.constant 1 : i32
          %get3A_644 = arith.index_cast %get3A_643 : i32 to index
          %get3A_645 = arith.index_cast %while3A_568 : i32 to index
          %get3A_646 = arith.constant 48 : index
          %get3A_647 = tpu.vector_load %arg6[%get3A_644, %get3A_645, %get3A_646] {strides = array<i32>} : memref<2x200x64xf32, #tpu.memory_space<vmem>>, vector<16xf32>,
          %get3A_648 = arith.constant 1 : i32
          %get3A_649 = arith.index_cast %get3A_648 : i32 to index
          %get3A_650 = arith.index_cast %while3A_568 : i32 to index
          %get3A_651 = arith.constant 48 : index
          %get3A_652 = tpu.vector_load %arg7[%get3A_649, %get3A_650, %get3A_651] {strides = array<i32>} : memref<2x200x64xf32, #tpu.memory_space<vmem>>, vector<16xf32>,
          %add3A_653 = arith.addf %while3A_572, %get3A_647 : vector<16xf32>
          %add3A_654 = arith.addf %while3A_576, %get3A_652 : vector<16xf32>
          %mul3A_655 = arith.mulf %get3A_647, %get3A_647 : vector<16xf32>
          %add3A_656 = arith.addf %while3A_580, %mul3A_655 : vector<16xf32>
          %mul3A_657 = arith.mulf %get3A_652, %get3A_652 : vector<16xf32>
          %add3A_658 = arith.addf %while3A_584, %mul3A_657 : vector<16xf32>
          %mul3A_659 = arith.mulf %get3A_647, %get3A_652 : vector<16xf32>
          %add3A_660 = arith.addf %while3A_588, %mul3A_659 : vector<16xf32>
          scf.yield %add3A_599, %add3A_617, %add3A_635, %add3A_653, %add3A_600, %add3A_618, %add3A_636, %add3A_654, %add3A_602, %add3A_620, %add3A_638, %add3A_656, %add3A_604, %add3A_622, %add3A_640, %add3A_658, %add3A_606, %add3A_624, %add3A_642, %add3A_660 : vector<16xf32>, vector<16xf32>, vector<16xf32>, vector<16xf32>, vector<16xf32>, vector<16xf32>, vector<16xf32>, vector<16xf32>, vector<16xf32>, vector<16xf32>, vector<16xf32>, vector<16xf32>, vector<16xf32>, vector<16xf32>, vector<16xf32>, vector<16xf32>, vector<16xf32>, vector<16xf32>, vector<16xf32>, vector<16xf32>
        }
        %while3A_552 = arith.constant 1 : i32
        %while3A_553:20 = scf.for %while3A_568 = %while3A_549 to %while3A_545 step %while3A_552 iter_args(%while3A_569 = %while3A_551#0, %while3A_570 = %while3A_551#1, %while3A_571 = %while3A_551#2, %while3A_572 = %while3A_551#3, %while3A_573 = %while3A_551#4, %while3A_574 = %while3A_551#5, %while3A_575 = %while3A_551#6, %while3A_576 = %while3A_551#7, %while3A_577 = %while3A_551#8, %while3A_578 = %while3A_551#9, %while3A_579 = %while3A_551#10, %while3A_580 = %while3A_551#11, %while3A_581 = %while3A_551#12, %while3A_582 = %while3A_551#13, %while3A_583 = %while3A_551#14, %while3A_584 = %while3A_551#15, %while3A_585 = %while3A_551#16, %while3A_586 = %while3A_551#17, %while3A_587 = %while3A_551#18, %while3A_588 = %while3A_551#19) -> (vector<16xf32>, vector<16xf32>, vector<16xf32>, vector<16xf32>, vector<16xf32>, vector<16xf32>, vector<16xf32>, vector<16xf32>, vector<16xf32>, vector<16xf32>, vector<16xf32>, vector<16xf32>, vector<16xf32>, vector<16xf32>, vector<16xf32>, vector<16xf32>, vector<16xf32>, vector<16xf32>, vector<16xf32>, vector<16xf32>)  : i32 {
          %get3A_589 = arith.constant 1 : i32
          %get3A_590 = arith.index_cast %get3A_589 : i32 to index
          %get3A_591 = arith.index_cast %while3A_568 : i32 to index
          %get3A_592 = arith.constant 0 : index
          %get3A_593 = tpu.vector_load %arg6[%get3A_590, %get3A_591, %get3A_592] {strides = array<i32>} : memref<2x200x64xf32, #tpu.memory_space<vmem>>, vector<16xf32>,
          %get3A_594 = arith.constant 1 : i32
          %get3A_595 = arith.index_cast %get3A_594 : i32 to index
          %get3A_596 = arith.index_cast %while3A_568 : i32 to index
          %get3A_597 = arith.constant 0 : index
          %get3A_598 = tpu.vector_load %arg7[%get3A_595, %get3A_596, %get3A_597] {strides = array<i32>} : memref<2x200x64xf32, #tpu.memory_space<vmem>>, vector<16xf32>,
          %add3A_599 = arith.addf %while3A_569, %get3A_593 : vector<16xf32>
          %add3A_600 = arith.addf %while3A_573, %get3A_598 : vector<16xf32>
          %mul3A_601 = arith.mulf %get3A_593, %get3A_593 : vector<16xf32>
          %add3A_602 = arith.addf %while3A_577, %mul3A_601 : vector<16xf32>
          %mul3A_603 = arith.mulf %get3A_598, %get3A_598 : vector<16xf32>
          %add3A_604 = arith.addf %while3A_581, %mul3A_603 : vector<16xf32>
          %mul3A_605 = arith.mulf %get3A_593, %get3A_598 : vector<16xf32>
          %add3A_606 = arith.addf %while3A_585, %mul3A_605 : vector<16xf32>
          %get3A_607 = arith.constant 1 : i32
          %get3A_608 = arith.index_cast %get3A_607 : i32 to index
          %get3A_609 = arith.index_cast %while3A_568 : i32 to index
          %get3A_610 = arith.constant 16 : index
          %get3A_611 = tpu.vector_load %arg6[%get3A_608, %get3A_609, %get3A_610] {strides = array<i32>} : memref<2x200x64xf32, #tpu.memory_space<vmem>>, vector<16xf32>,
          %get3A_612 = arith.constant 1 : i32
          %get3A_613 = arith.index_cast %get3A_612 : i32 to index
          %get3A_614 = arith.index_cast %while3A_568 : i32 to index
          %get3A_615 = arith.constant 16 : index
          %get3A_616 = tpu.vector_load %arg7[%get3A_613, %get3A_614, %get3A_615] {strides = array<i32>} : memref<2x200x64xf32, #tpu.memory_space<vmem>>, vector<16xf32>,
          %add3A_617 = arith.addf %while3A_570, %get3A_611 : vector<16xf32>
          %add3A_618 = arith.addf %while3A_574, %get3A_616 : vector<16xf32>
          %mul3A_619 = arith.mulf %get3A_611, %get3A_611 : vector<16xf32>
          %add3A_620 = arith.addf %while3A_578, %mul3A_619 : vector<16xf32>
          %mul3A_621 = arith.mulf %get3A_616, %get3A_616 : vector<16xf32>
          %add3A_622 = arith.addf %while3A_582, %mul3A_621 : vector<16xf32>
          %mul3A_623 = arith.mulf %get3A_611, %get3A_616 : vector<16xf32>
          %add3A_624 = arith.addf %while3A_586, %mul3A_623 : vector<16xf32>
          %get3A_625 = arith.constant 1 : i32
          %get3A_626 = arith.index_cast %get3A_625 : i32 to index
          %get3A_627 = arith.index_cast %while3A_568 : i32 to index
          %get3A_628 = arith.constant 32 : index
          %get3A_629 = tpu.vector_load %arg6[%get3A_626, %get3A_627, %get3A_628] {strides = array<i32>} : memref<2x200x64xf32, #tpu.memory_space<vmem>>, vector<16xf32>,
          %get3A_630 = arith.constant 1 : i32
          %get3A_631 = arith.index_cast %get3A_630 : i32 to index
          %get3A_632 = arith.index_cast %while3A_568 : i32 to index
          %get3A_633 = arith.constant 32 : index
          %get3A_634 = tpu.vector_load %arg7[%get3A_631, %get3A_632, %get3A_633] {strides = array<i32>} : memref<2x200x64xf32, #tpu.memory_space<vmem>>, vector<16xf32>,
          %add3A_635 = arith.addf %while3A_571, %get3A_629 : vector<16xf32>
          %add3A_636 = arith.addf %while3A_575, %get3A_634 : vector<16xf32>
          %mul3A_637 = arith.mulf %get3A_629, %get3A_629 : vector<16xf32>
          %add3A_638 = arith.addf %while3A_579, %mul3A_637 : vector<16xf32>
          %mul3A_639 = arith.mulf %get3A_634, %get3A_634 : vector<16xf32>
          %add3A_640 = arith.addf %while3A_583, %mul3A_639 : vector<16xf32>
          %mul3A_641 = arith.mulf %get3A_629, %get3A_634 : vector<16xf32>
          %add3A_642 = arith.addf %while3A_587, %mul3A_641 : vector<16xf32>
          %get3A_643 = arith.constant 1 : i32
          %get3A_644 = arith.index_cast %get3A_643 : i32 to index
          %get3A_645 = arith.index_cast %while3A_568 : i32 to index
          %get3A_646 = arith.constant 48 : index
          %get3A_647 = tpu.vector_load %arg6[%get3A_644, %get3A_645, %get3A_646] {strides = array<i32>} : memref<2x200x64xf32, #tpu.memory_space<vmem>>, vector<16xf32>,
          %get3A_648 = arith.constant 1 : i32
          %get3A_649 = arith.index_cast %get3A_648 : i32 to index
          %get3A_650 = arith.index_cast %while3A_568 : i32 to index
          %get3A_651 = arith.constant 48 : index
          %get3A_652 = tpu.vector_load %arg7[%get3A_649, %get3A_650, %get3A_651] {strides = array<i32>} : memref<2x200x64xf32, #tpu.memory_space<vmem>>, vector<16xf32>,
          %add3A_653 = arith.addf %while3A_572, %get3A_647 : vector<16xf32>
          %add3A_654 = arith.addf %while3A_576, %get3A_652 : vector<16xf32>
          %mul3A_655 = arith.mulf %get3A_647, %get3A_647 : vector<16xf32>
          %add3A_656 = arith.addf %while3A_580, %mul3A_655 : vector<16xf32>
          %mul3A_657 = arith.mulf %get3A_652, %get3A_652 : vector<16xf32>
          %add3A_658 = arith.addf %while3A_584, %mul3A_657 : vector<16xf32>
          %mul3A_659 = arith.mulf %get3A_647, %get3A_652 : vector<16xf32>
          %add3A_660 = arith.addf %while3A_588, %mul3A_659 : vector<16xf32>
          scf.yield %add3A_599, %add3A_617, %add3A_635, %add3A_653, %add3A_600, %add3A_618, %add3A_636, %add3A_654, %add3A_602, %add3A_620, %add3A_638, %add3A_656, %add3A_604, %add3A_622, %add3A_640, %add3A_658, %add3A_606, %add3A_624, %add3A_642, %add3A_660 : vector<16xf32>, vector<16xf32>, vector<16xf32>, vector<16xf32>, vector<16xf32>, vector<16xf32>, vector<16xf32>, vector<16xf32>, vector<16xf32>, vector<16xf32>, vector<16xf32>, vector<16xf32>, vector<16xf32>, vector<16xf32>, vector<16xf32>, vector<16xf32>, vector<16xf32>, vector<16xf32>, vector<16xf32>, vector<16xf32>
        }
        %sub3A_554 = arith.subi %while3A_543, %while3A_505 : i32
        %add3A_555 = arith.addi %while3A_507, %sub3A_554 : i32
        %eq3A_556 = arith.cmpi eq, %while3A_506, %squeeze3A : i32
        %convert_element_type3A_557 = arith.extui %eq3A_556 : i1 to i32
        %cond3A_558 = arith.constant 0 : i32
        %cond3A_559 = arith.cmpi ne, %convert_element_type3A_557, %cond3A_558 : i32
        %cond3A_560:2 = scf.if %cond3A_559 -> (i32, i32) {
          %swap3A_568 = arith.constant 0 : index
          %swap3A_569 = tpu.vector_load %arg10[%swap3A_568] {strides = array<i32>} : memref<384xf32, #tpu.memory_space<vmem>>, vector<16xf32>,
          tpu.vector_store %arg10[%swap3A_568], %while3A_553#0 {strides = array<i32>} : memref<384xf32, #tpu.memory_space<vmem>>, vector<16xf32>,
          %swap3A_570 = arith.constant 16 : index
          %swap3A_571 = tpu.vector_load %arg10[%swap3A_570] {strides = array<i32>} : memref<384xf32, #tpu.memory_space<vmem>>, vector<16xf32>,
          tpu.vector_store %arg10[%swap3A_570], %while3A_553#1 {strides = array<i32>} : memref<384xf32, #tpu.memory_space<vmem>>, vector<16xf32>,
          %swap3A_572 = arith.constant 32 : index
          %swap3A_573 = tpu.vector_load %arg10[%swap3A_572] {strides = array<i32>} : memref<384xf32, #tpu.memory_space<vmem>>, vector<16xf32>,
          tpu.vector_store %arg10[%swap3A_572], %while3A_553#2 {strides = array<i32>} : memref<384xf32, #tpu.memory_space<vmem>>, vector<16xf32>,
          %swap3A_574 = arith.constant 48 : index
          %swap3A_575 = tpu.vector_load %arg10[%swap3A_574] {strides = array<i32>} : memref<384xf32, #tpu.memory_space<vmem>>, vector<16xf32>,
          tpu.vector_store %arg10[%swap3A_574], %while3A_553#3 {strides = array<i32>} : memref<384xf32, #tpu.memory_space<vmem>>, vector<16xf32>,
          %swap3A_576 = arith.constant 64 : index
          %swap3A_577 = tpu.vector_load %arg10[%swap3A_576] {strides = array<i32>} : memref<384xf32, #tpu.memory_space<vmem>>, vector<16xf32>,
          tpu.vector_store %arg10[%swap3A_576], %while3A_553#4 {strides = array<i32>} : memref<384xf32, #tpu.memory_space<vmem>>, vector<16xf32>,
          %swap3A_578 = arith.constant 80 : index
          %swap3A_579 = tpu.vector_load %arg10[%swap3A_578] {strides = array<i32>} : memref<384xf32, #tpu.memory_space<vmem>>, vector<16xf32>,
          tpu.vector_store %arg10[%swap3A_578], %while3A_553#5 {strides = array<i32>} : memref<384xf32, #tpu.memory_space<vmem>>, vector<16xf32>,
          %swap3A_580 = arith.constant 96 : index
          %swap3A_581 = tpu.vector_load %arg10[%swap3A_580] {strides = array<i32>} : memref<384xf32, #tpu.memory_space<vmem>>, vector<16xf32>,
          tpu.vector_store %arg10[%swap3A_580], %while3A_553#6 {strides = array<i32>} : memref<384xf32, #tpu.memory_space<vmem>>, vector<16xf32>,
          %swap3A_582 = arith.constant 112 : index
          %swap3A_583 = tpu.vector_load %arg10[%swap3A_582] {strides = array<i32>} : memref<384xf32, #tpu.memory_space<vmem>>, vector<16xf32>,
          tpu.vector_store %arg10[%swap3A_582], %while3A_553#7 {strides = array<i32>} : memref<384xf32, #tpu.memory_space<vmem>>, vector<16xf32>,
          %swap3A_584 = arith.constant 128 : index
          %swap3A_585 = tpu.vector_load %arg10[%swap3A_584] {strides = array<i32>} : memref<384xf32, #tpu.memory_space<vmem>>, vector<16xf32>,
          tpu.vector_store %arg10[%swap3A_584], %while3A_553#8 {strides = array<i32>} : memref<384xf32, #tpu.memory_space<vmem>>, vector<16xf32>,
          %swap3A_586 = arith.constant 144 : index
          %swap3A_587 = tpu.vector_load %arg10[%swap3A_586] {strides = array<i32>} : memref<384xf32, #tpu.memory_space<vmem>>, vector<16xf32>,
          tpu.vector_store %arg10[%swap3A_586], %while3A_553#9 {strides = array<i32>} : memref<384xf32, #tpu.memory_space<vmem>>, vector<16xf32>,
          %swap3A_588 = arith.constant 160 : index
          %swap3A_589 = tpu.vector_load %arg10[%swap3A_588] {strides = array<i32>} : memref<384xf32, #tpu.memory_space<vmem>>, vector<16xf32>,
          tpu.vector_store %arg10[%swap3A_588], %while3A_553#10 {strides = array<i32>} : memref<384xf32, #tpu.memory_space<vmem>>, vector<16xf32>,
          %swap3A_590 = arith.constant 176 : index
          %swap3A_591 = tpu.vector_load %arg10[%swap3A_590] {strides = array<i32>} : memref<384xf32, #tpu.memory_space<vmem>>, vector<16xf32>,
          tpu.vector_store %arg10[%swap3A_590], %while3A_553#11 {strides = array<i32>} : memref<384xf32, #tpu.memory_space<vmem>>, vector<16xf32>,
          %swap3A_592 = arith.constant 192 : index
          %swap3A_593 = tpu.vector_load %arg10[%swap3A_592] {strides = array<i32>} : memref<384xf32, #tpu.memory_space<vmem>>, vector<16xf32>,
          tpu.vector_store %arg10[%swap3A_592], %while3A_553#12 {strides = array<i32>} : memref<384xf32, #tpu.memory_space<vmem>>, vector<16xf32>,
          %swap3A_594 = arith.constant 208 : index
          %swap3A_595 = tpu.vector_load %arg10[%swap3A_594] {strides = array<i32>} : memref<384xf32, #tpu.memory_space<vmem>>, vector<16xf32>,
          tpu.vector_store %arg10[%swap3A_594], %while3A_553#13 {strides = array<i32>} : memref<384xf32, #tpu.memory_space<vmem>>, vector<16xf32>,
          %swap3A_596 = arith.constant 224 : index
          %swap3A_597 = tpu.vector_load %arg10[%swap3A_596] {strides = array<i32>} : memref<384xf32, #tpu.memory_space<vmem>>, vector<16xf32>,
          tpu.vector_store %arg10[%swap3A_596], %while3A_553#14 {strides = array<i32>} : memref<384xf32, #tpu.memory_space<vmem>>, vector<16xf32>,
          %swap3A_598 = arith.constant 240 : index
          %swap3A_599 = tpu.vector_load %arg10[%swap3A_598] {strides = array<i32>} : memref<384xf32, #tpu.memory_space<vmem>>, vector<16xf32>,
          tpu.vector_store %arg10[%swap3A_598], %while3A_553#15 {strides = array<i32>} : memref<384xf32, #tpu.memory_space<vmem>>, vector<16xf32>,
          %swap3A_600 = arith.constant 256 : index
          %swap3A_601 = tpu.vector_load %arg10[%swap3A_600] {strides = array<i32>} : memref<384xf32, #tpu.memory_space<vmem>>, vector<16xf32>,
          tpu.vector_store %arg10[%swap3A_600], %while3A_553#16 {strides = array<i32>} : memref<384xf32, #tpu.memory_space<vmem>>, vector<16xf32>,
          %swap3A_602 = arith.constant 272 : index
          %swap3A_603 = tpu.vector_load %arg10[%swap3A_602] {strides = array<i32>} : memref<384xf32, #tpu.memory_space<vmem>>, vector<16xf32>,
          tpu.vector_store %arg10[%swap3A_602], %while3A_553#17 {strides = array<i32>} : memref<384xf32, #tpu.memory_space<vmem>>, vector<16xf32>,
          %swap3A_604 = arith.constant 288 : index
          %swap3A_605 = tpu.vector_load %arg10[%swap3A_604] {strides = array<i32>} : memref<384xf32, #tpu.memory_space<vmem>>, vector<16xf32>,
          tpu.vector_store %arg10[%swap3A_604], %while3A_553#18 {strides = array<i32>} : memref<384xf32, #tpu.memory_space<vmem>>, vector<16xf32>,
          %swap3A_606 = arith.constant 304 : index
          %swap3A_607 = tpu.vector_load %arg10[%swap3A_606] {strides = array<i32>} : memref<384xf32, #tpu.memory_space<vmem>>, vector<16xf32>,
          tpu.vector_store %arg10[%swap3A_606], %while3A_553#19 {strides = array<i32>} : memref<384xf32, #tpu.memory_space<vmem>>, vector<16xf32>,
          %convert_element_type3A_608 = arith.sitofp %add3A_555 : i32 to f32
          %broadcast_in_dim3A_609 = vector.broadcast %convert_element_type3A_608 : f32 to vector<16xf32>
          %swap3A_610 = arith.constant 320 : index
          %swap3A_611 = tpu.vector_load %arg10[%swap3A_610] {strides = array<i32>} : memref<384xf32, #tpu.memory_space<vmem>>, vector<16xf32>,
          tpu.vector_store %arg10[%swap3A_610], %broadcast_in_dim3A_609 {strides = array<i32>} : memref<384xf32, #tpu.memory_space<vmem>>, vector<16xf32>,
          %mul3A_612 = arith.constant 2 : i32
          %mul3A_613 = arith.muli %arg1, %mul3A_612 : i32
          %mul3A_614 = arith.constant 384 : i32
          %mul3A_615 = arith.muli %mul3A_613, %mul3A_614 : i32
          "tpu.region"() ({
            %run_scoped3A = tpu.sem_alloc : memref<!tpu.dma_semaphore, #tpu.memory_space<semaphore_mem>>
            %dma_start3A_616 = tpu.memref_slice %arg16[%mul3A_615] : memref<12288xf32, #tpu.memory_space<vmem_shared>> -> memref<384xf32, #tpu.memory_space<vmem_shared>>
            %dma_start3A_617 = tpu.memref_slice %arg16[%mul3A_615] : memref<12288xf32, #tpu.memory_space<vmem_shared>> -> memref<384xf32, #tpu.memory_space<vmem_shared>>
            tpu.enqueue_dma source(%arg10 : memref<384xf32, #tpu.memory_space<vmem>>) target(%dma_start3A_617 : memref<384xf32, #tpu.memory_space<vmem_shared>>) target_semaphore(%run_scoped3A : memref<!tpu.dma_semaphore, #tpu.memory_space<semaphore_mem>>)
            %dma_wait3A_618 = tpu.memref_slice %arg16[%mul3A_615] : memref<12288xf32, #tpu.memory_space<vmem_shared>> -> memref<384xf32, #tpu.memory_space<vmem_shared>>
            %dma_wait3A_619 = tpu.memref_slice %arg16[%mul3A_615] : memref<12288xf32, #tpu.memory_space<vmem_shared>> -> memref<384xf32, #tpu.memory_space<vmem_shared>>
            tpu.wait_dma2 semaphore(%run_scoped3A : memref<!tpu.dma_semaphore, #tpu.memory_space<semaphore_mem>>) src(%arg10 : memref<384xf32, #tpu.memory_space<vmem>>) dst(%dma_wait3A_619 : memref<384xf32, #tpu.memory_space<vmem_shared>>)
            tpu.yield
          }) : () -> ()
          scf.yield %while3A_508, %while3A_509 : i32, i32
        } else {
          %ge3A = arith.constant 4 : i32
          %ge3A_568 = arith.cmpi sge, %while3A_509, %ge3A : i32
          %convert_element_type3A_569 = arith.extui %ge3A_568 : i1 to i32
          %cond3A_570 = arith.constant 0 : i32
          %cond3A_571 = arith.cmpi ne, %convert_element_type3A_569, %cond3A_570 : i32
          scf.if %cond3A_571 {
            %dma_wait3A_784 = arith.constant 0 : i32
            %dma_wait3A_785 = tpu.memref_slice %arg9[%dma_wait3A_784] : memref<256xf32, #tpu.memory_space<vmem>> -> memref<64xf32, #tpu.memory_space<vmem>>
            %dma_wait3A_786 = arith.constant 0 : i32
            %dma_wait3A_787 = tpu.memref_slice %arg5[%dma_wait3A_786] : memref<1280000xf32, #tpu.memory_space<hbm>> -> memref<64xf32, #tpu.memory_space<hbm>>
            %dma_wait3A_788 = arith.constant 0 : i32
            %dma_wait3A_789 = tpu.memref_slice %arg5[%dma_wait3A_788] : memref<1280000xf32, #tpu.memory_space<hbm>> -> memref<64xf32, #tpu.memory_space<hbm>>
            %dma_wait3A_790 = arith.constant 0 : i32
            %dma_wait3A_791 = tpu.memref_slice %arg9[%dma_wait3A_790] : memref<256xf32, #tpu.memory_space<vmem>> -> memref<64xf32, #tpu.memory_space<vmem>>
            tpu.wait_dma2 semaphore(%arg19 : memref<!tpu.dma_semaphore, #tpu.memory_space<semaphore_mem>>) src(%dma_wait3A_791 : memref<64xf32, #tpu.memory_space<vmem>>) dst(%dma_wait3A_789 : memref<64xf32, #tpu.memory_space<hbm>>)
          } else {
          }
          %convert_element_type3A_572 = arith.sitofp %add3A_555 : i32 to f32
          %broadcast_in_dim3A_573 = vector.broadcast %convert_element_type3A_572 : f32 to vector<16xf32>
          %div3A = arith.constant 1.000000e+00 : f32
          %div3A_574 = vector.broadcast %div3A : f32 to vector<16xf32>
          %div3A_575 = arith.divf %div3A_574, %broadcast_in_dim3A_573 : vector<16xf32>
          %mul3A_576 = arith.mulf %while3A_553#0, %div3A_575 : vector<16xf32>
          %mul3A_577 = arith.mulf %while3A_553#4, %div3A_575 : vector<16xf32>
          %mul3A_578 = arith.mulf %while3A_553#16, %div3A_575 : vector<16xf32>
          %mul3A_579 = arith.mulf %mul3A_576, %mul3A_577 : vector<16xf32>
          %sub3A_580 = arith.subf %mul3A_578, %mul3A_579 : vector<16xf32>
          %mul3A_581 = arith.mulf %while3A_553#8, %div3A_575 : vector<16xf32>
          %mul3A_582 = arith.mulf %mul3A_576, %mul3A_576 : vector<16xf32>
          %sub3A_583 = arith.subf %mul3A_581, %mul3A_582 : vector<16xf32>
          %mul3A_584 = arith.mulf %while3A_553#12, %div3A_575 : vector<16xf32>
          %mul3A_585 = arith.mulf %mul3A_577, %mul3A_577 : vector<16xf32>
          %sub3A_586 = arith.subf %mul3A_584, %mul3A_585 : vector<16xf32>
          %mul3A_587 = arith.mulf %sub3A_583, %sub3A_586 : vector<16xf32>
          %bitcast3A = vector.bitcast %mul3A_587 : vector<16xf32> to vector<16xi32>
          %shift_right_arithmetic3A_588 = arith.constant 1 : i32
          %shift_right_arithmetic3A_589 = vector.broadcast %shift_right_arithmetic3A_588 : i32 to vector<16xi32>
          %shift_right_arithmetic3A_590 = arith.shrsi %bitcast3A, %shift_right_arithmetic3A_589 : vector<16xi32>
          %sub3A_591 = arith.constant 1597463007 : i32
          %sub3A_592 = vector.broadcast %sub3A_591 : i32 to vector<16xi32>
          %sub3A_593 = arith.subi %sub3A_592, %shift_right_arithmetic3A_590 : vector<16xi32>
          %bitcast3A_594 = vector.bitcast %sub3A_593 : vector<16xi32> to vector<16xf32>
          %mul3A_595 = arith.constant -5.000000e-01 : f32
          %mul3A_596 = vector.broadcast %mul3A_595 : f32 to vector<16xf32>
          %mul3A_597 = arith.mulf %mul3A_596, %mul3A_587 : vector<16xf32>
          %mul3A_598 = arith.mulf %mul3A_597, %bitcast3A_594 : vector<16xf32>
          %mul3A_599 = arith.mulf %mul3A_598, %bitcast3A_594 : vector<16xf32>
          %add3A_600 = arith.constant 1.500000e+00 : f32
          %add3A_601 = vector.broadcast %add3A_600 : f32 to vector<16xf32>
          %add3A_602 = arith.addf %add3A_601, %mul3A_599 : vector<16xf32>
          %mul3A_603 = arith.mulf %bitcast3A_594, %add3A_602 : vector<16xf32>
          %mul3A_604 = arith.mulf %mul3A_597, %mul3A_603 : vector<16xf32>
          %mul3A_605 = arith.mulf %mul3A_604, %mul3A_603 : vector<16xf32>
          %add3A_606 = arith.constant 1.500000e+00 : f32
          %add3A_607 = vector.broadcast %add3A_606 : f32 to vector<16xf32>
          %add3A_608 = arith.addf %add3A_607, %mul3A_605 : vector<16xf32>
          %mul3A_609 = arith.mulf %mul3A_603, %add3A_608 : vector<16xf32>
          %mul3A_610 = arith.mulf %mul3A_597, %mul3A_609 : vector<16xf32>
          %mul3A_611 = arith.mulf %mul3A_610, %mul3A_609 : vector<16xf32>
          %add3A_612 = arith.constant 1.500000e+00 : f32
          %add3A_613 = vector.broadcast %add3A_612 : f32 to vector<16xf32>
          %add3A_614 = arith.addf %add3A_613, %mul3A_611 : vector<16xf32>
          %mul3A_615 = arith.mulf %mul3A_609, %add3A_614 : vector<16xf32>
          %mul3A_616 = arith.mulf %sub3A_580, %mul3A_615 : vector<16xf32>
          %mul3A_617 = arith.mulf %while3A_553#1, %div3A_575 : vector<16xf32>
          %mul3A_618 = arith.mulf %while3A_553#5, %div3A_575 : vector<16xf32>
          %mul3A_619 = arith.mulf %while3A_553#17, %div3A_575 : vector<16xf32>
          %mul3A_620 = arith.mulf %mul3A_617, %mul3A_618 : vector<16xf32>
          %sub3A_621 = arith.subf %mul3A_619, %mul3A_620 : vector<16xf32>
          %mul3A_622 = arith.mulf %while3A_553#9, %div3A_575 : vector<16xf32>
          %mul3A_623 = arith.mulf %mul3A_617, %mul3A_617 : vector<16xf32>
          %sub3A_624 = arith.subf %mul3A_622, %mul3A_623 : vector<16xf32>
          %mul3A_625 = arith.mulf %while3A_553#13, %div3A_575 : vector<16xf32>
          %mul3A_626 = arith.mulf %mul3A_618, %mul3A_618 : vector<16xf32>
          %sub3A_627 = arith.subf %mul3A_625, %mul3A_626 : vector<16xf32>
          %mul3A_628 = arith.mulf %sub3A_624, %sub3A_627 : vector<16xf32>
          %bitcast3A_629 = vector.bitcast %mul3A_628 : vector<16xf32> to vector<16xi32>
          %shift_right_arithmetic3A_630 = arith.constant 1 : i32
          %shift_right_arithmetic3A_631 = vector.broadcast %shift_right_arithmetic3A_630 : i32 to vector<16xi32>
          %shift_right_arithmetic3A_632 = arith.shrsi %bitcast3A_629, %shift_right_arithmetic3A_631 : vector<16xi32>
          %sub3A_633 = arith.constant 1597463007 : i32
          %sub3A_634 = vector.broadcast %sub3A_633 : i32 to vector<16xi32>
          %sub3A_635 = arith.subi %sub3A_634, %shift_right_arithmetic3A_632 : vector<16xi32>
          %bitcast3A_636 = vector.bitcast %sub3A_635 : vector<16xi32> to vector<16xf32>
          %mul3A_637 = arith.constant -5.000000e-01 : f32
          %mul3A_638 = vector.broadcast %mul3A_637 : f32 to vector<16xf32>
          %mul3A_639 = arith.mulf %mul3A_638, %mul3A_628 : vector<16xf32>
          %mul3A_640 = arith.mulf %mul3A_639, %bitcast3A_636 : vector<16xf32>
          %mul3A_641 = arith.mulf %mul3A_640, %bitcast3A_636 : vector<16xf32>
          %add3A_642 = arith.constant 1.500000e+00 : f32
          %add3A_643 = vector.broadcast %add3A_642 : f32 to vector<16xf32>
          %add3A_644 = arith.addf %add3A_643, %mul3A_641 : vector<16xf32>
          %mul3A_645 = arith.mulf %bitcast3A_636, %add3A_644 : vector<16xf32>
          %mul3A_646 = arith.mulf %mul3A_639, %mul3A_645 : vector<16xf32>
          %mul3A_647 = arith.mulf %mul3A_646, %mul3A_645 : vector<16xf32>
          %add3A_648 = arith.constant 1.500000e+00 : f32
          %add3A_649 = vector.broadcast %add3A_648 : f32 to vector<16xf32>
          %add3A_650 = arith.addf %add3A_649, %mul3A_647 : vector<16xf32>
          %mul3A_651 = arith.mulf %mul3A_645, %add3A_650 : vector<16xf32>
          %mul3A_652 = arith.mulf %mul3A_639, %mul3A_651 : vector<16xf32>
          %mul3A_653 = arith.mulf %mul3A_652, %mul3A_651 : vector<16xf32>
          %add3A_654 = arith.constant 1.500000e+00 : f32
          %add3A_655 = vector.broadcast %add3A_654 : f32 to vector<16xf32>
          %add3A_656 = arith.addf %add3A_655, %mul3A_653 : vector<16xf32>
          %mul3A_657 = arith.mulf %mul3A_651, %add3A_656 : vector<16xf32>
          %mul3A_658 = arith.mulf %sub3A_621, %mul3A_657 : vector<16xf32>
          %mul3A_659 = arith.mulf %while3A_553#2, %div3A_575 : vector<16xf32>
          %mul3A_660 = arith.mulf %while3A_553#6, %div3A_575 : vector<16xf32>
          %mul3A_661 = arith.mulf %while3A_553#18, %div3A_575 : vector<16xf32>
          %mul3A_662 = arith.mulf %mul3A_659, %mul3A_660 : vector<16xf32>
          %sub3A_663 = arith.subf %mul3A_661, %mul3A_662 : vector<16xf32>
          %mul3A_664 = arith.mulf %while3A_553#10, %div3A_575 : vector<16xf32>
          %mul3A_665 = arith.mulf %mul3A_659, %mul3A_659 : vector<16xf32>
          %sub3A_666 = arith.subf %mul3A_664, %mul3A_665 : vector<16xf32>
          %mul3A_667 = arith.mulf %while3A_553#14, %div3A_575 : vector<16xf32>
          %mul3A_668 = arith.mulf %mul3A_660, %mul3A_660 : vector<16xf32>
          %sub3A_669 = arith.subf %mul3A_667, %mul3A_668 : vector<16xf32>
          %mul3A_670 = arith.mulf %sub3A_666, %sub3A_669 : vector<16xf32>
          %bitcast3A_671 = vector.bitcast %mul3A_670 : vector<16xf32> to vector<16xi32>
          %shift_right_arithmetic3A_672 = arith.constant 1 : i32
          %shift_right_arithmetic3A_673 = vector.broadcast %shift_right_arithmetic3A_672 : i32 to vector<16xi32>
          %shift_right_arithmetic3A_674 = arith.shrsi %bitcast3A_671, %shift_right_arithmetic3A_673 : vector<16xi32>
          %sub3A_675 = arith.constant 1597463007 : i32
          %sub3A_676 = vector.broadcast %sub3A_675 : i32 to vector<16xi32>
          %sub3A_677 = arith.subi %sub3A_676, %shift_right_arithmetic3A_674 : vector<16xi32>
          %bitcast3A_678 = vector.bitcast %sub3A_677 : vector<16xi32> to vector<16xf32>
          %mul3A_679 = arith.constant -5.000000e-01 : f32
          %mul3A_680 = vector.broadcast %mul3A_679 : f32 to vector<16xf32>
          %mul3A_681 = arith.mulf %mul3A_680, %mul3A_670 : vector<16xf32>
          %mul3A_682 = arith.mulf %mul3A_681, %bitcast3A_678 : vector<16xf32>
          %mul3A_683 = arith.mulf %mul3A_682, %bitcast3A_678 : vector<16xf32>
          %add3A_684 = arith.constant 1.500000e+00 : f32
          %add3A_685 = vector.broadcast %add3A_684 : f32 to vector<16xf32>
          %add3A_686 = arith.addf %add3A_685, %mul3A_683 : vector<16xf32>
          %mul3A_687 = arith.mulf %bitcast3A_678, %add3A_686 : vector<16xf32>
          %mul3A_688 = arith.mulf %mul3A_681, %mul3A_687 : vector<16xf32>
          %mul3A_689 = arith.mulf %mul3A_688, %mul3A_687 : vector<16xf32>
          %add3A_690 = arith.constant 1.500000e+00 : f32
          %add3A_691 = vector.broadcast %add3A_690 : f32 to vector<16xf32>
          %add3A_692 = arith.addf %add3A_691, %mul3A_689 : vector<16xf32>
          %mul3A_693 = arith.mulf %mul3A_687, %add3A_692 : vector<16xf32>
          %mul3A_694 = arith.mulf %mul3A_681, %mul3A_693 : vector<16xf32>
          %mul3A_695 = arith.mulf %mul3A_694, %mul3A_693 : vector<16xf32>
          %add3A_696 = arith.constant 1.500000e+00 : f32
          %add3A_697 = vector.broadcast %add3A_696 : f32 to vector<16xf32>
          %add3A_698 = arith.addf %add3A_697, %mul3A_695 : vector<16xf32>
          %mul3A_699 = arith.mulf %mul3A_693, %add3A_698 : vector<16xf32>
          %mul3A_700 = arith.mulf %sub3A_663, %mul3A_699 : vector<16xf32>
          %mul3A_701 = arith.mulf %while3A_553#3, %div3A_575 : vector<16xf32>
          %mul3A_702 = arith.mulf %while3A_553#7, %div3A_575 : vector<16xf32>
          %mul3A_703 = arith.mulf %while3A_553#19, %div3A_575 : vector<16xf32>
          %mul3A_704 = arith.mulf %mul3A_701, %mul3A_702 : vector<16xf32>
          %sub3A_705 = arith.subf %mul3A_703, %mul3A_704 : vector<16xf32>
          %mul3A_706 = arith.mulf %while3A_553#11, %div3A_575 : vector<16xf32>
          %mul3A_707 = arith.mulf %mul3A_701, %mul3A_701 : vector<16xf32>
          %sub3A_708 = arith.subf %mul3A_706, %mul3A_707 : vector<16xf32>
          %mul3A_709 = arith.mulf %while3A_553#15, %div3A_575 : vector<16xf32>
          %mul3A_710 = arith.mulf %mul3A_702, %mul3A_702 : vector<16xf32>
          %sub3A_711 = arith.subf %mul3A_709, %mul3A_710 : vector<16xf32>
          %mul3A_712 = arith.mulf %sub3A_708, %sub3A_711 : vector<16xf32>
          %bitcast3A_713 = vector.bitcast %mul3A_712 : vector<16xf32> to vector<16xi32>
          %shift_right_arithmetic3A_714 = arith.constant 1 : i32
          %shift_right_arithmetic3A_715 = vector.broadcast %shift_right_arithmetic3A_714 : i32 to vector<16xi32>
          %shift_right_arithmetic3A_716 = arith.shrsi %bitcast3A_713, %shift_right_arithmetic3A_715 : vector<16xi32>
          %sub3A_717 = arith.constant 1597463007 : i32
          %sub3A_718 = vector.broadcast %sub3A_717 : i32 to vector<16xi32>
          %sub3A_719 = arith.subi %sub3A_718, %shift_right_arithmetic3A_716 : vector<16xi32>
          %bitcast3A_720 = vector.bitcast %sub3A_719 : vector<16xi32> to vector<16xf32>
          %mul3A_721 = arith.constant -5.000000e-01 : f32
          %mul3A_722 = vector.broadcast %mul3A_721 : f32 to vector<16xf32>
          %mul3A_723 = arith.mulf %mul3A_722, %mul3A_712 : vector<16xf32>
          %mul3A_724 = arith.mulf %mul3A_723, %bitcast3A_720 : vector<16xf32>
          %mul3A_725 = arith.mulf %mul3A_724, %bitcast3A_720 : vector<16xf32>
          %add3A_726 = arith.constant 1.500000e+00 : f32
          %add3A_727 = vector.broadcast %add3A_726 : f32 to vector<16xf32>
          %add3A_728 = arith.addf %add3A_727, %mul3A_725 : vector<16xf32>
          %mul3A_729 = arith.mulf %bitcast3A_720, %add3A_728 : vector<16xf32>
          %mul3A_730 = arith.mulf %mul3A_723, %mul3A_729 : vector<16xf32>
          %mul3A_731 = arith.mulf %mul3A_730, %mul3A_729 : vector<16xf32>
          %add3A_732 = arith.constant 1.500000e+00 : f32
          %add3A_733 = vector.broadcast %add3A_732 : f32 to vector<16xf32>
          %add3A_734 = arith.addf %add3A_733, %mul3A_731 : vector<16xf32>
          %mul3A_735 = arith.mulf %mul3A_729, %add3A_734 : vector<16xf32>
          %mul3A_736 = arith.mulf %mul3A_723, %mul3A_735 : vector<16xf32>
          %mul3A_737 = arith.mulf %mul3A_736, %mul3A_735 : vector<16xf32>
          %add3A_738 = arith.constant 1.500000e+00 : f32
          %add3A_739 = vector.broadcast %add3A_738 : f32 to vector<16xf32>
          %add3A_740 = arith.addf %add3A_739, %mul3A_737 : vector<16xf32>
          %mul3A_741 = arith.mulf %mul3A_735, %add3A_740 : vector<16xf32>
          %mul3A_742 = arith.mulf %sub3A_705, %mul3A_741 : vector<16xf32>
          %mul3A_743 = arith.constant 64 : i32
          %mul3A_744 = arith.muli %while3A_508, %mul3A_743 : i32
          %add3A_745 = arith.constant 0 : i32
          %add3A_746 = arith.addi %mul3A_744, %add3A_745 : i32
          %swap3A_747 = arith.index_cast %add3A_746 : i32 to index
          %swap3A_748 = tpu.vector_load %arg9[%swap3A_747] {strides = array<i32>} : memref<256xf32, #tpu.memory_space<vmem>>, vector<16xf32>,
          tpu.vector_store %arg9[%swap3A_747], %mul3A_616 {strides = array<i32>} : memref<256xf32, #tpu.memory_space<vmem>>, vector<16xf32>,
          %mul3A_749 = arith.constant 64 : i32
          %mul3A_750 = arith.muli %while3A_508, %mul3A_749 : i32
          %add3A_751 = arith.constant 16 : i32
          %add3A_752 = arith.addi %mul3A_750, %add3A_751 : i32
          %swap3A_753 = arith.index_cast %add3A_752 : i32 to index
          %swap3A_754 = tpu.vector_load %arg9[%swap3A_753] {strides = array<i32>} : memref<256xf32, #tpu.memory_space<vmem>>, vector<16xf32>,
          tpu.vector_store %arg9[%swap3A_753], %mul3A_658 {strides = array<i32>} : memref<256xf32, #tpu.memory_space<vmem>>, vector<16xf32>,
          %mul3A_755 = arith.constant 64 : i32
          %mul3A_756 = arith.muli %while3A_508, %mul3A_755 : i32
          %add3A_757 = arith.constant 32 : i32
          %add3A_758 = arith.addi %mul3A_756, %add3A_757 : i32
          %swap3A_759 = arith.index_cast %add3A_758 : i32 to index
          %swap3A_760 = tpu.vector_load %arg9[%swap3A_759] {strides = array<i32>} : memref<256xf32, #tpu.memory_space<vmem>>, vector<16xf32>,
          tpu.vector_store %arg9[%swap3A_759], %mul3A_700 {strides = array<i32>} : memref<256xf32, #tpu.memory_space<vmem>>, vector<16xf32>,
          %mul3A_761 = arith.constant 64 : i32
          %mul3A_762 = arith.muli %while3A_508, %mul3A_761 : i32
          %add3A_763 = arith.constant 48 : i32
          %add3A_764 = arith.addi %mul3A_762, %add3A_763 : i32
          %swap3A_765 = arith.index_cast %add3A_764 : i32 to index
          %swap3A_766 = tpu.vector_load %arg9[%swap3A_765] {strides = array<i32>} : memref<256xf32, #tpu.memory_space<vmem>>, vector<16xf32>,
          tpu.vector_store %arg9[%swap3A_765], %mul3A_742 {strides = array<i32>} : memref<256xf32, #tpu.memory_space<vmem>>, vector<16xf32>,
          %mul3A_767 = arith.constant 64 : i32
          %mul3A_768 = arith.muli %while3A_508, %mul3A_767 : i32
          %mul3A_769 = arith.constant 128 : i32
          %mul3A_770 = arith.muli %while3A_506, %mul3A_769 : i32
          %add3A_771 = arith.addi %mul3A_770, %mul3A_0 : i32
          %dma_start3A_772 = tpu.memref_slice %arg9[%mul3A_768] : memref<256xf32, #tpu.memory_space<vmem>> -> memref<64xf32, #tpu.memory_space<vmem>>
          %dma_start3A_773 = tpu.memref_slice %arg5[%add3A_771] : memref<1280000xf32, #tpu.memory_space<hbm>> -> memref<64xf32, #tpu.memory_space<hbm>>
          %dma_start3A_774 = tpu.memref_slice %arg5[%add3A_771] : memref<1280000xf32, #tpu.memory_space<hbm>> -> memref<64xf32, #tpu.memory_space<hbm>>
          %dma_start3A_775 = tpu.memref_slice %arg9[%mul3A_768] : memref<256xf32, #tpu.memory_space<vmem>> -> memref<64xf32, #tpu.memory_space<vmem>>
          tpu.enqueue_dma source(%dma_start3A_775 : memref<64xf32, #tpu.memory_space<vmem>>) target(%dma_start3A_774 : memref<64xf32, #tpu.memory_space<hbm>>) target_semaphore(%arg19 : memref<!tpu.dma_semaphore, #tpu.memory_space<semaphore_mem>>)
          %add3A_776 = arith.constant 1 : i32
          %add3A_777 = arith.addi %while3A_508, %add3A_776 : i32
          %and3A_778 = arith.constant 3 : i32
          %and3A_779 = arith.andi %add3A_777, %and3A_778 : i32
          %add3A_780 = arith.constant 1 : i32
          %add3A_781 = arith.addi %while3A_509, %add3A_780 : i32
          %convert_element_type3A_782 = arith.extui %ge3A_568 : i1 to i32
          %sub3A_783 = arith.subi %add3A_781, %convert_element_type3A_782 : i32
          scf.yield %and3A_779, %sub3A_783 : i32, i32
        }
        %add3A_561 = arith.constant 248 : i32
        %add3A_562 = arith.addi %add3A_561, %while3A_543 : i32
        %get3A_563 = arith.index_cast %add3A_562 : i32 to index
        %get3A_564 = tpu.vector_load %arg8[%get3A_563] {strides = array<i32>} : memref<464xi32, #tpu.memory_space<vmem>>, vector<16xi32>,
        %slice3A_565 = vector.extract_strided_slice %get3A_564 {offsets = [0], sizes = [1], strides = [1]} : vector<16xi32> to vector<1xi32>
        %squeeze3A_566 = vector.extract %slice3A_565[0] : i32 from vector<1xi32>
        %while3A_567 = arith.constant 0 : i32
        scf.yield %while3A_543, %squeeze3A_566, %while3A_567, %cond3A_560#0, %cond3A_560#1, %broadcast_in_dim3A_61, %broadcast_in_dim3A_61, %broadcast_in_dim3A_61, %broadcast_in_dim3A_61, %broadcast_in_dim3A_61, %broadcast_in_dim3A_61, %broadcast_in_dim3A_61, %broadcast_in_dim3A_61, %broadcast_in_dim3A_61, %broadcast_in_dim3A_61, %broadcast_in_dim3A_61, %broadcast_in_dim3A_61, %broadcast_in_dim3A_61, %broadcast_in_dim3A_61, %broadcast_in_dim3A_61, %broadcast_in_dim3A_61, %broadcast_in_dim3A_61, %broadcast_in_dim3A_61, %broadcast_in_dim3A_61, %broadcast_in_dim3A_61 : i32, i32, i32, i32, i32, vector<16xf32>, vector<16xf32>, vector<16xf32>, vector<16xf32>, vector<16xf32>, vector<16xf32>, vector<16xf32>, vector<16xf32>, vector<16xf32>, vector<16xf32>, vector<16xf32>, vector<16xf32>, vector<16xf32>, vector<16xf32>, vector<16xf32>, vector<16xf32>, vector<16xf32>, vector<16xf32>, vector<16xf32>, vector<16xf32>
      }
      %while3A_488 = arith.constant 1 : i32
      %while3A_489:25 = scf.for %while3A_504 = %while3A_485 to %while3A_481 step %while3A_488 iter_args(%while3A_505 = %while3A_487#0, %while3A_506 = %while3A_487#1, %while3A_507 = %while3A_487#2, %while3A_508 = %while3A_487#3, %while3A_509 = %while3A_487#4, %while3A_510 = %while3A_487#5, %while3A_511 = %while3A_487#6, %while3A_512 = %while3A_487#7, %while3A_513 = %while3A_487#8, %while3A_514 = %while3A_487#9, %while3A_515 = %while3A_487#10, %while3A_516 = %while3A_487#11, %while3A_517 = %while3A_487#12, %while3A_518 = %while3A_487#13, %while3A_519 = %while3A_487#14, %while3A_520 = %while3A_487#15, %while3A_521 = %while3A_487#16, %while3A_522 = %while3A_487#17, %while3A_523 = %while3A_487#18, %while3A_524 = %while3A_487#19, %while3A_525 = %while3A_487#20, %while3A_526 = %while3A_487#21, %while3A_527 = %while3A_487#22, %while3A_528 = %while3A_487#23, %while3A_529 = %while3A_487#24) -> (i32, i32, i32, i32, i32, vector<16xf32>, vector<16xf32>, vector<16xf32>, vector<16xf32>, vector<16xf32>, vector<16xf32>, vector<16xf32>, vector<16xf32>, vector<16xf32>, vector<16xf32>, vector<16xf32>, vector<16xf32>, vector<16xf32>, vector<16xf32>, vector<16xf32>, vector<16xf32>, vector<16xf32>, vector<16xf32>, vector<16xf32>, vector<16xf32>)  : i32 {
        %broadcast_in_dim3A_530 = vector.broadcast %while3A_506 : i32 to vector<16xi32>
        %shift_right_arithmetic3A = arith.constant 4 : i32
        %shift_right_arithmetic3A_531 = arith.shrsi %while3A_505, %shift_right_arithmetic3A : i32
        %while3A_532 = arith.constant 13 : i32
        %while3A_533 = arith.constant -1 : i32
        %while3A_534 = arith.subi %while3A_532, %shift_right_arithmetic3A_531 : i32
        %while3A_535 = arith.addi %shift_right_arithmetic3A_531, %while3A_534 : i32
        %while3A_536 = arith.constant 1 : i32
        %while3A_537 = arith.divsi %while3A_534, %while3A_536 : i32
        %while3A_538 = arith.muli %while3A_537, %while3A_536 : i32
        %while3A_539 = arith.addi %shift_right_arithmetic3A_531, %while3A_538 : i32
        %while3A_540 = arith.constant 1 : i32
        %while3A_541 = scf.for %while3A_568 = %shift_right_arithmetic3A_531 to %while3A_539 step %while3A_540 iter_args(%while3A_569 = %while3A_533) -> (i32)  : i32 {
          %lt3A_570 = arith.constant 0 : i32
          %lt3A_571 = arith.cmpi slt, %while3A_569, %lt3A_570 : i32
          %convert_element_type3A_572 = arith.extui %lt3A_571 : i1 to i32
          %cond3A_573 = arith.constant 0 : i32
          %cond3A_574 = arith.cmpi ne, %convert_element_type3A_572, %cond3A_573 : i32
          %cond3A_575 = scf.if %cond3A_574 -> (i32) {
            %mul3A_576 = arith.constant 16 : i32
            %mul3A_577 = arith.muli %while3A_568, %mul3A_576 : i32
            %add3A_578 = arith.constant 248 : i32
            %add3A_579 = arith.addi %add3A_578, %mul3A_577 : i32
            %get3A_580 = arith.index_cast %add3A_579 : i32 to index
            %get3A_581 = tpu.vector_load %arg8[%get3A_580] {strides = array<i32>} : memref<464xi32, #tpu.memory_space<vmem>>, vector<16xi32>,
            %ne3A_582 = arith.cmpi ne, %get3A_581, %broadcast_in_dim3A_530 : vector<16xi32>
            %add3A_583 = vector.broadcast %mul3A_577 : i32 to vector<16xi32>
            %add3A_584 = arith.addi %add3A_583, %iota3A : vector<16xi32>
            %ge3A = vector.broadcast %while3A_505 : i32 to vector<16xi32>
            %ge3A_585 = arith.cmpi sge, %add3A_584, %ge3A : vector<16xi32>
            %and3A_586 = arith.andi %ne3A_582, %ge3A_585 : vector<16xi1>
            %all_reduce_ffs3A = tpu.all_reduce %and3A_586 {dim = 0 : i64, kind = #tpu.reduction_kind<find_first_set>} : vector<16xi1> -> vector<16xi32>
            %slice3A_587 = vector.extract_strided_slice %all_reduce_ffs3A {offsets = [0], sizes = [1], strides = [1]} : vector<16xi32> to vector<1xi32>
            %squeeze3A_588 = vector.extract %slice3A_587[0] : i32 from vector<1xi32>
            %lt3A_589 = arith.constant 16 : i32
            %lt3A_590 = arith.cmpi slt, %squeeze3A_588, %lt3A_589 : i32
            %add3A_591 = arith.addi %mul3A_577, %squeeze3A_588 : i32
            %jit3A_592 = arith.constant -1 : i32
            %select_n3A_593 = arith.select %lt3A_590, %add3A_591, %jit3A_592 : i32
            scf.yield %select_n3A_593 : i32
          } else {
            scf.yield %while3A_569 : i32
          }
          scf.yield %cond3A_575 : i32
        }
        %while3A_542 = arith.constant 1 : i32
        %while3A_543 = scf.for %while3A_568 = %while3A_539 to %while3A_535 step %while3A_542 iter_args(%while3A_569 = %while3A_541) -> (i32)  : i32 {
          %lt3A_570 = arith.constant 0 : i32
          %lt3A_571 = arith.cmpi slt, %while3A_569, %lt3A_570 : i32
          %convert_element_type3A_572 = arith.extui %lt3A_571 : i1 to i32
          %cond3A_573 = arith.constant 0 : i32
          %cond3A_574 = arith.cmpi ne, %convert_element_type3A_572, %cond3A_573 : i32
          %cond3A_575 = scf.if %cond3A_574 -> (i32) {
            %mul3A_576 = arith.constant 16 : i32
            %mul3A_577 = arith.muli %while3A_568, %mul3A_576 : i32
            %add3A_578 = arith.constant 248 : i32
            %add3A_579 = arith.addi %add3A_578, %mul3A_577 : i32
            %get3A_580 = arith.index_cast %add3A_579 : i32 to index
            %get3A_581 = tpu.vector_load %arg8[%get3A_580] {strides = array<i32>} : memref<464xi32, #tpu.memory_space<vmem>>, vector<16xi32>,
            %ne3A_582 = arith.cmpi ne, %get3A_581, %broadcast_in_dim3A_530 : vector<16xi32>
            %add3A_583 = vector.broadcast %mul3A_577 : i32 to vector<16xi32>
            %add3A_584 = arith.addi %add3A_583, %iota3A : vector<16xi32>
            %ge3A = vector.broadcast %while3A_505 : i32 to vector<16xi32>
            %ge3A_585 = arith.cmpi sge, %add3A_584, %ge3A : vector<16xi32>
            %and3A_586 = arith.andi %ne3A_582, %ge3A_585 : vector<16xi1>
            %all_reduce_ffs3A = tpu.all_reduce %and3A_586 {dim = 0 : i64, kind = #tpu.reduction_kind<find_first_set>} : vector<16xi1> -> vector<16xi32>
            %slice3A_587 = vector.extract_strided_slice %all_reduce_ffs3A {offsets = [0], sizes = [1], strides = [1]} : vector<16xi32> to vector<1xi32>
            %squeeze3A_588 = vector.extract %slice3A_587[0] : i32 from vector<1xi32>
            %lt3A_589 = arith.constant 16 : i32
            %lt3A_590 = arith.cmpi slt, %squeeze3A_588, %lt3A_589 : i32
            %add3A_591 = arith.addi %mul3A_577, %squeeze3A_588 : i32
            %jit3A_592 = arith.constant -1 : i32
            %select_n3A_593 = arith.select %lt3A_590, %add3A_591, %jit3A_592 : i32
            scf.yield %select_n3A_593 : i32
          } else {
            scf.yield %while3A_569 : i32
          }
          scf.yield %cond3A_575 : i32
        }
        %while3A_544 = arith.subi %while3A_543, %while3A_505 : i32
        %while3A_545 = arith.addi %while3A_505, %while3A_544 : i32
        %while3A_546 = arith.constant 1 : i32
        %while3A_547 = arith.divsi %while3A_544, %while3A_546 : i32
        %while3A_548 = arith.muli %while3A_547, %while3A_546 : i32
        %while3A_549 = arith.addi %while3A_505, %while3A_548 : i32
        %while3A_550 = arith.constant 1 : i32
        %while3A_551:20 = scf.for %while3A_568 = %while3A_505 to %while3A_549 step %while3A_550 iter_args(%while3A_569 = %while3A_510, %while3A_570 = %while3A_511, %while3A_571 = %while3A_512, %while3A_572 = %while3A_513, %while3A_573 = %while3A_514, %while3A_574 = %while3A_515, %while3A_575 = %while3A_516, %while3A_576 = %while3A_517, %while3A_577 = %while3A_518, %while3A_578 = %while3A_519, %while3A_579 = %while3A_520, %while3A_580 = %while3A_521, %while3A_581 = %while3A_522, %while3A_582 = %while3A_523, %while3A_583 = %while3A_524, %while3A_584 = %while3A_525, %while3A_585 = %while3A_526, %while3A_586 = %while3A_527, %while3A_587 = %while3A_528, %while3A_588 = %while3A_529) -> (vector<16xf32>, vector<16xf32>, vector<16xf32>, vector<16xf32>, vector<16xf32>, vector<16xf32>, vector<16xf32>, vector<16xf32>, vector<16xf32>, vector<16xf32>, vector<16xf32>, vector<16xf32>, vector<16xf32>, vector<16xf32>, vector<16xf32>, vector<16xf32>, vector<16xf32>, vector<16xf32>, vector<16xf32>, vector<16xf32>)  : i32 {
          %get3A_589 = arith.constant 1 : i32
          %get3A_590 = arith.index_cast %get3A_589 : i32 to index
          %get3A_591 = arith.index_cast %while3A_568 : i32 to index
          %get3A_592 = arith.constant 0 : index
          %get3A_593 = tpu.vector_load %arg6[%get3A_590, %get3A_591, %get3A_592] {strides = array<i32>} : memref<2x200x64xf32, #tpu.memory_space<vmem>>, vector<16xf32>,
          %get3A_594 = arith.constant 1 : i32
          %get3A_595 = arith.index_cast %get3A_594 : i32 to index
          %get3A_596 = arith.index_cast %while3A_568 : i32 to index
          %get3A_597 = arith.constant 0 : index
          %get3A_598 = tpu.vector_load %arg7[%get3A_595, %get3A_596, %get3A_597] {strides = array<i32>} : memref<2x200x64xf32, #tpu.memory_space<vmem>>, vector<16xf32>,
          %add3A_599 = arith.addf %while3A_569, %get3A_593 : vector<16xf32>
          %add3A_600 = arith.addf %while3A_573, %get3A_598 : vector<16xf32>
          %mul3A_601 = arith.mulf %get3A_593, %get3A_593 : vector<16xf32>
          %add3A_602 = arith.addf %while3A_577, %mul3A_601 : vector<16xf32>
          %mul3A_603 = arith.mulf %get3A_598, %get3A_598 : vector<16xf32>
          %add3A_604 = arith.addf %while3A_581, %mul3A_603 : vector<16xf32>
          %mul3A_605 = arith.mulf %get3A_593, %get3A_598 : vector<16xf32>
          %add3A_606 = arith.addf %while3A_585, %mul3A_605 : vector<16xf32>
          %get3A_607 = arith.constant 1 : i32
          %get3A_608 = arith.index_cast %get3A_607 : i32 to index
          %get3A_609 = arith.index_cast %while3A_568 : i32 to index
          %get3A_610 = arith.constant 16 : index
          %get3A_611 = tpu.vector_load %arg6[%get3A_608, %get3A_609, %get3A_610] {strides = array<i32>} : memref<2x200x64xf32, #tpu.memory_space<vmem>>, vector<16xf32>,
          %get3A_612 = arith.constant 1 : i32
          %get3A_613 = arith.index_cast %get3A_612 : i32 to index
          %get3A_614 = arith.index_cast %while3A_568 : i32 to index
          %get3A_615 = arith.constant 16 : index
          %get3A_616 = tpu.vector_load %arg7[%get3A_613, %get3A_614, %get3A_615] {strides = array<i32>} : memref<2x200x64xf32, #tpu.memory_space<vmem>>, vector<16xf32>,
          %add3A_617 = arith.addf %while3A_570, %get3A_611 : vector<16xf32>
          %add3A_618 = arith.addf %while3A_574, %get3A_616 : vector<16xf32>
          %mul3A_619 = arith.mulf %get3A_611, %get3A_611 : vector<16xf32>
          %add3A_620 = arith.addf %while3A_578, %mul3A_619 : vector<16xf32>
          %mul3A_621 = arith.mulf %get3A_616, %get3A_616 : vector<16xf32>
          %add3A_622 = arith.addf %while3A_582, %mul3A_621 : vector<16xf32>
          %mul3A_623 = arith.mulf %get3A_611, %get3A_616 : vector<16xf32>
          %add3A_624 = arith.addf %while3A_586, %mul3A_623 : vector<16xf32>
          %get3A_625 = arith.constant 1 : i32
          %get3A_626 = arith.index_cast %get3A_625 : i32 to index
          %get3A_627 = arith.index_cast %while3A_568 : i32 to index
          %get3A_628 = arith.constant 32 : index
          %get3A_629 = tpu.vector_load %arg6[%get3A_626, %get3A_627, %get3A_628] {strides = array<i32>} : memref<2x200x64xf32, #tpu.memory_space<vmem>>, vector<16xf32>,
          %get3A_630 = arith.constant 1 : i32
          %get3A_631 = arith.index_cast %get3A_630 : i32 to index
          %get3A_632 = arith.index_cast %while3A_568 : i32 to index
          %get3A_633 = arith.constant 32 : index
          %get3A_634 = tpu.vector_load %arg7[%get3A_631, %get3A_632, %get3A_633] {strides = array<i32>} : memref<2x200x64xf32, #tpu.memory_space<vmem>>, vector<16xf32>,
          %add3A_635 = arith.addf %while3A_571, %get3A_629 : vector<16xf32>
          %add3A_636 = arith.addf %while3A_575, %get3A_634 : vector<16xf32>
          %mul3A_637 = arith.mulf %get3A_629, %get3A_629 : vector<16xf32>
          %add3A_638 = arith.addf %while3A_579, %mul3A_637 : vector<16xf32>
          %mul3A_639 = arith.mulf %get3A_634, %get3A_634 : vector<16xf32>
          %add3A_640 = arith.addf %while3A_583, %mul3A_639 : vector<16xf32>
          %mul3A_641 = arith.mulf %get3A_629, %get3A_634 : vector<16xf32>
          %add3A_642 = arith.addf %while3A_587, %mul3A_641 : vector<16xf32>
          %get3A_643 = arith.constant 1 : i32
          %get3A_644 = arith.index_cast %get3A_643 : i32 to index
          %get3A_645 = arith.index_cast %while3A_568 : i32 to index
          %get3A_646 = arith.constant 48 : index
          %get3A_647 = tpu.vector_load %arg6[%get3A_644, %get3A_645, %get3A_646] {strides = array<i32>} : memref<2x200x64xf32, #tpu.memory_space<vmem>>, vector<16xf32>,
          %get3A_648 = arith.constant 1 : i32
          %get3A_649 = arith.index_cast %get3A_648 : i32 to index
          %get3A_650 = arith.index_cast %while3A_568 : i32 to index
          %get3A_651 = arith.constant 48 : index
          %get3A_652 = tpu.vector_load %arg7[%get3A_649, %get3A_650, %get3A_651] {strides = array<i32>} : memref<2x200x64xf32, #tpu.memory_space<vmem>>, vector<16xf32>,
          %add3A_653 = arith.addf %while3A_572, %get3A_647 : vector<16xf32>
          %add3A_654 = arith.addf %while3A_576, %get3A_652 : vector<16xf32>
          %mul3A_655 = arith.mulf %get3A_647, %get3A_647 : vector<16xf32>
          %add3A_656 = arith.addf %while3A_580, %mul3A_655 : vector<16xf32>
          %mul3A_657 = arith.mulf %get3A_652, %get3A_652 : vector<16xf32>
          %add3A_658 = arith.addf %while3A_584, %mul3A_657 : vector<16xf32>
          %mul3A_659 = arith.mulf %get3A_647, %get3A_652 : vector<16xf32>
          %add3A_660 = arith.addf %while3A_588, %mul3A_659 : vector<16xf32>
          scf.yield %add3A_599, %add3A_617, %add3A_635, %add3A_653, %add3A_600, %add3A_618, %add3A_636, %add3A_654, %add3A_602, %add3A_620, %add3A_638, %add3A_656, %add3A_604, %add3A_622, %add3A_640, %add3A_658, %add3A_606, %add3A_624, %add3A_642, %add3A_660 : vector<16xf32>, vector<16xf32>, vector<16xf32>, vector<16xf32>, vector<16xf32>, vector<16xf32>, vector<16xf32>, vector<16xf32>, vector<16xf32>, vector<16xf32>, vector<16xf32>, vector<16xf32>, vector<16xf32>, vector<16xf32>, vector<16xf32>, vector<16xf32>, vector<16xf32>, vector<16xf32>, vector<16xf32>, vector<16xf32>
        }
        %while3A_552 = arith.constant 1 : i32
        %while3A_553:20 = scf.for %while3A_568 = %while3A_549 to %while3A_545 step %while3A_552 iter_args(%while3A_569 = %while3A_551#0, %while3A_570 = %while3A_551#1, %while3A_571 = %while3A_551#2, %while3A_572 = %while3A_551#3, %while3A_573 = %while3A_551#4, %while3A_574 = %while3A_551#5, %while3A_575 = %while3A_551#6, %while3A_576 = %while3A_551#7, %while3A_577 = %while3A_551#8, %while3A_578 = %while3A_551#9, %while3A_579 = %while3A_551#10, %while3A_580 = %while3A_551#11, %while3A_581 = %while3A_551#12, %while3A_582 = %while3A_551#13, %while3A_583 = %while3A_551#14, %while3A_584 = %while3A_551#15, %while3A_585 = %while3A_551#16, %while3A_586 = %while3A_551#17, %while3A_587 = %while3A_551#18, %while3A_588 = %while3A_551#19) -> (vector<16xf32>, vector<16xf32>, vector<16xf32>, vector<16xf32>, vector<16xf32>, vector<16xf32>, vector<16xf32>, vector<16xf32>, vector<16xf32>, vector<16xf32>, vector<16xf32>, vector<16xf32>, vector<16xf32>, vector<16xf32>, vector<16xf32>, vector<16xf32>, vector<16xf32>, vector<16xf32>, vector<16xf32>, vector<16xf32>)  : i32 {
          %get3A_589 = arith.constant 1 : i32
          %get3A_590 = arith.index_cast %get3A_589 : i32 to index
          %get3A_591 = arith.index_cast %while3A_568 : i32 to index
          %get3A_592 = arith.constant 0 : index
          %get3A_593 = tpu.vector_load %arg6[%get3A_590, %get3A_591, %get3A_592] {strides = array<i32>} : memref<2x200x64xf32, #tpu.memory_space<vmem>>, vector<16xf32>,
          %get3A_594 = arith.constant 1 : i32
          %get3A_595 = arith.index_cast %get3A_594 : i32 to index
          %get3A_596 = arith.index_cast %while3A_568 : i32 to index
          %get3A_597 = arith.constant 0 : index
          %get3A_598 = tpu.vector_load %arg7[%get3A_595, %get3A_596, %get3A_597] {strides = array<i32>} : memref<2x200x64xf32, #tpu.memory_space<vmem>>, vector<16xf32>,
          %add3A_599 = arith.addf %while3A_569, %get3A_593 : vector<16xf32>
          %add3A_600 = arith.addf %while3A_573, %get3A_598 : vector<16xf32>
          %mul3A_601 = arith.mulf %get3A_593, %get3A_593 : vector<16xf32>
          %add3A_602 = arith.addf %while3A_577, %mul3A_601 : vector<16xf32>
          %mul3A_603 = arith.mulf %get3A_598, %get3A_598 : vector<16xf32>
          %add3A_604 = arith.addf %while3A_581, %mul3A_603 : vector<16xf32>
          %mul3A_605 = arith.mulf %get3A_593, %get3A_598 : vector<16xf32>
          %add3A_606 = arith.addf %while3A_585, %mul3A_605 : vector<16xf32>
          %get3A_607 = arith.constant 1 : i32
          %get3A_608 = arith.index_cast %get3A_607 : i32 to index
          %get3A_609 = arith.index_cast %while3A_568 : i32 to index
          %get3A_610 = arith.constant 16 : index
          %get3A_611 = tpu.vector_load %arg6[%get3A_608, %get3A_609, %get3A_610] {strides = array<i32>} : memref<2x200x64xf32, #tpu.memory_space<vmem>>, vector<16xf32>,
          %get3A_612 = arith.constant 1 : i32
          %get3A_613 = arith.index_cast %get3A_612 : i32 to index
          %get3A_614 = arith.index_cast %while3A_568 : i32 to index
          %get3A_615 = arith.constant 16 : index
          %get3A_616 = tpu.vector_load %arg7[%get3A_613, %get3A_614, %get3A_615] {strides = array<i32>} : memref<2x200x64xf32, #tpu.memory_space<vmem>>, vector<16xf32>,
          %add3A_617 = arith.addf %while3A_570, %get3A_611 : vector<16xf32>
          %add3A_618 = arith.addf %while3A_574, %get3A_616 : vector<16xf32>
          %mul3A_619 = arith.mulf %get3A_611, %get3A_611 : vector<16xf32>
          %add3A_620 = arith.addf %while3A_578, %mul3A_619 : vector<16xf32>
          %mul3A_621 = arith.mulf %get3A_616, %get3A_616 : vector<16xf32>
          %add3A_622 = arith.addf %while3A_582, %mul3A_621 : vector<16xf32>
          %mul3A_623 = arith.mulf %get3A_611, %get3A_616 : vector<16xf32>
          %add3A_624 = arith.addf %while3A_586, %mul3A_623 : vector<16xf32>
          %get3A_625 = arith.constant 1 : i32
          %get3A_626 = arith.index_cast %get3A_625 : i32 to index
          %get3A_627 = arith.index_cast %while3A_568 : i32 to index
          %get3A_628 = arith.constant 32 : index
          %get3A_629 = tpu.vector_load %arg6[%get3A_626, %get3A_627, %get3A_628] {strides = array<i32>} : memref<2x200x64xf32, #tpu.memory_space<vmem>>, vector<16xf32>,
          %get3A_630 = arith.constant 1 : i32
          %get3A_631 = arith.index_cast %get3A_630 : i32 to index
          %get3A_632 = arith.index_cast %while3A_568 : i32 to index
          %get3A_633 = arith.constant 32 : index
          %get3A_634 = tpu.vector_load %arg7[%get3A_631, %get3A_632, %get3A_633] {strides = array<i32>} : memref<2x200x64xf32, #tpu.memory_space<vmem>>, vector<16xf32>,
          %add3A_635 = arith.addf %while3A_571, %get3A_629 : vector<16xf32>
          %add3A_636 = arith.addf %while3A_575, %get3A_634 : vector<16xf32>
          %mul3A_637 = arith.mulf %get3A_629, %get3A_629 : vector<16xf32>
          %add3A_638 = arith.addf %while3A_579, %mul3A_637 : vector<16xf32>
          %mul3A_639 = arith.mulf %get3A_634, %get3A_634 : vector<16xf32>
          %add3A_640 = arith.addf %while3A_583, %mul3A_639 : vector<16xf32>
          %mul3A_641 = arith.mulf %get3A_629, %get3A_634 : vector<16xf32>
          %add3A_642 = arith.addf %while3A_587, %mul3A_641 : vector<16xf32>
          %get3A_643 = arith.constant 1 : i32
          %get3A_644 = arith.index_cast %get3A_643 : i32 to index
          %get3A_645 = arith.index_cast %while3A_568 : i32 to index
          %get3A_646 = arith.constant 48 : index
          %get3A_647 = tpu.vector_load %arg6[%get3A_644, %get3A_645, %get3A_646] {strides = array<i32>} : memref<2x200x64xf32, #tpu.memory_space<vmem>>, vector<16xf32>,
          %get3A_648 = arith.constant 1 : i32
          %get3A_649 = arith.index_cast %get3A_648 : i32 to index
          %get3A_650 = arith.index_cast %while3A_568 : i32 to index
          %get3A_651 = arith.constant 48 : index
          %get3A_652 = tpu.vector_load %arg7[%get3A_649, %get3A_650, %get3A_651] {strides = array<i32>} : memref<2x200x64xf32, #tpu.memory_space<vmem>>, vector<16xf32>,
          %add3A_653 = arith.addf %while3A_572, %get3A_647 : vector<16xf32>
          %add3A_654 = arith.addf %while3A_576, %get3A_652 : vector<16xf32>
          %mul3A_655 = arith.mulf %get3A_647, %get3A_647 : vector<16xf32>
          %add3A_656 = arith.addf %while3A_580, %mul3A_655 : vector<16xf32>
          %mul3A_657 = arith.mulf %get3A_652, %get3A_652 : vector<16xf32>
          %add3A_658 = arith.addf %while3A_584, %mul3A_657 : vector<16xf32>
          %mul3A_659 = arith.mulf %get3A_647, %get3A_652 : vector<16xf32>
          %add3A_660 = arith.addf %while3A_588, %mul3A_659 : vector<16xf32>
          scf.yield %add3A_599, %add3A_617, %add3A_635, %add3A_653, %add3A_600, %add3A_618, %add3A_636, %add3A_654, %add3A_602, %add3A_620, %add3A_638, %add3A_656, %add3A_604, %add3A_622, %add3A_640, %add3A_658, %add3A_606, %add3A_624, %add3A_642, %add3A_660 : vector<16xf32>, vector<16xf32>, vector<16xf32>, vector<16xf32>, vector<16xf32>, vector<16xf32>, vector<16xf32>, vector<16xf32>, vector<16xf32>, vector<16xf32>, vector<16xf32>, vector<16xf32>, vector<16xf32>, vector<16xf32>, vector<16xf32>, vector<16xf32>, vector<16xf32>, vector<16xf32>, vector<16xf32>, vector<16xf32>
        }
        %sub3A_554 = arith.subi %while3A_543, %while3A_505 : i32
        %add3A_555 = arith.addi %while3A_507, %sub3A_554 : i32
        %eq3A_556 = arith.cmpi eq, %while3A_506, %squeeze3A : i32
        %convert_element_type3A_557 = arith.extui %eq3A_556 : i1 to i32
        %cond3A_558 = arith.constant 0 : i32
        %cond3A_559 = arith.cmpi ne, %convert_element_type3A_557, %cond3A_558 : i32
        %cond3A_560:2 = scf.if %cond3A_559 -> (i32, i32) {
          %swap3A_568 = arith.constant 0 : index
          %swap3A_569 = tpu.vector_load %arg10[%swap3A_568] {strides = array<i32>} : memref<384xf32, #tpu.memory_space<vmem>>, vector<16xf32>,
          tpu.vector_store %arg10[%swap3A_568], %while3A_553#0 {strides = array<i32>} : memref<384xf32, #tpu.memory_space<vmem>>, vector<16xf32>,
          %swap3A_570 = arith.constant 16 : index
          %swap3A_571 = tpu.vector_load %arg10[%swap3A_570] {strides = array<i32>} : memref<384xf32, #tpu.memory_space<vmem>>, vector<16xf32>,
          tpu.vector_store %arg10[%swap3A_570], %while3A_553#1 {strides = array<i32>} : memref<384xf32, #tpu.memory_space<vmem>>, vector<16xf32>,
          %swap3A_572 = arith.constant 32 : index
          %swap3A_573 = tpu.vector_load %arg10[%swap3A_572] {strides = array<i32>} : memref<384xf32, #tpu.memory_space<vmem>>, vector<16xf32>,
          tpu.vector_store %arg10[%swap3A_572], %while3A_553#2 {strides = array<i32>} : memref<384xf32, #tpu.memory_space<vmem>>, vector<16xf32>,
          %swap3A_574 = arith.constant 48 : index
          %swap3A_575 = tpu.vector_load %arg10[%swap3A_574] {strides = array<i32>} : memref<384xf32, #tpu.memory_space<vmem>>, vector<16xf32>,
          tpu.vector_store %arg10[%swap3A_574], %while3A_553#3 {strides = array<i32>} : memref<384xf32, #tpu.memory_space<vmem>>, vector<16xf32>,
          %swap3A_576 = arith.constant 64 : index
          %swap3A_577 = tpu.vector_load %arg10[%swap3A_576] {strides = array<i32>} : memref<384xf32, #tpu.memory_space<vmem>>, vector<16xf32>,
          tpu.vector_store %arg10[%swap3A_576], %while3A_553#4 {strides = array<i32>} : memref<384xf32, #tpu.memory_space<vmem>>, vector<16xf32>,
          %swap3A_578 = arith.constant 80 : index
          %swap3A_579 = tpu.vector_load %arg10[%swap3A_578] {strides = array<i32>} : memref<384xf32, #tpu.memory_space<vmem>>, vector<16xf32>,
          tpu.vector_store %arg10[%swap3A_578], %while3A_553#5 {strides = array<i32>} : memref<384xf32, #tpu.memory_space<vmem>>, vector<16xf32>,
          %swap3A_580 = arith.constant 96 : index
          %swap3A_581 = tpu.vector_load %arg10[%swap3A_580] {strides = array<i32>} : memref<384xf32, #tpu.memory_space<vmem>>, vector<16xf32>,
          tpu.vector_store %arg10[%swap3A_580], %while3A_553#6 {strides = array<i32>} : memref<384xf32, #tpu.memory_space<vmem>>, vector<16xf32>,
          %swap3A_582 = arith.constant 112 : index
          %swap3A_583 = tpu.vector_load %arg10[%swap3A_582] {strides = array<i32>} : memref<384xf32, #tpu.memory_space<vmem>>, vector<16xf32>,
          tpu.vector_store %arg10[%swap3A_582], %while3A_553#7 {strides = array<i32>} : memref<384xf32, #tpu.memory_space<vmem>>, vector<16xf32>,
          %swap3A_584 = arith.constant 128 : index
          %swap3A_585 = tpu.vector_load %arg10[%swap3A_584] {strides = array<i32>} : memref<384xf32, #tpu.memory_space<vmem>>, vector<16xf32>,
          tpu.vector_store %arg10[%swap3A_584], %while3A_553#8 {strides = array<i32>} : memref<384xf32, #tpu.memory_space<vmem>>, vector<16xf32>,
          %swap3A_586 = arith.constant 144 : index
          %swap3A_587 = tpu.vector_load %arg10[%swap3A_586] {strides = array<i32>} : memref<384xf32, #tpu.memory_space<vmem>>, vector<16xf32>,
          tpu.vector_store %arg10[%swap3A_586], %while3A_553#9 {strides = array<i32>} : memref<384xf32, #tpu.memory_space<vmem>>, vector<16xf32>,
          %swap3A_588 = arith.constant 160 : index
          %swap3A_589 = tpu.vector_load %arg10[%swap3A_588] {strides = array<i32>} : memref<384xf32, #tpu.memory_space<vmem>>, vector<16xf32>,
          tpu.vector_store %arg10[%swap3A_588], %while3A_553#10 {strides = array<i32>} : memref<384xf32, #tpu.memory_space<vmem>>, vector<16xf32>,
          %swap3A_590 = arith.constant 176 : index
          %swap3A_591 = tpu.vector_load %arg10[%swap3A_590] {strides = array<i32>} : memref<384xf32, #tpu.memory_space<vmem>>, vector<16xf32>,
          tpu.vector_store %arg10[%swap3A_590], %while3A_553#11 {strides = array<i32>} : memref<384xf32, #tpu.memory_space<vmem>>, vector<16xf32>,
          %swap3A_592 = arith.constant 192 : index
          %swap3A_593 = tpu.vector_load %arg10[%swap3A_592] {strides = array<i32>} : memref<384xf32, #tpu.memory_space<vmem>>, vector<16xf32>,
          tpu.vector_store %arg10[%swap3A_592], %while3A_553#12 {strides = array<i32>} : memref<384xf32, #tpu.memory_space<vmem>>, vector<16xf32>,
          %swap3A_594 = arith.constant 208 : index
          %swap3A_595 = tpu.vector_load %arg10[%swap3A_594] {strides = array<i32>} : memref<384xf32, #tpu.memory_space<vmem>>, vector<16xf32>,
          tpu.vector_store %arg10[%swap3A_594], %while3A_553#13 {strides = array<i32>} : memref<384xf32, #tpu.memory_space<vmem>>, vector<16xf32>,
          %swap3A_596 = arith.constant 224 : index
          %swap3A_597 = tpu.vector_load %arg10[%swap3A_596] {strides = array<i32>} : memref<384xf32, #tpu.memory_space<vmem>>, vector<16xf32>,
          tpu.vector_store %arg10[%swap3A_596], %while3A_553#14 {strides = array<i32>} : memref<384xf32, #tpu.memory_space<vmem>>, vector<16xf32>,
          %swap3A_598 = arith.constant 240 : index
          %swap3A_599 = tpu.vector_load %arg10[%swap3A_598] {strides = array<i32>} : memref<384xf32, #tpu.memory_space<vmem>>, vector<16xf32>,
          tpu.vector_store %arg10[%swap3A_598], %while3A_553#15 {strides = array<i32>} : memref<384xf32, #tpu.memory_space<vmem>>, vector<16xf32>,
          %swap3A_600 = arith.constant 256 : index
          %swap3A_601 = tpu.vector_load %arg10[%swap3A_600] {strides = array<i32>} : memref<384xf32, #tpu.memory_space<vmem>>, vector<16xf32>,
          tpu.vector_store %arg10[%swap3A_600], %while3A_553#16 {strides = array<i32>} : memref<384xf32, #tpu.memory_space<vmem>>, vector<16xf32>,
          %swap3A_602 = arith.constant 272 : index
          %swap3A_603 = tpu.vector_load %arg10[%swap3A_602] {strides = array<i32>} : memref<384xf32, #tpu.memory_space<vmem>>, vector<16xf32>,
          tpu.vector_store %arg10[%swap3A_602], %while3A_553#17 {strides = array<i32>} : memref<384xf32, #tpu.memory_space<vmem>>, vector<16xf32>,
          %swap3A_604 = arith.constant 288 : index
          %swap3A_605 = tpu.vector_load %arg10[%swap3A_604] {strides = array<i32>} : memref<384xf32, #tpu.memory_space<vmem>>, vector<16xf32>,
          tpu.vector_store %arg10[%swap3A_604], %while3A_553#18 {strides = array<i32>} : memref<384xf32, #tpu.memory_space<vmem>>, vector<16xf32>,
          %swap3A_606 = arith.constant 304 : index
          %swap3A_607 = tpu.vector_load %arg10[%swap3A_606] {strides = array<i32>} : memref<384xf32, #tpu.memory_space<vmem>>, vector<16xf32>,
          tpu.vector_store %arg10[%swap3A_606], %while3A_553#19 {strides = array<i32>} : memref<384xf32, #tpu.memory_space<vmem>>, vector<16xf32>,
          %convert_element_type3A_608 = arith.sitofp %add3A_555 : i32 to f32
          %broadcast_in_dim3A_609 = vector.broadcast %convert_element_type3A_608 : f32 to vector<16xf32>
          %swap3A_610 = arith.constant 320 : index
          %swap3A_611 = tpu.vector_load %arg10[%swap3A_610] {strides = array<i32>} : memref<384xf32, #tpu.memory_space<vmem>>, vector<16xf32>,
          tpu.vector_store %arg10[%swap3A_610], %broadcast_in_dim3A_609 {strides = array<i32>} : memref<384xf32, #tpu.memory_space<vmem>>, vector<16xf32>,
          %mul3A_612 = arith.constant 2 : i32
          %mul3A_613 = arith.muli %arg1, %mul3A_612 : i32
          %mul3A_614 = arith.constant 384 : i32
          %mul3A_615 = arith.muli %mul3A_613, %mul3A_614 : i32
          "tpu.region"() ({
            %run_scoped3A = tpu.sem_alloc : memref<!tpu.dma_semaphore, #tpu.memory_space<semaphore_mem>>
            %dma_start3A_616 = tpu.memref_slice %arg16[%mul3A_615] : memref<12288xf32, #tpu.memory_space<vmem_shared>> -> memref<384xf32, #tpu.memory_space<vmem_shared>>
            %dma_start3A_617 = tpu.memref_slice %arg16[%mul3A_615] : memref<12288xf32, #tpu.memory_space<vmem_shared>> -> memref<384xf32, #tpu.memory_space<vmem_shared>>
            tpu.enqueue_dma source(%arg10 : memref<384xf32, #tpu.memory_space<vmem>>) target(%dma_start3A_617 : memref<384xf32, #tpu.memory_space<vmem_shared>>) target_semaphore(%run_scoped3A : memref<!tpu.dma_semaphore, #tpu.memory_space<semaphore_mem>>)
            %dma_wait3A_618 = tpu.memref_slice %arg16[%mul3A_615] : memref<12288xf32, #tpu.memory_space<vmem_shared>> -> memref<384xf32, #tpu.memory_space<vmem_shared>>
            %dma_wait3A_619 = tpu.memref_slice %arg16[%mul3A_615] : memref<12288xf32, #tpu.memory_space<vmem_shared>> -> memref<384xf32, #tpu.memory_space<vmem_shared>>
            tpu.wait_dma2 semaphore(%run_scoped3A : memref<!tpu.dma_semaphore, #tpu.memory_space<semaphore_mem>>) src(%arg10 : memref<384xf32, #tpu.memory_space<vmem>>) dst(%dma_wait3A_619 : memref<384xf32, #tpu.memory_space<vmem_shared>>)
            tpu.yield
          }) : () -> ()
          scf.yield %while3A_508, %while3A_509 : i32, i32
        } else {
          %ge3A = arith.constant 4 : i32
          %ge3A_568 = arith.cmpi sge, %while3A_509, %ge3A : i32
          %convert_element_type3A_569 = arith.extui %ge3A_568 : i1 to i32
          %cond3A_570 = arith.constant 0 : i32
          %cond3A_571 = arith.cmpi ne, %convert_element_type3A_569, %cond3A_570 : i32
          scf.if %cond3A_571 {
            %dma_wait3A_784 = arith.constant 0 : i32
            %dma_wait3A_785 = tpu.memref_slice %arg9[%dma_wait3A_784] : memref<256xf32, #tpu.memory_space<vmem>> -> memref<64xf32, #tpu.memory_space<vmem>>
            %dma_wait3A_786 = arith.constant 0 : i32
            %dma_wait3A_787 = tpu.memref_slice %arg5[%dma_wait3A_786] : memref<1280000xf32, #tpu.memory_space<hbm>> -> memref<64xf32, #tpu.memory_space<hbm>>
            %dma_wait3A_788 = arith.constant 0 : i32
            %dma_wait3A_789 = tpu.memref_slice %arg5[%dma_wait3A_788] : memref<1280000xf32, #tpu.memory_space<hbm>> -> memref<64xf32, #tpu.memory_space<hbm>>
            %dma_wait3A_790 = arith.constant 0 : i32
            %dma_wait3A_791 = tpu.memref_slice %arg9[%dma_wait3A_790] : memref<256xf32, #tpu.memory_space<vmem>> -> memref<64xf32, #tpu.memory_space<vmem>>
            tpu.wait_dma2 semaphore(%arg19 : memref<!tpu.dma_semaphore, #tpu.memory_space<semaphore_mem>>) src(%dma_wait3A_791 : memref<64xf32, #tpu.memory_space<vmem>>) dst(%dma_wait3A_789 : memref<64xf32, #tpu.memory_space<hbm>>)
          } else {
          }
          %convert_element_type3A_572 = arith.sitofp %add3A_555 : i32 to f32
          %broadcast_in_dim3A_573 = vector.broadcast %convert_element_type3A_572 : f32 to vector<16xf32>
          %div3A = arith.constant 1.000000e+00 : f32
          %div3A_574 = vector.broadcast %div3A : f32 to vector<16xf32>
          %div3A_575 = arith.divf %div3A_574, %broadcast_in_dim3A_573 : vector<16xf32>
          %mul3A_576 = arith.mulf %while3A_553#0, %div3A_575 : vector<16xf32>
          %mul3A_577 = arith.mulf %while3A_553#4, %div3A_575 : vector<16xf32>
          %mul3A_578 = arith.mulf %while3A_553#16, %div3A_575 : vector<16xf32>
          %mul3A_579 = arith.mulf %mul3A_576, %mul3A_577 : vector<16xf32>
          %sub3A_580 = arith.subf %mul3A_578, %mul3A_579 : vector<16xf32>
          %mul3A_581 = arith.mulf %while3A_553#8, %div3A_575 : vector<16xf32>
          %mul3A_582 = arith.mulf %mul3A_576, %mul3A_576 : vector<16xf32>
          %sub3A_583 = arith.subf %mul3A_581, %mul3A_582 : vector<16xf32>
          %mul3A_584 = arith.mulf %while3A_553#12, %div3A_575 : vector<16xf32>
          %mul3A_585 = arith.mulf %mul3A_577, %mul3A_577 : vector<16xf32>
          %sub3A_586 = arith.subf %mul3A_584, %mul3A_585 : vector<16xf32>
          %mul3A_587 = arith.mulf %sub3A_583, %sub3A_586 : vector<16xf32>
          %bitcast3A = vector.bitcast %mul3A_587 : vector<16xf32> to vector<16xi32>
          %shift_right_arithmetic3A_588 = arith.constant 1 : i32
          %shift_right_arithmetic3A_589 = vector.broadcast %shift_right_arithmetic3A_588 : i32 to vector<16xi32>
          %shift_right_arithmetic3A_590 = arith.shrsi %bitcast3A, %shift_right_arithmetic3A_589 : vector<16xi32>
          %sub3A_591 = arith.constant 1597463007 : i32
          %sub3A_592 = vector.broadcast %sub3A_591 : i32 to vector<16xi32>
          %sub3A_593 = arith.subi %sub3A_592, %shift_right_arithmetic3A_590 : vector<16xi32>
          %bitcast3A_594 = vector.bitcast %sub3A_593 : vector<16xi32> to vector<16xf32>
          %mul3A_595 = arith.constant -5.000000e-01 : f32
          %mul3A_596 = vector.broadcast %mul3A_595 : f32 to vector<16xf32>
          %mul3A_597 = arith.mulf %mul3A_596, %mul3A_587 : vector<16xf32>
          %mul3A_598 = arith.mulf %mul3A_597, %bitcast3A_594 : vector<16xf32>
          %mul3A_599 = arith.mulf %mul3A_598, %bitcast3A_594 : vector<16xf32>
          %add3A_600 = arith.constant 1.500000e+00 : f32
          %add3A_601 = vector.broadcast %add3A_600 : f32 to vector<16xf32>
          %add3A_602 = arith.addf %add3A_601, %mul3A_599 : vector<16xf32>
          %mul3A_603 = arith.mulf %bitcast3A_594, %add3A_602 : vector<16xf32>
          %mul3A_604 = arith.mulf %mul3A_597, %mul3A_603 : vector<16xf32>
          %mul3A_605 = arith.mulf %mul3A_604, %mul3A_603 : vector<16xf32>
          %add3A_606 = arith.constant 1.500000e+00 : f32
          %add3A_607 = vector.broadcast %add3A_606 : f32 to vector<16xf32>
          %add3A_608 = arith.addf %add3A_607, %mul3A_605 : vector<16xf32>
          %mul3A_609 = arith.mulf %mul3A_603, %add3A_608 : vector<16xf32>
          %mul3A_610 = arith.mulf %mul3A_597, %mul3A_609 : vector<16xf32>
          %mul3A_611 = arith.mulf %mul3A_610, %mul3A_609 : vector<16xf32>
          %add3A_612 = arith.constant 1.500000e+00 : f32
          %add3A_613 = vector.broadcast %add3A_612 : f32 to vector<16xf32>
          %add3A_614 = arith.addf %add3A_613, %mul3A_611 : vector<16xf32>
          %mul3A_615 = arith.mulf %mul3A_609, %add3A_614 : vector<16xf32>
          %mul3A_616 = arith.mulf %sub3A_580, %mul3A_615 : vector<16xf32>
          %mul3A_617 = arith.mulf %while3A_553#1, %div3A_575 : vector<16xf32>
          %mul3A_618 = arith.mulf %while3A_553#5, %div3A_575 : vector<16xf32>
          %mul3A_619 = arith.mulf %while3A_553#17, %div3A_575 : vector<16xf32>
          %mul3A_620 = arith.mulf %mul3A_617, %mul3A_618 : vector<16xf32>
          %sub3A_621 = arith.subf %mul3A_619, %mul3A_620 : vector<16xf32>
          %mul3A_622 = arith.mulf %while3A_553#9, %div3A_575 : vector<16xf32>
          %mul3A_623 = arith.mulf %mul3A_617, %mul3A_617 : vector<16xf32>
          %sub3A_624 = arith.subf %mul3A_622, %mul3A_623 : vector<16xf32>
          %mul3A_625 = arith.mulf %while3A_553#13, %div3A_575 : vector<16xf32>
          %mul3A_626 = arith.mulf %mul3A_618, %mul3A_618 : vector<16xf32>
          %sub3A_627 = arith.subf %mul3A_625, %mul3A_626 : vector<16xf32>
          %mul3A_628 = arith.mulf %sub3A_624, %sub3A_627 : vector<16xf32>
          %bitcast3A_629 = vector.bitcast %mul3A_628 : vector<16xf32> to vector<16xi32>
          %shift_right_arithmetic3A_630 = arith.constant 1 : i32
          %shift_right_arithmetic3A_631 = vector.broadcast %shift_right_arithmetic3A_630 : i32 to vector<16xi32>
          %shift_right_arithmetic3A_632 = arith.shrsi %bitcast3A_629, %shift_right_arithmetic3A_631 : vector<16xi32>
          %sub3A_633 = arith.constant 1597463007 : i32
          %sub3A_634 = vector.broadcast %sub3A_633 : i32 to vector<16xi32>
          %sub3A_635 = arith.subi %sub3A_634, %shift_right_arithmetic3A_632 : vector<16xi32>
          %bitcast3A_636 = vector.bitcast %sub3A_635 : vector<16xi32> to vector<16xf32>
          %mul3A_637 = arith.constant -5.000000e-01 : f32
          %mul3A_638 = vector.broadcast %mul3A_637 : f32 to vector<16xf32>
          %mul3A_639 = arith.mulf %mul3A_638, %mul3A_628 : vector<16xf32>
          %mul3A_640 = arith.mulf %mul3A_639, %bitcast3A_636 : vector<16xf32>
          %mul3A_641 = arith.mulf %mul3A_640, %bitcast3A_636 : vector<16xf32>
          %add3A_642 = arith.constant 1.500000e+00 : f32
          %add3A_643 = vector.broadcast %add3A_642 : f32 to vector<16xf32>
          %add3A_644 = arith.addf %add3A_643, %mul3A_641 : vector<16xf32>
          %mul3A_645 = arith.mulf %bitcast3A_636, %add3A_644 : vector<16xf32>
          %mul3A_646 = arith.mulf %mul3A_639, %mul3A_645 : vector<16xf32>
          %mul3A_647 = arith.mulf %mul3A_646, %mul3A_645 : vector<16xf32>
          %add3A_648 = arith.constant 1.500000e+00 : f32
          %add3A_649 = vector.broadcast %add3A_648 : f32 to vector<16xf32>
          %add3A_650 = arith.addf %add3A_649, %mul3A_647 : vector<16xf32>
          %mul3A_651 = arith.mulf %mul3A_645, %add3A_650 : vector<16xf32>
          %mul3A_652 = arith.mulf %mul3A_639, %mul3A_651 : vector<16xf32>
          %mul3A_653 = arith.mulf %mul3A_652, %mul3A_651 : vector<16xf32>
          %add3A_654 = arith.constant 1.500000e+00 : f32
          %add3A_655 = vector.broadcast %add3A_654 : f32 to vector<16xf32>
          %add3A_656 = arith.addf %add3A_655, %mul3A_653 : vector<16xf32>
          %mul3A_657 = arith.mulf %mul3A_651, %add3A_656 : vector<16xf32>
          %mul3A_658 = arith.mulf %sub3A_621, %mul3A_657 : vector<16xf32>
          %mul3A_659 = arith.mulf %while3A_553#2, %div3A_575 : vector<16xf32>
          %mul3A_660 = arith.mulf %while3A_553#6, %div3A_575 : vector<16xf32>
          %mul3A_661 = arith.mulf %while3A_553#18, %div3A_575 : vector<16xf32>
          %mul3A_662 = arith.mulf %mul3A_659, %mul3A_660 : vector<16xf32>
          %sub3A_663 = arith.subf %mul3A_661, %mul3A_662 : vector<16xf32>
          %mul3A_664 = arith.mulf %while3A_553#10, %div3A_575 : vector<16xf32>
          %mul3A_665 = arith.mulf %mul3A_659, %mul3A_659 : vector<16xf32>
          %sub3A_666 = arith.subf %mul3A_664, %mul3A_665 : vector<16xf32>
          %mul3A_667 = arith.mulf %while3A_553#14, %div3A_575 : vector<16xf32>
          %mul3A_668 = arith.mulf %mul3A_660, %mul3A_660 : vector<16xf32>
          %sub3A_669 = arith.subf %mul3A_667, %mul3A_668 : vector<16xf32>
          %mul3A_670 = arith.mulf %sub3A_666, %sub3A_669 : vector<16xf32>
          %bitcast3A_671 = vector.bitcast %mul3A_670 : vector<16xf32> to vector<16xi32>
          %shift_right_arithmetic3A_672 = arith.constant 1 : i32
          %shift_right_arithmetic3A_673 = vector.broadcast %shift_right_arithmetic3A_672 : i32 to vector<16xi32>
          %shift_right_arithmetic3A_674 = arith.shrsi %bitcast3A_671, %shift_right_arithmetic3A_673 : vector<16xi32>
          %sub3A_675 = arith.constant 1597463007 : i32
          %sub3A_676 = vector.broadcast %sub3A_675 : i32 to vector<16xi32>
          %sub3A_677 = arith.subi %sub3A_676, %shift_right_arithmetic3A_674 : vector<16xi32>
          %bitcast3A_678 = vector.bitcast %sub3A_677 : vector<16xi32> to vector<16xf32>
          %mul3A_679 = arith.constant -5.000000e-01 : f32
          %mul3A_680 = vector.broadcast %mul3A_679 : f32 to vector<16xf32>
          %mul3A_681 = arith.mulf %mul3A_680, %mul3A_670 : vector<16xf32>
          %mul3A_682 = arith.mulf %mul3A_681, %bitcast3A_678 : vector<16xf32>
          %mul3A_683 = arith.mulf %mul3A_682, %bitcast3A_678 : vector<16xf32>
          %add3A_684 = arith.constant 1.500000e+00 : f32
          %add3A_685 = vector.broadcast %add3A_684 : f32 to vector<16xf32>
          %add3A_686 = arith.addf %add3A_685, %mul3A_683 : vector<16xf32>
          %mul3A_687 = arith.mulf %bitcast3A_678, %add3A_686 : vector<16xf32>
          %mul3A_688 = arith.mulf %mul3A_681, %mul3A_687 : vector<16xf32>
          %mul3A_689 = arith.mulf %mul3A_688, %mul3A_687 : vector<16xf32>
          %add3A_690 = arith.constant 1.500000e+00 : f32
          %add3A_691 = vector.broadcast %add3A_690 : f32 to vector<16xf32>
          %add3A_692 = arith.addf %add3A_691, %mul3A_689 : vector<16xf32>
          %mul3A_693 = arith.mulf %mul3A_687, %add3A_692 : vector<16xf32>
          %mul3A_694 = arith.mulf %mul3A_681, %mul3A_693 : vector<16xf32>
          %mul3A_695 = arith.mulf %mul3A_694, %mul3A_693 : vector<16xf32>
          %add3A_696 = arith.constant 1.500000e+00 : f32
          %add3A_697 = vector.broadcast %add3A_696 : f32 to vector<16xf32>
          %add3A_698 = arith.addf %add3A_697, %mul3A_695 : vector<16xf32>
          %mul3A_699 = arith.mulf %mul3A_693, %add3A_698 : vector<16xf32>
          %mul3A_700 = arith.mulf %sub3A_663, %mul3A_699 : vector<16xf32>
          %mul3A_701 = arith.mulf %while3A_553#3, %div3A_575 : vector<16xf32>
          %mul3A_702 = arith.mulf %while3A_553#7, %div3A_575 : vector<16xf32>
          %mul3A_703 = arith.mulf %while3A_553#19, %div3A_575 : vector<16xf32>
          %mul3A_704 = arith.mulf %mul3A_701, %mul3A_702 : vector<16xf32>
          %sub3A_705 = arith.subf %mul3A_703, %mul3A_704 : vector<16xf32>
          %mul3A_706 = arith.mulf %while3A_553#11, %div3A_575 : vector<16xf32>
          %mul3A_707 = arith.mulf %mul3A_701, %mul3A_701 : vector<16xf32>
          %sub3A_708 = arith.subf %mul3A_706, %mul3A_707 : vector<16xf32>
          %mul3A_709 = arith.mulf %while3A_553#15, %div3A_575 : vector<16xf32>
          %mul3A_710 = arith.mulf %mul3A_702, %mul3A_702 : vector<16xf32>
          %sub3A_711 = arith.subf %mul3A_709, %mul3A_710 : vector<16xf32>
          %mul3A_712 = arith.mulf %sub3A_708, %sub3A_711 : vector<16xf32>
          %bitcast3A_713 = vector.bitcast %mul3A_712 : vector<16xf32> to vector<16xi32>
          %shift_right_arithmetic3A_714 = arith.constant 1 : i32
          %shift_right_arithmetic3A_715 = vector.broadcast %shift_right_arithmetic3A_714 : i32 to vector<16xi32>
          %shift_right_arithmetic3A_716 = arith.shrsi %bitcast3A_713, %shift_right_arithmetic3A_715 : vector<16xi32>
          %sub3A_717 = arith.constant 1597463007 : i32
          %sub3A_718 = vector.broadcast %sub3A_717 : i32 to vector<16xi32>
          %sub3A_719 = arith.subi %sub3A_718, %shift_right_arithmetic3A_716 : vector<16xi32>
          %bitcast3A_720 = vector.bitcast %sub3A_719 : vector<16xi32> to vector<16xf32>
          %mul3A_721 = arith.constant -5.000000e-01 : f32
          %mul3A_722 = vector.broadcast %mul3A_721 : f32 to vector<16xf32>
          %mul3A_723 = arith.mulf %mul3A_722, %mul3A_712 : vector<16xf32>
          %mul3A_724 = arith.mulf %mul3A_723, %bitcast3A_720 : vector<16xf32>
          %mul3A_725 = arith.mulf %mul3A_724, %bitcast3A_720 : vector<16xf32>
          %add3A_726 = arith.constant 1.500000e+00 : f32
          %add3A_727 = vector.broadcast %add3A_726 : f32 to vector<16xf32>
          %add3A_728 = arith.addf %add3A_727, %mul3A_725 : vector<16xf32>
          %mul3A_729 = arith.mulf %bitcast3A_720, %add3A_728 : vector<16xf32>
          %mul3A_730 = arith.mulf %mul3A_723, %mul3A_729 : vector<16xf32>
          %mul3A_731 = arith.mulf %mul3A_730, %mul3A_729 : vector<16xf32>
          %add3A_732 = arith.constant 1.500000e+00 : f32
          %add3A_733 = vector.broadcast %add3A_732 : f32 to vector<16xf32>
          %add3A_734 = arith.addf %add3A_733, %mul3A_731 : vector<16xf32>
          %mul3A_735 = arith.mulf %mul3A_729, %add3A_734 : vector<16xf32>
          %mul3A_736 = arith.mulf %mul3A_723, %mul3A_735 : vector<16xf32>
          %mul3A_737 = arith.mulf %mul3A_736, %mul3A_735 : vector<16xf32>
          %add3A_738 = arith.constant 1.500000e+00 : f32
          %add3A_739 = vector.broadcast %add3A_738 : f32 to vector<16xf32>
          %add3A_740 = arith.addf %add3A_739, %mul3A_737 : vector<16xf32>
          %mul3A_741 = arith.mulf %mul3A_735, %add3A_740 : vector<16xf32>
          %mul3A_742 = arith.mulf %sub3A_705, %mul3A_741 : vector<16xf32>
          %mul3A_743 = arith.constant 64 : i32
          %mul3A_744 = arith.muli %while3A_508, %mul3A_743 : i32
          %add3A_745 = arith.constant 0 : i32
          %add3A_746 = arith.addi %mul3A_744, %add3A_745 : i32
          %swap3A_747 = arith.index_cast %add3A_746 : i32 to index
          %swap3A_748 = tpu.vector_load %arg9[%swap3A_747] {strides = array<i32>} : memref<256xf32, #tpu.memory_space<vmem>>, vector<16xf32>,
          tpu.vector_store %arg9[%swap3A_747], %mul3A_616 {strides = array<i32>} : memref<256xf32, #tpu.memory_space<vmem>>, vector<16xf32>,
          %mul3A_749 = arith.constant 64 : i32
          %mul3A_750 = arith.muli %while3A_508, %mul3A_749 : i32
          %add3A_751 = arith.constant 16 : i32
          %add3A_752 = arith.addi %mul3A_750, %add3A_751 : i32
          %swap3A_753 = arith.index_cast %add3A_752 : i32 to index
          %swap3A_754 = tpu.vector_load %arg9[%swap3A_753] {strides = array<i32>} : memref<256xf32, #tpu.memory_space<vmem>>, vector<16xf32>,
          tpu.vector_store %arg9[%swap3A_753], %mul3A_658 {strides = array<i32>} : memref<256xf32, #tpu.memory_space<vmem>>, vector<16xf32>,
          %mul3A_755 = arith.constant 64 : i32
          %mul3A_756 = arith.muli %while3A_508, %mul3A_755 : i32
          %add3A_757 = arith.constant 32 : i32
          %add3A_758 = arith.addi %mul3A_756, %add3A_757 : i32
          %swap3A_759 = arith.index_cast %add3A_758 : i32 to index
          %swap3A_760 = tpu.vector_load %arg9[%swap3A_759] {strides = array<i32>} : memref<256xf32, #tpu.memory_space<vmem>>, vector<16xf32>,
          tpu.vector_store %arg9[%swap3A_759], %mul3A_700 {strides = array<i32>} : memref<256xf32, #tpu.memory_space<vmem>>, vector<16xf32>,
          %mul3A_761 = arith.constant 64 : i32
          %mul3A_762 = arith.muli %while3A_508, %mul3A_761 : i32
          %add3A_763 = arith.constant 48 : i32
          %add3A_764 = arith.addi %mul3A_762, %add3A_763 : i32
          %swap3A_765 = arith.index_cast %add3A_764 : i32 to index
          %swap3A_766 = tpu.vector_load %arg9[%swap3A_765] {strides = array<i32>} : memref<256xf32, #tpu.memory_space<vmem>>, vector<16xf32>,
          tpu.vector_store %arg9[%swap3A_765], %mul3A_742 {strides = array<i32>} : memref<256xf32, #tpu.memory_space<vmem>>, vector<16xf32>,
          %mul3A_767 = arith.constant 64 : i32
          %mul3A_768 = arith.muli %while3A_508, %mul3A_767 : i32
          %mul3A_769 = arith.constant 128 : i32
          %mul3A_770 = arith.muli %while3A_506, %mul3A_769 : i32
          %add3A_771 = arith.addi %mul3A_770, %mul3A_0 : i32
          %dma_start3A_772 = tpu.memref_slice %arg9[%mul3A_768] : memref<256xf32, #tpu.memory_space<vmem>> -> memref<64xf32, #tpu.memory_space<vmem>>
          %dma_start3A_773 = tpu.memref_slice %arg5[%add3A_771] : memref<1280000xf32, #tpu.memory_space<hbm>> -> memref<64xf32, #tpu.memory_space<hbm>>
          %dma_start3A_774 = tpu.memref_slice %arg5[%add3A_771] : memref<1280000xf32, #tpu.memory_space<hbm>> -> memref<64xf32, #tpu.memory_space<hbm>>
          %dma_start3A_775 = tpu.memref_slice %arg9[%mul3A_768] : memref<256xf32, #tpu.memory_space<vmem>> -> memref<64xf32, #tpu.memory_space<vmem>>
          tpu.enqueue_dma source(%dma_start3A_775 : memref<64xf32, #tpu.memory_space<vmem>>) target(%dma_start3A_774 : memref<64xf32, #tpu.memory_space<hbm>>) target_semaphore(%arg19 : memref<!tpu.dma_semaphore, #tpu.memory_space<semaphore_mem>>)
          %add3A_776 = arith.constant 1 : i32
          %add3A_777 = arith.addi %while3A_508, %add3A_776 : i32
          %and3A_778 = arith.constant 3 : i32
          %and3A_779 = arith.andi %add3A_777, %and3A_778 : i32
          %add3A_780 = arith.constant 1 : i32
          %add3A_781 = arith.addi %while3A_509, %add3A_780 : i32
          %convert_element_type3A_782 = arith.extui %ge3A_568 : i1 to i32
          %sub3A_783 = arith.subi %add3A_781, %convert_element_type3A_782 : i32
          scf.yield %and3A_779, %sub3A_783 : i32, i32
        }
        %add3A_561 = arith.constant 248 : i32
        %add3A_562 = arith.addi %add3A_561, %while3A_543 : i32
        %get3A_563 = arith.index_cast %add3A_562 : i32 to index
        %get3A_564 = tpu.vector_load %arg8[%get3A_563] {strides = array<i32>} : memref<464xi32, #tpu.memory_space<vmem>>, vector<16xi32>,
        %slice3A_565 = vector.extract_strided_slice %get3A_564 {offsets = [0], sizes = [1], strides = [1]} : vector<16xi32> to vector<1xi32>
        %squeeze3A_566 = vector.extract %slice3A_565[0] : i32 from vector<1xi32>
        %while3A_567 = arith.constant 0 : i32
        scf.yield %while3A_543, %squeeze3A_566, %while3A_567, %cond3A_560#0, %cond3A_560#1, %broadcast_in_dim3A_61, %broadcast_in_dim3A_61, %broadcast_in_dim3A_61, %broadcast_in_dim3A_61, %broadcast_in_dim3A_61, %broadcast_in_dim3A_61, %broadcast_in_dim3A_61, %broadcast_in_dim3A_61, %broadcast_in_dim3A_61, %broadcast_in_dim3A_61, %broadcast_in_dim3A_61, %broadcast_in_dim3A_61, %broadcast_in_dim3A_61, %broadcast_in_dim3A_61, %broadcast_in_dim3A_61, %broadcast_in_dim3A_61, %broadcast_in_dim3A_61, %broadcast_in_dim3A_61, %broadcast_in_dim3A_61, %broadcast_in_dim3A_61 : i32, i32, i32, i32, i32, vector<16xf32>, vector<16xf32>, vector<16xf32>, vector<16xf32>, vector<16xf32>, vector<16xf32>, vector<16xf32>, vector<16xf32>, vector<16xf32>, vector<16xf32>, vector<16xf32>, vector<16xf32>, vector<16xf32>, vector<16xf32>, vector<16xf32>, vector<16xf32>, vector<16xf32>, vector<16xf32>, vector<16xf32>, vector<16xf32>
      }
      %while3A_490 = arith.constant 200 : i32
      %while3A_491 = arith.subi %while3A_490, %while3A_489#0 : i32
      %while3A_492 = arith.addi %while3A_489#0, %while3A_491 : i32
      %while3A_493 = arith.constant 1 : i32
      %while3A_494 = arith.divsi %while3A_491, %while3A_493 : i32
      %while3A_495 = arith.muli %while3A_494, %while3A_493 : i32
      %while3A_496 = arith.addi %while3A_489#0, %while3A_495 : i32
      %while3A_497 = arith.constant 1 : i32
      %while3A_498:20 = scf.for %while3A_504 = %while3A_489#0 to %while3A_496 step %while3A_497 iter_args(%while3A_505 = %while3A_489#5, %while3A_506 = %while3A_489#6, %while3A_507 = %while3A_489#7, %while3A_508 = %while3A_489#8, %while3A_509 = %while3A_489#9, %while3A_510 = %while3A_489#10, %while3A_511 = %while3A_489#11, %while3A_512 = %while3A_489#12, %while3A_513 = %while3A_489#13, %while3A_514 = %while3A_489#14, %while3A_515 = %while3A_489#15, %while3A_516 = %while3A_489#16, %while3A_517 = %while3A_489#17, %while3A_518 = %while3A_489#18, %while3A_519 = %while3A_489#19, %while3A_520 = %while3A_489#20, %while3A_521 = %while3A_489#21, %while3A_522 = %while3A_489#22, %while3A_523 = %while3A_489#23, %while3A_524 = %while3A_489#24) -> (vector<16xf32>, vector<16xf32>, vector<16xf32>, vector<16xf32>, vector<16xf32>, vector<16xf32>, vector<16xf32>, vector<16xf32>, vector<16xf32>, vector<16xf32>, vector<16xf32>, vector<16xf32>, vector<16xf32>, vector<16xf32>, vector<16xf32>, vector<16xf32>, vector<16xf32>, vector<16xf32>, vector<16xf32>, vector<16xf32>)  : i32 {
        %get3A_525 = arith.constant 1 : i32
        %get3A_526 = arith.index_cast %get3A_525 : i32 to index
        %get3A_527 = arith.index_cast %while3A_504 : i32 to index
        %get3A_528 = arith.constant 0 : index
        %get3A_529 = tpu.vector_load %arg6[%get3A_526, %get3A_527, %get3A_528] {strides = array<i32>} : memref<2x200x64xf32, #tpu.memory_space<vmem>>, vector<16xf32>,
        %get3A_530 = arith.constant 1 : i32
        %get3A_531 = arith.index_cast %get3A_530 : i32 to index
        %get3A_532 = arith.index_cast %while3A_504 : i32 to index
        %get3A_533 = arith.constant 0 : index
        %get3A_534 = tpu.vector_load %arg7[%get3A_531, %get3A_532, %get3A_533] {strides = array<i32>} : memref<2x200x64xf32, #tpu.memory_space<vmem>>, vector<16xf32>,
        %add3A_535 = arith.addf %while3A_505, %get3A_529 : vector<16xf32>
        %add3A_536 = arith.addf %while3A_509, %get3A_534 : vector<16xf32>
        %mul3A_537 = arith.mulf %get3A_529, %get3A_529 : vector<16xf32>
        %add3A_538 = arith.addf %while3A_513, %mul3A_537 : vector<16xf32>
        %mul3A_539 = arith.mulf %get3A_534, %get3A_534 : vector<16xf32>
        %add3A_540 = arith.addf %while3A_517, %mul3A_539 : vector<16xf32>
        %mul3A_541 = arith.mulf %get3A_529, %get3A_534 : vector<16xf32>
        %add3A_542 = arith.addf %while3A_521, %mul3A_541 : vector<16xf32>
        %get3A_543 = arith.constant 1 : i32
        %get3A_544 = arith.index_cast %get3A_543 : i32 to index
        %get3A_545 = arith.index_cast %while3A_504 : i32 to index
        %get3A_546 = arith.constant 16 : index
        %get3A_547 = tpu.vector_load %arg6[%get3A_544, %get3A_545, %get3A_546] {strides = array<i32>} : memref<2x200x64xf32, #tpu.memory_space<vmem>>, vector<16xf32>,
        %get3A_548 = arith.constant 1 : i32
        %get3A_549 = arith.index_cast %get3A_548 : i32 to index
        %get3A_550 = arith.index_cast %while3A_504 : i32 to index
        %get3A_551 = arith.constant 16 : index
        %get3A_552 = tpu.vector_load %arg7[%get3A_549, %get3A_550, %get3A_551] {strides = array<i32>} : memref<2x200x64xf32, #tpu.memory_space<vmem>>, vector<16xf32>,
        %add3A_553 = arith.addf %while3A_506, %get3A_547 : vector<16xf32>
        %add3A_554 = arith.addf %while3A_510, %get3A_552 : vector<16xf32>
        %mul3A_555 = arith.mulf %get3A_547, %get3A_547 : vector<16xf32>
        %add3A_556 = arith.addf %while3A_514, %mul3A_555 : vector<16xf32>
        %mul3A_557 = arith.mulf %get3A_552, %get3A_552 : vector<16xf32>
        %add3A_558 = arith.addf %while3A_518, %mul3A_557 : vector<16xf32>
        %mul3A_559 = arith.mulf %get3A_547, %get3A_552 : vector<16xf32>
        %add3A_560 = arith.addf %while3A_522, %mul3A_559 : vector<16xf32>
        %get3A_561 = arith.constant 1 : i32
        %get3A_562 = arith.index_cast %get3A_561 : i32 to index
        %get3A_563 = arith.index_cast %while3A_504 : i32 to index
        %get3A_564 = arith.constant 32 : index
        %get3A_565 = tpu.vector_load %arg6[%get3A_562, %get3A_563, %get3A_564] {strides = array<i32>} : memref<2x200x64xf32, #tpu.memory_space<vmem>>, vector<16xf32>,
        %get3A_566 = arith.constant 1 : i32
        %get3A_567 = arith.index_cast %get3A_566 : i32 to index
        %get3A_568 = arith.index_cast %while3A_504 : i32 to index
        %get3A_569 = arith.constant 32 : index
        %get3A_570 = tpu.vector_load %arg7[%get3A_567, %get3A_568, %get3A_569] {strides = array<i32>} : memref<2x200x64xf32, #tpu.memory_space<vmem>>, vector<16xf32>,
        %add3A_571 = arith.addf %while3A_507, %get3A_565 : vector<16xf32>
        %add3A_572 = arith.addf %while3A_511, %get3A_570 : vector<16xf32>
        %mul3A_573 = arith.mulf %get3A_565, %get3A_565 : vector<16xf32>
        %add3A_574 = arith.addf %while3A_515, %mul3A_573 : vector<16xf32>
        %mul3A_575 = arith.mulf %get3A_570, %get3A_570 : vector<16xf32>
        %add3A_576 = arith.addf %while3A_519, %mul3A_575 : vector<16xf32>
        %mul3A_577 = arith.mulf %get3A_565, %get3A_570 : vector<16xf32>
        %add3A_578 = arith.addf %while3A_523, %mul3A_577 : vector<16xf32>
        %get3A_579 = arith.constant 1 : i32
        %get3A_580 = arith.index_cast %get3A_579 : i32 to index
        %get3A_581 = arith.index_cast %while3A_504 : i32 to index
        %get3A_582 = arith.constant 48 : index
        %get3A_583 = tpu.vector_load %arg6[%get3A_580, %get3A_581, %get3A_582] {strides = array<i32>} : memref<2x200x64xf32, #tpu.memory_space<vmem>>, vector<16xf32>,
        %get3A_584 = arith.constant 1 : i32
        %get3A_585 = arith.index_cast %get3A_584 : i32 to index
        %get3A_586 = arith.index_cast %while3A_504 : i32 to index
        %get3A_587 = arith.constant 48 : index
        %get3A_588 = tpu.vector_load %arg7[%get3A_585, %get3A_586, %get3A_587] {strides = array<i32>} : memref<2x200x64xf32, #tpu.memory_space<vmem>>, vector<16xf32>,
        %add3A_589 = arith.addf %while3A_508, %get3A_583 : vector<16xf32>
        %add3A_590 = arith.addf %while3A_512, %get3A_588 : vector<16xf32>
        %mul3A_591 = arith.mulf %get3A_583, %get3A_583 : vector<16xf32>
        %add3A_592 = arith.addf %while3A_516, %mul3A_591 : vector<16xf32>
        %mul3A_593 = arith.mulf %get3A_588, %get3A_588 : vector<16xf32>
        %add3A_594 = arith.addf %while3A_520, %mul3A_593 : vector<16xf32>
        %mul3A_595 = arith.mulf %get3A_583, %get3A_588 : vector<16xf32>
        %add3A_596 = arith.addf %while3A_524, %mul3A_595 : vector<16xf32>
        scf.yield %add3A_535, %add3A_553, %add3A_571, %add3A_589, %add3A_536, %add3A_554, %add3A_572, %add3A_590, %add3A_538, %add3A_556, %add3A_574, %add3A_592, %add3A_540, %add3A_558, %add3A_576, %add3A_594, %add3A_542, %add3A_560, %add3A_578, %add3A_596 : vector<16xf32>, vector<16xf32>, vector<16xf32>, vector<16xf32>, vector<16xf32>, vector<16xf32>, vector<16xf32>, vector<16xf32>, vector<16xf32>, vector<16xf32>, vector<16xf32>, vector<16xf32>, vector<16xf32>, vector<16xf32>, vector<16xf32>, vector<16xf32>, vector<16xf32>, vector<16xf32>, vector<16xf32>, vector<16xf32>
      }
      %while3A_499 = arith.constant 1 : i32
      %while3A_500:20 = scf.for %while3A_504 = %while3A_496 to %while3A_492 step %while3A_499 iter_args(%while3A_505 = %while3A_498#0, %while3A_506 = %while3A_498#1, %while3A_507 = %while3A_498#2, %while3A_508 = %while3A_498#3, %while3A_509 = %while3A_498#4, %while3A_510 = %while3A_498#5, %while3A_511 = %while3A_498#6, %while3A_512 = %while3A_498#7, %while3A_513 = %while3A_498#8, %while3A_514 = %while3A_498#9, %while3A_515 = %while3A_498#10, %while3A_516 = %while3A_498#11, %while3A_517 = %while3A_498#12, %while3A_518 = %while3A_498#13, %while3A_519 = %while3A_498#14, %while3A_520 = %while3A_498#15, %while3A_521 = %while3A_498#16, %while3A_522 = %while3A_498#17, %while3A_523 = %while3A_498#18, %while3A_524 = %while3A_498#19) -> (vector<16xf32>, vector<16xf32>, vector<16xf32>, vector<16xf32>, vector<16xf32>, vector<16xf32>, vector<16xf32>, vector<16xf32>, vector<16xf32>, vector<16xf32>, vector<16xf32>, vector<16xf32>, vector<16xf32>, vector<16xf32>, vector<16xf32>, vector<16xf32>, vector<16xf32>, vector<16xf32>, vector<16xf32>, vector<16xf32>)  : i32 {
        %get3A_525 = arith.constant 1 : i32
        %get3A_526 = arith.index_cast %get3A_525 : i32 to index
        %get3A_527 = arith.index_cast %while3A_504 : i32 to index
        %get3A_528 = arith.constant 0 : index
        %get3A_529 = tpu.vector_load %arg6[%get3A_526, %get3A_527, %get3A_528] {strides = array<i32>} : memref<2x200x64xf32, #tpu.memory_space<vmem>>, vector<16xf32>,
        %get3A_530 = arith.constant 1 : i32
        %get3A_531 = arith.index_cast %get3A_530 : i32 to index
        %get3A_532 = arith.index_cast %while3A_504 : i32 to index
        %get3A_533 = arith.constant 0 : index
        %get3A_534 = tpu.vector_load %arg7[%get3A_531, %get3A_532, %get3A_533] {strides = array<i32>} : memref<2x200x64xf32, #tpu.memory_space<vmem>>, vector<16xf32>,
        %add3A_535 = arith.addf %while3A_505, %get3A_529 : vector<16xf32>
        %add3A_536 = arith.addf %while3A_509, %get3A_534 : vector<16xf32>
        %mul3A_537 = arith.mulf %get3A_529, %get3A_529 : vector<16xf32>
        %add3A_538 = arith.addf %while3A_513, %mul3A_537 : vector<16xf32>
        %mul3A_539 = arith.mulf %get3A_534, %get3A_534 : vector<16xf32>
        %add3A_540 = arith.addf %while3A_517, %mul3A_539 : vector<16xf32>
        %mul3A_541 = arith.mulf %get3A_529, %get3A_534 : vector<16xf32>
        %add3A_542 = arith.addf %while3A_521, %mul3A_541 : vector<16xf32>
        %get3A_543 = arith.constant 1 : i32
        %get3A_544 = arith.index_cast %get3A_543 : i32 to index
        %get3A_545 = arith.index_cast %while3A_504 : i32 to index
        %get3A_546 = arith.constant 16 : index
        %get3A_547 = tpu.vector_load %arg6[%get3A_544, %get3A_545, %get3A_546] {strides = array<i32>} : memref<2x200x64xf32, #tpu.memory_space<vmem>>, vector<16xf32>,
        %get3A_548 = arith.constant 1 : i32
        %get3A_549 = arith.index_cast %get3A_548 : i32 to index
        %get3A_550 = arith.index_cast %while3A_504 : i32 to index
        %get3A_551 = arith.constant 16 : index
        %get3A_552 = tpu.vector_load %arg7[%get3A_549, %get3A_550, %get3A_551] {strides = array<i32>} : memref<2x200x64xf32, #tpu.memory_space<vmem>>, vector<16xf32>,
        %add3A_553 = arith.addf %while3A_506, %get3A_547 : vector<16xf32>
        %add3A_554 = arith.addf %while3A_510, %get3A_552 : vector<16xf32>
        %mul3A_555 = arith.mulf %get3A_547, %get3A_547 : vector<16xf32>
        %add3A_556 = arith.addf %while3A_514, %mul3A_555 : vector<16xf32>
        %mul3A_557 = arith.mulf %get3A_552, %get3A_552 : vector<16xf32>
        %add3A_558 = arith.addf %while3A_518, %mul3A_557 : vector<16xf32>
        %mul3A_559 = arith.mulf %get3A_547, %get3A_552 : vector<16xf32>
        %add3A_560 = arith.addf %while3A_522, %mul3A_559 : vector<16xf32>
        %get3A_561 = arith.constant 1 : i32
        %get3A_562 = arith.index_cast %get3A_561 : i32 to index
        %get3A_563 = arith.index_cast %while3A_504 : i32 to index
        %get3A_564 = arith.constant 32 : index
        %get3A_565 = tpu.vector_load %arg6[%get3A_562, %get3A_563, %get3A_564] {strides = array<i32>} : memref<2x200x64xf32, #tpu.memory_space<vmem>>, vector<16xf32>,
        %get3A_566 = arith.constant 1 : i32
        %get3A_567 = arith.index_cast %get3A_566 : i32 to index
        %get3A_568 = arith.index_cast %while3A_504 : i32 to index
        %get3A_569 = arith.constant 32 : index
        %get3A_570 = tpu.vector_load %arg7[%get3A_567, %get3A_568, %get3A_569] {strides = array<i32>} : memref<2x200x64xf32, #tpu.memory_space<vmem>>, vector<16xf32>,
        %add3A_571 = arith.addf %while3A_507, %get3A_565 : vector<16xf32>
        %add3A_572 = arith.addf %while3A_511, %get3A_570 : vector<16xf32>
        %mul3A_573 = arith.mulf %get3A_565, %get3A_565 : vector<16xf32>
        %add3A_574 = arith.addf %while3A_515, %mul3A_573 : vector<16xf32>
        %mul3A_575 = arith.mulf %get3A_570, %get3A_570 : vector<16xf32>
        %add3A_576 = arith.addf %while3A_519, %mul3A_575 : vector<16xf32>
        %mul3A_577 = arith.mulf %get3A_565, %get3A_570 : vector<16xf32>
        %add3A_578 = arith.addf %while3A_523, %mul3A_577 : vector<16xf32>
        %get3A_579 = arith.constant 1 : i32
        %get3A_580 = arith.index_cast %get3A_579 : i32 to index
        %get3A_581 = arith.index_cast %while3A_504 : i32 to index
        %get3A_582 = arith.constant 48 : index
        %get3A_583 = tpu.vector_load %arg6[%get3A_580, %get3A_581, %get3A_582] {strides = array<i32>} : memref<2x200x64xf32, #tpu.memory_space<vmem>>, vector<16xf32>,
        %get3A_584 = arith.constant 1 : i32
        %get3A_585 = arith.index_cast %get3A_584 : i32 to index
        %get3A_586 = arith.index_cast %while3A_504 : i32 to index
        %get3A_587 = arith.constant 48 : index
        %get3A_588 = tpu.vector_load %arg7[%get3A_585, %get3A_586, %get3A_587] {strides = array<i32>} : memref<2x200x64xf32, #tpu.memory_space<vmem>>, vector<16xf32>,
        %add3A_589 = arith.addf %while3A_508, %get3A_583 : vector<16xf32>
        %add3A_590 = arith.addf %while3A_512, %get3A_588 : vector<16xf32>
        %mul3A_591 = arith.mulf %get3A_583, %get3A_583 : vector<16xf32>
        %add3A_592 = arith.addf %while3A_516, %mul3A_591 : vector<16xf32>
        %mul3A_593 = arith.mulf %get3A_588, %get3A_588 : vector<16xf32>
        %add3A_594 = arith.addf %while3A_520, %mul3A_593 : vector<16xf32>
        %mul3A_595 = arith.mulf %get3A_583, %get3A_588 : vector<16xf32>
        %add3A_596 = arith.addf %while3A_524, %mul3A_595 : vector<16xf32>
        scf.yield %add3A_535, %add3A_553, %add3A_571, %add3A_589, %add3A_536, %add3A_554, %add3A_572, %add3A_590, %add3A_538, %add3A_556, %add3A_574, %add3A_592, %add3A_540, %add3A_558, %add3A_576, %add3A_594, %add3A_542, %add3A_560, %add3A_578, %add3A_596 : vector<16xf32>, vector<16xf32>, vector<16xf32>, vector<16xf32>, vector<16xf32>, vector<16xf32>, vector<16xf32>, vector<16xf32>, vector<16xf32>, vector<16xf32>, vector<16xf32>, vector<16xf32>, vector<16xf32>, vector<16xf32>, vector<16xf32>, vector<16xf32>, vector<16xf32>, vector<16xf32>, vector<16xf32>, vector<16xf32>
      }
      %sub3A_501 = arith.constant 200 : i32
      %sub3A_502 = arith.subi %sub3A_501, %while3A_489#0 : i32
      %add3A_503 = arith.addi %while3A_489#2, %sub3A_502 : i32
      scf.yield %while3A_489#1, %add3A_503, %while3A_489#3, %while3A_489#4, %while3A_500#0, %while3A_500#1, %while3A_500#2, %while3A_500#3, %while3A_500#4, %while3A_500#5, %while3A_500#6, %while3A_500#7, %while3A_500#8, %while3A_500#9, %while3A_500#10, %while3A_500#11, %while3A_500#12, %while3A_500#13, %while3A_500#14, %while3A_500#15, %while3A_500#16, %while3A_500#17, %while3A_500#18, %while3A_500#19 : i32, i32, i32, i32, vector<16xf32>, vector<16xf32>, vector<16xf32>, vector<16xf32>, vector<16xf32>, vector<16xf32>, vector<16xf32>, vector<16xf32>, vector<16xf32>, vector<16xf32>, vector<16xf32>, vector<16xf32>, vector<16xf32>, vector<16xf32>, vector<16xf32>, vector<16xf32>, vector<16xf32>, vector<16xf32>, vector<16xf32>, vector<16xf32>
    }
    %scan3A_69 = arith.constant 50 : i32
    %ne3A = arith.cmpi ne, %scan3A_68#0, %squeeze3A : i32
    %swap3A = arith.constant 0 : index
    %swap3A_70 = tpu.vector_load %arg10[%swap3A] {strides = array<i32>} : memref<384xf32, #tpu.memory_space<vmem>>, vector<16xf32>,
    tpu.vector_store %arg10[%swap3A], %scan3A_68#4 {strides = array<i32>} : memref<384xf32, #tpu.memory_space<vmem>>, vector<16xf32>,
    %swap3A_71 = arith.constant 16 : index
    %swap3A_72 = tpu.vector_load %arg10[%swap3A_71] {strides = array<i32>} : memref<384xf32, #tpu.memory_space<vmem>>, vector<16xf32>,
    tpu.vector_store %arg10[%swap3A_71], %scan3A_68#5 {strides = array<i32>} : memref<384xf32, #tpu.memory_space<vmem>>, vector<16xf32>,
    %swap3A_73 = arith.constant 32 : index
    %swap3A_74 = tpu.vector_load %arg10[%swap3A_73] {strides = array<i32>} : memref<384xf32, #tpu.memory_space<vmem>>, vector<16xf32>,
    tpu.vector_store %arg10[%swap3A_73], %scan3A_68#6 {strides = array<i32>} : memref<384xf32, #tpu.memory_space<vmem>>, vector<16xf32>,
    %swap3A_75 = arith.constant 48 : index
    %swap3A_76 = tpu.vector_load %arg10[%swap3A_75] {strides = array<i32>} : memref<384xf32, #tpu.memory_space<vmem>>, vector<16xf32>,
    tpu.vector_store %arg10[%swap3A_75], %scan3A_68#7 {strides = array<i32>} : memref<384xf32, #tpu.memory_space<vmem>>, vector<16xf32>,
    %swap3A_77 = arith.constant 64 : index
    %swap3A_78 = tpu.vector_load %arg10[%swap3A_77] {strides = array<i32>} : memref<384xf32, #tpu.memory_space<vmem>>, vector<16xf32>,
    tpu.vector_store %arg10[%swap3A_77], %scan3A_68#8 {strides = array<i32>} : memref<384xf32, #tpu.memory_space<vmem>>, vector<16xf32>,
    %swap3A_79 = arith.constant 80 : index
    %swap3A_80 = tpu.vector_load %arg10[%swap3A_79] {strides = array<i32>} : memref<384xf32, #tpu.memory_space<vmem>>, vector<16xf32>,
    tpu.vector_store %arg10[%swap3A_79], %scan3A_68#9 {strides = array<i32>} : memref<384xf32, #tpu.memory_space<vmem>>, vector<16xf32>,
    %swap3A_81 = arith.constant 96 : index
    %swap3A_82 = tpu.vector_load %arg10[%swap3A_81] {strides = array<i32>} : memref<384xf32, #tpu.memory_space<vmem>>, vector<16xf32>,
    tpu.vector_store %arg10[%swap3A_81], %scan3A_68#10 {strides = array<i32>} : memref<384xf32, #tpu.memory_space<vmem>>, vector<16xf32>,
    %swap3A_83 = arith.constant 112 : index
    %swap3A_84 = tpu.vector_load %arg10[%swap3A_83] {strides = array<i32>} : memref<384xf32, #tpu.memory_space<vmem>>, vector<16xf32>,
    tpu.vector_store %arg10[%swap3A_83], %scan3A_68#11 {strides = array<i32>} : memref<384xf32, #tpu.memory_space<vmem>>, vector<16xf32>,
    %swap3A_85 = arith.constant 128 : index
    %swap3A_86 = tpu.vector_load %arg10[%swap3A_85] {strides = array<i32>} : memref<384xf32, #tpu.memory_space<vmem>>, vector<16xf32>,
    tpu.vector_store %arg10[%swap3A_85], %scan3A_68#12 {strides = array<i32>} : memref<384xf32, #tpu.memory_space<vmem>>, vector<16xf32>,
    %swap3A_87 = arith.constant 144 : index
    %swap3A_88 = tpu.vector_load %arg10[%swap3A_87] {strides = array<i32>} : memref<384xf32, #tpu.memory_space<vmem>>, vector<16xf32>,
    tpu.vector_store %arg10[%swap3A_87], %scan3A_68#13 {strides = array<i32>} : memref<384xf32, #tpu.memory_space<vmem>>, vector<16xf32>,
    %swap3A_89 = arith.constant 160 : index
    %swap3A_90 = tpu.vector_load %arg10[%swap3A_89] {strides = array<i32>} : memref<384xf32, #tpu.memory_space<vmem>>, vector<16xf32>,
    tpu.vector_store %arg10[%swap3A_89], %scan3A_68#14 {strides = array<i32>} : memref<384xf32, #tpu.memory_space<vmem>>, vector<16xf32>,
    %swap3A_91 = arith.constant 176 : index
    %swap3A_92 = tpu.vector_load %arg10[%swap3A_91] {strides = array<i32>} : memref<384xf32, #tpu.memory_space<vmem>>, vector<16xf32>,
    tpu.vector_store %arg10[%swap3A_91], %scan3A_68#15 {strides = array<i32>} : memref<384xf32, #tpu.memory_space<vmem>>, vector<16xf32>,
    %swap3A_93 = arith.constant 192 : index
    %swap3A_94 = tpu.vector_load %arg10[%swap3A_93] {strides = array<i32>} : memref<384xf32, #tpu.memory_space<vmem>>, vector<16xf32>,
    tpu.vector_store %arg10[%swap3A_93], %scan3A_68#16 {strides = array<i32>} : memref<384xf32, #tpu.memory_space<vmem>>, vector<16xf32>,
    %swap3A_95 = arith.constant 208 : index
    %swap3A_96 = tpu.vector_load %arg10[%swap3A_95] {strides = array<i32>} : memref<384xf32, #tpu.memory_space<vmem>>, vector<16xf32>,
    tpu.vector_store %arg10[%swap3A_95], %scan3A_68#17 {strides = array<i32>} : memref<384xf32, #tpu.memory_space<vmem>>, vector<16xf32>,
    %swap3A_97 = arith.constant 224 : index
    %swap3A_98 = tpu.vector_load %arg10[%swap3A_97] {strides = array<i32>} : memref<384xf32, #tpu.memory_space<vmem>>, vector<16xf32>,
    tpu.vector_store %arg10[%swap3A_97], %scan3A_68#18 {strides = array<i32>} : memref<384xf32, #tpu.memory_space<vmem>>, vector<16xf32>,
    %swap3A_99 = arith.constant 240 : index
    %swap3A_100 = tpu.vector_load %arg10[%swap3A_99] {strides = array<i32>} : memref<384xf32, #tpu.memory_space<vmem>>, vector<16xf32>,
    tpu.vector_store %arg10[%swap3A_99], %scan3A_68#19 {strides = array<i32>} : memref<384xf32, #tpu.memory_space<vmem>>, vector<16xf32>,
    %swap3A_101 = arith.constant 256 : index
    %swap3A_102 = tpu.vector_load %arg10[%swap3A_101] {strides = array<i32>} : memref<384xf32, #tpu.memory_space<vmem>>, vector<16xf32>,
    tpu.vector_store %arg10[%swap3A_101], %scan3A_68#20 {strides = array<i32>} : memref<384xf32, #tpu.memory_space<vmem>>, vector<16xf32>,
    %swap3A_103 = arith.constant 272 : index
    %swap3A_104 = tpu.vector_load %arg10[%swap3A_103] {strides = array<i32>} : memref<384xf32, #tpu.memory_space<vmem>>, vector<16xf32>,
    tpu.vector_store %arg10[%swap3A_103], %scan3A_68#21 {strides = array<i32>} : memref<384xf32, #tpu.memory_space<vmem>>, vector<16xf32>,
    %swap3A_105 = arith.constant 288 : index
    %swap3A_106 = tpu.vector_load %arg10[%swap3A_105] {strides = array<i32>} : memref<384xf32, #tpu.memory_space<vmem>>, vector<16xf32>,
    tpu.vector_store %arg10[%swap3A_105], %scan3A_68#22 {strides = array<i32>} : memref<384xf32, #tpu.memory_space<vmem>>, vector<16xf32>,
    %swap3A_107 = arith.constant 304 : index
    %swap3A_108 = tpu.vector_load %arg10[%swap3A_107] {strides = array<i32>} : memref<384xf32, #tpu.memory_space<vmem>>, vector<16xf32>,
    tpu.vector_store %arg10[%swap3A_107], %scan3A_68#23 {strides = array<i32>} : memref<384xf32, #tpu.memory_space<vmem>>, vector<16xf32>,
    %convert_element_type3A = arith.sitofp %scan3A_68#1 : i32 to f32
    %broadcast_in_dim3A_109 = vector.broadcast %convert_element_type3A : f32 to vector<16xf32>
    %swap3A_110 = arith.constant 320 : index
    %swap3A_111 = tpu.vector_load %arg10[%swap3A_110] {strides = array<i32>} : memref<384xf32, #tpu.memory_space<vmem>>, vector<16xf32>,
    tpu.vector_store %arg10[%swap3A_110], %broadcast_in_dim3A_109 {strides = array<i32>} : memref<384xf32, #tpu.memory_space<vmem>>, vector<16xf32>,
    %jit3A = arith.constant 1 : i32
    %jit3A_112 = arith.constant 0 : i32
    %select_n3A = arith.select %ne3A, %jit3A, %jit3A_112 : i32
    %mul3A_113 = arith.constant 2 : i32
    %mul3A_114 = arith.muli %arg1, %mul3A_113 : i32
    %add3A_115 = arith.addi %mul3A_114, %select_n3A : i32
    %mul3A_116 = arith.constant 384 : i32
    %mul3A_117 = arith.muli %add3A_115, %mul3A_116 : i32
    "tpu.region"() ({
      %run_scoped3A = tpu.sem_alloc : memref<!tpu.dma_semaphore, #tpu.memory_space<semaphore_mem>>
      %dma_start3A_150 = tpu.memref_slice %arg16[%mul3A_117] : memref<12288xf32, #tpu.memory_space<vmem_shared>> -> memref<384xf32, #tpu.memory_space<vmem_shared>>
      %dma_start3A_151 = tpu.memref_slice %arg16[%mul3A_117] : memref<12288xf32, #tpu.memory_space<vmem_shared>> -> memref<384xf32, #tpu.memory_space<vmem_shared>>
      tpu.enqueue_dma source(%arg10 : memref<384xf32, #tpu.memory_space<vmem>>) target(%dma_start3A_151 : memref<384xf32, #tpu.memory_space<vmem_shared>>) target_semaphore(%run_scoped3A : memref<!tpu.dma_semaphore, #tpu.memory_space<semaphore_mem>>)
      %dma_wait3A_152 = tpu.memref_slice %arg16[%mul3A_117] : memref<12288xf32, #tpu.memory_space<vmem_shared>> -> memref<384xf32, #tpu.memory_space<vmem_shared>>
      %dma_wait3A_153 = tpu.memref_slice %arg16[%mul3A_117] : memref<12288xf32, #tpu.memory_space<vmem_shared>> -> memref<384xf32, #tpu.memory_space<vmem_shared>>
      tpu.wait_dma2 semaphore(%run_scoped3A : memref<!tpu.dma_semaphore, #tpu.memory_space<semaphore_mem>>) src(%arg10 : memref<384xf32, #tpu.memory_space<vmem>>) dst(%dma_wait3A_153 : memref<384xf32, #tpu.memory_space<vmem_shared>>)
      tpu.yield
    }) : () -> ()
    %broadcast_in_dim3A_118 = vector.broadcast %squeeze3A : i32 to vector<16xi32>
    %swap3A_119 = arith.constant 0 : index
    %swap3A_120 = tpu.vector_load %arg11[%swap3A_119] {strides = array<i32>} : memref<32xi32, #tpu.memory_space<vmem>>, vector<16xi32>,
    tpu.vector_store %arg11[%swap3A_119], %broadcast_in_dim3A_118 {strides = array<i32>} : memref<32xi32, #tpu.memory_space<vmem>>, vector<16xi32>,
    %jit3A_121 = arith.constant -1 : i32
    %select_n3A_122 = arith.select %ne3A, %scan3A_68#0, %jit3A_121 : i32
    %broadcast_in_dim3A_123 = vector.broadcast %select_n3A_122 : i32 to vector<16xi32>
    %swap3A_124 = arith.constant 16 : index
    %swap3A_125 = tpu.vector_load %arg11[%swap3A_124] {strides = array<i32>} : memref<32xi32, #tpu.memory_space<vmem>>, vector<16xi32>,
    tpu.vector_store %arg11[%swap3A_124], %broadcast_in_dim3A_123 {strides = array<i32>} : memref<32xi32, #tpu.memory_space<vmem>>, vector<16xi32>,
    %mul3A_126 = arith.constant 32 : i32
    %mul3A_127 = arith.muli %arg1, %mul3A_126 : i32
    "tpu.region"() ({
      %run_scoped3A = tpu.sem_alloc : memref<!tpu.dma_semaphore, #tpu.memory_space<semaphore_mem>>
      %dma_start3A_150 = tpu.memref_slice %arg17[%mul3A_127] : memref<512xi32, #tpu.memory_space<vmem_shared>> -> memref<32xi32, #tpu.memory_space<vmem_shared>>
      %dma_start3A_151 = tpu.memref_slice %arg17[%mul3A_127] : memref<512xi32, #tpu.memory_space<vmem_shared>> -> memref<32xi32, #tpu.memory_space<vmem_shared>>
      tpu.enqueue_dma source(%arg11 : memref<32xi32, #tpu.memory_space<vmem>>) target(%dma_start3A_151 : memref<32xi32, #tpu.memory_space<vmem_shared>>) target_semaphore(%run_scoped3A : memref<!tpu.dma_semaphore, #tpu.memory_space<semaphore_mem>>)
      %dma_wait3A_152 = tpu.memref_slice %arg17[%mul3A_127] : memref<512xi32, #tpu.memory_space<vmem_shared>> -> memref<32xi32, #tpu.memory_space<vmem_shared>>
      %dma_wait3A_153 = tpu.memref_slice %arg17[%mul3A_127] : memref<512xi32, #tpu.memory_space<vmem_shared>> -> memref<32xi32, #tpu.memory_space<vmem_shared>>
      tpu.wait_dma2 semaphore(%run_scoped3A : memref<!tpu.dma_semaphore, #tpu.memory_space<semaphore_mem>>) src(%arg11 : memref<32xi32, #tpu.memory_space<vmem>>) dst(%dma_wait3A_153 : memref<32xi32, #tpu.memory_space<vmem_shared>>)
      tpu.yield
    }) : () -> ()
    %gt3A = arith.constant 0 : i32
    %gt3A_128 = arith.cmpi sgt, %scan3A_68#3, %gt3A : i32
    %convert_element_type3A_129 = arith.extui %gt3A_128 : i1 to i32
    %cond3A = arith.constant 0 : i32
    %cond3A_130 = arith.cmpi ne, %convert_element_type3A_129, %cond3A : i32
    scf.if %cond3A_130 {
      %dma_wait3A_150 = arith.constant 0 : i32
      %dma_wait3A_151 = tpu.memref_slice %arg9[%dma_wait3A_150] : memref<256xf32, #tpu.memory_space<vmem>> -> memref<64xf32, #tpu.memory_space<vmem>>
      %dma_wait3A_152 = arith.constant 0 : i32
      %dma_wait3A_153 = tpu.memref_slice %arg5[%dma_wait3A_152] : memref<1280000xf32, #tpu.memory_space<hbm>> -> memref<64xf32, #tpu.memory_space<hbm>>
      %dma_wait3A_154 = arith.constant 0 : i32
      %dma_wait3A_155 = tpu.memref_slice %arg5[%dma_wait3A_154] : memref<1280000xf32, #tpu.memory_space<hbm>> -> memref<64xf32, #tpu.memory_space<hbm>>
      %dma_wait3A_156 = arith.constant 0 : i32
      %dma_wait3A_157 = tpu.memref_slice %arg9[%dma_wait3A_156] : memref<256xf32, #tpu.memory_space<vmem>> -> memref<64xf32, #tpu.memory_space<vmem>>
      tpu.wait_dma2 semaphore(%arg19 : memref<!tpu.dma_semaphore, #tpu.memory_space<semaphore_mem>>) src(%dma_wait3A_157 : memref<64xf32, #tpu.memory_space<vmem>>) dst(%dma_wait3A_155 : memref<64xf32, #tpu.memory_space<hbm>>)
    } else {
    }
    %gt3A_131 = arith.constant 1 : i32
    %gt3A_132 = arith.cmpi sgt, %scan3A_68#3, %gt3A_131 : i32
    %convert_element_type3A_133 = arith.extui %gt3A_132 : i1 to i32
    %cond3A_134 = arith.constant 0 : i32
    %cond3A_135 = arith.cmpi ne, %convert_element_type3A_133, %cond3A_134 : i32
    scf.if %cond3A_135 {
      %dma_wait3A_150 = arith.constant 0 : i32
      %dma_wait3A_151 = tpu.memref_slice %arg9[%dma_wait3A_150] : memref<256xf32, #tpu.memory_space<vmem>> -> memref<64xf32, #tpu.memory_space<vmem>>
      %dma_wait3A_152 = arith.constant 0 : i32
      %dma_wait3A_153 = tpu.memref_slice %arg5[%dma_wait3A_152] : memref<1280000xf32, #tpu.memory_space<hbm>> -> memref<64xf32, #tpu.memory_space<hbm>>
      %dma_wait3A_154 = arith.constant 0 : i32
      %dma_wait3A_155 = tpu.memref_slice %arg5[%dma_wait3A_154] : memref<1280000xf32, #tpu.memory_space<hbm>> -> memref<64xf32, #tpu.memory_space<hbm>>
      %dma_wait3A_156 = arith.constant 0 : i32
      %dma_wait3A_157 = tpu.memref_slice %arg9[%dma_wait3A_156] : memref<256xf32, #tpu.memory_space<vmem>> -> memref<64xf32, #tpu.memory_space<vmem>>
      tpu.wait_dma2 semaphore(%arg19 : memref<!tpu.dma_semaphore, #tpu.memory_space<semaphore_mem>>) src(%dma_wait3A_157 : memref<64xf32, #tpu.memory_space<vmem>>) dst(%dma_wait3A_155 : memref<64xf32, #tpu.memory_space<hbm>>)
    } else {
    }
    %gt3A_136 = arith.constant 2 : i32
    %gt3A_137 = arith.cmpi sgt, %scan3A_68#3, %gt3A_136 : i32
    %convert_element_type3A_138 = arith.extui %gt3A_137 : i1 to i32
    %cond3A_139 = arith.constant 0 : i32
    %cond3A_140 = arith.cmpi ne, %convert_element_type3A_138, %cond3A_139 : i32
    scf.if %cond3A_140 {
      %dma_wait3A_150 = arith.constant 0 : i32
      %dma_wait3A_151 = tpu.memref_slice %arg9[%dma_wait3A_150] : memref<256xf32, #tpu.memory_space<vmem>> -> memref<64xf32, #tpu.memory_space<vmem>>
      %dma_wait3A_152 = arith.constant 0 : i32
      %dma_wait3A_153 = tpu.memref_slice %arg5[%dma_wait3A_152] : memref<1280000xf32, #tpu.memory_space<hbm>> -> memref<64xf32, #tpu.memory_space<hbm>>
      %dma_wait3A_154 = arith.constant 0 : i32
      %dma_wait3A_155 = tpu.memref_slice %arg5[%dma_wait3A_154] : memref<1280000xf32, #tpu.memory_space<hbm>> -> memref<64xf32, #tpu.memory_space<hbm>>
      %dma_wait3A_156 = arith.constant 0 : i32
      %dma_wait3A_157 = tpu.memref_slice %arg9[%dma_wait3A_156] : memref<256xf32, #tpu.memory_space<vmem>> -> memref<64xf32, #tpu.memory_space<vmem>>
      tpu.wait_dma2 semaphore(%arg19 : memref<!tpu.dma_semaphore, #tpu.memory_space<semaphore_mem>>) src(%dma_wait3A_157 : memref<64xf32, #tpu.memory_space<vmem>>) dst(%dma_wait3A_155 : memref<64xf32, #tpu.memory_space<hbm>>)
    } else {
    }
    %gt3A_141 = arith.constant 3 : i32
    %gt3A_142 = arith.cmpi sgt, %scan3A_68#3, %gt3A_141 : i32
    %convert_element_type3A_143 = arith.extui %gt3A_142 : i1 to i32
    %cond3A_144 = arith.constant 0 : i32
    %cond3A_145 = arith.cmpi ne, %convert_element_type3A_143, %cond3A_144 : i32
    scf.if %cond3A_145 {
      %dma_wait3A_150 = arith.constant 0 : i32
      %dma_wait3A_151 = tpu.memref_slice %arg9[%dma_wait3A_150] : memref<256xf32, #tpu.memory_space<vmem>> -> memref<64xf32, #tpu.memory_space<vmem>>
      %dma_wait3A_152 = arith.constant 0 : i32
      %dma_wait3A_153 = tpu.memref_slice %arg5[%dma_wait3A_152] : memref<1280000xf32, #tpu.memory_space<hbm>> -> memref<64xf32, #tpu.memory_space<hbm>>
      %dma_wait3A_154 = arith.constant 0 : i32
      %dma_wait3A_155 = tpu.memref_slice %arg5[%dma_wait3A_154] : memref<1280000xf32, #tpu.memory_space<hbm>> -> memref<64xf32, #tpu.memory_space<hbm>>
      %dma_wait3A_156 = arith.constant 0 : i32
      %dma_wait3A_157 = tpu.memref_slice %arg9[%dma_wait3A_156] : memref<256xf32, #tpu.memory_space<vmem>> -> memref<64xf32, #tpu.memory_space<vmem>>
      tpu.wait_dma2 semaphore(%arg19 : memref<!tpu.dma_semaphore, #tpu.memory_space<semaphore_mem>>) src(%dma_wait3A_157 : memref<64xf32, #tpu.memory_space<vmem>>) dst(%dma_wait3A_155 : memref<64xf32, #tpu.memory_space<hbm>>)
    } else {
    }
    %barrier3A = arith.constant 0 : index
    tpu.barrier barrier_id(%barrier3A)
    %eq3A = arith.constant 0 : i32
    %eq3A_146 = arith.cmpi eq, %arg1, %eq3A : i32
    %convert_element_type3A_147 = arith.extui %eq3A_146 : i1 to i32
    %cond3A_148 = arith.constant 0 : i32
    %cond3A_149 = arith.cmpi ne, %convert_element_type3A_147, %cond3A_148 : i32
    scf.if %cond3A_149 {
      "tpu.region"() ({
        %run_scoped3A = tpu.sem_alloc : memref<!tpu.dma_semaphore, #tpu.memory_space<semaphore_mem>>
        tpu.enqueue_dma source(%arg16 : memref<12288xf32, #tpu.memory_space<vmem_shared>>) target(%arg12 : memref<12288xf32, #tpu.memory_space<vmem>>) target_semaphore(%run_scoped3A : memref<!tpu.dma_semaphore, #tpu.memory_space<semaphore_mem>>)
        tpu.wait_dma2 semaphore(%run_scoped3A : memref<!tpu.dma_semaphore, #tpu.memory_space<semaphore_mem>>) src(%arg16 : memref<12288xf32, #tpu.memory_space<vmem_shared>>) dst(%arg12 : memref<12288xf32, #tpu.memory_space<vmem>>)
        tpu.yield
      }) : () -> ()
      "tpu.region"() ({
        %run_scoped3A = tpu.sem_alloc : memref<!tpu.dma_semaphore, #tpu.memory_space<semaphore_mem>>
        tpu.enqueue_dma source(%arg17 : memref<512xi32, #tpu.memory_space<vmem_shared>>) target(%arg13 : memref<512xi32, #tpu.memory_space<vmem>>) target_semaphore(%run_scoped3A : memref<!tpu.dma_semaphore, #tpu.memory_space<semaphore_mem>>)
        tpu.wait_dma2 semaphore(%run_scoped3A : memref<!tpu.dma_semaphore, #tpu.memory_space<semaphore_mem>>) src(%arg17 : memref<512xi32, #tpu.memory_space<vmem_shared>>) dst(%arg13 : memref<512xi32, #tpu.memory_space<vmem>>)
        tpu.yield
      }) : () -> ()
      %scan3A_150 = arith.constant -1 : i32
      %scan3A_151 = arith.constant 0 : i32
      %scan3A_152 = arith.constant 32 : i32
      %scan3A_153 = arith.addi %scan3A_151, %scan3A_152 : i32
      %scan3A_154 = arith.constant 1 : i32
      %scan3A_155 = scf.for %scan3A_161 = %scan3A_151 to %scan3A_153 step %scan3A_154 iter_args(%scan3A_162 = %scan3A_150) -> (i32)  : i32 {
        %mul3A_163 = arith.constant 16 : i32
        %mul3A_164 = arith.muli %scan3A_161, %mul3A_163 : i32
        %get3A_165 = arith.index_cast %mul3A_164 : i32 to index
        %get3A_166 = tpu.vector_load %arg13[%get3A_165] {strides = array<i32>} : memref<512xi32, #tpu.memory_space<vmem>>, vector<16xi32>,
        %slice3A_167 = vector.extract_strided_slice %get3A_166 {offsets = [0], sizes = [1], strides = [1]} : vector<16xi32> to vector<1xi32>
        %squeeze3A_168 = vector.extract %slice3A_167[0] : i32 from vector<1xi32>
        %mul3A_169 = arith.constant 384 : i32
        %mul3A_170 = arith.muli %scan3A_161, %mul3A_169 : i32
        %ge3A_171 = arith.constant 0 : i32
        %ge3A_172 = arith.cmpi sge, %squeeze3A_168, %ge3A_171 : i32
        %convert_element_type3A_173 = arith.extui %ge3A_172 : i1 to i32
        %cond3A_174 = arith.constant 0 : i32
        %cond3A_175 = arith.cmpi ne, %convert_element_type3A_173, %cond3A_174 : i32
        %cond3A_176 = scf.if %cond3A_175 -> (i32) {
          %eq3A_177 = arith.cmpi eq, %squeeze3A_168, %scan3A_162 : i32
          %convert_element_type3A_178 = arith.extui %eq3A_177 : i1 to i32
          %cond3A_179 = arith.constant 0 : i32
          %cond3A_180 = arith.cmpi ne, %convert_element_type3A_178, %cond3A_179 : i32
          scf.if %cond3A_180 {
            %get3A_181 = arith.constant 0 : index
            %get3A_182 = tpu.vector_load %arg14[%get3A_181] {strides = array<i32>} : memref<384xf32, #tpu.memory_space<vmem>>, vector<16xf32>,
            %add3A_183 = arith.constant 0 : i32
            %add3A_184 = arith.addi %mul3A_170, %add3A_183 : i32
            %get3A_185 = arith.index_cast %add3A_184 : i32 to index
            %get3A_186 = tpu.vector_load %arg12[%get3A_185] {strides = array<i32>} : memref<12288xf32, #tpu.memory_space<vmem>>, vector<16xf32>,
            %add3A_187 = arith.addf %get3A_182, %get3A_186 : vector<16xf32>
            %swap3A_188 = arith.constant 0 : index
            %swap3A_189 = tpu.vector_load %arg14[%swap3A_188] {strides = array<i32>} : memref<384xf32, #tpu.memory_space<vmem>>, vector<16xf32>,
            tpu.vector_store %arg14[%swap3A_188], %add3A_187 {strides = array<i32>} : memref<384xf32, #tpu.memory_space<vmem>>, vector<16xf32>,
            %get3A_190 = arith.constant 16 : index
            %get3A_191 = tpu.vector_load %arg14[%get3A_190] {strides = array<i32>} : memref<384xf32, #tpu.memory_space<vmem>>, vector<16xf32>,
            %add3A_192 = arith.constant 16 : i32
            %add3A_193 = arith.addi %mul3A_170, %add3A_192 : i32
            %get3A_194 = arith.index_cast %add3A_193 : i32 to index
            %get3A_195 = tpu.vector_load %arg12[%get3A_194] {strides = array<i32>} : memref<12288xf32, #tpu.memory_space<vmem>>, vector<16xf32>,
            %add3A_196 = arith.addf %get3A_191, %get3A_195 : vector<16xf32>
            %swap3A_197 = arith.constant 16 : index
            %swap3A_198 = tpu.vector_load %arg14[%swap3A_197] {strides = array<i32>} : memref<384xf32, #tpu.memory_space<vmem>>, vector<16xf32>,
            tpu.vector_store %arg14[%swap3A_197], %add3A_196 {strides = array<i32>} : memref<384xf32, #tpu.memory_space<vmem>>, vector<16xf32>,
            %get3A_199 = arith.constant 32 : index
            %get3A_200 = tpu.vector_load %arg14[%get3A_199] {strides = array<i32>} : memref<384xf32, #tpu.memory_space<vmem>>, vector<16xf32>,
            %add3A_201 = arith.constant 32 : i32
            %add3A_202 = arith.addi %mul3A_170, %add3A_201 : i32
            %get3A_203 = arith.index_cast %add3A_202 : i32 to index
            %get3A_204 = tpu.vector_load %arg12[%get3A_203] {strides = array<i32>} : memref<12288xf32, #tpu.memory_space<vmem>>, vector<16xf32>,
            %add3A_205 = arith.addf %get3A_200, %get3A_204 : vector<16xf32>
            %swap3A_206 = arith.constant 32 : index
            %swap3A_207 = tpu.vector_load %arg14[%swap3A_206] {strides = array<i32>} : memref<384xf32, #tpu.memory_space<vmem>>, vector<16xf32>,
            tpu.vector_store %arg14[%swap3A_206], %add3A_205 {strides = array<i32>} : memref<384xf32, #tpu.memory_space<vmem>>, vector<16xf32>,
            %get3A_208 = arith.constant 48 : index
            %get3A_209 = tpu.vector_load %arg14[%get3A_208] {strides = array<i32>} : memref<384xf32, #tpu.memory_space<vmem>>, vector<16xf32>,
            %add3A_210 = arith.constant 48 : i32
            %add3A_211 = arith.addi %mul3A_170, %add3A_210 : i32
            %get3A_212 = arith.index_cast %add3A_211 : i32 to index
            %get3A_213 = tpu.vector_load %arg12[%get3A_212] {strides = array<i32>} : memref<12288xf32, #tpu.memory_space<vmem>>, vector<16xf32>,
            %add3A_214 = arith.addf %get3A_209, %get3A_213 : vector<16xf32>
            %swap3A_215 = arith.constant 48 : index
            %swap3A_216 = tpu.vector_load %arg14[%swap3A_215] {strides = array<i32>} : memref<384xf32, #tpu.memory_space<vmem>>, vector<16xf32>,
            tpu.vector_store %arg14[%swap3A_215], %add3A_214 {strides = array<i32>} : memref<384xf32, #tpu.memory_space<vmem>>, vector<16xf32>,
            %get3A_217 = arith.constant 64 : index
            %get3A_218 = tpu.vector_load %arg14[%get3A_217] {strides = array<i32>} : memref<384xf32, #tpu.memory_space<vmem>>, vector<16xf32>,
            %add3A_219 = arith.constant 64 : i32
            %add3A_220 = arith.addi %mul3A_170, %add3A_219 : i32
            %get3A_221 = arith.index_cast %add3A_220 : i32 to index
            %get3A_222 = tpu.vector_load %arg12[%get3A_221] {strides = array<i32>} : memref<12288xf32, #tpu.memory_space<vmem>>, vector<16xf32>,
            %add3A_223 = arith.addf %get3A_218, %get3A_222 : vector<16xf32>
            %swap3A_224 = arith.constant 64 : index
            %swap3A_225 = tpu.vector_load %arg14[%swap3A_224] {strides = array<i32>} : memref<384xf32, #tpu.memory_space<vmem>>, vector<16xf32>,
            tpu.vector_store %arg14[%swap3A_224], %add3A_223 {strides = array<i32>} : memref<384xf32, #tpu.memory_space<vmem>>, vector<16xf32>,
            %get3A_226 = arith.constant 80 : index
            %get3A_227 = tpu.vector_load %arg14[%get3A_226] {strides = array<i32>} : memref<384xf32, #tpu.memory_space<vmem>>, vector<16xf32>,
            %add3A_228 = arith.constant 80 : i32
            %add3A_229 = arith.addi %mul3A_170, %add3A_228 : i32
            %get3A_230 = arith.index_cast %add3A_229 : i32 to index
            %get3A_231 = tpu.vector_load %arg12[%get3A_230] {strides = array<i32>} : memref<12288xf32, #tpu.memory_space<vmem>>, vector<16xf32>,
            %add3A_232 = arith.addf %get3A_227, %get3A_231 : vector<16xf32>
            %swap3A_233 = arith.constant 80 : index
            %swap3A_234 = tpu.vector_load %arg14[%swap3A_233] {strides = array<i32>} : memref<384xf32, #tpu.memory_space<vmem>>, vector<16xf32>,
            tpu.vector_store %arg14[%swap3A_233], %add3A_232 {strides = array<i32>} : memref<384xf32, #tpu.memory_space<vmem>>, vector<16xf32>,
            %get3A_235 = arith.constant 96 : index
            %get3A_236 = tpu.vector_load %arg14[%get3A_235] {strides = array<i32>} : memref<384xf32, #tpu.memory_space<vmem>>, vector<16xf32>,
            %add3A_237 = arith.constant 96 : i32
            %add3A_238 = arith.addi %mul3A_170, %add3A_237 : i32
            %get3A_239 = arith.index_cast %add3A_238 : i32 to index
            %get3A_240 = tpu.vector_load %arg12[%get3A_239] {strides = array<i32>} : memref<12288xf32, #tpu.memory_space<vmem>>, vector<16xf32>,
            %add3A_241 = arith.addf %get3A_236, %get3A_240 : vector<16xf32>
            %swap3A_242 = arith.constant 96 : index
            %swap3A_243 = tpu.vector_load %arg14[%swap3A_242] {strides = array<i32>} : memref<384xf32, #tpu.memory_space<vmem>>, vector<16xf32>,
            tpu.vector_store %arg14[%swap3A_242], %add3A_241 {strides = array<i32>} : memref<384xf32, #tpu.memory_space<vmem>>, vector<16xf32>,
            %get3A_244 = arith.constant 112 : index
            %get3A_245 = tpu.vector_load %arg14[%get3A_244] {strides = array<i32>} : memref<384xf32, #tpu.memory_space<vmem>>, vector<16xf32>,
            %add3A_246 = arith.constant 112 : i32
            %add3A_247 = arith.addi %mul3A_170, %add3A_246 : i32
            %get3A_248 = arith.index_cast %add3A_247 : i32 to index
            %get3A_249 = tpu.vector_load %arg12[%get3A_248] {strides = array<i32>} : memref<12288xf32, #tpu.memory_space<vmem>>, vector<16xf32>,
            %add3A_250 = arith.addf %get3A_245, %get3A_249 : vector<16xf32>
            %swap3A_251 = arith.constant 112 : index
            %swap3A_252 = tpu.vector_load %arg14[%swap3A_251] {strides = array<i32>} : memref<384xf32, #tpu.memory_space<vmem>>, vector<16xf32>,
            tpu.vector_store %arg14[%swap3A_251], %add3A_250 {strides = array<i32>} : memref<384xf32, #tpu.memory_space<vmem>>, vector<16xf32>,
            %get3A_253 = arith.constant 128 : index
            %get3A_254 = tpu.vector_load %arg14[%get3A_253] {strides = array<i32>} : memref<384xf32, #tpu.memory_space<vmem>>, vector<16xf32>,
            %add3A_255 = arith.constant 128 : i32
            %add3A_256 = arith.addi %mul3A_170, %add3A_255 : i32
            %get3A_257 = arith.index_cast %add3A_256 : i32 to index
            %get3A_258 = tpu.vector_load %arg12[%get3A_257] {strides = array<i32>} : memref<12288xf32, #tpu.memory_space<vmem>>, vector<16xf32>,
            %add3A_259 = arith.addf %get3A_254, %get3A_258 : vector<16xf32>
            %swap3A_260 = arith.constant 128 : index
            %swap3A_261 = tpu.vector_load %arg14[%swap3A_260] {strides = array<i32>} : memref<384xf32, #tpu.memory_space<vmem>>, vector<16xf32>,
            tpu.vector_store %arg14[%swap3A_260], %add3A_259 {strides = array<i32>} : memref<384xf32, #tpu.memory_space<vmem>>, vector<16xf32>,
            %get3A_262 = arith.constant 144 : index
            %get3A_263 = tpu.vector_load %arg14[%get3A_262] {strides = array<i32>} : memref<384xf32, #tpu.memory_space<vmem>>, vector<16xf32>,
            %add3A_264 = arith.constant 144 : i32
            %add3A_265 = arith.addi %mul3A_170, %add3A_264 : i32
            %get3A_266 = arith.index_cast %add3A_265 : i32 to index
            %get3A_267 = tpu.vector_load %arg12[%get3A_266] {strides = array<i32>} : memref<12288xf32, #tpu.memory_space<vmem>>, vector<16xf32>,
            %add3A_268 = arith.addf %get3A_263, %get3A_267 : vector<16xf32>
            %swap3A_269 = arith.constant 144 : index
            %swap3A_270 = tpu.vector_load %arg14[%swap3A_269] {strides = array<i32>} : memref<384xf32, #tpu.memory_space<vmem>>, vector<16xf32>,
            tpu.vector_store %arg14[%swap3A_269], %add3A_268 {strides = array<i32>} : memref<384xf32, #tpu.memory_space<vmem>>, vector<16xf32>,
            %get3A_271 = arith.constant 160 : index
            %get3A_272 = tpu.vector_load %arg14[%get3A_271] {strides = array<i32>} : memref<384xf32, #tpu.memory_space<vmem>>, vector<16xf32>,
            %add3A_273 = arith.constant 160 : i32
            %add3A_274 = arith.addi %mul3A_170, %add3A_273 : i32
            %get3A_275 = arith.index_cast %add3A_274 : i32 to index
            %get3A_276 = tpu.vector_load %arg12[%get3A_275] {strides = array<i32>} : memref<12288xf32, #tpu.memory_space<vmem>>, vector<16xf32>,
            %add3A_277 = arith.addf %get3A_272, %get3A_276 : vector<16xf32>
            %swap3A_278 = arith.constant 160 : index
            %swap3A_279 = tpu.vector_load %arg14[%swap3A_278] {strides = array<i32>} : memref<384xf32, #tpu.memory_space<vmem>>, vector<16xf32>,
            tpu.vector_store %arg14[%swap3A_278], %add3A_277 {strides = array<i32>} : memref<384xf32, #tpu.memory_space<vmem>>, vector<16xf32>,
            %get3A_280 = arith.constant 176 : index
            %get3A_281 = tpu.vector_load %arg14[%get3A_280] {strides = array<i32>} : memref<384xf32, #tpu.memory_space<vmem>>, vector<16xf32>,
            %add3A_282 = arith.constant 176 : i32
            %add3A_283 = arith.addi %mul3A_170, %add3A_282 : i32
            %get3A_284 = arith.index_cast %add3A_283 : i32 to index
            %get3A_285 = tpu.vector_load %arg12[%get3A_284] {strides = array<i32>} : memref<12288xf32, #tpu.memory_space<vmem>>, vector<16xf32>,
            %add3A_286 = arith.addf %get3A_281, %get3A_285 : vector<16xf32>
            %swap3A_287 = arith.constant 176 : index
            %swap3A_288 = tpu.vector_load %arg14[%swap3A_287] {strides = array<i32>} : memref<384xf32, #tpu.memory_space<vmem>>, vector<16xf32>,
            tpu.vector_store %arg14[%swap3A_287], %add3A_286 {strides = array<i32>} : memref<384xf32, #tpu.memory_space<vmem>>, vector<16xf32>,
            %get3A_289 = arith.constant 192 : index
            %get3A_290 = tpu.vector_load %arg14[%get3A_289] {strides = array<i32>} : memref<384xf32, #tpu.memory_space<vmem>>, vector<16xf32>,
            %add3A_291 = arith.constant 192 : i32
            %add3A_292 = arith.addi %mul3A_170, %add3A_291 : i32
            %get3A_293 = arith.index_cast %add3A_292 : i32 to index
            %get3A_294 = tpu.vector_load %arg12[%get3A_293] {strides = array<i32>} : memref<12288xf32, #tpu.memory_space<vmem>>, vector<16xf32>,
            %add3A_295 = arith.addf %get3A_290, %get3A_294 : vector<16xf32>
            %swap3A_296 = arith.constant 192 : index
            %swap3A_297 = tpu.vector_load %arg14[%swap3A_296] {strides = array<i32>} : memref<384xf32, #tpu.memory_space<vmem>>, vector<16xf32>,
            tpu.vector_store %arg14[%swap3A_296], %add3A_295 {strides = array<i32>} : memref<384xf32, #tpu.memory_space<vmem>>, vector<16xf32>,
            %get3A_298 = arith.constant 208 : index
            %get3A_299 = tpu.vector_load %arg14[%get3A_298] {strides = array<i32>} : memref<384xf32, #tpu.memory_space<vmem>>, vector<16xf32>,
            %add3A_300 = arith.constant 208 : i32
            %add3A_301 = arith.addi %mul3A_170, %add3A_300 : i32
            %get3A_302 = arith.index_cast %add3A_301 : i32 to index
            %get3A_303 = tpu.vector_load %arg12[%get3A_302] {strides = array<i32>} : memref<12288xf32, #tpu.memory_space<vmem>>, vector<16xf32>,
            %add3A_304 = arith.addf %get3A_299, %get3A_303 : vector<16xf32>
            %swap3A_305 = arith.constant 208 : index
            %swap3A_306 = tpu.vector_load %arg14[%swap3A_305] {strides = array<i32>} : memref<384xf32, #tpu.memory_space<vmem>>, vector<16xf32>,
            tpu.vector_store %arg14[%swap3A_305], %add3A_304 {strides = array<i32>} : memref<384xf32, #tpu.memory_space<vmem>>, vector<16xf32>,
            %get3A_307 = arith.constant 224 : index
            %get3A_308 = tpu.vector_load %arg14[%get3A_307] {strides = array<i32>} : memref<384xf32, #tpu.memory_space<vmem>>, vector<16xf32>,
            %add3A_309 = arith.constant 224 : i32
            %add3A_310 = arith.addi %mul3A_170, %add3A_309 : i32
            %get3A_311 = arith.index_cast %add3A_310 : i32 to index
            %get3A_312 = tpu.vector_load %arg12[%get3A_311] {strides = array<i32>} : memref<12288xf32, #tpu.memory_space<vmem>>, vector<16xf32>,
            %add3A_313 = arith.addf %get3A_308, %get3A_312 : vector<16xf32>
            %swap3A_314 = arith.constant 224 : index
            %swap3A_315 = tpu.vector_load %arg14[%swap3A_314] {strides = array<i32>} : memref<384xf32, #tpu.memory_space<vmem>>, vector<16xf32>,
            tpu.vector_store %arg14[%swap3A_314], %add3A_313 {strides = array<i32>} : memref<384xf32, #tpu.memory_space<vmem>>, vector<16xf32>,
            %get3A_316 = arith.constant 240 : index
            %get3A_317 = tpu.vector_load %arg14[%get3A_316] {strides = array<i32>} : memref<384xf32, #tpu.memory_space<vmem>>, vector<16xf32>,
            %add3A_318 = arith.constant 240 : i32
            %add3A_319 = arith.addi %mul3A_170, %add3A_318 : i32
            %get3A_320 = arith.index_cast %add3A_319 : i32 to index
            %get3A_321 = tpu.vector_load %arg12[%get3A_320] {strides = array<i32>} : memref<12288xf32, #tpu.memory_space<vmem>>, vector<16xf32>,
            %add3A_322 = arith.addf %get3A_317, %get3A_321 : vector<16xf32>
            %swap3A_323 = arith.constant 240 : index
            %swap3A_324 = tpu.vector_load %arg14[%swap3A_323] {strides = array<i32>} : memref<384xf32, #tpu.memory_space<vmem>>, vector<16xf32>,
            tpu.vector_store %arg14[%swap3A_323], %add3A_322 {strides = array<i32>} : memref<384xf32, #tpu.memory_space<vmem>>, vector<16xf32>,
            %get3A_325 = arith.constant 256 : index
            %get3A_326 = tpu.vector_load %arg14[%get3A_325] {strides = array<i32>} : memref<384xf32, #tpu.memory_space<vmem>>, vector<16xf32>,
            %add3A_327 = arith.constant 256 : i32
            %add3A_328 = arith.addi %mul3A_170, %add3A_327 : i32
            %get3A_329 = arith.index_cast %add3A_328 : i32 to index
            %get3A_330 = tpu.vector_load %arg12[%get3A_329] {strides = array<i32>} : memref<12288xf32, #tpu.memory_space<vmem>>, vector<16xf32>,
            %add3A_331 = arith.addf %get3A_326, %get3A_330 : vector<16xf32>
            %swap3A_332 = arith.constant 256 : index
            %swap3A_333 = tpu.vector_load %arg14[%swap3A_332] {strides = array<i32>} : memref<384xf32, #tpu.memory_space<vmem>>, vector<16xf32>,
            tpu.vector_store %arg14[%swap3A_332], %add3A_331 {strides = array<i32>} : memref<384xf32, #tpu.memory_space<vmem>>, vector<16xf32>,
            %get3A_334 = arith.constant 272 : index
            %get3A_335 = tpu.vector_load %arg14[%get3A_334] {strides = array<i32>} : memref<384xf32, #tpu.memory_space<vmem>>, vector<16xf32>,
            %add3A_336 = arith.constant 272 : i32
            %add3A_337 = arith.addi %mul3A_170, %add3A_336 : i32
            %get3A_338 = arith.index_cast %add3A_337 : i32 to index
            %get3A_339 = tpu.vector_load %arg12[%get3A_338] {strides = array<i32>} : memref<12288xf32, #tpu.memory_space<vmem>>, vector<16xf32>,
            %add3A_340 = arith.addf %get3A_335, %get3A_339 : vector<16xf32>
            %swap3A_341 = arith.constant 272 : index
            %swap3A_342 = tpu.vector_load %arg14[%swap3A_341] {strides = array<i32>} : memref<384xf32, #tpu.memory_space<vmem>>, vector<16xf32>,
            tpu.vector_store %arg14[%swap3A_341], %add3A_340 {strides = array<i32>} : memref<384xf32, #tpu.memory_space<vmem>>, vector<16xf32>,
            %get3A_343 = arith.constant 288 : index
            %get3A_344 = tpu.vector_load %arg14[%get3A_343] {strides = array<i32>} : memref<384xf32, #tpu.memory_space<vmem>>, vector<16xf32>,
            %add3A_345 = arith.constant 288 : i32
            %add3A_346 = arith.addi %mul3A_170, %add3A_345 : i32
            %get3A_347 = arith.index_cast %add3A_346 : i32 to index
            %get3A_348 = tpu.vector_load %arg12[%get3A_347] {strides = array<i32>} : memref<12288xf32, #tpu.memory_space<vmem>>, vector<16xf32>,
            %add3A_349 = arith.addf %get3A_344, %get3A_348 : vector<16xf32>
            %swap3A_350 = arith.constant 288 : index
            %swap3A_351 = tpu.vector_load %arg14[%swap3A_350] {strides = array<i32>} : memref<384xf32, #tpu.memory_space<vmem>>, vector<16xf32>,
            tpu.vector_store %arg14[%swap3A_350], %add3A_349 {strides = array<i32>} : memref<384xf32, #tpu.memory_space<vmem>>, vector<16xf32>,
            %get3A_352 = arith.constant 304 : index
            %get3A_353 = tpu.vector_load %arg14[%get3A_352] {strides = array<i32>} : memref<384xf32, #tpu.memory_space<vmem>>, vector<16xf32>,
            %add3A_354 = arith.constant 304 : i32
            %add3A_355 = arith.addi %mul3A_170, %add3A_354 : i32
            %get3A_356 = arith.index_cast %add3A_355 : i32 to index
            %get3A_357 = tpu.vector_load %arg12[%get3A_356] {strides = array<i32>} : memref<12288xf32, #tpu.memory_space<vmem>>, vector<16xf32>,
            %add3A_358 = arith.addf %get3A_353, %get3A_357 : vector<16xf32>
            %swap3A_359 = arith.constant 304 : index
            %swap3A_360 = tpu.vector_load %arg14[%swap3A_359] {strides = array<i32>} : memref<384xf32, #tpu.memory_space<vmem>>, vector<16xf32>,
            tpu.vector_store %arg14[%swap3A_359], %add3A_358 {strides = array<i32>} : memref<384xf32, #tpu.memory_space<vmem>>, vector<16xf32>,
            %get3A_361 = arith.constant 320 : index
            %get3A_362 = tpu.vector_load %arg14[%get3A_361] {strides = array<i32>} : memref<384xf32, #tpu.memory_space<vmem>>, vector<16xf32>,
            %add3A_363 = arith.constant 320 : i32
            %add3A_364 = arith.addi %mul3A_170, %add3A_363 : i32
            %get3A_365 = arith.index_cast %add3A_364 : i32 to index
            %get3A_366 = tpu.vector_load %arg12[%get3A_365] {strides = array<i32>} : memref<12288xf32, #tpu.memory_space<vmem>>, vector<16xf32>,
            %add3A_367 = arith.addf %get3A_362, %get3A_366 : vector<16xf32>
            %swap3A_368 = arith.constant 320 : index
            %swap3A_369 = tpu.vector_load %arg14[%swap3A_368] {strides = array<i32>} : memref<384xf32, #tpu.memory_space<vmem>>, vector<16xf32>,
            tpu.vector_store %arg14[%swap3A_368], %add3A_367 {strides = array<i32>} : memref<384xf32, #tpu.memory_space<vmem>>, vector<16xf32>,
            %get3A_370 = arith.constant 336 : index
            %get3A_371 = tpu.vector_load %arg14[%get3A_370] {strides = array<i32>} : memref<384xf32, #tpu.memory_space<vmem>>, vector<16xf32>,
            %add3A_372 = arith.constant 336 : i32
            %add3A_373 = arith.addi %mul3A_170, %add3A_372 : i32
            %get3A_374 = arith.index_cast %add3A_373 : i32 to index
            %get3A_375 = tpu.vector_load %arg12[%get3A_374] {strides = array<i32>} : memref<12288xf32, #tpu.memory_space<vmem>>, vector<16xf32>,
            %add3A_376 = arith.addf %get3A_371, %get3A_375 : vector<16xf32>
            %swap3A_377 = arith.constant 336 : index
            %swap3A_378 = tpu.vector_load %arg14[%swap3A_377] {strides = array<i32>} : memref<384xf32, #tpu.memory_space<vmem>>, vector<16xf32>,
            tpu.vector_store %arg14[%swap3A_377], %add3A_376 {strides = array<i32>} : memref<384xf32, #tpu.memory_space<vmem>>, vector<16xf32>,
            %get3A_379 = arith.constant 352 : index
            %get3A_380 = tpu.vector_load %arg14[%get3A_379] {strides = array<i32>} : memref<384xf32, #tpu.memory_space<vmem>>, vector<16xf32>,
            %add3A_381 = arith.constant 352 : i32
            %add3A_382 = arith.addi %mul3A_170, %add3A_381 : i32
            %get3A_383 = arith.index_cast %add3A_382 : i32 to index
            %get3A_384 = tpu.vector_load %arg12[%get3A_383] {strides = array<i32>} : memref<12288xf32, #tpu.memory_space<vmem>>, vector<16xf32>,
            %add3A_385 = arith.addf %get3A_380, %get3A_384 : vector<16xf32>
            %swap3A_386 = arith.constant 352 : index
            %swap3A_387 = tpu.vector_load %arg14[%swap3A_386] {strides = array<i32>} : memref<384xf32, #tpu.memory_space<vmem>>, vector<16xf32>,
            tpu.vector_store %arg14[%swap3A_386], %add3A_385 {strides = array<i32>} : memref<384xf32, #tpu.memory_space<vmem>>, vector<16xf32>,
            %get3A_388 = arith.constant 368 : index
            %get3A_389 = tpu.vector_load %arg14[%get3A_388] {strides = array<i32>} : memref<384xf32, #tpu.memory_space<vmem>>, vector<16xf32>,
            %add3A_390 = arith.constant 368 : i32
            %add3A_391 = arith.addi %mul3A_170, %add3A_390 : i32
            %get3A_392 = arith.index_cast %add3A_391 : i32 to index
            %get3A_393 = tpu.vector_load %arg12[%get3A_392] {strides = array<i32>} : memref<12288xf32, #tpu.memory_space<vmem>>, vector<16xf32>,
            %add3A_394 = arith.addf %get3A_389, %get3A_393 : vector<16xf32>
            %swap3A_395 = arith.constant 368 : index
            %swap3A_396 = tpu.vector_load %arg14[%swap3A_395] {strides = array<i32>} : memref<384xf32, #tpu.memory_space<vmem>>, vector<16xf32>,
            tpu.vector_store %arg14[%swap3A_395], %add3A_394 {strides = array<i32>} : memref<384xf32, #tpu.memory_space<vmem>>, vector<16xf32>,
          } else {
            %ge3A_181 = arith.constant 0 : i32
            %ge3A_182 = arith.cmpi sge, %scan3A_162, %ge3A_181 : i32
            %convert_element_type3A_183 = arith.extui %ge3A_182 : i1 to i32
            %cond3A_184 = arith.constant 0 : i32
            %cond3A_185 = arith.cmpi ne, %convert_element_type3A_183, %cond3A_184 : i32
            scf.if %cond3A_185 {
              %get3A_330 = arith.constant 320 : index
              %get3A_331 = tpu.vector_load %arg14[%get3A_330] {strides = array<i32>} : memref<384xf32, #tpu.memory_space<vmem>>, vector<16xf32>,
              %div3A = arith.constant 1.000000e+00 : f32
              %div3A_332 = vector.broadcast %div3A : f32 to vector<16xf32>
              %div3A_333 = arith.divf %div3A_332, %get3A_331 : vector<16xf32>
              %get3A_334 = arith.constant 0 : index
              %get3A_335 = tpu.vector_load %arg14[%get3A_334] {strides = array<i32>} : memref<384xf32, #tpu.memory_space<vmem>>, vector<16xf32>,
              %get3A_336 = arith.constant 16 : index
              %get3A_337 = tpu.vector_load %arg14[%get3A_336] {strides = array<i32>} : memref<384xf32, #tpu.memory_space<vmem>>, vector<16xf32>,
              %get3A_338 = arith.constant 32 : index
              %get3A_339 = tpu.vector_load %arg14[%get3A_338] {strides = array<i32>} : memref<384xf32, #tpu.memory_space<vmem>>, vector<16xf32>,
              %get3A_340 = arith.constant 48 : index
              %get3A_341 = tpu.vector_load %arg14[%get3A_340] {strides = array<i32>} : memref<384xf32, #tpu.memory_space<vmem>>, vector<16xf32>,
              %get3A_342 = arith.constant 64 : index
              %get3A_343 = tpu.vector_load %arg14[%get3A_342] {strides = array<i32>} : memref<384xf32, #tpu.memory_space<vmem>>, vector<16xf32>,
              %get3A_344 = arith.constant 80 : index
              %get3A_345 = tpu.vector_load %arg14[%get3A_344] {strides = array<i32>} : memref<384xf32, #tpu.memory_space<vmem>>, vector<16xf32>,
              %get3A_346 = arith.constant 96 : index
              %get3A_347 = tpu.vector_load %arg14[%get3A_346] {strides = array<i32>} : memref<384xf32, #tpu.memory_space<vmem>>, vector<16xf32>,
              %get3A_348 = arith.constant 112 : index
              %get3A_349 = tpu.vector_load %arg14[%get3A_348] {strides = array<i32>} : memref<384xf32, #tpu.memory_space<vmem>>, vector<16xf32>,
              %get3A_350 = arith.constant 128 : index
              %get3A_351 = tpu.vector_load %arg14[%get3A_350] {strides = array<i32>} : memref<384xf32, #tpu.memory_space<vmem>>, vector<16xf32>,
              %get3A_352 = arith.constant 144 : index
              %get3A_353 = tpu.vector_load %arg14[%get3A_352] {strides = array<i32>} : memref<384xf32, #tpu.memory_space<vmem>>, vector<16xf32>,
              %get3A_354 = arith.constant 160 : index
              %get3A_355 = tpu.vector_load %arg14[%get3A_354] {strides = array<i32>} : memref<384xf32, #tpu.memory_space<vmem>>, vector<16xf32>,
              %get3A_356 = arith.constant 176 : index
              %get3A_357 = tpu.vector_load %arg14[%get3A_356] {strides = array<i32>} : memref<384xf32, #tpu.memory_space<vmem>>, vector<16xf32>,
              %get3A_358 = arith.constant 192 : index
              %get3A_359 = tpu.vector_load %arg14[%get3A_358] {strides = array<i32>} : memref<384xf32, #tpu.memory_space<vmem>>, vector<16xf32>,
              %get3A_360 = arith.constant 208 : index
              %get3A_361 = tpu.vector_load %arg14[%get3A_360] {strides = array<i32>} : memref<384xf32, #tpu.memory_space<vmem>>, vector<16xf32>,
              %get3A_362 = arith.constant 224 : index
              %get3A_363 = tpu.vector_load %arg14[%get3A_362] {strides = array<i32>} : memref<384xf32, #tpu.memory_space<vmem>>, vector<16xf32>,
              %get3A_364 = arith.constant 240 : index
              %get3A_365 = tpu.vector_load %arg14[%get3A_364] {strides = array<i32>} : memref<384xf32, #tpu.memory_space<vmem>>, vector<16xf32>,
              %get3A_366 = arith.constant 256 : index
              %get3A_367 = tpu.vector_load %arg14[%get3A_366] {strides = array<i32>} : memref<384xf32, #tpu.memory_space<vmem>>, vector<16xf32>,
              %get3A_368 = arith.constant 272 : index
              %get3A_369 = tpu.vector_load %arg14[%get3A_368] {strides = array<i32>} : memref<384xf32, #tpu.memory_space<vmem>>, vector<16xf32>,
              %get3A_370 = arith.constant 288 : index
              %get3A_371 = tpu.vector_load %arg14[%get3A_370] {strides = array<i32>} : memref<384xf32, #tpu.memory_space<vmem>>, vector<16xf32>,
              %get3A_372 = arith.constant 304 : index
              %get3A_373 = tpu.vector_load %arg14[%get3A_372] {strides = array<i32>} : memref<384xf32, #tpu.memory_space<vmem>>, vector<16xf32>,
              %mul3A_374 = arith.mulf %get3A_335, %div3A_333 : vector<16xf32>
              %mul3A_375 = arith.mulf %get3A_343, %div3A_333 : vector<16xf32>
              %mul3A_376 = arith.mulf %get3A_367, %div3A_333 : vector<16xf32>
              %mul3A_377 = arith.mulf %mul3A_374, %mul3A_375 : vector<16xf32>
              %sub3A = arith.subf %mul3A_376, %mul3A_377 : vector<16xf32>
              %mul3A_378 = arith.mulf %get3A_351, %div3A_333 : vector<16xf32>
              %mul3A_379 = arith.mulf %mul3A_374, %mul3A_374 : vector<16xf32>
              %sub3A_380 = arith.subf %mul3A_378, %mul3A_379 : vector<16xf32>
              %mul3A_381 = arith.mulf %get3A_359, %div3A_333 : vector<16xf32>
              %mul3A_382 = arith.mulf %mul3A_375, %mul3A_375 : vector<16xf32>
              %sub3A_383 = arith.subf %mul3A_381, %mul3A_382 : vector<16xf32>
              %mul3A_384 = arith.mulf %sub3A_380, %sub3A_383 : vector<16xf32>
              %bitcast3A = vector.bitcast %mul3A_384 : vector<16xf32> to vector<16xi32>
              %shift_right_arithmetic3A = arith.constant 1 : i32
              %shift_right_arithmetic3A_385 = vector.broadcast %shift_right_arithmetic3A : i32 to vector<16xi32>
              %shift_right_arithmetic3A_386 = arith.shrsi %bitcast3A, %shift_right_arithmetic3A_385 : vector<16xi32>
              %sub3A_387 = arith.constant 1597463007 : i32
              %sub3A_388 = vector.broadcast %sub3A_387 : i32 to vector<16xi32>
              %sub3A_389 = arith.subi %sub3A_388, %shift_right_arithmetic3A_386 : vector<16xi32>
              %bitcast3A_390 = vector.bitcast %sub3A_389 : vector<16xi32> to vector<16xf32>
              %mul3A_391 = arith.constant -5.000000e-01 : f32
              %mul3A_392 = vector.broadcast %mul3A_391 : f32 to vector<16xf32>
              %mul3A_393 = arith.mulf %mul3A_392, %mul3A_384 : vector<16xf32>
              %mul3A_394 = arith.mulf %mul3A_393, %bitcast3A_390 : vector<16xf32>
              %mul3A_395 = arith.mulf %mul3A_394, %bitcast3A_390 : vector<16xf32>
              %add3A_396 = arith.constant 1.500000e+00 : f32
              %add3A_397 = vector.broadcast %add3A_396 : f32 to vector<16xf32>
              %add3A_398 = arith.addf %add3A_397, %mul3A_395 : vector<16xf32>
              %mul3A_399 = arith.mulf %bitcast3A_390, %add3A_398 : vector<16xf32>
              %mul3A_400 = arith.mulf %mul3A_393, %mul3A_399 : vector<16xf32>
              %mul3A_401 = arith.mulf %mul3A_400, %mul3A_399 : vector<16xf32>
              %add3A_402 = arith.constant 1.500000e+00 : f32
              %add3A_403 = vector.broadcast %add3A_402 : f32 to vector<16xf32>
              %add3A_404 = arith.addf %add3A_403, %mul3A_401 : vector<16xf32>
              %mul3A_405 = arith.mulf %mul3A_399, %add3A_404 : vector<16xf32>
              %mul3A_406 = arith.mulf %mul3A_393, %mul3A_405 : vector<16xf32>
              %mul3A_407 = arith.mulf %mul3A_406, %mul3A_405 : vector<16xf32>
              %add3A_408 = arith.constant 1.500000e+00 : f32
              %add3A_409 = vector.broadcast %add3A_408 : f32 to vector<16xf32>
              %add3A_410 = arith.addf %add3A_409, %mul3A_407 : vector<16xf32>
              %mul3A_411 = arith.mulf %mul3A_405, %add3A_410 : vector<16xf32>
              %mul3A_412 = arith.mulf %sub3A, %mul3A_411 : vector<16xf32>
              %mul3A_413 = arith.mulf %get3A_337, %div3A_333 : vector<16xf32>
              %mul3A_414 = arith.mulf %get3A_345, %div3A_333 : vector<16xf32>
              %mul3A_415 = arith.mulf %get3A_369, %div3A_333 : vector<16xf32>
              %mul3A_416 = arith.mulf %mul3A_413, %mul3A_414 : vector<16xf32>
              %sub3A_417 = arith.subf %mul3A_415, %mul3A_416 : vector<16xf32>
              %mul3A_418 = arith.mulf %get3A_353, %div3A_333 : vector<16xf32>
              %mul3A_419 = arith.mulf %mul3A_413, %mul3A_413 : vector<16xf32>
              %sub3A_420 = arith.subf %mul3A_418, %mul3A_419 : vector<16xf32>
              %mul3A_421 = arith.mulf %get3A_361, %div3A_333 : vector<16xf32>
              %mul3A_422 = arith.mulf %mul3A_414, %mul3A_414 : vector<16xf32>
              %sub3A_423 = arith.subf %mul3A_421, %mul3A_422 : vector<16xf32>
              %mul3A_424 = arith.mulf %sub3A_420, %sub3A_423 : vector<16xf32>
              %bitcast3A_425 = vector.bitcast %mul3A_424 : vector<16xf32> to vector<16xi32>
              %shift_right_arithmetic3A_426 = arith.constant 1 : i32
              %shift_right_arithmetic3A_427 = vector.broadcast %shift_right_arithmetic3A_426 : i32 to vector<16xi32>
              %shift_right_arithmetic3A_428 = arith.shrsi %bitcast3A_425, %shift_right_arithmetic3A_427 : vector<16xi32>
              %sub3A_429 = arith.constant 1597463007 : i32
              %sub3A_430 = vector.broadcast %sub3A_429 : i32 to vector<16xi32>
              %sub3A_431 = arith.subi %sub3A_430, %shift_right_arithmetic3A_428 : vector<16xi32>
              %bitcast3A_432 = vector.bitcast %sub3A_431 : vector<16xi32> to vector<16xf32>
              %mul3A_433 = arith.constant -5.000000e-01 : f32
              %mul3A_434 = vector.broadcast %mul3A_433 : f32 to vector<16xf32>
              %mul3A_435 = arith.mulf %mul3A_434, %mul3A_424 : vector<16xf32>
              %mul3A_436 = arith.mulf %mul3A_435, %bitcast3A_432 : vector<16xf32>
              %mul3A_437 = arith.mulf %mul3A_436, %bitcast3A_432 : vector<16xf32>
              %add3A_438 = arith.constant 1.500000e+00 : f32
              %add3A_439 = vector.broadcast %add3A_438 : f32 to vector<16xf32>
              %add3A_440 = arith.addf %add3A_439, %mul3A_437 : vector<16xf32>
              %mul3A_441 = arith.mulf %bitcast3A_432, %add3A_440 : vector<16xf32>
              %mul3A_442 = arith.mulf %mul3A_435, %mul3A_441 : vector<16xf32>
              %mul3A_443 = arith.mulf %mul3A_442, %mul3A_441 : vector<16xf32>
              %add3A_444 = arith.constant 1.500000e+00 : f32
              %add3A_445 = vector.broadcast %add3A_444 : f32 to vector<16xf32>
              %add3A_446 = arith.addf %add3A_445, %mul3A_443 : vector<16xf32>
              %mul3A_447 = arith.mulf %mul3A_441, %add3A_446 : vector<16xf32>
              %mul3A_448 = arith.mulf %mul3A_435, %mul3A_447 : vector<16xf32>
              %mul3A_449 = arith.mulf %mul3A_448, %mul3A_447 : vector<16xf32>
              %add3A_450 = arith.constant 1.500000e+00 : f32
              %add3A_451 = vector.broadcast %add3A_450 : f32 to vector<16xf32>
              %add3A_452 = arith.addf %add3A_451, %mul3A_449 : vector<16xf32>
              %mul3A_453 = arith.mulf %mul3A_447, %add3A_452 : vector<16xf32>
              %mul3A_454 = arith.mulf %sub3A_417, %mul3A_453 : vector<16xf32>
              %mul3A_455 = arith.mulf %get3A_339, %div3A_333 : vector<16xf32>
              %mul3A_456 = arith.mulf %get3A_347, %div3A_333 : vector<16xf32>
              %mul3A_457 = arith.mulf %get3A_371, %div3A_333 : vector<16xf32>
              %mul3A_458 = arith.mulf %mul3A_455, %mul3A_456 : vector<16xf32>
              %sub3A_459 = arith.subf %mul3A_457, %mul3A_458 : vector<16xf32>
              %mul3A_460 = arith.mulf %get3A_355, %div3A_333 : vector<16xf32>
              %mul3A_461 = arith.mulf %mul3A_455, %mul3A_455 : vector<16xf32>
              %sub3A_462 = arith.subf %mul3A_460, %mul3A_461 : vector<16xf32>
              %mul3A_463 = arith.mulf %get3A_363, %div3A_333 : vector<16xf32>
              %mul3A_464 = arith.mulf %mul3A_456, %mul3A_456 : vector<16xf32>
              %sub3A_465 = arith.subf %mul3A_463, %mul3A_464 : vector<16xf32>
              %mul3A_466 = arith.mulf %sub3A_462, %sub3A_465 : vector<16xf32>
              %bitcast3A_467 = vector.bitcast %mul3A_466 : vector<16xf32> to vector<16xi32>
              %shift_right_arithmetic3A_468 = arith.constant 1 : i32
              %shift_right_arithmetic3A_469 = vector.broadcast %shift_right_arithmetic3A_468 : i32 to vector<16xi32>
              %shift_right_arithmetic3A_470 = arith.shrsi %bitcast3A_467, %shift_right_arithmetic3A_469 : vector<16xi32>
              %sub3A_471 = arith.constant 1597463007 : i32
              %sub3A_472 = vector.broadcast %sub3A_471 : i32 to vector<16xi32>
              %sub3A_473 = arith.subi %sub3A_472, %shift_right_arithmetic3A_470 : vector<16xi32>
              %bitcast3A_474 = vector.bitcast %sub3A_473 : vector<16xi32> to vector<16xf32>
              %mul3A_475 = arith.constant -5.000000e-01 : f32
              %mul3A_476 = vector.broadcast %mul3A_475 : f32 to vector<16xf32>
              %mul3A_477 = arith.mulf %mul3A_476, %mul3A_466 : vector<16xf32>
              %mul3A_478 = arith.mulf %mul3A_477, %bitcast3A_474 : vector<16xf32>
              %mul3A_479 = arith.mulf %mul3A_478, %bitcast3A_474 : vector<16xf32>
              %add3A_480 = arith.constant 1.500000e+00 : f32
              %add3A_481 = vector.broadcast %add3A_480 : f32 to vector<16xf32>
              %add3A_482 = arith.addf %add3A_481, %mul3A_479 : vector<16xf32>
              %mul3A_483 = arith.mulf %bitcast3A_474, %add3A_482 : vector<16xf32>
              %mul3A_484 = arith.mulf %mul3A_477, %mul3A_483 : vector<16xf32>
              %mul3A_485 = arith.mulf %mul3A_484, %mul3A_483 : vector<16xf32>
              %add3A_486 = arith.constant 1.500000e+00 : f32
              %add3A_487 = vector.broadcast %add3A_486 : f32 to vector<16xf32>
              %add3A_488 = arith.addf %add3A_487, %mul3A_485 : vector<16xf32>
              %mul3A_489 = arith.mulf %mul3A_483, %add3A_488 : vector<16xf32>
              %mul3A_490 = arith.mulf %mul3A_477, %mul3A_489 : vector<16xf32>
              %mul3A_491 = arith.mulf %mul3A_490, %mul3A_489 : vector<16xf32>
              %add3A_492 = arith.constant 1.500000e+00 : f32
              %add3A_493 = vector.broadcast %add3A_492 : f32 to vector<16xf32>
              %add3A_494 = arith.addf %add3A_493, %mul3A_491 : vector<16xf32>
              %mul3A_495 = arith.mulf %mul3A_489, %add3A_494 : vector<16xf32>
              %mul3A_496 = arith.mulf %sub3A_459, %mul3A_495 : vector<16xf32>
              %mul3A_497 = arith.mulf %get3A_341, %div3A_333 : vector<16xf32>
              %mul3A_498 = arith.mulf %get3A_349, %div3A_333 : vector<16xf32>
              %mul3A_499 = arith.mulf %get3A_373, %div3A_333 : vector<16xf32>
              %mul3A_500 = arith.mulf %mul3A_497, %mul3A_498 : vector<16xf32>
              %sub3A_501 = arith.subf %mul3A_499, %mul3A_500 : vector<16xf32>
              %mul3A_502 = arith.mulf %get3A_357, %div3A_333 : vector<16xf32>
              %mul3A_503 = arith.mulf %mul3A_497, %mul3A_497 : vector<16xf32>
              %sub3A_504 = arith.subf %mul3A_502, %mul3A_503 : vector<16xf32>
              %mul3A_505 = arith.mulf %get3A_365, %div3A_333 : vector<16xf32>
              %mul3A_506 = arith.mulf %mul3A_498, %mul3A_498 : vector<16xf32>
              %sub3A_507 = arith.subf %mul3A_505, %mul3A_506 : vector<16xf32>
              %mul3A_508 = arith.mulf %sub3A_504, %sub3A_507 : vector<16xf32>
              %bitcast3A_509 = vector.bitcast %mul3A_508 : vector<16xf32> to vector<16xi32>
              %shift_right_arithmetic3A_510 = arith.constant 1 : i32
              %shift_right_arithmetic3A_511 = vector.broadcast %shift_right_arithmetic3A_510 : i32 to vector<16xi32>
              %shift_right_arithmetic3A_512 = arith.shrsi %bitcast3A_509, %shift_right_arithmetic3A_511 : vector<16xi32>
              %sub3A_513 = arith.constant 1597463007 : i32
              %sub3A_514 = vector.broadcast %sub3A_513 : i32 to vector<16xi32>
              %sub3A_515 = arith.subi %sub3A_514, %shift_right_arithmetic3A_512 : vector<16xi32>
              %bitcast3A_516 = vector.bitcast %sub3A_515 : vector<16xi32> to vector<16xf32>
              %mul3A_517 = arith.constant -5.000000e-01 : f32
              %mul3A_518 = vector.broadcast %mul3A_517 : f32 to vector<16xf32>
              %mul3A_519 = arith.mulf %mul3A_518, %mul3A_508 : vector<16xf32>
              %mul3A_520 = arith.mulf %mul3A_519, %bitcast3A_516 : vector<16xf32>
              %mul3A_521 = arith.mulf %mul3A_520, %bitcast3A_516 : vector<16xf32>
              %add3A_522 = arith.constant 1.500000e+00 : f32
              %add3A_523 = vector.broadcast %add3A_522 : f32 to vector<16xf32>
              %add3A_524 = arith.addf %add3A_523, %mul3A_521 : vector<16xf32>
              %mul3A_525 = arith.mulf %bitcast3A_516, %add3A_524 : vector<16xf32>
              %mul3A_526 = arith.mulf %mul3A_519, %mul3A_525 : vector<16xf32>
              %mul3A_527 = arith.mulf %mul3A_526, %mul3A_525 : vector<16xf32>
              %add3A_528 = arith.constant 1.500000e+00 : f32
              %add3A_529 = vector.broadcast %add3A_528 : f32 to vector<16xf32>
              %add3A_530 = arith.addf %add3A_529, %mul3A_527 : vector<16xf32>
              %mul3A_531 = arith.mulf %mul3A_525, %add3A_530 : vector<16xf32>
              %mul3A_532 = arith.mulf %mul3A_519, %mul3A_531 : vector<16xf32>
              %mul3A_533 = arith.mulf %mul3A_532, %mul3A_531 : vector<16xf32>
              %add3A_534 = arith.constant 1.500000e+00 : f32
              %add3A_535 = vector.broadcast %add3A_534 : f32 to vector<16xf32>
              %add3A_536 = arith.addf %add3A_535, %mul3A_533 : vector<16xf32>
              %mul3A_537 = arith.mulf %mul3A_531, %add3A_536 : vector<16xf32>
              %mul3A_538 = arith.mulf %sub3A_501, %mul3A_537 : vector<16xf32>
              %swap3A_539 = arith.constant 0 : index
              %swap3A_540 = tpu.vector_load %arg15[%swap3A_539] {strides = array<i32>} : memref<64xf32, #tpu.memory_space<vmem>>, vector<16xf32>,
              tpu.vector_store %arg15[%swap3A_539], %mul3A_412 {strides = array<i32>} : memref<64xf32, #tpu.memory_space<vmem>>, vector<16xf32>,
              %swap3A_541 = arith.constant 16 : index
              %swap3A_542 = tpu.vector_load %arg15[%swap3A_541] {strides = array<i32>} : memref<64xf32, #tpu.memory_space<vmem>>, vector<16xf32>,
              tpu.vector_store %arg15[%swap3A_541], %mul3A_454 {strides = array<i32>} : memref<64xf32, #tpu.memory_space<vmem>>, vector<16xf32>,
              %swap3A_543 = arith.constant 32 : index
              %swap3A_544 = tpu.vector_load %arg15[%swap3A_543] {strides = array<i32>} : memref<64xf32, #tpu.memory_space<vmem>>, vector<16xf32>,
              tpu.vector_store %arg15[%swap3A_543], %mul3A_496 {strides = array<i32>} : memref<64xf32, #tpu.memory_space<vmem>>, vector<16xf32>,
              %swap3A_545 = arith.constant 48 : index
              %swap3A_546 = tpu.vector_load %arg15[%swap3A_545] {strides = array<i32>} : memref<64xf32, #tpu.memory_space<vmem>>, vector<16xf32>,
              tpu.vector_store %arg15[%swap3A_545], %mul3A_538 {strides = array<i32>} : memref<64xf32, #tpu.memory_space<vmem>>, vector<16xf32>,
              %mul3A_547 = arith.constant 128 : i32
              %mul3A_548 = arith.muli %scan3A_162, %mul3A_547 : i32
              %add3A_549 = arith.addi %mul3A_548, %mul3A_0 : i32
              "tpu.region"() ({
                %run_scoped3A = tpu.sem_alloc : memref<!tpu.dma_semaphore, #tpu.memory_space<semaphore_mem>>
                %dma_start3A_550 = tpu.memref_slice %arg5[%add3A_549] : memref<1280000xf32, #tpu.memory_space<hbm>> -> memref<64xf32, #tpu.memory_space<hbm>>
                %dma_start3A_551 = tpu.memref_slice %arg5[%add3A_549] : memref<1280000xf32, #tpu.memory_space<hbm>> -> memref<64xf32, #tpu.memory_space<hbm>>
                tpu.enqueue_dma source(%arg15 : memref<64xf32, #tpu.memory_space<vmem>>) target(%dma_start3A_551 : memref<64xf32, #tpu.memory_space<hbm>>) target_semaphore(%run_scoped3A : memref<!tpu.dma_semaphore, #tpu.memory_space<semaphore_mem>>)
                %dma_wait3A_552 = tpu.memref_slice %arg5[%add3A_549] : memref<1280000xf32, #tpu.memory_space<hbm>> -> memref<64xf32, #tpu.memory_space<hbm>>
                %dma_wait3A_553 = tpu.memref_slice %arg5[%add3A_549] : memref<1280000xf32, #tpu.memory_space<hbm>> -> memref<64xf32, #tpu.memory_space<hbm>>
                tpu.wait_dma2 semaphore(%run_scoped3A : memref<!tpu.dma_semaphore, #tpu.memory_space<semaphore_mem>>) src(%arg15 : memref<64xf32, #tpu.memory_space<vmem>>) dst(%dma_wait3A_553 : memref<64xf32, #tpu.memory_space<hbm>>)
                tpu.yield
              }) : () -> ()
            } else {
            }
            %add3A_186 = arith.constant 0 : i32
            %add3A_187 = arith.addi %mul3A_170, %add3A_186 : i32
            %get3A_188 = arith.index_cast %add3A_187 : i32 to index
            %get3A_189 = tpu.vector_load %arg12[%get3A_188] {strides = array<i32>} : memref<12288xf32, #tpu.memory_space<vmem>>, vector<16xf32>,
            %swap3A_190 = arith.constant 0 : index
            %swap3A_191 = tpu.vector_load %arg14[%swap3A_190] {strides = array<i32>} : memref<384xf32, #tpu.memory_space<vmem>>, vector<16xf32>,
            tpu.vector_store %arg14[%swap3A_190], %get3A_189 {strides = array<i32>} : memref<384xf32, #tpu.memory_space<vmem>>, vector<16xf32>,
            %add3A_192 = arith.constant 16 : i32
            %add3A_193 = arith.addi %mul3A_170, %add3A_192 : i32
            %get3A_194 = arith.index_cast %add3A_193 : i32 to index
            %get3A_195 = tpu.vector_load %arg12[%get3A_194] {strides = array<i32>} : memref<12288xf32, #tpu.memory_space<vmem>>, vector<16xf32>,
            %swap3A_196 = arith.constant 16 : index
            %swap3A_197 = tpu.vector_load %arg14[%swap3A_196] {strides = array<i32>} : memref<384xf32, #tpu.memory_space<vmem>>, vector<16xf32>,
            tpu.vector_store %arg14[%swap3A_196], %get3A_195 {strides = array<i32>} : memref<384xf32, #tpu.memory_space<vmem>>, vector<16xf32>,
            %add3A_198 = arith.constant 32 : i32
            %add3A_199 = arith.addi %mul3A_170, %add3A_198 : i32
            %get3A_200 = arith.index_cast %add3A_199 : i32 to index
            %get3A_201 = tpu.vector_load %arg12[%get3A_200] {strides = array<i32>} : memref<12288xf32, #tpu.memory_space<vmem>>, vector<16xf32>,
            %swap3A_202 = arith.constant 32 : index
            %swap3A_203 = tpu.vector_load %arg14[%swap3A_202] {strides = array<i32>} : memref<384xf32, #tpu.memory_space<vmem>>, vector<16xf32>,
            tpu.vector_store %arg14[%swap3A_202], %get3A_201 {strides = array<i32>} : memref<384xf32, #tpu.memory_space<vmem>>, vector<16xf32>,
            %add3A_204 = arith.constant 48 : i32
            %add3A_205 = arith.addi %mul3A_170, %add3A_204 : i32
            %get3A_206 = arith.index_cast %add3A_205 : i32 to index
            %get3A_207 = tpu.vector_load %arg12[%get3A_206] {strides = array<i32>} : memref<12288xf32, #tpu.memory_space<vmem>>, vector<16xf32>,
            %swap3A_208 = arith.constant 48 : index
            %swap3A_209 = tpu.vector_load %arg14[%swap3A_208] {strides = array<i32>} : memref<384xf32, #tpu.memory_space<vmem>>, vector<16xf32>,
            tpu.vector_store %arg14[%swap3A_208], %get3A_207 {strides = array<i32>} : memref<384xf32, #tpu.memory_space<vmem>>, vector<16xf32>,
            %add3A_210 = arith.constant 64 : i32
            %add3A_211 = arith.addi %mul3A_170, %add3A_210 : i32
            %get3A_212 = arith.index_cast %add3A_211 : i32 to index
            %get3A_213 = tpu.vector_load %arg12[%get3A_212] {strides = array<i32>} : memref<12288xf32, #tpu.memory_space<vmem>>, vector<16xf32>,
            %swap3A_214 = arith.constant 64 : index
            %swap3A_215 = tpu.vector_load %arg14[%swap3A_214] {strides = array<i32>} : memref<384xf32, #tpu.memory_space<vmem>>, vector<16xf32>,
            tpu.vector_store %arg14[%swap3A_214], %get3A_213 {strides = array<i32>} : memref<384xf32, #tpu.memory_space<vmem>>, vector<16xf32>,
            %add3A_216 = arith.constant 80 : i32
            %add3A_217 = arith.addi %mul3A_170, %add3A_216 : i32
            %get3A_218 = arith.index_cast %add3A_217 : i32 to index
            %get3A_219 = tpu.vector_load %arg12[%get3A_218] {strides = array<i32>} : memref<12288xf32, #tpu.memory_space<vmem>>, vector<16xf32>,
            %swap3A_220 = arith.constant 80 : index
            %swap3A_221 = tpu.vector_load %arg14[%swap3A_220] {strides = array<i32>} : memref<384xf32, #tpu.memory_space<vmem>>, vector<16xf32>,
            tpu.vector_store %arg14[%swap3A_220], %get3A_219 {strides = array<i32>} : memref<384xf32, #tpu.memory_space<vmem>>, vector<16xf32>,
            %add3A_222 = arith.constant 96 : i32
            %add3A_223 = arith.addi %mul3A_170, %add3A_222 : i32
            %get3A_224 = arith.index_cast %add3A_223 : i32 to index
            %get3A_225 = tpu.vector_load %arg12[%get3A_224] {strides = array<i32>} : memref<12288xf32, #tpu.memory_space<vmem>>, vector<16xf32>,
            %swap3A_226 = arith.constant 96 : index
            %swap3A_227 = tpu.vector_load %arg14[%swap3A_226] {strides = array<i32>} : memref<384xf32, #tpu.memory_space<vmem>>, vector<16xf32>,
            tpu.vector_store %arg14[%swap3A_226], %get3A_225 {strides = array<i32>} : memref<384xf32, #tpu.memory_space<vmem>>, vector<16xf32>,
            %add3A_228 = arith.constant 112 : i32
            %add3A_229 = arith.addi %mul3A_170, %add3A_228 : i32
            %get3A_230 = arith.index_cast %add3A_229 : i32 to index
            %get3A_231 = tpu.vector_load %arg12[%get3A_230] {strides = array<i32>} : memref<12288xf32, #tpu.memory_space<vmem>>, vector<16xf32>,
            %swap3A_232 = arith.constant 112 : index
            %swap3A_233 = tpu.vector_load %arg14[%swap3A_232] {strides = array<i32>} : memref<384xf32, #tpu.memory_space<vmem>>, vector<16xf32>,
            tpu.vector_store %arg14[%swap3A_232], %get3A_231 {strides = array<i32>} : memref<384xf32, #tpu.memory_space<vmem>>, vector<16xf32>,
            %add3A_234 = arith.constant 128 : i32
            %add3A_235 = arith.addi %mul3A_170, %add3A_234 : i32
            %get3A_236 = arith.index_cast %add3A_235 : i32 to index
            %get3A_237 = tpu.vector_load %arg12[%get3A_236] {strides = array<i32>} : memref<12288xf32, #tpu.memory_space<vmem>>, vector<16xf32>,
            %swap3A_238 = arith.constant 128 : index
            %swap3A_239 = tpu.vector_load %arg14[%swap3A_238] {strides = array<i32>} : memref<384xf32, #tpu.memory_space<vmem>>, vector<16xf32>,
            tpu.vector_store %arg14[%swap3A_238], %get3A_237 {strides = array<i32>} : memref<384xf32, #tpu.memory_space<vmem>>, vector<16xf32>,
            %add3A_240 = arith.constant 144 : i32
            %add3A_241 = arith.addi %mul3A_170, %add3A_240 : i32
            %get3A_242 = arith.index_cast %add3A_241 : i32 to index
            %get3A_243 = tpu.vector_load %arg12[%get3A_242] {strides = array<i32>} : memref<12288xf32, #tpu.memory_space<vmem>>, vector<16xf32>,
            %swap3A_244 = arith.constant 144 : index
            %swap3A_245 = tpu.vector_load %arg14[%swap3A_244] {strides = array<i32>} : memref<384xf32, #tpu.memory_space<vmem>>, vector<16xf32>,
            tpu.vector_store %arg14[%swap3A_244], %get3A_243 {strides = array<i32>} : memref<384xf32, #tpu.memory_space<vmem>>, vector<16xf32>,
            %add3A_246 = arith.constant 160 : i32
            %add3A_247 = arith.addi %mul3A_170, %add3A_246 : i32
            %get3A_248 = arith.index_cast %add3A_247 : i32 to index
            %get3A_249 = tpu.vector_load %arg12[%get3A_248] {strides = array<i32>} : memref<12288xf32, #tpu.memory_space<vmem>>, vector<16xf32>,
            %swap3A_250 = arith.constant 160 : index
            %swap3A_251 = tpu.vector_load %arg14[%swap3A_250] {strides = array<i32>} : memref<384xf32, #tpu.memory_space<vmem>>, vector<16xf32>,
            tpu.vector_store %arg14[%swap3A_250], %get3A_249 {strides = array<i32>} : memref<384xf32, #tpu.memory_space<vmem>>, vector<16xf32>,
            %add3A_252 = arith.constant 176 : i32
            %add3A_253 = arith.addi %mul3A_170, %add3A_252 : i32
            %get3A_254 = arith.index_cast %add3A_253 : i32 to index
            %get3A_255 = tpu.vector_load %arg12[%get3A_254] {strides = array<i32>} : memref<12288xf32, #tpu.memory_space<vmem>>, vector<16xf32>,
            %swap3A_256 = arith.constant 176 : index
            %swap3A_257 = tpu.vector_load %arg14[%swap3A_256] {strides = array<i32>} : memref<384xf32, #tpu.memory_space<vmem>>, vector<16xf32>,
            tpu.vector_store %arg14[%swap3A_256], %get3A_255 {strides = array<i32>} : memref<384xf32, #tpu.memory_space<vmem>>, vector<16xf32>,
            %add3A_258 = arith.constant 192 : i32
            %add3A_259 = arith.addi %mul3A_170, %add3A_258 : i32
            %get3A_260 = arith.index_cast %add3A_259 : i32 to index
            %get3A_261 = tpu.vector_load %arg12[%get3A_260] {strides = array<i32>} : memref<12288xf32, #tpu.memory_space<vmem>>, vector<16xf32>,
            %swap3A_262 = arith.constant 192 : index
            %swap3A_263 = tpu.vector_load %arg14[%swap3A_262] {strides = array<i32>} : memref<384xf32, #tpu.memory_space<vmem>>, vector<16xf32>,
            tpu.vector_store %arg14[%swap3A_262], %get3A_261 {strides = array<i32>} : memref<384xf32, #tpu.memory_space<vmem>>, vector<16xf32>,
            %add3A_264 = arith.constant 208 : i32
            %add3A_265 = arith.addi %mul3A_170, %add3A_264 : i32
            %get3A_266 = arith.index_cast %add3A_265 : i32 to index
            %get3A_267 = tpu.vector_load %arg12[%get3A_266] {strides = array<i32>} : memref<12288xf32, #tpu.memory_space<vmem>>, vector<16xf32>,
            %swap3A_268 = arith.constant 208 : index
            %swap3A_269 = tpu.vector_load %arg14[%swap3A_268] {strides = array<i32>} : memref<384xf32, #tpu.memory_space<vmem>>, vector<16xf32>,
            tpu.vector_store %arg14[%swap3A_268], %get3A_267 {strides = array<i32>} : memref<384xf32, #tpu.memory_space<vmem>>, vector<16xf32>,
            %add3A_270 = arith.constant 224 : i32
            %add3A_271 = arith.addi %mul3A_170, %add3A_270 : i32
            %get3A_272 = arith.index_cast %add3A_271 : i32 to index
            %get3A_273 = tpu.vector_load %arg12[%get3A_272] {strides = array<i32>} : memref<12288xf32, #tpu.memory_space<vmem>>, vector<16xf32>,
            %swap3A_274 = arith.constant 224 : index
            %swap3A_275 = tpu.vector_load %arg14[%swap3A_274] {strides = array<i32>} : memref<384xf32, #tpu.memory_space<vmem>>, vector<16xf32>,
            tpu.vector_store %arg14[%swap3A_274], %get3A_273 {strides = array<i32>} : memref<384xf32, #tpu.memory_space<vmem>>, vector<16xf32>,
            %add3A_276 = arith.constant 240 : i32
            %add3A_277 = arith.addi %mul3A_170, %add3A_276 : i32
            %get3A_278 = arith.index_cast %add3A_277 : i32 to index
            %get3A_279 = tpu.vector_load %arg12[%get3A_278] {strides = array<i32>} : memref<12288xf32, #tpu.memory_space<vmem>>, vector<16xf32>,
            %swap3A_280 = arith.constant 240 : index
            %swap3A_281 = tpu.vector_load %arg14[%swap3A_280] {strides = array<i32>} : memref<384xf32, #tpu.memory_space<vmem>>, vector<16xf32>,
            tpu.vector_store %arg14[%swap3A_280], %get3A_279 {strides = array<i32>} : memref<384xf32, #tpu.memory_space<vmem>>, vector<16xf32>,
            %add3A_282 = arith.constant 256 : i32
            %add3A_283 = arith.addi %mul3A_170, %add3A_282 : i32
            %get3A_284 = arith.index_cast %add3A_283 : i32 to index
            %get3A_285 = tpu.vector_load %arg12[%get3A_284] {strides = array<i32>} : memref<12288xf32, #tpu.memory_space<vmem>>, vector<16xf32>,
            %swap3A_286 = arith.constant 256 : index
            %swap3A_287 = tpu.vector_load %arg14[%swap3A_286] {strides = array<i32>} : memref<384xf32, #tpu.memory_space<vmem>>, vector<16xf32>,
            tpu.vector_store %arg14[%swap3A_286], %get3A_285 {strides = array<i32>} : memref<384xf32, #tpu.memory_space<vmem>>, vector<16xf32>,
            %add3A_288 = arith.constant 272 : i32
            %add3A_289 = arith.addi %mul3A_170, %add3A_288 : i32
            %get3A_290 = arith.index_cast %add3A_289 : i32 to index
            %get3A_291 = tpu.vector_load %arg12[%get3A_290] {strides = array<i32>} : memref<12288xf32, #tpu.memory_space<vmem>>, vector<16xf32>,
            %swap3A_292 = arith.constant 272 : index
            %swap3A_293 = tpu.vector_load %arg14[%swap3A_292] {strides = array<i32>} : memref<384xf32, #tpu.memory_space<vmem>>, vector<16xf32>,
            tpu.vector_store %arg14[%swap3A_292], %get3A_291 {strides = array<i32>} : memref<384xf32, #tpu.memory_space<vmem>>, vector<16xf32>,
            %add3A_294 = arith.constant 288 : i32
            %add3A_295 = arith.addi %mul3A_170, %add3A_294 : i32
            %get3A_296 = arith.index_cast %add3A_295 : i32 to index
            %get3A_297 = tpu.vector_load %arg12[%get3A_296] {strides = array<i32>} : memref<12288xf32, #tpu.memory_space<vmem>>, vector<16xf32>,
            %swap3A_298 = arith.constant 288 : index
            %swap3A_299 = tpu.vector_load %arg14[%swap3A_298] {strides = array<i32>} : memref<384xf32, #tpu.memory_space<vmem>>, vector<16xf32>,
            tpu.vector_store %arg14[%swap3A_298], %get3A_297 {strides = array<i32>} : memref<384xf32, #tpu.memory_space<vmem>>, vector<16xf32>,
            %add3A_300 = arith.constant 304 : i32
            %add3A_301 = arith.addi %mul3A_170, %add3A_300 : i32
            %get3A_302 = arith.index_cast %add3A_301 : i32 to index
            %get3A_303 = tpu.vector_load %arg12[%get3A_302] {strides = array<i32>} : memref<12288xf32, #tpu.memory_space<vmem>>, vector<16xf32>,
            %swap3A_304 = arith.constant 304 : index
            %swap3A_305 = tpu.vector_load %arg14[%swap3A_304] {strides = array<i32>} : memref<384xf32, #tpu.memory_space<vmem>>, vector<16xf32>,
            tpu.vector_store %arg14[%swap3A_304], %get3A_303 {strides = array<i32>} : memref<384xf32, #tpu.memory_space<vmem>>, vector<16xf32>,
            %add3A_306 = arith.constant 320 : i32
            %add3A_307 = arith.addi %mul3A_170, %add3A_306 : i32
            %get3A_308 = arith.index_cast %add3A_307 : i32 to index
            %get3A_309 = tpu.vector_load %arg12[%get3A_308] {strides = array<i32>} : memref<12288xf32, #tpu.memory_space<vmem>>, vector<16xf32>,
            %swap3A_310 = arith.constant 320 : index
            %swap3A_311 = tpu.vector_load %arg14[%swap3A_310] {strides = array<i32>} : memref<384xf32, #tpu.memory_space<vmem>>, vector<16xf32>,
            tpu.vector_store %arg14[%swap3A_310], %get3A_309 {strides = array<i32>} : memref<384xf32, #tpu.memory_space<vmem>>, vector<16xf32>,
            %add3A_312 = arith.constant 336 : i32
            %add3A_313 = arith.addi %mul3A_170, %add3A_312 : i32
            %get3A_314 = arith.index_cast %add3A_313 : i32 to index
            %get3A_315 = tpu.vector_load %arg12[%get3A_314] {strides = array<i32>} : memref<12288xf32, #tpu.memory_space<vmem>>, vector<16xf32>,
            %swap3A_316 = arith.constant 336 : index
            %swap3A_317 = tpu.vector_load %arg14[%swap3A_316] {strides = array<i32>} : memref<384xf32, #tpu.memory_space<vmem>>, vector<16xf32>,
            tpu.vector_store %arg14[%swap3A_316], %get3A_315 {strides = array<i32>} : memref<384xf32, #tpu.memory_space<vmem>>, vector<16xf32>,
            %add3A_318 = arith.constant 352 : i32
            %add3A_319 = arith.addi %mul3A_170, %add3A_318 : i32
            %get3A_320 = arith.index_cast %add3A_319 : i32 to index
            %get3A_321 = tpu.vector_load %arg12[%get3A_320] {strides = array<i32>} : memref<12288xf32, #tpu.memory_space<vmem>>, vector<16xf32>,
            %swap3A_322 = arith.constant 352 : index
            %swap3A_323 = tpu.vector_load %arg14[%swap3A_322] {strides = array<i32>} : memref<384xf32, #tpu.memory_space<vmem>>, vector<16xf32>,
            tpu.vector_store %arg14[%swap3A_322], %get3A_321 {strides = array<i32>} : memref<384xf32, #tpu.memory_space<vmem>>, vector<16xf32>,
            %add3A_324 = arith.constant 368 : i32
            %add3A_325 = arith.addi %mul3A_170, %add3A_324 : i32
            %get3A_326 = arith.index_cast %add3A_325 : i32 to index
            %get3A_327 = tpu.vector_load %arg12[%get3A_326] {strides = array<i32>} : memref<12288xf32, #tpu.memory_space<vmem>>, vector<16xf32>,
            %swap3A_328 = arith.constant 368 : index
            %swap3A_329 = tpu.vector_load %arg14[%swap3A_328] {strides = array<i32>} : memref<384xf32, #tpu.memory_space<vmem>>, vector<16xf32>,
            tpu.vector_store %arg14[%swap3A_328], %get3A_327 {strides = array<i32>} : memref<384xf32, #tpu.memory_space<vmem>>, vector<16xf32>,
          }
          scf.yield %squeeze3A_168 : i32
        } else {
          scf.yield %scan3A_162 : i32
        }
        scf.yield %cond3A_176 : i32
      }
      %scan3A_156 = arith.constant 32 : i32
      %ge3A = arith.constant 0 : i32
      %ge3A_157 = arith.cmpi sge, %scan3A_155, %ge3A : i32
      %convert_element_type3A_158 = arith.extui %ge3A_157 : i1 to i32
      %cond3A_159 = arith.constant 0 : i32
      %cond3A_160 = arith.cmpi ne, %convert_element_type3A_158, %cond3A_159 : i32
      scf.if %cond3A_160 {
        %get3A_161 = arith.constant 320 : index
        %get3A_162 = tpu.vector_load %arg14[%get3A_161] {strides = array<i32>} : memref<384xf32, #tpu.memory_space<vmem>>, vector<16xf32>,
        %div3A = arith.constant 1.000000e+00 : f32
        %div3A_163 = vector.broadcast %div3A : f32 to vector<16xf32>
        %div3A_164 = arith.divf %div3A_163, %get3A_162 : vector<16xf32>
        %get3A_165 = arith.constant 0 : index
        %get3A_166 = tpu.vector_load %arg14[%get3A_165] {strides = array<i32>} : memref<384xf32, #tpu.memory_space<vmem>>, vector<16xf32>,
        %get3A_167 = arith.constant 16 : index
        %get3A_168 = tpu.vector_load %arg14[%get3A_167] {strides = array<i32>} : memref<384xf32, #tpu.memory_space<vmem>>, vector<16xf32>,
        %get3A_169 = arith.constant 32 : index
        %get3A_170 = tpu.vector_load %arg14[%get3A_169] {strides = array<i32>} : memref<384xf32, #tpu.memory_space<vmem>>, vector<16xf32>,
        %get3A_171 = arith.constant 48 : index
        %get3A_172 = tpu.vector_load %arg14[%get3A_171] {strides = array<i32>} : memref<384xf32, #tpu.memory_space<vmem>>, vector<16xf32>,
        %get3A_173 = arith.constant 64 : index
        %get3A_174 = tpu.vector_load %arg14[%get3A_173] {strides = array<i32>} : memref<384xf32, #tpu.memory_space<vmem>>, vector<16xf32>,
        %get3A_175 = arith.constant 80 : index
        %get3A_176 = tpu.vector_load %arg14[%get3A_175] {strides = array<i32>} : memref<384xf32, #tpu.memory_space<vmem>>, vector<16xf32>,
        %get3A_177 = arith.constant 96 : index
        %get3A_178 = tpu.vector_load %arg14[%get3A_177] {strides = array<i32>} : memref<384xf32, #tpu.memory_space<vmem>>, vector<16xf32>,
        %get3A_179 = arith.constant 112 : index
        %get3A_180 = tpu.vector_load %arg14[%get3A_179] {strides = array<i32>} : memref<384xf32, #tpu.memory_space<vmem>>, vector<16xf32>,
        %get3A_181 = arith.constant 128 : index
        %get3A_182 = tpu.vector_load %arg14[%get3A_181] {strides = array<i32>} : memref<384xf32, #tpu.memory_space<vmem>>, vector<16xf32>,
        %get3A_183 = arith.constant 144 : index
        %get3A_184 = tpu.vector_load %arg14[%get3A_183] {strides = array<i32>} : memref<384xf32, #tpu.memory_space<vmem>>, vector<16xf32>,
        %get3A_185 = arith.constant 160 : index
        %get3A_186 = tpu.vector_load %arg14[%get3A_185] {strides = array<i32>} : memref<384xf32, #tpu.memory_space<vmem>>, vector<16xf32>,
        %get3A_187 = arith.constant 176 : index
        %get3A_188 = tpu.vector_load %arg14[%get3A_187] {strides = array<i32>} : memref<384xf32, #tpu.memory_space<vmem>>, vector<16xf32>,
        %get3A_189 = arith.constant 192 : index
        %get3A_190 = tpu.vector_load %arg14[%get3A_189] {strides = array<i32>} : memref<384xf32, #tpu.memory_space<vmem>>, vector<16xf32>,
        %get3A_191 = arith.constant 208 : index
        %get3A_192 = tpu.vector_load %arg14[%get3A_191] {strides = array<i32>} : memref<384xf32, #tpu.memory_space<vmem>>, vector<16xf32>,
        %get3A_193 = arith.constant 224 : index
        %get3A_194 = tpu.vector_load %arg14[%get3A_193] {strides = array<i32>} : memref<384xf32, #tpu.memory_space<vmem>>, vector<16xf32>,
        %get3A_195 = arith.constant 240 : index
        %get3A_196 = tpu.vector_load %arg14[%get3A_195] {strides = array<i32>} : memref<384xf32, #tpu.memory_space<vmem>>, vector<16xf32>,
        %get3A_197 = arith.constant 256 : index
        %get3A_198 = tpu.vector_load %arg14[%get3A_197] {strides = array<i32>} : memref<384xf32, #tpu.memory_space<vmem>>, vector<16xf32>,
        %get3A_199 = arith.constant 272 : index
        %get3A_200 = tpu.vector_load %arg14[%get3A_199] {strides = array<i32>} : memref<384xf32, #tpu.memory_space<vmem>>, vector<16xf32>,
        %get3A_201 = arith.constant 288 : index
        %get3A_202 = tpu.vector_load %arg14[%get3A_201] {strides = array<i32>} : memref<384xf32, #tpu.memory_space<vmem>>, vector<16xf32>,
        %get3A_203 = arith.constant 304 : index
        %get3A_204 = tpu.vector_load %arg14[%get3A_203] {strides = array<i32>} : memref<384xf32, #tpu.memory_space<vmem>>, vector<16xf32>,
        %mul3A_205 = arith.mulf %get3A_166, %div3A_164 : vector<16xf32>
        %mul3A_206 = arith.mulf %get3A_174, %div3A_164 : vector<16xf32>
        %mul3A_207 = arith.mulf %get3A_198, %div3A_164 : vector<16xf32>
        %mul3A_208 = arith.mulf %mul3A_205, %mul3A_206 : vector<16xf32>
        %sub3A = arith.subf %mul3A_207, %mul3A_208 : vector<16xf32>
        %mul3A_209 = arith.mulf %get3A_182, %div3A_164 : vector<16xf32>
        %mul3A_210 = arith.mulf %mul3A_205, %mul3A_205 : vector<16xf32>
        %sub3A_211 = arith.subf %mul3A_209, %mul3A_210 : vector<16xf32>
        %mul3A_212 = arith.mulf %get3A_190, %div3A_164 : vector<16xf32>
        %mul3A_213 = arith.mulf %mul3A_206, %mul3A_206 : vector<16xf32>
        %sub3A_214 = arith.subf %mul3A_212, %mul3A_213 : vector<16xf32>
        %mul3A_215 = arith.mulf %sub3A_211, %sub3A_214 : vector<16xf32>
        %bitcast3A = vector.bitcast %mul3A_215 : vector<16xf32> to vector<16xi32>
        %shift_right_arithmetic3A = arith.constant 1 : i32
        %shift_right_arithmetic3A_216 = vector.broadcast %shift_right_arithmetic3A : i32 to vector<16xi32>
        %shift_right_arithmetic3A_217 = arith.shrsi %bitcast3A, %shift_right_arithmetic3A_216 : vector<16xi32>
        %sub3A_218 = arith.constant 1597463007 : i32
        %sub3A_219 = vector.broadcast %sub3A_218 : i32 to vector<16xi32>
        %sub3A_220 = arith.subi %sub3A_219, %shift_right_arithmetic3A_217 : vector<16xi32>
        %bitcast3A_221 = vector.bitcast %sub3A_220 : vector<16xi32> to vector<16xf32>
        %mul3A_222 = arith.constant -5.000000e-01 : f32
        %mul3A_223 = vector.broadcast %mul3A_222 : f32 to vector<16xf32>
        %mul3A_224 = arith.mulf %mul3A_223, %mul3A_215 : vector<16xf32>
        %mul3A_225 = arith.mulf %mul3A_224, %bitcast3A_221 : vector<16xf32>
        %mul3A_226 = arith.mulf %mul3A_225, %bitcast3A_221 : vector<16xf32>
        %add3A_227 = arith.constant 1.500000e+00 : f32
        %add3A_228 = vector.broadcast %add3A_227 : f32 to vector<16xf32>
        %add3A_229 = arith.addf %add3A_228, %mul3A_226 : vector<16xf32>
        %mul3A_230 = arith.mulf %bitcast3A_221, %add3A_229 : vector<16xf32>
        %mul3A_231 = arith.mulf %mul3A_224, %mul3A_230 : vector<16xf32>
        %mul3A_232 = arith.mulf %mul3A_231, %mul3A_230 : vector<16xf32>
        %add3A_233 = arith.constant 1.500000e+00 : f32
        %add3A_234 = vector.broadcast %add3A_233 : f32 to vector<16xf32>
        %add3A_235 = arith.addf %add3A_234, %mul3A_232 : vector<16xf32>
        %mul3A_236 = arith.mulf %mul3A_230, %add3A_235 : vector<16xf32>
        %mul3A_237 = arith.mulf %mul3A_224, %mul3A_236 : vector<16xf32>
        %mul3A_238 = arith.mulf %mul3A_237, %mul3A_236 : vector<16xf32>
        %add3A_239 = arith.constant 1.500000e+00 : f32
        %add3A_240 = vector.broadcast %add3A_239 : f32 to vector<16xf32>
        %add3A_241 = arith.addf %add3A_240, %mul3A_238 : vector<16xf32>
        %mul3A_242 = arith.mulf %mul3A_236, %add3A_241 : vector<16xf32>
        %mul3A_243 = arith.mulf %sub3A, %mul3A_242 : vector<16xf32>
        %mul3A_244 = arith.mulf %get3A_168, %div3A_164 : vector<16xf32>
        %mul3A_245 = arith.mulf %get3A_176, %div3A_164 : vector<16xf32>
        %mul3A_246 = arith.mulf %get3A_200, %div3A_164 : vector<16xf32>
        %mul3A_247 = arith.mulf %mul3A_244, %mul3A_245 : vector<16xf32>
        %sub3A_248 = arith.subf %mul3A_246, %mul3A_247 : vector<16xf32>
        %mul3A_249 = arith.mulf %get3A_184, %div3A_164 : vector<16xf32>
        %mul3A_250 = arith.mulf %mul3A_244, %mul3A_244 : vector<16xf32>
        %sub3A_251 = arith.subf %mul3A_249, %mul3A_250 : vector<16xf32>
        %mul3A_252 = arith.mulf %get3A_192, %div3A_164 : vector<16xf32>
        %mul3A_253 = arith.mulf %mul3A_245, %mul3A_245 : vector<16xf32>
        %sub3A_254 = arith.subf %mul3A_252, %mul3A_253 : vector<16xf32>
        %mul3A_255 = arith.mulf %sub3A_251, %sub3A_254 : vector<16xf32>
        %bitcast3A_256 = vector.bitcast %mul3A_255 : vector<16xf32> to vector<16xi32>
        %shift_right_arithmetic3A_257 = arith.constant 1 : i32
        %shift_right_arithmetic3A_258 = vector.broadcast %shift_right_arithmetic3A_257 : i32 to vector<16xi32>
        %shift_right_arithmetic3A_259 = arith.shrsi %bitcast3A_256, %shift_right_arithmetic3A_258 : vector<16xi32>
        %sub3A_260 = arith.constant 1597463007 : i32
        %sub3A_261 = vector.broadcast %sub3A_260 : i32 to vector<16xi32>
        %sub3A_262 = arith.subi %sub3A_261, %shift_right_arithmetic3A_259 : vector<16xi32>
        %bitcast3A_263 = vector.bitcast %sub3A_262 : vector<16xi32> to vector<16xf32>
        %mul3A_264 = arith.constant -5.000000e-01 : f32
        %mul3A_265 = vector.broadcast %mul3A_264 : f32 to vector<16xf32>
        %mul3A_266 = arith.mulf %mul3A_265, %mul3A_255 : vector<16xf32>
        %mul3A_267 = arith.mulf %mul3A_266, %bitcast3A_263 : vector<16xf32>
        %mul3A_268 = arith.mulf %mul3A_267, %bitcast3A_263 : vector<16xf32>
        %add3A_269 = arith.constant 1.500000e+00 : f32
        %add3A_270 = vector.broadcast %add3A_269 : f32 to vector<16xf32>
        %add3A_271 = arith.addf %add3A_270, %mul3A_268 : vector<16xf32>
        %mul3A_272 = arith.mulf %bitcast3A_263, %add3A_271 : vector<16xf32>
        %mul3A_273 = arith.mulf %mul3A_266, %mul3A_272 : vector<16xf32>
        %mul3A_274 = arith.mulf %mul3A_273, %mul3A_272 : vector<16xf32>
        %add3A_275 = arith.constant 1.500000e+00 : f32
        %add3A_276 = vector.broadcast %add3A_275 : f32 to vector<16xf32>
        %add3A_277 = arith.addf %add3A_276, %mul3A_274 : vector<16xf32>
        %mul3A_278 = arith.mulf %mul3A_272, %add3A_277 : vector<16xf32>
        %mul3A_279 = arith.mulf %mul3A_266, %mul3A_278 : vector<16xf32>
        %mul3A_280 = arith.mulf %mul3A_279, %mul3A_278 : vector<16xf32>
        %add3A_281 = arith.constant 1.500000e+00 : f32
        %add3A_282 = vector.broadcast %add3A_281 : f32 to vector<16xf32>
        %add3A_283 = arith.addf %add3A_282, %mul3A_280 : vector<16xf32>
        %mul3A_284 = arith.mulf %mul3A_278, %add3A_283 : vector<16xf32>
        %mul3A_285 = arith.mulf %sub3A_248, %mul3A_284 : vector<16xf32>
        %mul3A_286 = arith.mulf %get3A_170, %div3A_164 : vector<16xf32>
        %mul3A_287 = arith.mulf %get3A_178, %div3A_164 : vector<16xf32>
        %mul3A_288 = arith.mulf %get3A_202, %div3A_164 : vector<16xf32>
        %mul3A_289 = arith.mulf %mul3A_286, %mul3A_287 : vector<16xf32>
        %sub3A_290 = arith.subf %mul3A_288, %mul3A_289 : vector<16xf32>
        %mul3A_291 = arith.mulf %get3A_186, %div3A_164 : vector<16xf32>
        %mul3A_292 = arith.mulf %mul3A_286, %mul3A_286 : vector<16xf32>
        %sub3A_293 = arith.subf %mul3A_291, %mul3A_292 : vector<16xf32>
        %mul3A_294 = arith.mulf %get3A_194, %div3A_164 : vector<16xf32>
        %mul3A_295 = arith.mulf %mul3A_287, %mul3A_287 : vector<16xf32>
        %sub3A_296 = arith.subf %mul3A_294, %mul3A_295 : vector<16xf32>
        %mul3A_297 = arith.mulf %sub3A_293, %sub3A_296 : vector<16xf32>
        %bitcast3A_298 = vector.bitcast %mul3A_297 : vector<16xf32> to vector<16xi32>
        %shift_right_arithmetic3A_299 = arith.constant 1 : i32
        %shift_right_arithmetic3A_300 = vector.broadcast %shift_right_arithmetic3A_299 : i32 to vector<16xi32>
        %shift_right_arithmetic3A_301 = arith.shrsi %bitcast3A_298, %shift_right_arithmetic3A_300 : vector<16xi32>
        %sub3A_302 = arith.constant 1597463007 : i32
        %sub3A_303 = vector.broadcast %sub3A_302 : i32 to vector<16xi32>
        %sub3A_304 = arith.subi %sub3A_303, %shift_right_arithmetic3A_301 : vector<16xi32>
        %bitcast3A_305 = vector.bitcast %sub3A_304 : vector<16xi32> to vector<16xf32>
        %mul3A_306 = arith.constant -5.000000e-01 : f32
        %mul3A_307 = vector.broadcast %mul3A_306 : f32 to vector<16xf32>
        %mul3A_308 = arith.mulf %mul3A_307, %mul3A_297 : vector<16xf32>
        %mul3A_309 = arith.mulf %mul3A_308, %bitcast3A_305 : vector<16xf32>
        %mul3A_310 = arith.mulf %mul3A_309, %bitcast3A_305 : vector<16xf32>
        %add3A_311 = arith.constant 1.500000e+00 : f32
        %add3A_312 = vector.broadcast %add3A_311 : f32 to vector<16xf32>
        %add3A_313 = arith.addf %add3A_312, %mul3A_310 : vector<16xf32>
        %mul3A_314 = arith.mulf %bitcast3A_305, %add3A_313 : vector<16xf32>
        %mul3A_315 = arith.mulf %mul3A_308, %mul3A_314 : vector<16xf32>
        %mul3A_316 = arith.mulf %mul3A_315, %mul3A_314 : vector<16xf32>
        %add3A_317 = arith.constant 1.500000e+00 : f32
        %add3A_318 = vector.broadcast %add3A_317 : f32 to vector<16xf32>
        %add3A_319 = arith.addf %add3A_318, %mul3A_316 : vector<16xf32>
        %mul3A_320 = arith.mulf %mul3A_314, %add3A_319 : vector<16xf32>
        %mul3A_321 = arith.mulf %mul3A_308, %mul3A_320 : vector<16xf32>
        %mul3A_322 = arith.mulf %mul3A_321, %mul3A_320 : vector<16xf32>
        %add3A_323 = arith.constant 1.500000e+00 : f32
        %add3A_324 = vector.broadcast %add3A_323 : f32 to vector<16xf32>
        %add3A_325 = arith.addf %add3A_324, %mul3A_322 : vector<16xf32>
        %mul3A_326 = arith.mulf %mul3A_320, %add3A_325 : vector<16xf32>
        %mul3A_327 = arith.mulf %sub3A_290, %mul3A_326 : vector<16xf32>
        %mul3A_328 = arith.mulf %get3A_172, %div3A_164 : vector<16xf32>
        %mul3A_329 = arith.mulf %get3A_180, %div3A_164 : vector<16xf32>
        %mul3A_330 = arith.mulf %get3A_204, %div3A_164 : vector<16xf32>
        %mul3A_331 = arith.mulf %mul3A_328, %mul3A_329 : vector<16xf32>
        %sub3A_332 = arith.subf %mul3A_330, %mul3A_331 : vector<16xf32>
        %mul3A_333 = arith.mulf %get3A_188, %div3A_164 : vector<16xf32>
        %mul3A_334 = arith.mulf %mul3A_328, %mul3A_328 : vector<16xf32>
        %sub3A_335 = arith.subf %mul3A_333, %mul3A_334 : vector<16xf32>
        %mul3A_336 = arith.mulf %get3A_196, %div3A_164 : vector<16xf32>
        %mul3A_337 = arith.mulf %mul3A_329, %mul3A_329 : vector<16xf32>
        %sub3A_338 = arith.subf %mul3A_336, %mul3A_337 : vector<16xf32>
        %mul3A_339 = arith.mulf %sub3A_335, %sub3A_338 : vector<16xf32>
        %bitcast3A_340 = vector.bitcast %mul3A_339 : vector<16xf32> to vector<16xi32>
        %shift_right_arithmetic3A_341 = arith.constant 1 : i32
        %shift_right_arithmetic3A_342 = vector.broadcast %shift_right_arithmetic3A_341 : i32 to vector<16xi32>
        %shift_right_arithmetic3A_343 = arith.shrsi %bitcast3A_340, %shift_right_arithmetic3A_342 : vector<16xi32>
        %sub3A_344 = arith.constant 1597463007 : i32
        %sub3A_345 = vector.broadcast %sub3A_344 : i32 to vector<16xi32>
        %sub3A_346 = arith.subi %sub3A_345, %shift_right_arithmetic3A_343 : vector<16xi32>
        %bitcast3A_347 = vector.bitcast %sub3A_346 : vector<16xi32> to vector<16xf32>
        %mul3A_348 = arith.constant -5.000000e-01 : f32
        %mul3A_349 = vector.broadcast %mul3A_348 : f32 to vector<16xf32>
        %mul3A_350 = arith.mulf %mul3A_349, %mul3A_339 : vector<16xf32>
        %mul3A_351 = arith.mulf %mul3A_350, %bitcast3A_347 : vector<16xf32>
        %mul3A_352 = arith.mulf %mul3A_351, %bitcast3A_347 : vector<16xf32>
        %add3A_353 = arith.constant 1.500000e+00 : f32
        %add3A_354 = vector.broadcast %add3A_353 : f32 to vector<16xf32>
        %add3A_355 = arith.addf %add3A_354, %mul3A_352 : vector<16xf32>
        %mul3A_356 = arith.mulf %bitcast3A_347, %add3A_355 : vector<16xf32>
        %mul3A_357 = arith.mulf %mul3A_350, %mul3A_356 : vector<16xf32>
        %mul3A_358 = arith.mulf %mul3A_357, %mul3A_356 : vector<16xf32>
        %add3A_359 = arith.constant 1.500000e+00 : f32
        %add3A_360 = vector.broadcast %add3A_359 : f32 to vector<16xf32>
        %add3A_361 = arith.addf %add3A_360, %mul3A_358 : vector<16xf32>
        %mul3A_362 = arith.mulf %mul3A_356, %add3A_361 : vector<16xf32>
        %mul3A_363 = arith.mulf %mul3A_350, %mul3A_362 : vector<16xf32>
        %mul3A_364 = arith.mulf %mul3A_363, %mul3A_362 : vector<16xf32>
        %add3A_365 = arith.constant 1.500000e+00 : f32
        %add3A_366 = vector.broadcast %add3A_365 : f32 to vector<16xf32>
        %add3A_367 = arith.addf %add3A_366, %mul3A_364 : vector<16xf32>
        %mul3A_368 = arith.mulf %mul3A_362, %add3A_367 : vector<16xf32>
        %mul3A_369 = arith.mulf %sub3A_332, %mul3A_368 : vector<16xf32>
        %swap3A_370 = arith.constant 0 : index
        %swap3A_371 = tpu.vector_load %arg15[%swap3A_370] {strides = array<i32>} : memref<64xf32, #tpu.memory_space<vmem>>, vector<16xf32>,
        tpu.vector_store %arg15[%swap3A_370], %mul3A_243 {strides = array<i32>} : memref<64xf32, #tpu.memory_space<vmem>>, vector<16xf32>,
        %swap3A_372 = arith.constant 16 : index
        %swap3A_373 = tpu.vector_load %arg15[%swap3A_372] {strides = array<i32>} : memref<64xf32, #tpu.memory_space<vmem>>, vector<16xf32>,
        tpu.vector_store %arg15[%swap3A_372], %mul3A_285 {strides = array<i32>} : memref<64xf32, #tpu.memory_space<vmem>>, vector<16xf32>,
        %swap3A_374 = arith.constant 32 : index
        %swap3A_375 = tpu.vector_load %arg15[%swap3A_374] {strides = array<i32>} : memref<64xf32, #tpu.memory_space<vmem>>, vector<16xf32>,
        tpu.vector_store %arg15[%swap3A_374], %mul3A_327 {strides = array<i32>} : memref<64xf32, #tpu.memory_space<vmem>>, vector<16xf32>,
        %swap3A_376 = arith.constant 48 : index
        %swap3A_377 = tpu.vector_load %arg15[%swap3A_376] {strides = array<i32>} : memref<64xf32, #tpu.memory_space<vmem>>, vector<16xf32>,
        tpu.vector_store %arg15[%swap3A_376], %mul3A_369 {strides = array<i32>} : memref<64xf32, #tpu.memory_space<vmem>>, vector<16xf32>,
        %mul3A_378 = arith.constant 128 : i32
        %mul3A_379 = arith.muli %scan3A_155, %mul3A_378 : i32
        %add3A_380 = arith.addi %mul3A_379, %mul3A_0 : i32
        "tpu.region"() ({
          %run_scoped3A = tpu.sem_alloc : memref<!tpu.dma_semaphore, #tpu.memory_space<semaphore_mem>>
          %dma_start3A_381 = tpu.memref_slice %arg5[%add3A_380] : memref<1280000xf32, #tpu.memory_space<hbm>> -> memref<64xf32, #tpu.memory_space<hbm>>
          %dma_start3A_382 = tpu.memref_slice %arg5[%add3A_380] : memref<1280000xf32, #tpu.memory_space<hbm>> -> memref<64xf32, #tpu.memory_space<hbm>>
          tpu.enqueue_dma source(%arg15 : memref<64xf32, #tpu.memory_space<vmem>>) target(%dma_start3A_382 : memref<64xf32, #tpu.memory_space<hbm>>) target_semaphore(%run_scoped3A : memref<!tpu.dma_semaphore, #tpu.memory_space<semaphore_mem>>)
          %dma_wait3A_383 = tpu.memref_slice %arg5[%add3A_380] : memref<1280000xf32, #tpu.memory_space<hbm>> -> memref<64xf32, #tpu.memory_space<hbm>>
          %dma_wait3A_384 = tpu.memref_slice %arg5[%add3A_380] : memref<1280000xf32, #tpu.memory_space<hbm>> -> memref<64xf32, #tpu.memory_space<hbm>>
          tpu.wait_dma2 semaphore(%run_scoped3A : memref<!tpu.dma_semaphore, #tpu.memory_space<semaphore_mem>>) src(%arg15 : memref<64xf32, #tpu.memory_space<vmem>>) dst(%dma_wait3A_384 : memref<64xf32, #tpu.memory_space<hbm>>)
          tpu.yield
        }) : () -> ()
      } else {
      }
    } else {
    }
    return
  }
}

</mosaic_0001>

<sc_bundles>
// kernel: kernel.3.cloned.1.call-start
scs
__scs_entry_jumppad:
0x0: {  	(pc) =	sbr.rel $0x88, $3  }
0x1: {  	(tag) =	ssettag $0x0;
	lr =	simm.s32 $0x1  }
0x2: {  	[smem:$0x3F9E] =	sst lr;
	_ =	strace $0xD0000000  }
0x3: {  	_ = 	snop  }
0x4: {  	_ = 	snop  }
0x5: {  	_ = 	snop  }
0x6: {  	_ = 	snop  }
0x7: {  	_ = 	snop  }
__scs_overlays_trampoline_lowered:
0x8: {  	[smem:$0x3FAD] =	sst s0  }
0x9: {  	[smem:$0x3FAE] =	sst s1  }
0xa: {  	[smem:$0x3FAF] =	sst s2  }
0xb: {  	[smem:$0x3FB0] =	sst s3  }
0xc: {  	[smem:$0x3FB1] =	sst s4  }
0xd: {  	[smem:$0x3FB2] =	sst s5  }
0xe: {  	[smem:$0x3FB3] =	sst s6  }
0xf: {  	[smem:$0x3FB4] =	sst s7  }
0x10: {  	[smem:$0x3FB5] =	sst s8  }
0x11: {  	[smem:$0x3FB6] =	sst s9;
	s0 =	simm.s32 @!p0 $0x0  }
0x12: {  	s1 =	sld [smem:$0x3F9C];
	s0 =	simm.s32 @p0 $0x1  }
0x13: {  	[smem:$0x3FB7] =	sst s0;
	s0 =	simm.s32 @!p1 $0x0  }
0x14: {  	s2 =	sld [smem:$0x3F9B];
	s0 =	simm.s32 @p1 $0x1  }
0x15: {  	[smem:$0x3FB8] =	sst s0;
	s0 =	simm.s32 @!p2 $0x0  }
0x16: {  	s3 =	sld [smem:$0x3FDB];
	s0 =	simm.s32 @p2 $0x1  }
0x17: {  	s4 =	simm.s32 $0x1BF5;
	[smem:$0x3FBA] =	sst s0  }
0x18: {  	s0 =	sld [smem:$0x3F9D];
	_ =	swait.ge [sflag:s4], $0x0  }
0x19: {  	s7 =	sld [smem:$0x3F9E]  }
0x1a: {  	s8 =	sadd.s32 $0xFFFFE003, lr  }
0x1b: {  	s9 =	sadd.s32 $0xFFFFFEF7, lr;
	s5 =	simm.s32 $0xFFFFFFFF;
	p2 =	slt.u32 s8, $0xFFFFF086  }
0x1c: {  	p1 =	slt.u32 s9, $0xF7A;
	s5 =	simm.s32 @!p2 $0x0  }
0x1d: {  	s5 =	simm.s32 @p1 $0x1;
	p0 =	seq.s32 s7, s2  }
0x1e: {  	s7 =	smul.u32 @!p0 $0xF7A, s2;
	p2 =	seq.s32 @!p0 s5, $0x0  }
0x1f: {  	s9 =	smul.u32 $0xF7A, s1;
	s8 =	simm.s32 @!p0 $0x1BF5;
	p2 =	por !p2, p0  }
0x20: {  	[sflag:s8] =	ssyncset.s32 @!p0 $0xFFFFF086;
	s6 =	sadd.s32 @!p0 s3, s7;
	s7 =	simm.s32 @!p0 $0x108  }
0x21: {  	s3 =	sadd.s32 s3, s9;
	s6 =	sadd.s32 @!p0 $0x88, s6;
	s7 =	simm.s32 @p2 $0x1082  }
0x22: {  	[simem:s7], [sflag:s8] =	dma.local @!p0 [hbm:s6], $0xF7A  }
0x23: {  	s9 =	sor.u32 $0xD0000000, s2;
	s6 =	simm.s32 $0x108;
	_ =	swait.ge @!p0 [sflag:s8], $0x0  }
0x24: {  	s3 =	sadd.s32 $0x88, s3;
	s6 =	simm.s32 @!p1 $0x1082;
	[sflag:s4] =	ssyncset.s32 $0xFFFFF086  }
0x25: {  	[simem:s6], [sflag:s4] =	dma.local [hbm:s3], $0xF7A  }
0x26: {  	[smem:$0x3F9E] =	sst s1;
	(tag) =	ssettag s2;
	_ =	strace s9  }
0x27: {  	s1 =	sld [smem:$0x3FAE]  }
0x28: {  	s2 =	sld [smem:$0x3FAF]  }
0x29: {  	s4 =	sld [smem:$0x3FB1]  }
0x2a: {  	p0 =	seq.s32 s5, $0x0;
	s5 =	sld [smem:$0x3FB2]  }
0x2b: {  	s6 =	sld [smem:$0x3FB3]  }
0x2c: {  	s7 =	sld [smem:$0x3FB4]  }
0x2d: {  	s3 =	simm.s32 $0x108;
	s8 =	sld [smem:$0x3FB5]  }
0x2e: {  	s3 =	simm.s32 @!p0 $0x1082;
	s9 =	sld [smem:$0x3FB6]  }
0x2f: {  	lr =	sadd.s32 s0, s3;
	s0 =	sld [smem:$0x3FAD]  }
0x30: {  	s3 =	sld [smem:$0x3FB0]  }
0x31: {  	[smem:$0x3FB9] =	sst s10  }
0x32: {  	s10 =	sld [smem:$0x3FB7];
	_ =	sdelay $0x3  }
0x33: {  	p0 =	seq.s32 s10, $0x1;
	s10 =	sld [smem:$0x3FB9];
	_ =	sdelay $0x3  }
0x34: {  	[smem:$0x3FB9] =	sst s10  }
0x35: {  	s10 =	sld [smem:$0x3FB8];
	_ =	sdelay $0x3  }
0x36: {  	p1 =	seq.s32 s10, $0x1;
	s10 =	sld [smem:$0x3FB9];
	_ =	sdelay $0x3  }
0x37: {  	[smem:$0x3FB9] =	sst s10  }
0x38: {  	s10 =	sld [smem:$0x3FBA]  }
0x39: {  	_ = 	snop;
	(pc) =	sbr.ind lr, $3  }
0x3a: {  	_ = 	snop  }
0x3b: {  	_ = 	snop  }
0x3c: {  	p2 =	seq.s32 s10, $0x1;
	s10 =	sld [smem:$0x3FB9]  }
0x3d: {  	_ =	shalt  }
0x3e: {  	_ =	shalt  }
0x3f: {  	_ =	shalt  }
0x40: {  	_ =	shalt  }
0x41: {  	_ =	shalt  }
0x42: {  	_ =	shalt  }
0x43: {  	_ =	shalt  }
0x44: {  	_ =	shalt  }
0x45: {  	_ =	shalt  }
0x46: {  	_ =	shalt  }
0x47: {  	_ =	shalt  }
0x48: {  	_ =	shalt  }
0x49: {  	_ =	shalt  }
0x4a: {  	_ =	shalt  }
0x4b: {  	_ =	shalt  }
0x4c: {  	_ =	shalt  }
0x4d: {  	_ =	shalt  }
0x4e: {  	_ =	shalt  }
0x4f: {  	_ =	shalt  }
0x50: {  	_ =	shalt  }
0x51: {  	_ =	shalt  }
0x52: {  	_ =	shalt  }
0x53: {  	_ =	shalt  }
0x54: {  	_ =	shalt  }
0x55: {  	_ =	shalt  }
0x56: {  	_ =	shalt  }
0x57: {  	_ =	shalt  }
0x58: {  	_ =	shalt  }
0x59: {  	_ =	shalt  }
0x5a: {  	_ =	shalt  }
0x5b: {  	_ =	shalt  }
0x5c: {  	_ =	shalt  }
0x5d: {  	_ =	shalt  }
0x5e: {  	_ =	shalt  }
0x5f: {  	_ =	shalt  }
0x60: {  	_ =	shalt  }
0x61: {  	_ =	shalt  }
0x62: {  	_ =	shalt  }
0x63: {  	_ =	shalt  }
0x64: {  	_ =	shalt  }
0x65: {  	_ =	shalt  }
0x66: {  	_ =	shalt  }
0x67: {  	_ =	shalt  }
0x68: {  	_ =	shalt  }
0x69: {  	_ =	shalt  }
0x6a: {  	_ =	shalt  }
0x6b: {  	_ =	shalt  }
0x6c: {  	_ =	shalt  }
0x6d: {  	_ =	shalt  }
0x6e: {  	_ =	shalt  }
0x6f: {  	_ =	shalt  }
0x70: {  	_ =	shalt  }
0x71: {  	_ =	shalt  }
0x72: {  	_ =	shalt  }
0x73: {  	_ =	shalt  }
0x74: {  	_ =	shalt  }
0x75: {  	_ =	shalt  }
0x76: {  	_ =	shalt  }
0x77: {  	_ =	shalt  }
0x78: {  	_ =	shalt  }
0x79: {  	_ =	shalt  }
0x7a: {  	_ =	shalt  }
0x7b: {  	_ =	shalt  }
0x7c: {  	_ =	shalt  }
0x7d: {  	_ =	shalt  }
0x7e: {  	_ =	shalt  }
0x7f: {  	_ =	shalt  }
0x80: {  	_ =	shalt  }
0x81: {  	_ =	shalt  }
0x82: {  	_ =	shalt  }
0x83: {  	_ =	shalt  }
0x84: {  	_ =	shalt  }
0x85: {  	_ =	shalt  }
0x86: {  	_ =	shalt  }
0x87: {  	_ =	shalt  }
.Lfunc_end0:
.L_simem_size_0:
called_computation_lowered:
.L_overlay_start_0:
0x88: {  	s2 =	sld [smem:$0x3FD9]  }
0x89: {  	s3 =	sld [smem:$0x3FFE];
	_ =	sdelay $0x1  }
0x8a: {  	s1 =	srdreg.scid  }
0x8b: {  	s0 =	sand.u32 $0x1, s1  }
0x8c: {  	s18 =	sshll.u32 s0, $0xA;
	s2 =	sadd.s32 s3, s2  }
0x8d: {  	s2 =	sadd.s32 s2, s18  }
0x8e: {  	[smem:$0x3FC5] =	sst s2  }
0x8f: {  	_ = 	snop  }
0x90: {  	s2 =	sld [smem:$0x3FC9]  }
0x91: {  	s19 =	sld [smem:$0x3FC8]  }
0x92: {  	s4 =	sld [smem:$0x3FC7]  }
0x93: {  	s5 =	sld [smem:$0x3FD0];
	(tm) =	ssettm $0x1  }
0x94: {  	s6 =	sld [smem:$0x3FFB];
	_ =	sdelay $0x3  }
0x95: {  	_ =	strace s6  }
0x96: {  	s6 =	sld [smem:$0x3FFC];
	_ =	sdelay $0x3  }
0x97: {  	_ =	strace s6  }
0x98: {  	s6 =	sld [smem:$0x3FFD];
	_ =	sdelay $0x3  }
0x99: {  	_ =	strace s6  }
0x9a: {  	_ =	strace $0x8FFFFFFF  }
0x9b: {  	s20 =	sld [smem:$0x3FDB];
	_ =	sdelay $0x1  }
0x9c: {  	s7 =	simm.s32 $_scs_section_size  }
0x9d: {  	s8 =	simm.s32 $_size__tile_overlayer_lowered;
	s9 =	simm.s32 $_tile_overlayer_lowered  }
0x9e: {  	s23 =	simm.s32 $0x1BFF;
	s22 =	sshll.u32 s9, $0x1;
	s6 =	sadd.s32 s7, s20  }
0x9f: {  	s10 =	simm.s32 $0x0;
	s21 =	sshll.u32 s8, $0x1;
	s8 =	sadd.s32 s22, s6  }
0xa0: {  	[timem:s10], [sflag:s23] =	dma.local [hbm:s8], s21  }
0xa1: {  	_ =	swait.ge [sflag:s23], s21  }
0xa2: {  	s7 =	ssub.s32 $0x0, s21;
	[sflag:s23] =	ssyncset.done $0x0  }
0xa3: {  	[sflag:s23] =	ssyncadd.s32 s7;
	_ =	sdelay $0x1  }
0xa4: {  	s24 =	simm.s32 $0x1B8B  }
0xa5: {  	_ =	swait.ge [sflag:s24], $0x1  }
0xa6: {  	[sflag:s24] =	ssyncset.done $0x0  }
0xa7: {  	s25 =	simm.s32 $0x1B8E;
	[sflag:s24] =	ssyncadd.s32 $0xFFFFFFFF  }
0xa8: {  	s26 =	simm.s32 $execute0_lowered;
	[smem:$0x3FD2] =	sst s25  }
0xa9: {  	s7 =	sshll.u32 s26, $0x1;
	_ =	strace $0x80000046;
	[dreg:$0x1] =	wrdreg $0xFFFFFFFF  }
0xaa: {  	s28 =	simm.s32 $_size_execute0_lowered;
	s6 =	sadd.s32 s6, s7;
	[dreg:$0x0] =	wrdreg $0x0  }
0xab: {  	s7 =	sshll.u32 s28, $0x1;
	[dreg:$0x2] =	wrdreg s6  }
0xac: {  	[dreg:$0x3] =	wrdreg s7  }
0xad: {  	[dreg:$0x4] =	wrdreg $0xC0  }
0xae: {  	_ =	task [dreg:s10], $0x5FFFF  }
0xaf: {  	[dreg:$0x1] =	wrdreg $0xFFFFFFFF  }
0xb0: {  	[dreg:$0x0] =	wrdreg $0x60  }
0xb1: {  	[dreg:$0x2] =	wrdreg s2  }
0xb2: {  	[dreg:$0x3] =	wrdreg s19  }
0xb3: {  	[dreg:$0x4] =	wrdreg s4  }
0xb4: {  	[dreg:$0x5] =	wrdreg s5  }
0xb5: {  	[dreg:$0x6] =	wrdreg $0x100300  }
0xb6: {  	[dreg:$0x7] =	wrdreg $0x103300  }
0xb7: {  	[dreg:$0x8] =	wrdreg $0x9  }
0xb8: {  	_ =	task.clear_ibuf [dreg:s10], $0x9FFFF;
	_ =	strace $0x90000046  }
0xb9: {  	s29 =	simm.s32 $0x9;
	_ =	strace $0x80000048  }
0xba: {  	_ =	swait.ge [sflag:s29], $0x1  }
0xbb: {  	[sflag:s29] =	ssyncadd.s32 $0xFFFFFFFF  }
0xbc: {  	_ =	strace $0x90000048  }
0xbd: {  	_ =	sfence  }
0xbe: {  	s30 =	sld [smem:$0x0];
	_ =	sdelay $0x2  }
0xbf: {  	s31 =	sshll.u32 s1, $0xD;
	s1 =	sshrl.u32 s1, $0x2  }
0xc0: {  	s3 =	sand.u32 $0x4000, s31;
	s1 =	sadd.s32 s1, s30  }
0xc1: {  	s0 =	sor.u32 s3, s0;
	s1 =	sshll.u32 s1, $0x11  }
0xc2: {  	s0 =	sor.u32 s1, s0  }
0xc3: {  	s0 =	sadd.s32 $0x8F2B, s0  }
0xc4: {  	[sflag:s0] =	ssyncadd.remote.s32 $0x1  }
0xc5: {  	_ =	sfence.sel $0xFFFF  }
0xc6: {  	[dreg:$0x0] =	wrdreg $0xFFFFFFFF;
	(pc) =	sbr.abs _section_cstart, $3  }
0xc7: {  	[dreg:$0x1] =	wrdreg $0xFFFFFFFF  }
0xc8: {  	_ =	task.clear_ibuf [dreg:s10], $0x2FFFF;
	_ =	strace $0x9FFFFFFF  }
0xc9: {  	(tm) =	ssettm $0x7FFFFFFF  }
tec
execute0_lowered:
.L_overlay_start_1:
0x0: {  	(tag) =	ssettag $0x1  }
0x1: {  	s0 =	rddreg [dreg:$0x0]  }
0x2: {  	s2 =	rddreg [dreg:$0x1]  }
0x3: {  	s3 =	rddreg [dreg:$0x2]  }
0x4: {  	s4 =	rddreg [dreg:$0x3]  }
0x5: {  	s13 =	rddreg [dreg:$0x4]  }
0x6: {  	s15 =	rddreg [dreg:$0x5]  }
0x7: {  	s1 =	srdreg.scid;
	s5 =	stileid.u32;
	s7 =	simm.s32 $0x0  }
0x8: {  	s18 =	simm.s32 $0x40;
	s19 =	simm.s32 $0x80;
	s6 =	smul.u32 $0x271000, s5  }
0x9: {  	s22 =	simm.s32 $0x1;
	s28 =	simm.s32 $0x3;
	s9 =	smul.u32 $0x4E20, s5  }
0xa: {  	s1 =	sand.u32 $0x1, s1;
	[smem:$0x7FF] =	sst s7;
	s11 =	smul.u32 $0xC00, s5  }
0xb: {  	s30 =	sshll.u32 s5, $0x1;
	s31 =	sshll.u32 s5, $0x5;
	p0 =	sne.s32 s5, $0x0  }
0xc: {  	s8 =	sshll.u32 s1, $0x6;
	s1 =	ssub.s32 $0x2, s1;
	_ =	strace $0x80000047  }
0xd: {  	[dreg:$0xa] =	wrdreg s30;
	s6 =	sor.u32 s8, s6;
	s10 =	sshrl.u32 s1, $0x1  }
0xe: {  	s26 =	sshrl.u32 s9, $0x3;
	s29 =	sshrl.u32 s11, $0x2;
	s6 =	sshrl.u32 s6, $0x3  }
0xf: {  	s12 =	sadd.s32 $0xC8, s9;
	s1 =	ssub.s32 s1, s10;
	s25 =	sadd.s32 s0, s6  }
.Ltmp0:
0x10: {  	s6 =	sadd.s32 s2, s6;
	[dreg:$0x7] =	wrdreg s25;
	(pc) =	sbr.rel .LBB2_1-.Ltmp0, $4  }
0x11: {  	s14 =	sadd.s32 $0x190, s9;
	s1 =	smax.u32 s1, $0x1;
	[dreg:$0x8] =	wrdreg s6  }
0x12: {  	s13 =	sadd.s32 s29, s13;
	s6 =	sadd.s32 s3, s26;
	[dreg:$0xc] =	wrdreg s1  }
0x13: {  	s25 =	simm.s32 $0xC8F8;
	[dreg:$0x9] =	wrdreg s6;
	s6 =	sadd.s32 s31, s15  }
0x14: {  	vm0 =	vmmov $0xff;
	s26 =	simm.s32 $0xCAD0;
	[dreg:$0xb] =	wrdreg s6;
	s6 =	simm.s32 $0x0  }
.LBB2_33:
0x15: {  	[tilespmem:$0xCAD0] =	vst v39  }
0x16: {  	[tilespmem:$0xCAE0] =	vst v36  }
0x17: {  	[tilespmem:$0xCAF0] =	vst v28  }
0x18: {  	[tilespmem:$0xCB00] =	vst v21  }
0x19: {  	[tilespmem:$0xCB10] =	vst v32  }
0x1a: {  	[tilespmem:$0xCB20] =	vst v26  }
0x1b: {  	[tilespmem:$0xCB30] =	vst v18  }
0x1c: {  	[tilespmem:$0xCB40] =	vst v14  }
0x1d: {  	[tilespmem:$0xCB50] =	vst v24  }
0x1e: {  	[tilespmem:$0xCB60] =	vst v17  }
0x1f: {  	[tilespmem:$0xCB70] =	vst v12  }
0x20: {  	[tilespmem:$0xCB80] =	vst v11  }
0x21: {  	[tilespmem:$0xCB90] =	vst v16  }
0x22: {  	[tilespmem:$0xCBA0] =	vst v13  }
0x23: {  	p1 =	sne.s32 s6, s29;
	[tilespmem:$0xCBB0] =	vst v10;
	s1 =	simm.s32 $0x1  }
0x24: {  	[tilespmem:$0xCBC0] =	vst v9;
	s5 =	rddreg [dreg:$0xa];
	s1 =	simm.s32 @!p1 $0x0  }
0x25: {  	[tilespmem:$0xCBD0] =	vst v4;
	s1 =	sor.u32 s1, s5  }
0x26: {  	[tilespmem:$0xCBE0] =	vst v3;
	s23 =	scvt.s32.f32 s10;
	s1 =	smul.u32 $0x600, s1  }
0x27: {  	[tilespmem:$0xCBF0] =	vst v2  }
0x28: {  	[tilespmem:$0xCC00] =	vst v1;
	s24 =	rddreg [dreg:$0x4];
	v62 =	vmov s23;
	s1 =	sshrl.u32 s1, $0x2  }
0x29: {  	[tilespmem:$0xCC10] =	vst v62;
	s1 =	sadd.s32 s1, s24  }
0x2a: {  	[spmem:s1] =	stream.linear.scatter [tilespmem:s26], [sflag:$0x3], $0x180, $0x38;
	[tilespmem:$0x10350] =	vst v63  }
0x2b: {  	_ =	swait.ge [sflag:s28], $0x180  }
0x2c: {  	v0 =	vbroadcast v0, $0x0;
	[sflag:s28] =	ssyncset.done $0x0  }
0x2d: {  	s6 =	simm.s32 @!p1 $0xFFFFFFFF;
	[sflag:s28] =	ssyncadd.s32 $0xFFFFFE80  }
0x2e: {  	v63 =	vmov s6;
	[tilespmem:$0xCC50] =	vst v0  }
0x2f: {  	s30 =	simm.s32 $0xCC50;
	s29 =	rddreg [dreg:$0xb];
	[tilespmem:$0xCC60] =	vst v63  }
0x30: {  	[spmem:s29] =	stream.linear.scatter [tilespmem:s30], [sflag:$0x3], $0x20, $0x38;
	[tilespmem:$0x10350] =	vst v63  }
0x31: {  	_ =	swait.ge [sflag:s28], $0x20  }
0x32: {  	p1 =	slt.s32 s31, $0x1;
	[sflag:s28] =	ssyncset.done $0x0  }
0x33: {  	p2 =	seq.s32 @!p1 s31, $0x1;
	s1 =	simm.s32 @!p1 $0x2;
	[sflag:s28] =	ssyncadd.s32 $0xFFFFFFE0  }
0x34: {  	p3 =	por p2, p1;
	_ =	swait.ge @!p1 [sflag:s1], $0x40  }
0x35: {  	p4 =	slt.u32 @!p3 s31, $0x3;
	[sflag:s1] =	ssyncset.done @!p1 $0x0  }
0x36: {  	p5 =	por @!p1 p4, p2;
	[sflag:s1] =	ssyncadd.s32 @!p1 $0xFFFFFFC0;
	s1 =	simm.s32 @!p3 $0x2  }
0x37: {  	p5 =	por p5, p1;
	_ =	swait.ge @!p3 [sflag:s1], $0x40  }
0x38: {  	p6 =	seq.s32 @!p5 s31, $0x3;
	[sflag:s1] =	ssyncset.done @!p3 $0x0  }
0x39: {  	p4 =	por @!p3 p6, p4;
	[sflag:s1] =	ssyncadd.s32 @!p3 $0xFFFFFFC0;
	s1 =	simm.s32 @!p5 $0x2  }
0x3a: {  	p2 =	por @!p1 p4, p2;
	_ =	swait.ge @!p5 [sflag:s1], $0x40  }
0x3b: {  	p1 =	por p2, p1;
	[sflag:s1] =	ssyncset.done @!p5 $0x0  }
0x3c: {  	[sflag:s1] =	ssyncadd.s32 @!p5 $0xFFFFFFC0;
	s1 =	simm.s32 @!p1 $0x2  }
.Ltmp1:
0x3d: {  	_ =	swait.ge @!p1 [sflag:s1], $0x40;
	(pc) =	sbr.rel @!p0 .LBB2_34-.Ltmp1, $4  }
0x3e: {  	[sflag:s1] =	ssyncset.done @!p1 $0x0  }
0x3f: {  	[sflag:s1] =	ssyncadd.s32 @!p1 $0xFFFFFFC0  }
0x40: {  	[bflag:$0x0] =	sbarrier.arrive $0xFFFF  }
0x41: {  	s11 =	simm.s32 $0xFFF0;
	s6 =	rddreg [dreg:$0xd]  }
.LBB2_47:
0x42: {  	s6 =	sadd.s32 $0x1, s6;
	s1 =	rddreg [dreg:$0xc]  }
0x43: {  	p1 =	sne.s32 s6, s1  }
.Ltmp2:
0x44: {  	_ = 	snop;
	(pc) =	sbr.rel @!p1 .LBB2_48-.Ltmp2, $1  }
0x45: {  	_ =	sdelay $0x3  }
.LBB2_1:
0x46: {  	[dreg:$0xd] =	wrdreg s6  }
0x47: {  	s1 =	rddreg [dreg:$0x7]  }
0x48: {  	[tilespmem:s7], [sflag:$0x1] =	stream.strided.gather [hbm4b:s1+s18], $0x3200, s19, s18, $0x38;
	[tilespmem:$0x10350] =	vst v63  }
0x49: {  	s23 =	rddreg [dreg:$0x8];
	s5 =	simm.s32 $0x6400  }
0x4a: {  	[tilespmem:s5], [sflag:$0x1] =	stream.strided.gather [hbm4b:s23+s18], $0x3200, s19, s18, $0x38;
	[tilespmem:$0x10350] =	vst v63  }
0x4b: {  	s24 =	rddreg [dreg:$0x9];
	s30 =	simm.s32 $0xC810  }
0x4c: {  	[tilespmem:s30], [sflag:$0x1] =	stream.linear.gather [hbm4b:s24+s7], $0xC8, $0x38;
	[tilespmem:$0x10350] =	vst v63  }
0x4d: {  	_ =	swait.ge [sflag:s22], $0x3200  }
0x4e: {  	[sflag:s22] =	ssyncset.done $0x0  }
0x4f: {  	[sflag:s22] =	ssyncadd.s32 $0xFFFFCE00  }
0x50: {  	_ =	swait.ge [sflag:s22], $0x3200  }
0x51: {  	[sflag:s22] =	ssyncset.done $0x0  }
0x52: {  	[sflag:s22] =	ssyncadd.s32 $0xFFFFCE00  }
0x53: {  	_ =	swait.ge [sflag:s22], $0xC8  }
0x54: {  	[sflag:s22] =	ssyncset.done $0x0  }
0x55: {  	[sflag:s22] =	ssyncadd.s32 $0xFFFFFF38  }
0x56: {  	v0 =	vld [tilespmem:$0xC810];
	_ =	sdelay $0x4  }
0x57: {  	(v2sf) =	vpush v0, $0x0;
	_ =	sdelay $0x9  }
0x58: {  	v1 =	vimm.f32 $0.0e+00;
	v2 =	vimm.f32 $0.0e+00  }
0x59: {  	v3 =	vimm.f32 $0.0e+00;
	v4 =	vimm.f32 $0.0e+00;
	v9 =	vimm.f32 $0.0e+00  }
.Ltmp3:
0x5a: {  	v10 =	vimm.f32 $0.0e+00;
	v13 =	vimm.f32 $0.0e+00;
	v16 =	vimm.f32 $0.0e+00;
	(pc) =	sbr.rel .LBB2_2-.Ltmp3, $4  }
0x5b: {  	v11 =	vimm.f32 $0.0e+00;
	v12 =	vimm.f32 $0.0e+00;
	v17 =	vimm.f32 $0.0e+00  }
0x5c: {  	v24 =	vimm.f32 $0.0e+00;
	v14 =	vimm.f32 $0.0e+00;
	v18 =	vimm.f32 $0.0e+00  }
0x5d: {  	v26 =	vimm.f32 $0.0e+00;
	v32 =	vimm.f32 $0.0e+00;
	v21 =	vimm.f32 $0.0e+00;
	s31 =	simm.s32 $0x0;
	s21 =	simm.s32 $0x0;
	s29 =	spop (v2sf)  }
0x5e: {  	v28 =	vimm.f32 $0.0e+00;
	v36 =	vimm.f32 $0.0e+00;
	v39 =	vimm.f32 $0.0e+00;
	s10 =	simm.s32 $0x0;
	s20 =	simm.s32 $0x0;
	s6 =	smov.u32 s29  }
.LBB2_31:
0x5f: {  	v10 =	vadd.f32 v2, v19;
	v9 =	vadd.f32 v9, v15  }
0x60: {  	v39 =	vadd.f32 v23, v1;
	v1 =	vmul.f32 v23, v23;
	v26 =	vadd.f32 v27, v34  }
0x61: {  	v15 =	vmul.f32 v4, v4;
	v2 =	vadd.f32 v22, v6;
	v3 =	vmul.f32 v3, v17  }
0x62: {  	v11 =	vadd.f32 v11, v20;
	v6 =	vmul.f32 v13, v23;
	v13 =	vmul.f32 v27, v27  }
0x63: {  	v24 =	vadd.f32 v1, v35;
	v17 =	vadd.f32 v15, v30;
	v15 =	vmul.f32 v27, v4  }
0x64: {  	v1 =	vadd.f32 v3, v5;
	v4 =	vadd.f32 v6, v8  }
0x65: {  	v13 =	vadd.f32 v13, v25;
	v3 =	vadd.f32 v15, v7  }
.LBB2_32:
0x66: {  	s20 =	sadd.s32 $0x1, s20  }
0x67: {  	p1 =	sne.s32 s20, $0x32  }
.Ltmp4:
0x68: {  	_ = 	snop;
	(pc) =	sbr.rel @!p1 .LBB2_33-.Ltmp4, $3  }
0x69: {  	_ =	sdelay $0x1  }
0x6a: {  	s1 =	ssub.s32 s11, s5  }
0x6b: {  	s10 =	sadd.s32 $0xC8, s1  }
.LBB2_2:
0x6c: {  	p1 =	seq.s32 s20, $0x0  }
0x6d: {  	s1 =	simm.s32 @!p1 $0x1  }
0x6e: {  	_ =	swait.ge @!p1 [sflag:s1], $0x3200  }
0x6f: {  	[sflag:s1] =	ssyncset.done @!p1 $0x0  }
0x70: {  	s9 =	smul.u32 $0x190, s20;
	[sflag:s1] =	ssyncadd.s32 @!p1 $0xFFFFCE00  }
0x71: {  	_ =	swait.ge @!p1 [sflag:s1], $0x3200  }
0x72: {  	s5 =	sadd.s32 s9, s12;
	[sflag:s1] =	ssyncset.done @!p1 $0x0  }
0x73: {  	s11 =	sshll.u32 s5, $0x7;
	[sflag:s1] =	ssyncadd.s32 @!p1 $0xFFFFCE00  }
0x74: {  	s11 =	sor.u32 s8, s11;
	_ =	swait.ge @!p1 [sflag:s1], $0xC8  }
0x75: {  	s11 =	sshrl.u32 s11, $0x3;
	[sflag:s1] =	ssyncset.done @!p1 $0x0  }
0x76: {  	s15 =	simm.s32 $0x3200;
	s30 =	sadd.s32 s0, s11;
	[sflag:s1] =	ssyncadd.s32 @!p1 $0xFFFFFF38  }
0x77: {  	[tilespmem:s15], [sflag:$0x1] =	stream.strided.gather [hbm4b:s30+s18], $0x3200, s19, s18, $0x38;
	[tilespmem:$0x10350] =	vst v63  }
0x78: {  	s16 =	simm.s32 $0x9600;
	s17 =	sshrl.u32 s5, $0x3;
	s15 =	sadd.s32 s2, s11  }
0x79: {  	[tilespmem:s16], [sflag:$0x1] =	stream.strided.gather [hbm4b:s15+s18], $0x3200, s19, s18, $0x38;
	[tilespmem:$0x10350] =	vst v63  }
0x7a: {  	s5 =	simm.s32 $0x0;
	s1 =	sadd.s32 s3, s17  }
0x7b: {  	v5 =	vmov s6;
	[tilespmem:s25], [sflag:$0x1] =	stream.linear.gather [hbm4b:s1+s5], $0xC8, $0x38;
	[tilespmem:$0x10350] =	vst v63  }
0x7c: {  	[tilespmem:$0xC800] =	vst v5;
	v5 =	vld [tilespmem:$0xC810]  }
0x7d: {  	v7 =	vld [tilespmem:$0xC820]  }
0x7e: {  	v8 =	vld [tilespmem:$0xC81F]  }
0x7f: {  	v15 =	vld [tilespmem:$0xC830]  }
0x80: {  	v19 =	vld [tilespmem:$0xC82F]  }
0x81: {  	v20 =	vld [tilespmem:$0xC840]  }
0x82: {  	v22 =	vld [tilespmem:$0xC83F]  }
0x83: {  	v23 =	vld [tilespmem:$0xC850]  }
0x84: {  	v25 =	vld [tilespmem:$0xC84F]  }
0x85: {  	v27 =	vld [tilespmem:$0xC860]  }
0x86: {  	v29 =	vld [tilespmem:$0xC85F]  }
0x87: {  	v30 =	vld [tilespmem:$0xC870]  }
0x88: {  	v31 =	vld [tilespmem:$0xC86F]  }
0x89: {  	v33 =	vld [tilespmem:$0xC880]  }
0x8a: {  	v6 =	vld [tilespmem:$0xC80F]  }
0x8b: {  	v34 =	vld [tilespmem:$0xC87F]  }
0x8c: {  	v35 =	vld [tilespmem:$0xC890]  }
0x8d: {  	v37 =	vld [tilespmem:$0xC88F]  }
0x8e: {  	v38 =	vld [tilespmem:$0xC8A0]  }
0x8f: {  	vm2 =	vne.s32 v7, v8;
	v7 =	vld [tilespmem:$0xC8B0];
	vm1 =	vne.s32 v5, v6  }
0x90: {  	v5 =	vld [tilespmem:$0xC89F];
	v6 =	vmpcnt.ones.xlane vm1  }
0x91: {  	v8 =	vmpcnt.ones.xlane vm2;
	vm2 =	vne.s32 v20, v22;
	v20 =	vld [tilespmem:$0xC8BF];
	vm1 =	vne.s32 v15, v19  }
0x92: {  	v15 =	vld [tilespmem:$0xC8AF];
	v19 =	vmpcnt.ones.xlane vm1;
	vm1 =	vne.s32 v23, v25;
	(v2sf) =	vpush v6, $0x0  }
0x93: {  	v23 =	vld [tilespmem:$0xC8CF];
	v22 =	vmpcnt.ones.xlane vm1;
	(v2sf) =	vpush v8, $0x0;
	v8 =	vmpcnt.ones.xlane vm2  }
0x94: {  	v6 =	vld [tilespmem:$0xC8C0];
	vm1 =	vne.s32 v30, v31;
	vm2 =	vne.s32 v27, v29;
	(v2sf) =	vpush v19, $0x0  }
0x95: {  	v25 =	vmpcnt.ones.xlane vm1;
	v19 =	vld [tilespmem:$0xC8D0];
	(v2sf) =	vpush v8, $0x0;
	v8 =	vmpcnt.ones.xlane vm2  }
0x96: {  	vm1 =	vne.s32 v35, v37;
	vm2 =	vne.s32 v33, v34;
	(v2sf) =	vpush v22, $0x0  }
0x97: {  	v22 =	vmpcnt.ones.xlane vm2;
	vm2 =	vne.s32 v38, v5;
	(v2sf) =	vpush v8, $0x0  }
0x98: {  	v5 =	vmpcnt.ones.xlane vm1;
	vm1 =	vne.s32 v7, v15;
	(v2sf) =	vpush v25, $0x0  }
0x99: {  	v7 =	vmpcnt.ones.xlane vm2;
	vm2 =	vne.s32 v6, v20;
	(v2sf) =	vpush v22, $0x0  }
0x9a: {  	v6 =	vmpcnt.ones.xlane vm1;
	vm1 =	vne.s32 v19, v23;
	(v2sf) =	vpush v5, $0x0  }
0x9b: {  	v5 =	vmpcnt.ones.xlane vm2;
	vm1 =	vmand vm1, vm0;
	(v2sf) =	vpush v7, $0x0  }
0x9c: {  	(v2sf) =	vpush v6, $0x0;
	v6 =	vmpcnt.ones.xlane vm1  }
0x9d: {  	(v2sf) =	vpush v5, $0x0  }
0x9e: {  	(v2sf) =	vpush v6, $0x0;
	_ =	sdelay $0x2  }
0x9f: {  	s23 =	spop (v2sf)  }
0xa0: {  	s24 =	spop (v2sf)  }
0xa1: {  	s30 =	spop (v2sf);
	s1 =	sadd.s32 s23, s24  }
0xa2: {  	s16 =	spop (v2sf);
	s1 =	sadd.s32 s30, s1  }
0xa3: {  	s17 =	spop (v2sf);
	s1 =	sadd.s32 s16, s1  }
0xa4: {  	s23 =	spop (v2sf);
	s1 =	sadd.s32 s17, s1  }
0xa5: {  	s24 =	spop (v2sf);
	s1 =	sadd.s32 s23, s1  }
0xa6: {  	s30 =	spop (v2sf);
	s1 =	sadd.s32 s24, s1  }
0xa7: {  	s16 =	spop (v2sf);
	s1 =	sadd.s32 s30, s1  }
0xa8: {  	s17 =	spop (v2sf);
	s1 =	sadd.s32 s16, s1  }
0xa9: {  	s23 =	spop (v2sf);
	s1 =	sadd.s32 s17, s1  }
0xaa: {  	s24 =	spop (v2sf);
	s1 =	sadd.s32 s23, s1  }
0xab: {  	s1 =	sadd.s32 s24, s1;
	s30 =	spop (v2sf)  }
0xac: {  	s11 =	sadd.s32 s30, s1  }
0xad: {  	p1 =	sgt.s32 s11, $0x0  }
.Ltmp5:
0xae: {  	_ = 	snop;
	(pc) =	sbr.rel @p1 .LBB2_3-.Ltmp5, $4  }
.Ltmp6:
0xaf: {  	_ = 	snop;
	(pc) =	sbr.rel @!p1 .LBB2_13-.Ltmp6, $4  }
0xb0: {  	_ = 	snop  }
0xb1: {  	_ = 	snop  }
0xb2: {  	s15 =	simm.s32 $0x0;
	s17 =	simm.s32 $0x0  }
0xb3: {  	_ = 	snop  }
.LBB2_26:
0xb4: {  	p1 =	slt.s32 s31, $0x4;
	s1 =	scvt.s32.f32 s1  }
0xb5: {  	s10 =	simm.s32 @!p1 $0x2  }
0xb6: {  	_ =	swait.ge @!p1 [sflag:s10], $0x40;
	v5 =	vmov s1  }
0xb7: {  	(erf) = vrcp.f32 v5;
	_ =	sdelay $0x8  }
0xb8: {  	v5 =	vpop (erf)  }
0xb9: {  	v6 =	vmul.f32 v39, v5;
	v7 =	vmul.f32 v32, v5  }
0xba: {  	v8 =	vmul.f32 v24, v5;
	v16 =	vmul.f32 v16, v5  }
0xbb: {  	v62 =	vmul.f32 v36, v5;
	v63 =	vmul.f32 v26, v5  }
0xbc: {  	v17 =	vmul.f32 v17, v5;
	v13 =	vmul.f32 v13, v5  }
0xbd: {  	v31 =	vmul.f32 v28, v5;
	v32 =	vmul.f32 v18, v5  }
0xbe: {  	v12 =	vmul.f32 v12, v5;
	v10 =	vmul.f32 v10, v5  }
0xbf: {  	v21 =	vmul.f32 v21, v5;
	v14 =	vmul.f32 v14, v5  }
0xc0: {  	v11 =	vmul.f32 v11, v5;
	v9 =	vmul.f32 v9, v5  }
0xc1: {  	v15 =	vmul.f32 v6, v6;
	v19 =	vmul.f32 v7, v7  }
0xc2: {  	v29 =	vmul.f32 v62, v62;
	v20 =	vmul.f32 v63, v63  }
0xc3: {  	v33 =	vmul.f32 v31, v31;
	v23 =	vmul.f32 v32, v32  }
0xc4: {  	v34 =	vmul.f32 v21, v21;
	v8 =	vsub.f32 v8, v15;
	v61 =	vsub.f32 v16, v19  }
0xc5: {  	v35 =	vmul.f32 v14, v14;
	v17 =	vsub.f32 v17, v29;
	v13 =	vsub.f32 v13, v20  }
0xc6: {  	v12 =	vsub.f32 v12, v33;
	v10 =	vsub.f32 v10, v23  }
0xc7: {  	v11 =	vsub.f32 v11, v34;
	v9 =	vsub.f32 v9, v35;
	v8 =	vmul.f32 v61, v8  }
0xc8: {  	v13 =	vmul.f32 v13, v17  }
0xc9: {  	v10 =	vmul.f32 v10, v12;
	v9 =	vmul.f32 v9, v11;
	v22 =	vshra.s32 v8, $0x1  }
0xca: {  	v8 =	vmul.f32 $-5.000000000e-01, v8;
	v25 =	vshra.s32 v13, $0x1;
	v13 =	vmul.f32 $-5.000000000e-01, v13  }
0xcb: {  	v40 =	vshra.s32 v10, $0x1;
	v10 =	vmul.f32 $-5.000000000e-01, v10;
	v22 =	vsub.s32 $0x5F3759DF, v22  }
0xcc: {  	v41 =	vshra.s32 v9, $0x1;
	v36 =	vsub.s32 $0x5F3759DF, v25;
	v30 =	vmul.f32 v22, v8  }
0xcd: {  	v9 =	vmul.f32 $-5.000000000e-01, v9;
	v18 =	vsub.s32 $0x5F3759DF, v40;
	v37 =	vmul.f32 v36, v13  }
0xce: {  	v19 =	vsub.s32 $0x5F3759DF, v41;
	v42 =	vmul.f32 v18, v10;
	v38 =	vmul.f32 v22, v30  }
0xcf: {  	v43 =	vmul.f32 v19, v9;
	v39 =	vmul.f32 v36, v37  }
0xd0: {  	v44 =	vmul.f32 v18, v42;
	v12 =	vadd.f32 $1.500000000e+00, v38  }
0xd1: {  	v45 =	vmul.f32 v19, v43;
	v11 =	vadd.f32 $1.500000000e+00, v39  }
0xd2: {  	v4 =	vmul.f32 v4, v5;
	v12 =	vmul.f32 v22, v12;
	v22 =	vadd.f32 $1.500000000e+00, v44  }
0xd3: {  	v3 =	vmul.f32 v3, v5;
	v23 =	vadd.f32 $1.500000000e+00, v45;
	v11 =	vmul.f32 v36, v11  }
0xd4: {  	v46 =	vmul.f32 v12, v8;
	v18 =	vmul.f32 v18, v22  }
0xd5: {  	v19 =	vmul.f32 v19, v23;
	v47 =	vmul.f32 v11, v13  }
0xd6: {  	v24 =	vmul.f32 v46, v12;
	v50 =	vmul.f32 v18, v10  }
0xd7: {  	v51 =	vmul.f32 v19, v9;
	v48 =	vmul.f32 v47, v11  }
0xd8: {  	v2 =	vmul.f32 v2, v5;
	v49 =	vadd.f32 $1.500000000e+00, v24;
	v52 =	vmul.f32 v50, v18  }
0xd9: {  	v1 =	vmul.f32 v1, v5;
	v53 =	vmul.f32 v51, v19;
	v22 =	vadd.f32 $1.500000000e+00, v48  }
0xda: {  	v6 =	vmul.f32 v7, v6;
	v12 =	vmul.f32 v49, v12;
	v55 =	vadd.f32 $1.500000000e+00, v52  }
0xdb: {  	v60 =	vmul.f32 v32, v31;
	v11 =	vmul.f32 v22, v11;
	v22 =	vadd.f32 $1.500000000e+00, v53  }
0xdc: {  	v54 =	vmul.f32 v12, v8;
	v8 =	vmul.f32 v55, v18  }
0xdd: {  	v13 =	vmul.f32 v11, v13;
	v56 =	vmul.f32 v22, v19  }
0xde: {  	v7 =	vmul.f32 v54, v12;
	v10 =	vmul.f32 v8, v10  }
0xdf: {  	v13 =	vmul.f32 v13, v11;
	v9 =	vmul.f32 v56, v9  }
0xe0: {  	v15 =	vmul.f32 v63, v62;
	v7 =	vadd.f32 $1.500000000e+00, v7;
	v58 =	vmul.f32 v10, v8  }
0xe1: {  	v4 =	vsub.f32 v4, v6;
	v13 =	vadd.f32 $1.500000000e+00, v13;
	v9 =	vmul.f32 v9, v56  }
0xe2: {  	v3 =	vsub.f32 v3, v15;
	v57 =	vmul.f32 v7, v12;
	v7 =	vadd.f32 $1.500000000e+00, v58  }
0xe3: {  	v61 =	vmul.f32 v14, v21;
	v59 =	vmul.f32 v13, v11;
	v9 =	vadd.f32 $1.500000000e+00, v9  }
0xe4: {  	s17 =	sshll.u32 s21, $0x8;
	[sflag:s10] =	ssyncset.done @!p1 $0x0;
	v2 =	vsub.f32 v2, v60;
	v4 =	vmul.f32 v57, v4;
	v62 =	vmul.f32 v7, v8  }
0xe5: {  	s1 =	sshra.s32 s17, $0x2;
	[sflag:s10] =	ssyncadd.s32 @!p1 $0xFFFFFFC0;
	v1 =	vsub.f32 v1, v61;
	v3 =	vmul.f32 v59, v3;
	v63 =	vmul.f32 v9, v56  }
0xe6: {  	s6 =	sshll.u32 s6, $0x7;
	v2 =	vmul.f32 v62, v2;
	[tilespmem:s1+$0xC9D0] =	vst v4  }
0xe7: {  	s6 =	sor.u32 s8, s6;
	v1 =	vmul.f32 v63, v1;
	[tilespmem:s1+$0xC9E0] =	vst v3  }
0xe8: {  	s6 =	sshrl.u32 s6, $0x3;
	s23 =	sadd.s32 $0xC9D0, s1;
	[tilespmem:s1+$0xC9F0] =	vst v2  }
0xe9: {  	s24 =	sadd.s32 s4, s6;
	p1 =	sgt.s32 s31, $0x3;
	[tilespmem:s1+$0xCA00] =	vst v1;
	s1 =	simm.s32 $0x1  }
0xea: {  	[hbm4b:s24+s7] =	stream.linear.scatter [tilespmem:s23], [sflag:$0x2], $0x40, $0x38;
	[tilespmem:$0x10350] =	vst v63  }
0xeb: {  	s1 =	simm.s32 @!p1 $0x0  }
0xec: {  	s30 =	sadd.s32 $0x1, s21;
	s1 =	ssub.s32 s31, s1  }
0xed: {  	s21 =	sand.u32 $0x3, s30;
	s31 =	sadd.s32 $0x1, s1  }
.LBB2_27:
0xee: {  	v1 =	vld [tilespmem:s5+$0xC810];
	_ =	sdelay $0x4  }
0xef: {  	(v2sf) =	vpush v1, $0x0;
	_ =	sdelay $0x8  }
0xf0: {  	v2 =	vimm.f32 $0.0e+00;
	v3 =	vimm.f32 $0.0e+00;
	s15 =	sadd.s32 $0x1, s15  }
0xf1: {  	v4 =	vimm.f32 $0.0e+00;
	v9 =	vimm.f32 $0.0e+00;
	v10 =	vimm.f32 $0.0e+00;
	p1 =	slt.s32 s15, s11  }
.Ltmp7:
0xf2: {  	v13 =	vimm.f32 $0.0e+00;
	v16 =	vimm.f32 $0.0e+00;
	v11 =	vimm.f32 $0.0e+00;
	(pc) =	sbr.rel @!p1 .LBB2_12-.Ltmp7, $4  }
0xf3: {  	v12 =	vimm.f32 $0.0e+00;
	v17 =	vimm.f32 $0.0e+00;
	v24 =	vimm.f32 $0.0e+00  }
0xf4: {  	v14 =	vimm.f32 $0.0e+00;
	v18 =	vimm.f32 $0.0e+00;
	v26 =	vimm.f32 $0.0e+00  }
0xf5: {  	v32 =	vimm.f32 $0.0e+00;
	v21 =	vimm.f32 $0.0e+00;
	v28 =	vimm.f32 $0.0e+00  }
0xf6: {  	s10 =	simm.s32 $0x0;
	v36 =	vimm.f32 $0.0e+00;
	v39 =	vimm.f32 $0.0e+00;
	s17 =	smov.u32 s5;
	v1 =	vimm.f32 $0.0e+00;
	s6 =	spop (v2sf)  }
.LBB2_3:
0xf7: {  	s1 =	sshra.s32 s17, $0x4  }
0xf8: {  	p1 =	sgt.s32 s1, $0xC  }
.Ltmp8:
0xf9: {  	_ = 	snop;
	(pc) =	sbr.rel @p1 .LBB2_6-.Ltmp8, $2  }
0xfa: {  	_ =	sdelay $0x2  }
0xfb: {  	s5 =	simm.s32 $0xFFFFFFFF  }
0xfc: {  	s16 =	sshll.u32 s1, $0x6  }
0xfd: {  	s16 =	sshra.s32 s16, $0x2  }
0xfe: {  	p1 =	por $0x0, $0x0;
	s16 =	sadd.s32 $0xC810, s16  }
0xff: {  	v7 =	vld @!p1 [tilespmem:s16+$0x0];
	_ =	sdelay $0x2  }
0x100: {  	s5 =	ssub.s32 $0xD, s1;
	s1 =	sshll.u32 s1, $0x4;
	v8 =	vlaneseq.u32 @!p1  }
0x101: {  	v5 =	vmov s6;
	v6 =	vmov s17;
	v8 =	vor.u32 @!p1 s1, v8  }
0x102: {  	vm2 =	vge.s32 @!p1 v8, v6;
	vm1 =	vne.s32 @!p1 v7, v5  }
0x103: {  	vm1 =	vmand @!p1 vm2, vm1  }
0x104: {  	v7 =	vmctz.xlane @!p1 vm1;
	_ =	sdelay $0x1  }
0x105: {  	(v2sf) =	vpush @!p1 v7, $0x0;
	_ =	sdelay $0xc  }
0x106: {  	s30 =	sadd.s32 $0xFFFFFFFF, s5  }
0x107: {  	p3 =	seq.s32 s30, $0x0  }
.Ltmp9:
0x108: {  	s24 =	spop @!p1 (v2sf);
	(pc) =	sbr.rel @p3 .LBB2_6-.Ltmp9, $4  }
0x109: {  	p2 =	slt.s32 @!p1 s24, $0x10  }
0x10a: {  	s5 =	sadd.s32 @!p1 s1, s24;
	p2 =	por !p2, p1  }
0x10b: {  	s23 =	simm.s32 $0xFFFFFFFF;
	s5 =	simm.s32 @p2 $0xFFFFFFFF  }
0x10c: {  	s5 =	smov.u32 @p1 s23  }
.LBB2_5:
0x10d: {  	s23 =	smov.u32 s5  }
0x10e: {  	p1 =	sgt.s32 s5, $0xFFFFFFFF;
	s30 =	sadd.s32 $0xFFFFFFFF, s30;
	s16 =	sadd.s32 $0x10, s16  }
0x10f: {  	p2 =	seq.s32 s30, $0x0;
	v7 =	vld @!p1 [tilespmem:s16+$0x0];
	_ =	sdelay $0x2  }
0x110: {  	s1 =	sadd.s32 $0x10, s1;
	v8 =	vlaneseq.u32 @!p1  }
0x111: {  	v8 =	vor.u32 @!p1 s1, v8  }
0x112: {  	vm2 =	vge.s32 @!p1 v8, v6;
	vm1 =	vne.s32 @!p1 v7, v5  }
0x113: {  	vm1 =	vmand @!p1 vm2, vm1  }
0x114: {  	v7 =	vmctz.xlane @!p1 vm1;
	_ =	sdelay $0x1  }
0x115: {  	(v2sf) =	vpush @!p1 v7, $0x0;
	_ =	sdelay $0xe  }
.Ltmp10:
0x116: {  	s5 =	spop @!p1 (v2sf);
	(pc) =	sbr.rel @!p2 .LBB2_5-.Ltmp10, $4  }
0x117: {  	p3 =	slt.s32 @!p1 s5, $0x10  }
0x118: {  	s5 =	sadd.s32 @!p1 s1, s5;
	p3 =	por !p3, p1  }
0x119: {  	s5 =	simm.s32 @p3 $0xFFFFFFFF  }
0x11a: {  	s5 =	smov.u32 @p1 s23  }
.LBB2_6:
0x11b: {  	p1 =	sle.s32 s5, s17  }
.Ltmp11:
0x11c: {  	_ = 	snop;
	(pc) =	sbr.rel @p1 .LBB2_10-.Ltmp11, $2  }
0x11d: {  	_ =	sdelay $0x2  }
0x11e: {  	s16 =	ssub.s32 s5, s17  }
0x11f: {  	s1 =	sshll.u32 s17, $0x8  }
0x120: {  	s1 =	sshra.s32 s1, $0x2  }
0x121: {  	s30 =	sadd.s32 $0x6420, s1  }
0x122: {  	s24 =	sor.u32 $0x20, s1;
	v7 =	vld [tilespmem:s30+$0xFFFFFFE0]  }
0x123: {  	v25 =	vld [tilespmem:s24+$0x0]  }
0x124: {  	v27 =	vld [tilespmem:s30+$0x0]  }
0x125: {  	v5 =	vld [tilespmem:s30+$0x10]  }
0x126: {  	v8 =	vld [tilespmem:s24+$0x10]  }
0x127: {  	p1 =	sne.s32 s16, $0x1;
	v6 =	vld [tilespmem:s24+$0xFFFFFFF0];
	v15 =	vmul.f32 v7, v7  }
.Ltmp12:
0x128: {  	v19 =	vld [tilespmem:s24+$0xFFFFFFE0];
	v32 =	vadd.f32 v7, v32;
	(pc) =	sbr.rel @!p1 .LBB2_9-.Ltmp12, $4  }
0x129: {  	v28 =	vadd.f32 v25, v28;
	v20 =	vmul.f32 v27, v27;
	v16 =	vadd.f32 v15, v16;
	v15 =	vld [tilespmem:s30+$0xFFFFFFF0]  }
0x12a: {  	v18 =	vadd.f32 v27, v18;
	v29 =	vmul.f32 v25, v25;
	v23 =	vmul.f32 v5, v5  }
0x12b: {  	v21 =	vadd.f32 v8, v21;
	v14 =	vadd.f32 v5, v14;
	v22 =	vmul.f32 v8, v8  }
0x12c: {  	s1 =	sadd.s32 $0xFFFFFFFF, s16;
	s17 =	sadd.s32 $0x40, s24;
	v36 =	vadd.f32 v6, v36;
	v25 =	vmul.f32 v27, v25;
	v12 =	vadd.f32 v29, v12;
	s30 =	sadd.s32 $0x40, s30  }
.LBB2_8:
0x12d: {  	v27 =	vld [tilespmem:s30+$0xFFFFFFE0];
	p1 =	sne.s32 s1, $0x1;
	s1 =	sadd.s32 $0xFFFFFFFF, s1;
	v29 =	vmul.f32 v6, v6;
	v10 =	vadd.f32 v20, v10;
	v9 =	vadd.f32 v23, v9  }
0x12e: {  	v26 =	vadd.f32 v15, v26;
	v30 =	vld [tilespmem:s17+$0x0];
	v39 =	vadd.f32 v19, v39;
	v20 =	vmul.f32 v19, v19  }
0x12f: {  	v11 =	vadd.f32 v22, v11;
	v22 =	vmul.f32 v5, v8;
	v2 =	vadd.f32 v25, v2;
	v31 =	vld [tilespmem:s30+$0x0]  }
0x130: {  	v25 =	vmul.f32 v7, v19;
	v17 =	vadd.f32 v29, v17;
	v5 =	vld [tilespmem:s30+$0x10];
	v24 =	vadd.f32 v20, v24  }
0x131: {  	v23 =	vmul.f32 v15, v6;
	v19 =	vmul.f32 v15, v15;
	v1 =	vadd.f32 v22, v1;
	v8 =	vld [tilespmem:s17+$0x10]  }
0x132: {  	v4 =	vadd.f32 v25, v4;
	v32 =	vadd.f32 v27, v32;
	v20 =	vmul.f32 v27, v27;
	v6 =	vld [tilespmem:s17+$0xFFFFFFF0];
	v7 =	vmovc v27  }
.Ltmp13:
0x133: {  	v13 =	vadd.f32 v19, v13;
	v15 =	vld [tilespmem:s30+$0xFFFFFFF0];
	v28 =	vadd.f32 v30, v28;
	(pc) =	sbr.rel @p1 .LBB2_8-.Ltmp13, $4  }
0x134: {  	v3 =	vadd.f32 v23, v3;
	v19 =	vld [tilespmem:s17+$0xFFFFFFE0];
	v16 =	vadd.f32 v20, v16;
	v20 =	vmul.f32 v31, v31  }
0x135: {  	v25 =	vmul.f32 v30, v30;
	v18 =	vadd.f32 v31, v18;
	v23 =	vmul.f32 v5, v5  }
0x136: {  	v14 =	vadd.f32 v5, v14;
	v21 =	vadd.f32 v8, v21;
	v22 =	vmul.f32 v8, v8  }
0x137: {  	s30 =	sadd.s32 $0x40, s30;
	s17 =	sadd.s32 $0x40, s17;
	v12 =	vadd.f32 v25, v12;
	v25 =	vmul.f32 v31, v30;
	v36 =	vadd.f32 v6, v36  }
.LBB2_9:
0x138: {  	v10 =	vadd.f32 v20, v10;
	v9 =	vadd.f32 v23, v9  }
0x139: {  	v23 =	vmul.f32 v6, v6;
	v11 =	vadd.f32 v22, v11;
	v5 =	vmul.f32 v5, v8  }
0x13a: {  	v39 =	vadd.f32 v19, v39;
	v20 =	vmul.f32 v19, v19;
	v26 =	vadd.f32 v15, v26  }
0x13b: {  	v2 =	vadd.f32 v25, v2;
	v7 =	vmul.f32 v7, v19;
	v8 =	vmul.f32 v15, v15  }
0x13c: {  	v6 =	vmul.f32 v15, v6;
	v17 =	vadd.f32 v23, v17;
	v1 =	vadd.f32 v5, v1  }
0x13d: {  	v24 =	vadd.f32 v20, v24;
	v4 =	vadd.f32 v7, v4  }
0x13e: {  	v13 =	vadd.f32 v8, v13;
	v3 =	vadd.f32 v6, v3  }
.LBB2_10:
0x13f: {  	p1 =	sne.s32 s6, s29  }
.Ltmp14:
0x140: {  	_ = 	snop;
	(pc) =	sbr.rel @p1 .LBB2_26-.Ltmp14, $2  }
0x141: {  	_ =	sdelay $0x2  }
0x142: {  	s1 =	sadd.s32 s10, s16  }
0x143: {  	[tilespmem:$0xCAD0] =	vst v39  }
0x144: {  	[tilespmem:$0xCAE0] =	vst v36  }
0x145: {  	[tilespmem:$0xCAF0] =	vst v28  }
0x146: {  	[tilespmem:$0xCB00] =	vst v21  }
0x147: {  	[tilespmem:$0xCB10] =	vst v32  }
0x148: {  	[tilespmem:$0xCB20] =	vst v26  }
0x149: {  	[tilespmem:$0xCB30] =	vst v18  }
0x14a: {  	[tilespmem:$0xCB40] =	vst v14  }
0x14b: {  	[tilespmem:$0xCB50] =	vst v24  }
0x14c: {  	[tilespmem:$0xCB60] =	vst v17  }
0x14d: {  	[tilespmem:$0xCB70] =	vst v12  }
0x14e: {  	[tilespmem:$0xCB80] =	vst v11  }
0x14f: {  	[tilespmem:$0xCB90] =	vst v16  }
0x150: {  	[tilespmem:$0xCBA0] =	vst v13  }
0x151: {  	[tilespmem:$0xCBB0] =	vst v10  }
0x152: {  	[tilespmem:$0xCBC0] =	vst v9  }
0x153: {  	[tilespmem:$0xCBD0] =	vst v4  }
0x154: {  	[tilespmem:$0xCBE0] =	vst v3;
	s1 =	scvt.s32.f32 s1  }
0x155: {  	[tilespmem:$0xCBF0] =	vst v2  }
0x156: {  	[tilespmem:$0xCC00] =	vst v1;
	v1 =	vmov s1  }
.Ltmp15:
0x157: {  	[tilespmem:$0xCC10] =	vst v1;
	(pc) =	sbr.rel .LBB2_27-.Ltmp15, $4  }
0x158: {  	[spmem:s13] =	stream.linear.scatter [tilespmem:s26], [sflag:$0x3], $0x180, $0x38;
	[tilespmem:$0x10350] =	vst v63  }
0x159: {  	_ =	swait.ge [sflag:s28], $0x180  }
0x15a: {  	[sflag:s28] =	ssyncset.done $0x0  }
0x15b: {  	[sflag:s28] =	ssyncadd.s32 $0xFFFFFE80  }
.LBB2_12:
0x15c: {  	v1 =	vimm.f32 $0.0e+00;
	v2 =	vimm.f32 $0.0e+00;
	v3 =	vimm.f32 $0.0e+00  }
0x15d: {  	v4 =	vimm.f32 $0.0e+00;
	v9 =	vimm.f32 $0.0e+00;
	v10 =	vimm.f32 $0.0e+00  }
0x15e: {  	v13 =	vimm.f32 $0.0e+00;
	v16 =	vimm.f32 $0.0e+00;
	v11 =	vimm.f32 $0.0e+00  }
0x15f: {  	v12 =	vimm.f32 $0.0e+00;
	v17 =	vimm.f32 $0.0e+00;
	v24 =	vimm.f32 $0.0e+00  }
0x160: {  	v14 =	vimm.f32 $0.0e+00;
	v18 =	vimm.f32 $0.0e+00;
	v26 =	vimm.f32 $0.0e+00  }
0x161: {  	v32 =	vimm.f32 $0.0e+00;
	v21 =	vimm.f32 $0.0e+00;
	v28 =	vimm.f32 $0.0e+00  }
0x162: {  	v36 =	vimm.f32 $0.0e+00;
	v39 =	vimm.f32 $0.0e+00;
	v38 =	vimm.f32 $0.0e+00  }
0x163: {  	v33 =	vimm.f32 $0.0e+00;
	v29 =	vimm.f32 $0.0e+00;
	v37 =	vimm.f32 $0.0e+00;
	p1 =	sgt.s32 s5, $0xC7  }
.Ltmp16:
0x164: {  	v34 =	vimm.f32 $0.0e+00;
	v27 =	vimm.f32 $0.0e+00;
	v23 =	vimm.f32 $0.0e+00;
	(pc) =	sbr.rel @p1 .LBB2_16-.Ltmp16, $4  }
0x165: {  	v35 =	vimm.f32 $0.0e+00;
	v30 =	vimm.f32 $0.0e+00;
	v22 =	vimm.f32 $0.0e+00  }
0x166: {  	v20 =	vimm.f32 $0.0e+00;
	v31 =	vimm.f32 $0.0e+00;
	v25 =	vimm.f32 $0.0e+00  }
0x167: {  	v19 =	vimm.f32 $0.0e+00;
	v15 =	vimm.f32 $0.0e+00;
	v8 =	vimm.f32 $0.0e+00  }
0x168: {  	s10 =	simm.s32 $0x0;
	v7 =	vimm.f32 $0.0e+00;
	v6 =	vimm.f32 $0.0e+00;
	v5 =	vimm.f32 $0.0e+00  }
.LBB2_13:
0x169: {  	s1 =	sshll.u32 s5, $0x8  }
0x16a: {  	s15 =	sshra.s32 s1, $0x2  }
0x16b: {  	s11 =	sor.u32 $0x20, s15;
	s15 =	sadd.s32 $0x6420, s15  }
0x16c: {  	v8 =	vld [tilespmem:s15+$0xFFFFFFE0]  }
0x16d: {  	v5 =	vld [tilespmem:s15+$0x10]  }
0x16e: {  	v19 =	vld [tilespmem:s11+$0x0]  }
0x16f: {  	v20 =	vld [tilespmem:s15+$0x0]  }
0x170: {  	s30 =	ssub.s32 $0xC8, s5;
	v25 =	vld [tilespmem:s11+$0x10]  }
0x171: {  	p1 =	sne.s32 s30, $0x1;
	v7 =	vld [tilespmem:s11+$0xFFFFFFF0];
	v6 =	vmul.f32 v8, v8  }
.Ltmp17:
0x172: {  	v37 =	vadd.f32 v8, v32;
	v23 =	vadd.f32 v5, v14;
	v14 =	vld [tilespmem:s11+$0xFFFFFFE0];
	(pc) =	sbr.rel @!p1 .LBB2_15-.Ltmp17, $4  }
0x173: {  	v33 =	vadd.f32 v19, v28;
	v31 =	vadd.f32 v6, v16;
	v16 =	vld [tilespmem:s15+$0xFFFFFFF0]  }
0x174: {  	v27 =	vadd.f32 v20, v18;
	v22 =	vmul.f32 v19, v19;
	v15 =	vmul.f32 v5, v5  }
0x175: {  	v29 =	vadd.f32 v25, v21;
	v18 =	vmul.f32 v25, v25;
	v6 =	vmul.f32 v20, v20  }
0x176: {  	s1 =	sadd.s32 $0xFFFFFFFF, s30;
	v38 =	vadd.f32 v7, v36;
	s11 =	sadd.s32 $0x40, s11;
	v22 =	vadd.f32 v22, v12;
	v12 =	vmul.f32 v20, v19;
	s15 =	sadd.s32 $0x40, s15  }
.LBB2_14:
0x177: {  	v19 =	vld [tilespmem:s15+$0xFFFFFFE0];
	p1 =	sne.s32 s1, $0x1;
	s1 =	sadd.s32 $0xFFFFFFFF, s1;
	v20 =	vmul.f32 v7, v7;
	v10 =	vadd.f32 v6, v10;
	v9 =	vadd.f32 v15, v9  }
0x178: {  	v26 =	vadd.f32 v16, v26;
	v21 =	vld [tilespmem:s11+$0x0];
	v39 =	vadd.f32 v14, v39;
	v6 =	vmul.f32 v14, v14  }
0x179: {  	v11 =	vadd.f32 v18, v11;
	v2 =	vadd.f32 v12, v2;
	v12 =	vmul.f32 v5, v25;
	v28 =	vld [tilespmem:s15+$0x0]  }
0x17a: {  	v17 =	vadd.f32 v20, v17;
	v5 =	vld [tilespmem:s15+$0x10];
	v24 =	vadd.f32 v6, v24;
	v6 =	vmul.f32 v8, v14  }
0x17b: {  	v15 =	vmul.f32 v16, v7;
	v14 =	vmul.f32 v16, v16;
	v1 =	vadd.f32 v12, v1;
	v25 =	vld [tilespmem:s11+$0x10]  }
0x17c: {  	v37 =	vadd.f32 v19, v37;
	v12 =	vmul.f32 v19, v19;
	v7 =	vld [tilespmem:s11+$0xFFFFFFF0];
	v4 =	vadd.f32 v6, v4;
	v8 =	vmovc v19  }
.Ltmp18:
0x17d: {  	v13 =	vadd.f32 v14, v13;
	v16 =	vld [tilespmem:s15+$0xFFFFFFF0];
	v33 =	vadd.f32 v21, v33;
	(pc) =	sbr.rel @p1 .LBB2_14-.Ltmp18, $4  }
0x17e: {  	v3 =	vadd.f32 v15, v3;
	v14 =	vld [tilespmem:s11+$0xFFFFFFE0];
	v31 =	vadd.f32 v12, v31;
	v6 =	vmul.f32 v28, v28  }
0x17f: {  	v27 =	vadd.f32 v28, v27;
	v12 =	vmul.f32 v21, v21;
	v15 =	vmul.f32 v5, v5  }
0x180: {  	v23 =	vadd.f32 v5, v23;
	v29 =	vadd.f32 v25, v29;
	v18 =	vmul.f32 v25, v25  }
0x181: {  	s15 =	sadd.s32 $0x40, s15;
	s11 =	sadd.s32 $0x40, s11;
	v22 =	vadd.f32 v12, v22;
	v12 =	vmul.f32 v28, v21;
	v38 =	vadd.f32 v7, v38  }
.LBB2_15:
0x182: {  	v19 =	vadd.f32 v6, v10;
	v15 =	vadd.f32 v15, v9  }
0x183: {  	v21 =	vmul.f32 v7, v7;
	v20 =	vadd.f32 v18, v11;
	v9 =	vadd.f32 v14, v39  }
0x184: {  	v10 =	vmul.f32 v14, v14;
	v6 =	vadd.f32 v12, v2;
	v2 =	vmul.f32 v5, v25  }
0x185: {  	v34 =	vadd.f32 v16, v26;
	v8 =	vmul.f32 v8, v14;
	v7 =	vmul.f32 v16, v7  }
0x186: {  	v30 =	vadd.f32 v21, v17;
	v35 =	vadd.f32 v10, v24;
	v10 =	vmul.f32 v16, v16  }
0x187: {  	v5 =	vadd.f32 v2, v1;
	v8 =	vadd.f32 v8, v4  }
0x188: {  	v7 =	vadd.f32 v7, v3;
	v1 =	vmov v9;
	v25 =	vadd.f32 v10, v13  }
.LBB2_16:
0x189: {  	_ =	swait.ge [sflag:s22], $0x3200  }
0x18a: {  	[sflag:s22] =	ssyncset.done $0x0  }
0x18b: {  	[sflag:s22] =	ssyncadd.s32 $0xFFFFCE00  }
0x18c: {  	p1 =	seq.s32 s20, $0x31;
	_ =	swait.ge [sflag:s22], $0x3200  }
0x18d: {  	s1 =	sadd.s32 @!p1 s9, s14;
	[sflag:s22] =	ssyncset.done $0x0  }
0x18e: {  	s9 =	sshll.u32 @!p1 s1, $0x7;
	[sflag:s22] =	ssyncadd.s32 $0xFFFFCE00  }
0x18f: {  	s15 =	simm.s32 @!p1 $0x40;
	s9 =	sor.u32 @!p1 s8, s9;
	_ =	swait.ge [sflag:s22], $0xC8  }
0x190: {  	s16 =	simm.s32 @!p1 $0x80;
	s9 =	sshrl.u32 @!p1 s9, $0x3;
	[sflag:s22] =	ssyncset.done $0x0  }
0x191: {  	s17 =	simm.s32 @!p1 $0x0;
	s11 =	sadd.s32 @!p1 s0, s9;
	[sflag:s22] =	ssyncadd.s32 $0xFFFFFF38  }
0x192: {  	[tilespmem:s17], [sflag:$0x1] =	stream.strided.gather @!p1 [hbm4b:s11+s15], $0x3200, s16, s15, $0x38;
	[tilespmem:$0x10350] =	vst v63  }
0x193: {  	s1 =	sshrl.u32 @!p1 s1, $0x3;
	s9 =	sadd.s32 @!p1 s2, s9;
	s11 =	simm.s32 @!p1 $0x6400  }
0x194: {  	[tilespmem:s11], [sflag:$0x1] =	stream.strided.gather @!p1 [hbm4b:s9+s15], $0x3200, s16, s15, $0x38;
	[tilespmem:$0x10350] =	vst v63  }
0x195: {  	s1 =	sadd.s32 @!p1 s3, s1;
	s9 =	simm.s32 @!p1 $0xC810  }
0x196: {  	v2 =	vmov s6;
	[tilespmem:s9], [sflag:$0x1] =	stream.linear.gather @!p1 [hbm4b:s1+s17], $0xC8, $0x38;
	[tilespmem:$0x10350] =	vst v63  }
0x197: {  	[tilespmem:$0xC8E8] =	vst v2;
	v2 =	vld [tilespmem:$0xC8F8]  }
0x198: {  	v4 =	vld [tilespmem:$0xC908]  }
0x199: {  	v9 =	vld [tilespmem:$0xC907]  }
0x19a: {  	v10 =	vld [tilespmem:$0xC918]  }
0x19b: {  	v11 =	vld [tilespmem:$0xC917]  }
0x19c: {  	v12 =	vld [tilespmem:$0xC928]  }
0x19d: {  	v13 =	vld [tilespmem:$0xC927]  }
0x19e: {  	v14 =	vld [tilespmem:$0xC938]  }
0x19f: {  	v16 =	vld [tilespmem:$0xC937]  }
0x1a0: {  	v17 =	vld [tilespmem:$0xC948]  }
0x1a1: {  	v18 =	vld [tilespmem:$0xC947]  }
0x1a2: {  	v21 =	vld [tilespmem:$0xC958]  }
0x1a3: {  	v24 =	vld [tilespmem:$0xC957]  }
0x1a4: {  	v26 =	vld [tilespmem:$0xC968]  }
0x1a5: {  	v3 =	vld [tilespmem:$0xC8F7]  }
0x1a6: {  	v28 =	vld [tilespmem:$0xC967]  }
0x1a7: {  	v32 =	vld [tilespmem:$0xC978]  }
0x1a8: {  	v36 =	vld [tilespmem:$0xC977]  }
0x1a9: {  	v39 =	vld [tilespmem:$0xC988]  }
0x1aa: {  	vm2 =	vne.s32 v4, v9;
	v4 =	vld [tilespmem:$0xC998];
	vm1 =	vne.s32 v2, v3  }
0x1ab: {  	v2 =	vld [tilespmem:$0xC987];
	v3 =	vmpcnt.ones.xlane vm1  }
0x1ac: {  	v9 =	vmpcnt.ones.xlane vm2;
	vm2 =	vne.s32 v12, v13;
	v12 =	vld [tilespmem:$0xC9A7];
	vm1 =	vne.s32 v10, v11  }
0x1ad: {  	v10 =	vld [tilespmem:$0xC997];
	v11 =	vmpcnt.ones.xlane vm1;
	vm1 =	vne.s32 v14, v16;
	(v2sf) =	vpush v3, $0x0  }
0x1ae: {  	v14 =	vld [tilespmem:$0xC9B7];
	v13 =	vmpcnt.ones.xlane vm1;
	(v2sf) =	vpush v9, $0x0;
	v9 =	vmpcnt.ones.xlane vm2  }
0x1af: {  	v3 =	vld [tilespmem:$0xC9A8];
	vm1 =	vne.s32 v21, v24;
	vm2 =	vne.s32 v17, v18;
	(v2sf) =	vpush v11, $0x0  }
0x1b0: {  	v16 =	vmpcnt.ones.xlane vm1;
	v11 =	vld [tilespmem:$0xC9B8];
	(v2sf) =	vpush v9, $0x0;
	v9 =	vmpcnt.ones.xlane vm2  }
0x1b1: {  	vm1 =	vne.s32 v32, v36;
	vm2 =	vne.s32 v26, v28;
	(v2sf) =	vpush v13, $0x0  }
0x1b2: {  	v13 =	vmpcnt.ones.xlane vm2;
	vm2 =	vne.s32 v39, v2;
	(v2sf) =	vpush v9, $0x0  }
0x1b3: {  	v2 =	vmpcnt.ones.xlane vm1;
	vm1 =	vne.s32 v4, v10;
	(v2sf) =	vpush v16, $0x0  }
0x1b4: {  	v4 =	vmpcnt.ones.xlane vm2;
	vm2 =	vne.s32 v3, v12;
	(v2sf) =	vpush v13, $0x0  }
0x1b5: {  	v3 =	vmpcnt.ones.xlane vm1;
	vm1 =	vne.s32 v11, v14;
	(v2sf) =	vpush v2, $0x0  }
0x1b6: {  	v2 =	vmpcnt.ones.xlane vm2;
	vm1 =	vmand vm1, vm0;
	(v2sf) =	vpush v4, $0x0  }
0x1b7: {  	(v2sf) =	vpush v3, $0x0;
	v3 =	vmpcnt.ones.xlane vm1  }
0x1b8: {  	(v2sf) =	vpush v2, $0x0  }
0x1b9: {  	(v2sf) =	vpush v3, $0x0;
	_ =	sdelay $0x2  }
0x1ba: {  	s11 =	spop (v2sf)  }
0x1bb: {  	s15 =	spop (v2sf)  }
0x1bc: {  	s16 =	spop (v2sf);
	s1 =	sadd.s32 s11, s15  }
0x1bd: {  	s17 =	spop (v2sf);
	s1 =	sadd.s32 s16, s1  }
0x1be: {  	s23 =	spop (v2sf);
	s1 =	sadd.s32 s17, s1  }
0x1bf: {  	s24 =	spop (v2sf);
	s1 =	sadd.s32 s23, s1  }
0x1c0: {  	s30 =	spop (v2sf);
	s1 =	sadd.s32 s24, s1  }
0x1c1: {  	s15 =	spop (v2sf);
	s1 =	sadd.s32 s30, s1  }
0x1c2: {  	s16 =	spop (v2sf);
	s1 =	sadd.s32 s15, s1  }
0x1c3: {  	s17 =	spop (v2sf);
	s1 =	sadd.s32 s16, s1  }
0x1c4: {  	s23 =	spop (v2sf);
	s1 =	sadd.s32 s17, s1  }
0x1c5: {  	s24 =	spop (v2sf);
	s1 =	sadd.s32 s23, s1  }
0x1c6: {  	s1 =	sadd.s32 s24, s1;
	s30 =	spop (v2sf)  }
0x1c7: {  	s9 =	sadd.s32 s30, s1  }
0x1c8: {  	p1 =	sgt.s32 s9, $0x0  }
.Ltmp19:
0x1c9: {  	_ = 	snop;
	(pc) =	sbr.rel @p1 .LBB2_17-.Ltmp19, $4  }
.Ltmp20:
0x1ca: {  	_ = 	snop;
	(pc) =	sbr.rel @!p1 .LBB2_29-.Ltmp20, $4  }
0x1cb: {  	_ = 	snop  }
0x1cc: {  	s5 =	ssub.s32 s10, s5;
	s10 =	simm.s32 $0x0  }
0x1cd: {  	s11 =	sadd.s32 $0xC8, s5;
	s5 =	simm.s32 $0x0;
	s16 =	simm.s32 $0x0  }
0x1ce: {  	_ = 	snop  }
.LBB2_38:
0x1cf: {  	p1 =	slt.s32 s31, $0x4;
	s1 =	scvt.s32.f32 s1  }
0x1d0: {  	s11 =	simm.s32 @!p1 $0x2  }
0x1d1: {  	_ =	swait.ge @!p1 [sflag:s11], $0x40;
	v2 =	vmov s1  }
0x1d2: {  	(erf) = vrcp.f32 v2;
	_ =	sdelay $0x8  }
0x1d3: {  	v2 =	vpop (erf)  }
0x1d4: {  	v1 =	vmul.f32 v1, v2;
	v3 =	vmul.f32 v37, v2  }
0x1d5: {  	v4 =	vmul.f32 v35, v2;
	v10 =	vmul.f32 v31, v2  }
0x1d6: {  	v63 =	vmul.f32 v38, v2;
	v28 =	vmul.f32 v34, v2  }
0x1d7: {  	v30 =	vmul.f32 v30, v2;
	v13 =	vmul.f32 v25, v2  }
0x1d8: {  	v34 =	vmul.f32 v33, v2;
	v35 =	vmul.f32 v27, v2  }
0x1d9: {  	v17 =	vmul.f32 v22, v2;
	v19 =	vmul.f32 v19, v2  }
0x1da: {  	v21 =	vmul.f32 v29, v2;
	v23 =	vmul.f32 v23, v2  }
0x1db: {  	v20 =	vmul.f32 v20, v2;
	v15 =	vmul.f32 v15, v2  }
0x1dc: {  	v9 =	vmul.f32 v1, v1;
	v11 =	vmul.f32 v3, v3  }
0x1dd: {  	v12 =	vmul.f32 v63, v63;
	v14 =	vmul.f32 v28, v28  }
0x1de: {  	v18 =	vmul.f32 v34, v34;
	v36 =	vmul.f32 v35, v35  }
0x1df: {  	v24 =	vmul.f32 v21, v21;
	v4 =	vsub.f32 v4, v9;
	v62 =	vsub.f32 v10, v11  }
0x1e0: {  	v37 =	vmul.f32 v23, v23;
	v11 =	vsub.f32 v30, v12;
	v31 =	vsub.f32 v13, v14  }
0x1e1: {  	v17 =	vsub.f32 v17, v18;
	v19 =	vsub.f32 v19, v36  }
0x1e2: {  	v20 =	vsub.f32 v20, v24;
	v15 =	vsub.f32 v15, v37;
	v4 =	vmul.f32 v62, v4  }
0x1e3: {  	v11 =	vmul.f32 v31, v11  }
0x1e4: {  	v17 =	vmul.f32 v19, v17;
	v15 =	vmul.f32 v15, v20;
	v16 =	vshra.s32 v4, $0x1  }
0x1e5: {  	v4 =	vmul.f32 $-5.000000000e-01, v4;
	v38 =	vshra.s32 v11, $0x1;
	v11 =	vmul.f32 $-5.000000000e-01, v11  }
0x1e6: {  	v19 =	vshra.s32 v17, $0x1;
	v17 =	vmul.f32 $-5.000000000e-01, v17;
	v16 =	vsub.s32 $0x5F3759DF, v16  }
0x1e7: {  	v20 =	vshra.s32 v15, $0x1;
	v39 =	vsub.s32 $0x5F3759DF, v38;
	v32 =	vmul.f32 v16, v4  }
0x1e8: {  	v15 =	vmul.f32 $-5.000000000e-01, v15;
	v19 =	vsub.s32 $0x5F3759DF, v19;
	v40 =	vmul.f32 v39, v11  }
0x1e9: {  	v20 =	vsub.s32 $0x5F3759DF, v20;
	v41 =	vmul.f32 v19, v17;
	v13 =	vmul.f32 v16, v32  }
0x1ea: {  	v42 =	vmul.f32 v20, v15;
	v18 =	vmul.f32 v39, v40  }
0x1eb: {  	v43 =	vmul.f32 v19, v41;
	v13 =	vadd.f32 $1.500000000e+00, v13  }
0x1ec: {  	v44 =	vmul.f32 v20, v42;
	v18 =	vadd.f32 $1.500000000e+00, v18  }
0x1ed: {  	v8 =	vmul.f32 v8, v2;
	v13 =	vmul.f32 v16, v13;
	v16 =	vadd.f32 $1.500000000e+00, v43  }
0x1ee: {  	v7 =	vmul.f32 v7, v2;
	v22 =	vadd.f32 $1.500000000e+00, v44;
	v18 =	vmul.f32 v39, v18  }
0x1ef: {  	v45 =	vmul.f32 v13, v4;
	v16 =	vmul.f32 v19, v16  }
0x1f0: {  	v20 =	vmul.f32 v20, v22;
	v46 =	vmul.f32 v18, v11  }
0x1f1: {  	v24 =	vmul.f32 v45, v13;
	v49 =	vmul.f32 v16, v17  }
0x1f2: {  	v50 =	vmul.f32 v20, v15;
	v47 =	vmul.f32 v46, v18  }
0x1f3: {  	v6 =	vmul.f32 v6, v2;
	v48 =	vadd.f32 $1.500000000e+00, v24;
	v51 =	vmul.f32 v49, v16  }
0x1f4: {  	v2 =	vmul.f32 v5, v2;
	v52 =	vmul.f32 v50, v20;
	v19 =	vadd.f32 $1.500000000e+00, v47  }
0x1f5: {  	v1 =	vmul.f32 v3, v1;
	v13 =	vmul.f32 v48, v13;
	v53 =	vadd.f32 $1.500000000e+00, v51  }
0x1f6: {  	v60 =	vmul.f32 v35, v34;
	v18 =	vmul.f32 v19, v18;
	v19 =	vadd.f32 $1.500000000e+00, v52  }
0x1f7: {  	v3 =	vmul.f32 v13, v4;
	v4 =	vmul.f32 v53, v16  }
0x1f8: {  	v11 =	vmul.f32 v18, v11;
	v54 =	vmul.f32 v19, v20  }
0x1f9: {  	v3 =	vmul.f32 v3, v13;
	v17 =	vmul.f32 v4, v17  }
0x1fa: {  	v11 =	vmul.f32 v11, v18;
	v56 =	vmul.f32 v54, v15  }
0x1fb: {  	v61 =	vmul.f32 v23, v21;
	v3 =	vadd.f32 $1.500000000e+00, v3;
	v57 =	vmul.f32 v17, v4  }
0x1fc: {  	v9 =	vmul.f32 v28, v63;
	v55 =	vadd.f32 $1.500000000e+00, v11;
	v59 =	vmul.f32 v56, v54  }
0x1fd: {  	v1 =	vsub.f32 v8, v1;
	v3 =	vmul.f32 v3, v13;
	v8 =	vadd.f32 $1.500000000e+00, v57  }
0x1fe: {  	v7 =	vsub.f32 v7, v9;
	v58 =	vmul.f32 v55, v18;
	v10 =	vadd.f32 $1.500000000e+00, v59  }
0x1ff: {  	s17 =	sshll.u32 s21, $0x8;
	[sflag:s11] =	ssyncset.done @!p1 $0x0;
	v1 =	vmul.f32 v3, v1;
	v3 =	vsub.f32 v6, v60;
	v4 =	vmul.f32 v8, v4  }
0x200: {  	s1 =	sshra.s32 s17, $0x2;
	[sflag:s11] =	ssyncadd.s32 @!p1 $0xFFFFFFC0;
	v2 =	vsub.f32 v2, v61;
	v62 =	vmul.f32 v58, v7;
	v63 =	vmul.f32 v10, v54  }
0x201: {  	s6 =	sshll.u32 s6, $0x7;
	v3 =	vmul.f32 v4, v3;
	[tilespmem:s1+$0xC9D0] =	vst v1  }
0x202: {  	s6 =	sor.u32 s8, s6;
	v1 =	vmul.f32 v63, v2;
	[tilespmem:s1+$0xC9E0] =	vst v62  }
0x203: {  	s6 =	sshrl.u32 s6, $0x3;
	s23 =	sadd.s32 $0xC9D0, s1;
	[tilespmem:s1+$0xC9F0] =	vst v3  }
0x204: {  	s24 =	sadd.s32 s4, s6;
	p1 =	sgt.s32 s31, $0x3;
	[tilespmem:s1+$0xCA00] =	vst v1;
	s1 =	simm.s32 $0x1  }
0x205: {  	[hbm4b:s24+s7] =	stream.linear.scatter [tilespmem:s23], [sflag:$0x2], $0x40, $0x38;
	[tilespmem:$0x10350] =	vst v63  }
0x206: {  	s1 =	simm.s32 @!p1 $0x0  }
0x207: {  	s30 =	sadd.s32 $0x1, s21;
	s1 =	ssub.s32 s31, s1  }
0x208: {  	s21 =	sand.u32 $0x3, s30;
	s31 =	sadd.s32 $0x1, s1  }
.LBB2_39:
0x209: {  	v1 =	vld [tilespmem:s5+$0xC8F8];
	_ =	sdelay $0x4  }
0x20a: {  	(v2sf) =	vpush v1, $0x0;
	_ =	sdelay $0x8  }
0x20b: {  	v5 =	vimm.f32 $0.0e+00;
	v6 =	vimm.f32 $0.0e+00;
	s10 =	sadd.s32 $0x1, s10  }
0x20c: {  	v7 =	vimm.f32 $0.0e+00;
	v8 =	vimm.f32 $0.0e+00;
	v15 =	vimm.f32 $0.0e+00;
	p1 =	slt.s32 s10, s9  }
.Ltmp21:
0x20d: {  	v19 =	vimm.f32 $0.0e+00;
	v25 =	vimm.f32 $0.0e+00;
	v31 =	vimm.f32 $0.0e+00;
	(pc) =	sbr.rel @!p1 .LBB2_28-.Ltmp21, $4  }
0x20e: {  	v20 =	vimm.f32 $0.0e+00;
	v22 =	vimm.f32 $0.0e+00;
	v30 =	vimm.f32 $0.0e+00  }
0x20f: {  	v35 =	vimm.f32 $0.0e+00;
	v23 =	vimm.f32 $0.0e+00;
	v27 =	vimm.f32 $0.0e+00  }
0x210: {  	v34 =	vimm.f32 $0.0e+00;
	v37 =	vimm.f32 $0.0e+00;
	v29 =	vimm.f32 $0.0e+00  }
0x211: {  	s11 =	simm.s32 $0x0;
	v33 =	vimm.f32 $0.0e+00;
	v38 =	vimm.f32 $0.0e+00;
	s16 =	smov.u32 s5;
	v1 =	vimm.f32 $0.0e+00;
	s6 =	spop (v2sf)  }
.LBB2_17:
0x212: {  	s1 =	sshra.s32 s16, $0x4  }
0x213: {  	p1 =	sgt.s32 s1, $0xC  }
.Ltmp22:
0x214: {  	_ = 	snop;
	(pc) =	sbr.rel @p1 .LBB2_20-.Ltmp22, $2  }
0x215: {  	_ =	sdelay $0x2  }
0x216: {  	s5 =	simm.s32 $0xFFFFFFFF  }
0x217: {  	s15 =	sshll.u32 s1, $0x6  }
0x218: {  	s15 =	sshra.s32 s15, $0x2  }
0x219: {  	p1 =	por $0x0, $0x0;
	s15 =	sadd.s32 $0xC8F8, s15  }
0x21a: {  	v4 =	vld @!p1 [tilespmem:s15+$0x0];
	_ =	sdelay $0x2  }
0x21b: {  	s5 =	ssub.s32 $0xD, s1;
	s1 =	sshll.u32 s1, $0x4;
	v9 =	vlaneseq.u32 @!p1  }
0x21c: {  	v2 =	vmov s6;
	v3 =	vmov s16;
	v9 =	vor.u32 @!p1 s1, v9  }
0x21d: {  	vm2 =	vge.s32 @!p1 v9, v3;
	vm1 =	vne.s32 @!p1 v4, v2  }
0x21e: {  	vm1 =	vmand @!p1 vm2, vm1  }
0x21f: {  	v4 =	vmctz.xlane @!p1 vm1;
	_ =	sdelay $0x1  }
0x220: {  	(v2sf) =	vpush @!p1 v4, $0x0;
	_ =	sdelay $0xc  }
0x221: {  	s17 =	sadd.s32 $0xFFFFFFFF, s5  }
0x222: {  	p3 =	seq.s32 s17, $0x0  }
.Ltmp23:
0x223: {  	s24 =	spop @!p1 (v2sf);
	(pc) =	sbr.rel @p3 .LBB2_20-.Ltmp23, $4  }
0x224: {  	p2 =	slt.s32 @!p1 s24, $0x10  }
0x225: {  	s5 =	sadd.s32 @!p1 s1, s24;
	p2 =	por !p2, p1  }
0x226: {  	s23 =	simm.s32 $0xFFFFFFFF;
	s5 =	simm.s32 @p2 $0xFFFFFFFF  }
0x227: {  	s5 =	smov.u32 @p1 s23  }
.LBB2_19:
0x228: {  	s23 =	smov.u32 s5  }
0x229: {  	p1 =	sgt.s32 s5, $0xFFFFFFFF;
	s17 =	sadd.s32 $0xFFFFFFFF, s17;
	s15 =	sadd.s32 $0x10, s15  }
0x22a: {  	p2 =	seq.s32 s17, $0x0;
	v4 =	vld @!p1 [tilespmem:s15+$0x0];
	_ =	sdelay $0x2  }
0x22b: {  	s1 =	sadd.s32 $0x10, s1;
	v9 =	vlaneseq.u32 @!p1  }
0x22c: {  	v9 =	vor.u32 @!p1 s1, v9  }
0x22d: {  	vm2 =	vge.s32 @!p1 v9, v3;
	vm1 =	vne.s32 @!p1 v4, v2  }
0x22e: {  	vm1 =	vmand @!p1 vm2, vm1  }
0x22f: {  	v4 =	vmctz.xlane @!p1 vm1;
	_ =	sdelay $0x1  }
0x230: {  	(v2sf) =	vpush @!p1 v4, $0x0;
	_ =	sdelay $0xe  }
.Ltmp24:
0x231: {  	s5 =	spop @!p1 (v2sf);
	(pc) =	sbr.rel @!p2 .LBB2_19-.Ltmp24, $4  }
0x232: {  	p3 =	slt.s32 @!p1 s5, $0x10  }
0x233: {  	s5 =	sadd.s32 @!p1 s1, s5;
	p3 =	por !p3, p1  }
0x234: {  	s5 =	simm.s32 @p3 $0xFFFFFFFF  }
0x235: {  	s5 =	smov.u32 @p1 s23  }
.LBB2_20:
0x236: {  	p1 =	sle.s32 s5, s16  }
.Ltmp25:
0x237: {  	_ = 	snop;
	(pc) =	sbr.rel @p1 .LBB2_24-.Ltmp25, $2  }
0x238: {  	_ =	sdelay $0x2  }
0x239: {  	s15 =	ssub.s32 s5, s16  }
0x23a: {  	s1 =	sshll.u32 s16, $0x8  }
0x23b: {  	s1 =	sshra.s32 s1, $0x2  }
0x23c: {  	s30 =	sadd.s32 $0x9630, s1  }
0x23d: {  	s17 =	sadd.s32 $0x3230, s1;
	v4 =	vld [tilespmem:s30+$0xFFFFFFD0]  }
0x23e: {  	v16 =	vld [tilespmem:s17+$0xFFFFFFF0]  }
0x23f: {  	v17 =	vld [tilespmem:s30+$0xFFFFFFF0]  }
0x240: {  	v2 =	vld [tilespmem:s30+$0x0]  }
0x241: {  	v9 =	vld [tilespmem:s17+$0x0]  }
0x242: {  	p1 =	sne.s32 s15, $0x1;
	v3 =	vld [tilespmem:s17+$0xFFFFFFE0];
	v10 =	vmul.f32 v4, v4  }
.Ltmp26:
0x243: {  	v11 =	vld [tilespmem:s17+$0xFFFFFFD0];
	v37 =	vadd.f32 v4, v37;
	(pc) =	sbr.rel @!p1 .LBB2_23-.Ltmp26, $4  }
0x244: {  	v33 =	vadd.f32 v16, v33;
	v12 =	vmul.f32 v17, v17;
	v31 =	vadd.f32 v10, v31;
	v10 =	vld [tilespmem:s30+$0xFFFFFFE0]  }
0x245: {  	v27 =	vadd.f32 v17, v27;
	v18 =	vmul.f32 v16, v16;
	v14 =	vmul.f32 v2, v2  }
0x246: {  	v29 =	vadd.f32 v9, v29;
	v23 =	vadd.f32 v2, v23;
	v13 =	vmul.f32 v9, v9  }
0x247: {  	s1 =	sadd.s32 $0xFFFFFFFF, s15;
	s16 =	sadd.s32 $0x40, s30;
	s17 =	sadd.s32 $0x40, s17;
	v38 =	vadd.f32 v3, v38;
	v16 =	vmul.f32 v17, v16;
	v22 =	vadd.f32 v18, v22  }
.LBB2_22:
0x248: {  	v17 =	vld [tilespmem:s16+$0xFFFFFFD0];
	p1 =	sne.s32 s1, $0x1;
	s1 =	sadd.s32 $0xFFFFFFFF, s1;
	v18 =	vmul.f32 v3, v3;
	v19 =	vadd.f32 v12, v19;
	v15 =	vadd.f32 v14, v15  }
0x249: {  	v34 =	vadd.f32 v10, v34;
	v21 =	vld [tilespmem:s17+$0xFFFFFFF0];
	v1 =	vadd.f32 v11, v1;
	v12 =	vmul.f32 v11, v11  }
0x24a: {  	v20 =	vadd.f32 v13, v20;
	v13 =	vmul.f32 v2, v9;
	v6 =	vadd.f32 v16, v6;
	v24 =	vld [tilespmem:s16+$0xFFFFFFF0]  }
0x24b: {  	v16 =	vmul.f32 v4, v11;
	v30 =	vadd.f32 v18, v30;
	v2 =	vld [tilespmem:s16+$0x0];
	v35 =	vadd.f32 v12, v35  }
0x24c: {  	v14 =	vmul.f32 v10, v3;
	v11 =	vmul.f32 v10, v10;
	v5 =	vadd.f32 v13, v5;
	v9 =	vld [tilespmem:s17+$0x0]  }
0x24d: {  	v8 =	vadd.f32 v16, v8;
	v37 =	vadd.f32 v17, v37;
	v12 =	vmul.f32 v17, v17;
	v3 =	vld [tilespmem:s17+$0xFFFFFFE0];
	v4 =	vmovc v17  }
.Ltmp27:
0x24e: {  	v25 =	vadd.f32 v11, v25;
	v10 =	vld [tilespmem:s16+$0xFFFFFFE0];
	v33 =	vadd.f32 v21, v33;
	(pc) =	sbr.rel @p1 .LBB2_22-.Ltmp27, $4  }
0x24f: {  	v7 =	vadd.f32 v14, v7;
	v11 =	vld [tilespmem:s17+$0xFFFFFFD0];
	v31 =	vadd.f32 v12, v31;
	v12 =	vmul.f32 v24, v24  }
0x250: {  	v16 =	vmul.f32 v21, v21;
	v27 =	vadd.f32 v24, v27;
	v14 =	vmul.f32 v2, v2  }
0x251: {  	v23 =	vadd.f32 v2, v23;
	v29 =	vadd.f32 v9, v29;
	v13 =	vmul.f32 v9, v9  }
0x252: {  	s16 =	sadd.s32 $0x40, s16;
	s17 =	sadd.s32 $0x40, s17;
	v22 =	vadd.f32 v16, v22;
	v16 =	vmul.f32 v24, v21;
	v38 =	vadd.f32 v3, v38  }
.LBB2_23:
0x253: {  	v19 =	vadd.f32 v12, v19;
	v15 =	vadd.f32 v14, v15  }
0x254: {  	v14 =	vmul.f32 v3, v3;
	v20 =	vadd.f32 v13, v20;
	v2 =	vmul.f32 v2, v9  }
0x255: {  	v1 =	vadd.f32 v11, v1;
	v12 =	vmul.f32 v11, v11;
	v34 =	vadd.f32 v10, v34  }
0x256: {  	v6 =	vadd.f32 v16, v6;
	v4 =	vmul.f32 v4, v11;
	v9 =	vmul.f32 v10, v10  }
0x257: {  	v3 =	vmul.f32 v10, v3;
	v30 =	vadd.f32 v14, v30;
	v5 =	vadd.f32 v2, v5  }
0x258: {  	v35 =	vadd.f32 v12, v35;
	v8 =	vadd.f32 v4, v8  }
0x259: {  	v25 =	vadd.f32 v9, v25;
	v7 =	vadd.f32 v3, v7  }
.LBB2_24:
0x25a: {  	p1 =	sne.s32 s6, s29  }
.Ltmp28:
0x25b: {  	_ = 	snop;
	(pc) =	sbr.rel @p1 .LBB2_38-.Ltmp28, $2  }
0x25c: {  	_ =	sdelay $0x2  }
0x25d: {  	s1 =	sadd.s32 s11, s15  }
0x25e: {  	[tilespmem:$0xCAD0] =	vst v1  }
0x25f: {  	[tilespmem:$0xCAE0] =	vst v38  }
0x260: {  	[tilespmem:$0xCAF0] =	vst v33  }
0x261: {  	[tilespmem:$0xCB00] =	vst v29  }
0x262: {  	[tilespmem:$0xCB10] =	vst v37  }
0x263: {  	[tilespmem:$0xCB20] =	vst v34  }
0x264: {  	[tilespmem:$0xCB30] =	vst v27  }
0x265: {  	[tilespmem:$0xCB40] =	vst v23  }
0x266: {  	[tilespmem:$0xCB50] =	vst v35  }
0x267: {  	[tilespmem:$0xCB60] =	vst v30  }
0x268: {  	[tilespmem:$0xCB70] =	vst v22  }
0x269: {  	[tilespmem:$0xCB80] =	vst v20  }
0x26a: {  	[tilespmem:$0xCB90] =	vst v31  }
0x26b: {  	[tilespmem:$0xCBA0] =	vst v25  }
0x26c: {  	[tilespmem:$0xCBB0] =	vst v19  }
0x26d: {  	[tilespmem:$0xCBC0] =	vst v15  }
0x26e: {  	[tilespmem:$0xCBD0] =	vst v8  }
0x26f: {  	[tilespmem:$0xCBE0] =	vst v7;
	s1 =	scvt.s32.f32 s1  }
0x270: {  	[tilespmem:$0xCBF0] =	vst v6  }
0x271: {  	[tilespmem:$0xCC00] =	vst v5;
	v1 =	vmov s1  }
.Ltmp29:
0x272: {  	[tilespmem:$0xCC10] =	vst v1;
	(pc) =	sbr.rel .LBB2_39-.Ltmp29, $4  }
0x273: {  	[spmem:s13] =	stream.linear.scatter [tilespmem:s26], [sflag:$0x3], $0x180, $0x38;
	[tilespmem:$0x10350] =	vst v63  }
0x274: {  	_ =	swait.ge [sflag:s28], $0x180  }
0x275: {  	[sflag:s28] =	ssyncset.done $0x0  }
0x276: {  	[sflag:s28] =	ssyncadd.s32 $0xFFFFFE80  }
.LBB2_28:
0x277: {  	v5 =	vimm.f32 $0.0e+00;
	v6 =	vimm.f32 $0.0e+00;
	v7 =	vimm.f32 $0.0e+00  }
0x278: {  	v8 =	vimm.f32 $0.0e+00;
	v15 =	vimm.f32 $0.0e+00;
	v19 =	vimm.f32 $0.0e+00  }
0x279: {  	v25 =	vimm.f32 $0.0e+00;
	v31 =	vimm.f32 $0.0e+00;
	v20 =	vimm.f32 $0.0e+00  }
0x27a: {  	v22 =	vimm.f32 $0.0e+00;
	v30 =	vimm.f32 $0.0e+00;
	v35 =	vimm.f32 $0.0e+00  }
0x27b: {  	v23 =	vimm.f32 $0.0e+00;
	v27 =	vimm.f32 $0.0e+00;
	v34 =	vimm.f32 $0.0e+00  }
0x27c: {  	v37 =	vimm.f32 $0.0e+00;
	v29 =	vimm.f32 $0.0e+00;
	v33 =	vimm.f32 $0.0e+00  }
0x27d: {  	v38 =	vimm.f32 $0.0e+00;
	v1 =	vimm.f32 $0.0e+00;
	v39 =	vimm.f32 $0.0e+00  }
0x27e: {  	v36 =	vimm.f32 $0.0e+00;
	v28 =	vimm.f32 $0.0e+00;
	v21 =	vimm.f32 $0.0e+00;
	p1 =	sgt.s32 s5, $0xC7  }
.Ltmp30:
0x27f: {  	v32 =	vimm.f32 $0.0e+00;
	v26 =	vimm.f32 $0.0e+00;
	v18 =	vimm.f32 $0.0e+00;
	(pc) =	sbr.rel @p1 .LBB2_32-.Ltmp30, $4  }
0x280: {  	v14 =	vimm.f32 $0.0e+00;
	v24 =	vimm.f32 $0.0e+00;
	v17 =	vimm.f32 $0.0e+00  }
0x281: {  	v12 =	vimm.f32 $0.0e+00;
	v11 =	vimm.f32 $0.0e+00;
	v16 =	vimm.f32 $0.0e+00  }
0x282: {  	v13 =	vimm.f32 $0.0e+00;
	v10 =	vimm.f32 $0.0e+00;
	v9 =	vimm.f32 $0.0e+00  }
0x283: {  	s11 =	simm.s32 $0x0;
	v4 =	vimm.f32 $0.0e+00;
	v3 =	vimm.f32 $0.0e+00;
	v2 =	vimm.f32 $0.0e+00  }
.LBB2_29:
0x284: {  	s1 =	sshll.u32 s5, $0x8  }
0x285: {  	s10 =	sshra.s32 s1, $0x2  }
0x286: {  	s9 =	sadd.s32 $0x9630, s10  }
0x287: {  	s10 =	sadd.s32 $0x3230, s10;
	v13 =	vld [tilespmem:s9+$0xFFFFFFD0]  }
0x288: {  	v10 =	vld [tilespmem:s10+$0xFFFFFFF0]  }
0x289: {  	v24 =	vld [tilespmem:s9+$0xFFFFFFF0]  }
0x28a: {  	v3 =	vld [tilespmem:s9+$0x0]  }
0x28b: {  	v17 =	vld [tilespmem:s10+$0x0]  }
0x28c: {  	s30 =	ssub.s32 $0xC8, s5  }
0x28d: {  	p1 =	sne.s32 s30, $0x1;
	v4 =	vld [tilespmem:s10+$0xFFFFFFE0]  }
.Ltmp31:
0x28e: {  	v32 =	vadd.f32 v13, v37;
	v18 =	vadd.f32 v24, v27;
	v27 =	vld [tilespmem:s9+$0xFFFFFFE0];
	(pc) =	sbr.rel @!p1 .LBB2_31-.Ltmp31, $4  }
0x28f: {  	v2 =	vmul.f32 v13, v13;
	v28 =	vadd.f32 v10, v33;
	v14 =	vadd.f32 v3, v23;
	v23 =	vld [tilespmem:s10+$0xFFFFFFD0]  }
0x290: {  	v12 =	vmul.f32 v10, v10;
	v9 =	vmul.f32 v3, v3;
	v21 =	vadd.f32 v17, v29  }
0x291: {  	v11 =	vmul.f32 v17, v17;
	v16 =	vadd.f32 v2, v31;
	v2 =	vmul.f32 v24, v24  }
0x292: {  	s1 =	sadd.s32 $0xFFFFFFFF, s30;
	v36 =	vadd.f32 v4, v38;
	s9 =	sadd.s32 $0x40, s9;
	s10 =	sadd.s32 $0x40, s10;
	v12 =	vadd.f32 v12, v22;
	v22 =	vmul.f32 v24, v10  }
.LBB2_30:
0x293: {  	v10 =	vld [tilespmem:s9+$0xFFFFFFD0];
	p1 =	sne.s32 s1, $0x1;
	s1 =	sadd.s32 $0xFFFFFFFF, s1;
	v24 =	vmul.f32 v4, v4;
	v19 =	vadd.f32 v2, v19;
	v15 =	vadd.f32 v9, v15  }
0x294: {  	v1 =	vadd.f32 v23, v1;
	v2 =	vmul.f32 v23, v23;
	v34 =	vadd.f32 v27, v34;
	v26 =	vld [tilespmem:s10+$0xFFFFFFF0]  }
0x295: {  	v6 =	vadd.f32 v22, v6;
	v20 =	vadd.f32 v11, v20;
	v9 =	vmul.f32 v3, v17;
	v29 =	vld [tilespmem:s9+$0xFFFFFFF0]  }
0x296: {  	v35 =	vadd.f32 v2, v35;
	v2 =	vmul.f32 v13, v23;
	v30 =	vadd.f32 v24, v30;
	v3 =	vld [tilespmem:s9+$0x0]  }
0x297: {  	v11 =	vmul.f32 v27, v27;
	v22 =	vmul.f32 v27, v4;
	v5 =	vadd.f32 v9, v5;
	v17 =	vld [tilespmem:s10+$0x0]  }
0x298: {  	v8 =	vadd.f32 v2, v8;
	v32 =	vadd.f32 v10, v32;
	v9 =	vmul.f32 v10, v10;
	v4 =	vld [tilespmem:s10+$0xFFFFFFE0];
	v13 =	vmovc v10  }
.Ltmp32:
0x299: {  	v25 =	vadd.f32 v11, v25;
	v27 =	vld [tilespmem:s9+$0xFFFFFFE0];
	v28 =	vadd.f32 v26, v28;
	(pc) =	sbr.rel @p1 .LBB2_30-.Ltmp32, $4  }
0x29a: {  	v7 =	vadd.f32 v22, v7;
	v23 =	vld [tilespmem:s10+$0xFFFFFFD0];
	v16 =	vadd.f32 v9, v16;
	v2 =	vmul.f32 v29, v29  }
0x29b: {  	v10 =	vmul.f32 v26, v26;
	v18 =	vadd.f32 v29, v18;
	v9 =	vmul.f32 v3, v3  }
0x29c: {  	v14 =	vadd.f32 v3, v14;
	v21 =	vadd.f32 v17, v21;
	v11 =	vmul.f32 v17, v17  }
0x29d: {  	s9 =	sadd.s32 $0x40, s9;
	v22 =	vmul.f32 v29, v26;
	s10 =	sadd.s32 $0x40, s10;
	v12 =	vadd.f32 v10, v12;
	v36 =	vadd.f32 v4, v36  }
.Ltmp33:
0x29e: {  	_ = 	snop;
	(pc) =	sbr.rel .LBB2_31-.Ltmp33, $1  }
0x29f: {  	_ =	sdelay $0x3  }
.LBB2_34:
0x2a0: {  	s1 =	rddreg [dreg:$0x4];
	s5 =	simm.s32 $0xCC70  }
0x2a1: {  	[tilespmem:s5], [sflag:$0x3] =	stream.linear.gather [spmem:s1], $0x3000, $0x38;
	[tilespmem:$0x10350] =	vst v63  }
0x2a2: {  	_ =	swait.ge [sflag:s28], $0x3000  }
0x2a3: {  	[sflag:s28] =	ssyncset.done $0x0  }
0x2a4: {  	[sflag:s28] =	ssyncadd.s32 $0xFFFFD000  }
.Ltmp34:
0x2a5: {  	s31 =	simm.s32 $0xFC70;
	s30 =	rddreg [dreg:$0x5];
	(pc) =	sbr.rel .LBB2_35-.Ltmp34, $4  }
0x2a6: {  	[tilespmem:s31], [sflag:$0x3] =	stream.linear.gather [spmem:s30], $0x200, $0x38;
	[tilespmem:$0x10350] =	vst v63  }
0x2a7: {  	_ =	swait.ge [sflag:s28], $0x200  }
0x2a8: {  	s6 =	simm.s32 $0x0;
	[sflag:s28] =	ssyncset.done $0x0  }
0x2a9: {  	s9 =	simm.s32 $0xCD30;
	s5 =	simm.s32 $0xFFFFFFFF;
	[sflag:s28] =	ssyncadd.s32 $0xFFFFFE00  }
.LBB2_37:
0x2aa: {  	v0 =	vld [tilespmem:$0xFE70]  }
0x2ab: {  	v1 =	vld [tilespmem:s9+$0xFFFFFF40];
	_ =	sdelay $0x4  }
0x2ac: {  	v0 =	vadd.f32 v1, v0;
	_ =	sdelay $0x1  }
0x2ad: {  	[tilespmem:$0xFE70] =	vst v0;
	v0 =	vld [tilespmem:$0xFE80]  }
0x2ae: {  	v1 =	vld [tilespmem:s9+$0xFFFFFF50];
	_ =	sdelay $0x4  }
0x2af: {  	v0 =	vadd.f32 v1, v0;
	_ =	sdelay $0x1  }
0x2b0: {  	[tilespmem:$0xFE80] =	vst v0;
	v0 =	vld [tilespmem:$0xFE90]  }
0x2b1: {  	v1 =	vld [tilespmem:s9+$0xFFFFFF60];
	_ =	sdelay $0x4  }
0x2b2: {  	v0 =	vadd.f32 v1, v0;
	_ =	sdelay $0x1  }
0x2b3: {  	[tilespmem:$0xFE90] =	vst v0;
	v0 =	vld [tilespmem:$0xFEA0]  }
0x2b4: {  	v1 =	vld [tilespmem:s9+$0xFFFFFF70];
	_ =	sdelay $0x4  }
0x2b5: {  	v0 =	vadd.f32 v1, v0;
	_ =	sdelay $0x1  }
0x2b6: {  	[tilespmem:$0xFEA0] =	vst v0;
	v0 =	vld [tilespmem:$0xFEB0]  }
0x2b7: {  	v1 =	vld [tilespmem:s9+$0xFFFFFF80];
	_ =	sdelay $0x4  }
0x2b8: {  	v0 =	vadd.f32 v1, v0;
	_ =	sdelay $0x1  }
0x2b9: {  	[tilespmem:$0xFEB0] =	vst v0;
	v0 =	vld [tilespmem:$0xFEC0]  }
0x2ba: {  	v1 =	vld [tilespmem:s9+$0xFFFFFF90];
	_ =	sdelay $0x4  }
0x2bb: {  	v0 =	vadd.f32 v1, v0;
	_ =	sdelay $0x1  }
0x2bc: {  	[tilespmem:$0xFEC0] =	vst v0;
	v0 =	vld [tilespmem:$0xFED0]  }
0x2bd: {  	v1 =	vld [tilespmem:s9+$0xFFFFFFA0];
	_ =	sdelay $0x4  }
0x2be: {  	v0 =	vadd.f32 v1, v0;
	_ =	sdelay $0x1  }
0x2bf: {  	[tilespmem:$0xFED0] =	vst v0;
	v0 =	vld [tilespmem:$0xFEE0]  }
0x2c0: {  	v1 =	vld [tilespmem:s9+$0xFFFFFFB0];
	_ =	sdelay $0x4  }
0x2c1: {  	v0 =	vadd.f32 v1, v0;
	_ =	sdelay $0x1  }
0x2c2: {  	[tilespmem:$0xFEE0] =	vst v0;
	v0 =	vld [tilespmem:$0xFEF0]  }
0x2c3: {  	v1 =	vld [tilespmem:s9+$0xFFFFFFC0];
	_ =	sdelay $0x4  }
0x2c4: {  	v0 =	vadd.f32 v1, v0;
	_ =	sdelay $0x1  }
0x2c5: {  	[tilespmem:$0xFEF0] =	vst v0;
	v0 =	vld [tilespmem:$0xFF00]  }
0x2c6: {  	v1 =	vld [tilespmem:s9+$0xFFFFFFD0];
	_ =	sdelay $0x4  }
0x2c7: {  	v0 =	vadd.f32 v1, v0;
	_ =	sdelay $0x1  }
0x2c8: {  	[tilespmem:$0xFF00] =	vst v0;
	v0 =	vld [tilespmem:$0xFF10]  }
0x2c9: {  	v1 =	vld [tilespmem:s9+$0xFFFFFFE0];
	_ =	sdelay $0x4  }
0x2ca: {  	v0 =	vadd.f32 v1, v0;
	_ =	sdelay $0x1  }
0x2cb: {  	[tilespmem:$0xFF10] =	vst v0;
	v0 =	vld [tilespmem:$0xFF20]  }
0x2cc: {  	v1 =	vld [tilespmem:s9+$0xFFFFFFF0];
	_ =	sdelay $0x4  }
0x2cd: {  	v0 =	vadd.f32 v1, v0;
	_ =	sdelay $0x1  }
0x2ce: {  	[tilespmem:$0xFF20] =	vst v0;
	v0 =	vld [tilespmem:$0xFF30]  }
0x2cf: {  	v1 =	vld [tilespmem:s9+$0x0];
	_ =	sdelay $0x4  }
0x2d0: {  	v0 =	vadd.f32 v1, v0;
	_ =	sdelay $0x1  }
0x2d1: {  	[tilespmem:$0xFF30] =	vst v0;
	v0 =	vld [tilespmem:$0xFF40]  }
0x2d2: {  	v1 =	vld [tilespmem:s9+$0x10];
	_ =	sdelay $0x4  }
0x2d3: {  	v0 =	vadd.f32 v1, v0;
	_ =	sdelay $0x1  }
0x2d4: {  	[tilespmem:$0xFF40] =	vst v0;
	v0 =	vld [tilespmem:$0xFF50]  }
0x2d5: {  	v1 =	vld [tilespmem:s9+$0x20];
	_ =	sdelay $0x4  }
0x2d6: {  	v0 =	vadd.f32 v1, v0;
	_ =	sdelay $0x1  }
0x2d7: {  	[tilespmem:$0xFF50] =	vst v0;
	v0 =	vld [tilespmem:$0xFF60]  }
0x2d8: {  	v1 =	vld [tilespmem:s9+$0x30];
	_ =	sdelay $0x4  }
0x2d9: {  	v0 =	vadd.f32 v1, v0;
	_ =	sdelay $0x1  }
0x2da: {  	[tilespmem:$0xFF60] =	vst v0;
	v0 =	vld [tilespmem:$0xFF70]  }
0x2db: {  	v1 =	vld [tilespmem:s9+$0x40];
	_ =	sdelay $0x4  }
0x2dc: {  	v0 =	vadd.f32 v1, v0;
	_ =	sdelay $0x1  }
0x2dd: {  	[tilespmem:$0xFF70] =	vst v0;
	v0 =	vld [tilespmem:$0xFF80]  }
0x2de: {  	v1 =	vld [tilespmem:s9+$0x50];
	_ =	sdelay $0x4  }
0x2df: {  	v0 =	vadd.f32 v1, v0;
	_ =	sdelay $0x1  }
0x2e0: {  	[tilespmem:$0xFF80] =	vst v0;
	v0 =	vld [tilespmem:$0xFF90]  }
0x2e1: {  	v1 =	vld [tilespmem:s9+$0x60];
	_ =	sdelay $0x4  }
0x2e2: {  	v0 =	vadd.f32 v1, v0;
	_ =	sdelay $0x1  }
0x2e3: {  	[tilespmem:$0xFF90] =	vst v0;
	v0 =	vld [tilespmem:$0xFFA0]  }
0x2e4: {  	v1 =	vld [tilespmem:s9+$0x70];
	_ =	sdelay $0x4  }
0x2e5: {  	v0 =	vadd.f32 v1, v0;
	_ =	sdelay $0x1  }
0x2e6: {  	[tilespmem:$0xFFA0] =	vst v0;
	v0 =	vld [tilespmem:$0xFFB0]  }
0x2e7: {  	v1 =	vld [tilespmem:s9+$0x80];
	_ =	sdelay $0x4  }
0x2e8: {  	v0 =	vadd.f32 v1, v0;
	_ =	sdelay $0x1  }
0x2e9: {  	[tilespmem:$0xFFB0] =	vst v0;
	v0 =	vld [tilespmem:$0xFFC0]  }
0x2ea: {  	v1 =	vld [tilespmem:s9+$0x90];
	_ =	sdelay $0x4  }
0x2eb: {  	v0 =	vadd.f32 v1, v0;
	_ =	sdelay $0x1  }
0x2ec: {  	[tilespmem:$0xFFC0] =	vst v0;
	v0 =	vld [tilespmem:$0xFFD0]  }
0x2ed: {  	v1 =	vld [tilespmem:s9+$0xA0];
	_ =	sdelay $0x4  }
0x2ee: {  	v0 =	vadd.f32 v1, v0;
	_ =	sdelay $0x1  }
0x2ef: {  	[tilespmem:$0xFFD0] =	vst v0;
	v0 =	vld [tilespmem:$0xFFE0]  }
0x2f0: {  	v1 =	vld [tilespmem:s9+$0xB0];
	_ =	sdelay $0x4  }
0x2f1: {  	v0 =	vadd.f32 v1, v0  }
.LBB2_43:
0x2f2: {  	_ = 	snop  }
0x2f3: {  	[tilespmem:$0xFFE0] =	vst v0  }
.LBB2_44:
0x2f4: {  	s6 =	sadd.s32 $0x40, s6  }
0x2f5: {  	p2 =	sne.s32 s6, $0x800  }
.Ltmp35:
0x2f6: {  	_ = 	snop;
	(pc) =	sbr.rel @!p2 .LBB2_45-.Ltmp35, $3  }
0x2f7: {  	_ =	sdelay $0x1  }
0x2f8: {  	p1 =	sgt.s32 s10, $0xFFFFFFFF  }
0x2f9: {  	s9 =	sadd.s32 $0x180, s9;
	s5 =	smov.u32 @p1 s10  }
.LBB2_35:
0x2fa: {  	s1 =	sshra.s32 s6, $0x2  }
0x2fb: {  	v0 =	vld [tilespmem:s1+$0xFC70];
	_ =	sdelay $0x4  }
0x2fc: {  	(v2sf) =	vpush v0, $0x0;
	_ =	sdelay $0xe  }
0x2fd: {  	s10 =	spop (v2sf)  }
0x2fe: {  	p1 =	slt.s32 s10, $0x0  }
.Ltmp36:
0x2ff: {  	_ = 	snop;
	(pc) =	sbr.rel @p1 .LBB2_44-.Ltmp36, $1  }
0x300: {  	_ =	sdelay $0x3  }
0x301: {  	p1 =	sne.s32 s10, s5  }
.Ltmp37:
0x302: {  	_ = 	snop;
	(pc) =	sbr.rel @!p1 .LBB2_37-.Ltmp37, $1  }
0x303: {  	_ =	sdelay $0x3  }
0x304: {  	p1 =	slt.s32 s5, $0x0  }
.Ltmp38:
0x305: {  	_ = 	snop;
	(pc) =	sbr.rel @p1 .LBB2_42-.Ltmp38, $1  }
0x306: {  	_ =	sdelay $0x3  }
0x307: {  	v0 =	vld [tilespmem:$0xFFB0];
	_ =	sdelay $0x3  }
0x308: {  	v23 =	vld [tilespmem:$0xFE70]  }
0x309: {  	v1 =	vld [tilespmem:$0xFEB0];
	(erf) = vrcp.f32 v0  }
0x30a: {  	v2 =	vld [tilespmem:$0xFEF0]  }
0x30b: {  	v3 =	vld [tilespmem:$0xFF30]  }
0x30c: {  	v5 =	vld [tilespmem:$0xFE80]  }
0x30d: {  	v6 =	vld [tilespmem:$0xFEC0]  }
0x30e: {  	v8 =	vld [tilespmem:$0xFF00]  }
0x30f: {  	v10 =	vld [tilespmem:$0xFF40]  }
0x310: {  	v27 =	vld [tilespmem:$0xFED0]  }
0x311: {  	v12 =	vld [tilespmem:$0xFF10]  }
0x312: {  	v14 =	vld [tilespmem:$0xFF50];
	v4 =	vpop (erf)  }
0x313: {  	v16 =	vld [tilespmem:$0xFEE0];
	v0 =	vmul.f32 v4, v23  }
0x314: {  	v17 =	vld [tilespmem:$0xFF60];
	v1 =	vmul.f32 v1, v4;
	v2 =	vmul.f32 v2, v4  }
0x315: {  	v3 =	vmul.f32 v3, v4;
	v5 =	vmul.f32 v5, v4  }
0x316: {  	v26 =	vmul.f32 v6, v4;
	v8 =	vmul.f32 v8, v4  }
0x317: {  	v24 =	vld [tilespmem:$0xFE90];
	v10 =	vmul.f32 v10, v4;
	v6 =	vmul.f32 v27, v4  }
0x318: {  	v25 =	vld [tilespmem:$0xFEA0];
	v30 =	vmul.f32 v12, v4;
	v14 =	vmul.f32 v14, v4  }
0x319: {  	v28 =	vld [tilespmem:$0xFF20];
	v16 =	vmul.f32 v16, v4;
	v17 =	vmul.f32 v17, v4  }
0x31a: {  	v7 =	vmul.f32 v0, v0;
	v9 =	vmul.f32 v1, v1  }
0x31b: {  	v11 =	vmul.f32 v5, v5;
	v13 =	vmul.f32 v26, v26  }
0x31c: {  	v18 =	vmul.f32 v6, v6;
	v21 =	vmul.f32 v16, v16;
	v2 =	vsub.f32 v2, v7  }
0x31d: {  	v3 =	vsub.f32 v3, v9;
	v8 =	vsub.f32 v8, v11;
	v7 =	vmul.f32 v24, v4  }
0x31e: {  	v10 =	vsub.f32 v10, v13;
	v9 =	vmul.f32 v25, v4;
	v11 =	vmul.f32 v28, v4  }
0x31f: {  	v2 =	vmul.f32 v3, v2;
	v31 =	vmul.f32 v7, v7  }
0x320: {  	v32 =	vsub.f32 v14, v18;
	v8 =	vmul.f32 v10, v8;
	v19 =	vmul.f32 v9, v9  }
0x321: {  	v17 =	vsub.f32 v17, v21;
	v15 =	vshra.s32 v2, $0x1;
	v10 =	vsub.f32 v30, v31  }
0x322: {  	v2 =	vmul.f32 $-5.000000000e-01, v2;
	v20 =	vshra.s32 v8, $0x1;
	v11 =	vsub.f32 v11, v19  }
0x323: {  	v8 =	vmul.f32 $-5.000000000e-01, v8;
	v15 =	vsub.s32 $0x5F3759DF, v15;
	v10 =	vmul.f32 v32, v10  }
0x324: {  	v33 =	vsub.s32 $0x5F3759DF, v20;
	v29 =	vmul.f32 v15, v2;
	v11 =	vmul.f32 v17, v11  }
0x325: {  	v34 =	vmul.f32 v33, v8;
	v37 =	vshra.s32 v10, $0x1;
	v10 =	vmul.f32 $-5.000000000e-01, v10  }
0x326: {  	v54 =	vld [tilespmem:$0xFF90];
	v38 =	vshra.s32 v11, $0x1;
	v11 =	vmul.f32 $-5.000000000e-01, v11;
	v17 =	vsub.s32 $0x5F3759DF, v37  }
0x327: {  	v35 =	vmul.f32 v15, v29;
	v18 =	vsub.s32 $0x5F3759DF, v38;
	v39 =	vmul.f32 v17, v10  }
0x328: {  	v36 =	vmul.f32 v33, v34;
	v40 =	vmul.f32 v18, v11  }
0x329: {  	v12 =	vadd.f32 $1.500000000e+00, v35;
	v41 =	vmul.f32 v17, v39  }
0x32a: {  	v13 =	vadd.f32 $1.500000000e+00, v36;
	v42 =	vmul.f32 v18, v40  }
0x32b: {  	v57 =	vmul.f32 v54, v4;
	v12 =	vmul.f32 v15, v12;
	v15 =	vadd.f32 $1.500000000e+00, v41  }
0x32c: {  	v0 =	vmul.f32 v1, v0;
	v13 =	vmul.f32 v33, v13;
	v14 =	vadd.f32 $1.500000000e+00, v42  }
0x32d: {  	v43 =	vmul.f32 v12, v2;
	v15 =	vmul.f32 v17, v15  }
0x32e: {  	v44 =	vmul.f32 v13, v8;
	v14 =	vmul.f32 v18, v14  }
0x32f: {  	v45 =	vld [tilespmem:$0xFF70];
	v19 =	vmul.f32 v43, v12;
	v47 =	vmul.f32 v15, v10  }
0x330: {  	v20 =	vmul.f32 v44, v13;
	v48 =	vmul.f32 v14, v11  }
0x331: {  	v3 =	vmul.f32 v26, v5;
	v46 =	vadd.f32 $1.500000000e+00, v19;
	v49 =	vmul.f32 v47, v15  }
0x332: {  	v6 =	vmul.f32 v6, v7;
	v20 =	vadd.f32 $1.500000000e+00, v20;
	v51 =	vmul.f32 v48, v14  }
0x333: {  	v9 =	vmul.f32 v16, v9;
	v12 =	vmul.f32 v46, v12;
	v18 =	vadd.f32 $1.500000000e+00, v49  }
0x334: {  	v50 =	vld [tilespmem:$0xFF80];
	v17 =	vmul.f32 v45, v4;
	v13 =	vmul.f32 v20, v13;
	v53 =	vadd.f32 $1.500000000e+00, v51  }
0x335: {  	v2 =	vmul.f32 v12, v2;
	v15 =	vmul.f32 v18, v15  }
0x336: {  	v55 =	vld [tilespmem:$0xFFA0];
	v52 =	vmul.f32 v13, v8;
	v8 =	vmul.f32 v53, v14  }
0x337: {  	v2 =	vmul.f32 v2, v12;
	v10 =	vmul.f32 v15, v10  }
0x338: {  	v1 =	vmul.f32 v52, v13;
	v56 =	vmul.f32 v8, v11  }
0x339: {  	v19 =	vmul.f32 v50, v4;
	v2 =	vadd.f32 $1.500000000e+00, v2;
	v10 =	vmul.f32 v10, v15  }
0x33a: {  	v0 =	vsub.f32 v17, v0;
	v1 =	vadd.f32 $1.500000000e+00, v1;
	v5 =	vmul.f32 v56, v8  }
0x33b: {  	v4 =	vmul.f32 v55, v4;
	v2 =	vmul.f32 v2, v12;
	v58 =	vadd.f32 $1.500000000e+00, v10  }
0x33c: {  	v3 =	vsub.f32 v19, v3;
	v1 =	vmul.f32 v1, v13;
	v5 =	vadd.f32 $1.500000000e+00, v5  }
0x33d: {  	v59 =	vsub.f32 v57, v6;
	v0 =	vmul.f32 v2, v0;
	v60 =	vmul.f32 v58, v15  }
0x33e: {  	v61 =	vsub.f32 v4, v9;
	v1 =	vmul.f32 v1, v3;
	v62 =	vmul.f32 v5, v8  }
0x33f: {  	s1 =	sshll.u32 s5, $0x7;
	[tilespmem:$0xFFF0] =	vst v0;
	v2 =	vmul.f32 v60, v59  }
0x340: {  	s1 =	sor.u32 s8, s1;
	[tilespmem:$0x10000] =	vst v1;
	v63 =	vmul.f32 v62, v61  }
0x341: {  	s1 =	sshrl.u32 s1, $0x3;
	[tilespmem:$0x10010] =	vst v2  }
0x342: {  	s1 =	sadd.s32 s4, s1;
	[tilespmem:$0x10020] =	vst v63  }
0x343: {  	[hbm4b:s1+s7] =	stream.linear.scatter [tilespmem:s11], [sflag:$0x3], $0x40, $0x38;
	[tilespmem:$0x10350] =	vst v63  }
0x344: {  	_ =	swait.ge [sflag:s28], $0x40  }
0x345: {  	[sflag:s28] =	ssyncset.done $0x0  }
0x346: {  	[sflag:s28] =	ssyncadd.s32 $0xFFFFFFC0  }
.LBB2_42:
0x347: {  	v0 =	vld [tilespmem:s9+$0xFFFFFF40];
	_ =	sdelay $0x4  }
0x348: {  	[tilespmem:$0xFE70] =	vst v0  }
0x349: {  	v0 =	vld [tilespmem:s9+$0xFFFFFF50];
	_ =	sdelay $0x4  }
0x34a: {  	[tilespmem:$0xFE80] =	vst v0  }
0x34b: {  	v0 =	vld [tilespmem:s9+$0xFFFFFF60];
	_ =	sdelay $0x4  }
0x34c: {  	[tilespmem:$0xFE90] =	vst v0  }
0x34d: {  	v0 =	vld [tilespmem:s9+$0xFFFFFF70];
	_ =	sdelay $0x4  }
0x34e: {  	[tilespmem:$0xFEA0] =	vst v0  }
0x34f: {  	v0 =	vld [tilespmem:s9+$0xFFFFFF80];
	_ =	sdelay $0x4  }
0x350: {  	[tilespmem:$0xFEB0] =	vst v0  }
0x351: {  	v0 =	vld [tilespmem:s9+$0xFFFFFF90];
	_ =	sdelay $0x4  }
0x352: {  	[tilespmem:$0xFEC0] =	vst v0  }
0x353: {  	v0 =	vld [tilespmem:s9+$0xFFFFFFA0];
	_ =	sdelay $0x4  }
0x354: {  	[tilespmem:$0xFED0] =	vst v0  }
0x355: {  	v0 =	vld [tilespmem:s9+$0xFFFFFFB0];
	_ =	sdelay $0x4  }
0x356: {  	[tilespmem:$0xFEE0] =	vst v0  }
0x357: {  	v0 =	vld [tilespmem:s9+$0xFFFFFFC0];
	_ =	sdelay $0x4  }
0x358: {  	[tilespmem:$0xFEF0] =	vst v0  }
0x359: {  	v0 =	vld [tilespmem:s9+$0xFFFFFFD0];
	_ =	sdelay $0x4  }
0x35a: {  	[tilespmem:$0xFF00] =	vst v0  }
0x35b: {  	v0 =	vld [tilespmem:s9+$0xFFFFFFE0];
	_ =	sdelay $0x4  }
0x35c: {  	[tilespmem:$0xFF10] =	vst v0  }
0x35d: {  	v0 =	vld [tilespmem:s9+$0xFFFFFFF0];
	_ =	sdelay $0x4  }
0x35e: {  	[tilespmem:$0xFF20] =	vst v0  }
0x35f: {  	v0 =	vld [tilespmem:s9+$0x0];
	_ =	sdelay $0x4  }
0x360: {  	[tilespmem:$0xFF30] =	vst v0  }
0x361: {  	v0 =	vld [tilespmem:s9+$0x10];
	_ =	sdelay $0x4  }
0x362: {  	[tilespmem:$0xFF40] =	vst v0  }
0x363: {  	v0 =	vld [tilespmem:s9+$0x20];
	_ =	sdelay $0x4  }
0x364: {  	[tilespmem:$0xFF50] =	vst v0  }
0x365: {  	v0 =	vld [tilespmem:s9+$0x30];
	_ =	sdelay $0x4  }
0x366: {  	[tilespmem:$0xFF60] =	vst v0  }
0x367: {  	v0 =	vld [tilespmem:s9+$0x40];
	_ =	sdelay $0x4  }
0x368: {  	[tilespmem:$0xFF70] =	vst v0  }
0x369: {  	v0 =	vld [tilespmem:s9+$0x50];
	_ =	sdelay $0x4  }
0x36a: {  	[tilespmem:$0xFF80] =	vst v0  }
0x36b: {  	v0 =	vld [tilespmem:s9+$0x60];
	_ =	sdelay $0x4  }
0x36c: {  	[tilespmem:$0xFF90] =	vst v0  }
0x36d: {  	v0 =	vld [tilespmem:s9+$0x70];
	_ =	sdelay $0x4  }
0x36e: {  	[tilespmem:$0xFFA0] =	vst v0  }
0x36f: {  	v0 =	vld [tilespmem:s9+$0x80];
	_ =	sdelay $0x4  }
0x370: {  	[tilespmem:$0xFFB0] =	vst v0  }
0x371: {  	v0 =	vld [tilespmem:s9+$0x90];
	_ =	sdelay $0x4  }
0x372: {  	[tilespmem:$0xFFC0] =	vst v0  }
0x373: {  	v0 =	vld [tilespmem:s9+$0xA0];
	_ =	sdelay $0x4  }
.Ltmp39:
0x374: {  	[tilespmem:$0xFFD0] =	vst v0;
	(pc) =	sbr.rel .LBB2_43-.Ltmp39, $1  }
0x375: {  	v0 =	vld [tilespmem:s9+$0xB0];
	_ =	sdelay $0x3  }
.LBB2_45:
0x376: {  	p1 =	slt.s32 s5, $0x0  }
.Ltmp40:
0x377: {  	_ = 	snop;
	(pc) =	sbr.rel @p1 .LBB2_47-.Ltmp40, $2  }
0x378: {  	_ =	sdelay $0x2  }
0x379: {  	s6 =	rddreg [dreg:$0xd]  }
0x37a: {  	v0 =	vld [tilespmem:$0xFFB0];
	_ =	sdelay $0x3  }
0x37b: {  	v23 =	vld [tilespmem:$0xFE70]  }
0x37c: {  	v1 =	vld [tilespmem:$0xFEB0];
	(erf) = vrcp.f32 v0  }
0x37d: {  	v2 =	vld [tilespmem:$0xFEF0]  }
0x37e: {  	v3 =	vld [tilespmem:$0xFF30]  }
0x37f: {  	v5 =	vld [tilespmem:$0xFE80]  }
0x380: {  	v6 =	vld [tilespmem:$0xFEC0]  }
0x381: {  	v8 =	vld [tilespmem:$0xFF00]  }
0x382: {  	v10 =	vld [tilespmem:$0xFF40]  }
0x383: {  	v27 =	vld [tilespmem:$0xFED0]  }
0x384: {  	v12 =	vld [tilespmem:$0xFF10]  }
0x385: {  	v14 =	vld [tilespmem:$0xFF50];
	v4 =	vpop (erf)  }
0x386: {  	v16 =	vld [tilespmem:$0xFEE0];
	v0 =	vmul.f32 v4, v23  }
0x387: {  	v17 =	vld [tilespmem:$0xFF60];
	v1 =	vmul.f32 v1, v4;
	v2 =	vmul.f32 v2, v4  }
0x388: {  	v3 =	vmul.f32 v3, v4;
	v5 =	vmul.f32 v5, v4  }
0x389: {  	v26 =	vmul.f32 v6, v4;
	v8 =	vmul.f32 v8, v4  }
0x38a: {  	v24 =	vld [tilespmem:$0xFE90];
	v10 =	vmul.f32 v10, v4;
	v6 =	vmul.f32 v27, v4  }
0x38b: {  	v25 =	vld [tilespmem:$0xFEA0];
	v30 =	vmul.f32 v12, v4;
	v14 =	vmul.f32 v14, v4  }
0x38c: {  	v28 =	vld [tilespmem:$0xFF20];
	v16 =	vmul.f32 v16, v4;
	v17 =	vmul.f32 v17, v4  }
0x38d: {  	v7 =	vmul.f32 v0, v0;
	v9 =	vmul.f32 v1, v1  }
0x38e: {  	v11 =	vmul.f32 v5, v5;
	v13 =	vmul.f32 v26, v26  }
0x38f: {  	v18 =	vmul.f32 v6, v6;
	v21 =	vmul.f32 v16, v16;
	v2 =	vsub.f32 v2, v7  }
0x390: {  	v3 =	vsub.f32 v3, v9;
	v8 =	vsub.f32 v8, v11;
	v7 =	vmul.f32 v24, v4  }
0x391: {  	v10 =	vsub.f32 v10, v13;
	v9 =	vmul.f32 v25, v4;
	v11 =	vmul.f32 v28, v4  }
0x392: {  	v2 =	vmul.f32 v3, v2;
	v31 =	vmul.f32 v7, v7  }
0x393: {  	v32 =	vsub.f32 v14, v18;
	v8 =	vmul.f32 v10, v8;
	v19 =	vmul.f32 v9, v9  }
0x394: {  	v17 =	vsub.f32 v17, v21;
	v15 =	vshra.s32 v2, $0x1;
	v10 =	vsub.f32 v30, v31  }
0x395: {  	v2 =	vmul.f32 $-5.000000000e-01, v2;
	v20 =	vshra.s32 v8, $0x1;
	v11 =	vsub.f32 v11, v19  }
0x396: {  	v8 =	vmul.f32 $-5.000000000e-01, v8;
	v15 =	vsub.s32 $0x5F3759DF, v15;
	v10 =	vmul.f32 v32, v10  }
0x397: {  	v33 =	vsub.s32 $0x5F3759DF, v20;
	v29 =	vmul.f32 v15, v2;
	v11 =	vmul.f32 v17, v11  }
0x398: {  	v34 =	vmul.f32 v33, v8;
	v37 =	vshra.s32 v10, $0x1;
	v10 =	vmul.f32 $-5.000000000e-01, v10  }
0x399: {  	v54 =	vld [tilespmem:$0xFF90];
	v38 =	vshra.s32 v11, $0x1;
	v11 =	vmul.f32 $-5.000000000e-01, v11;
	v17 =	vsub.s32 $0x5F3759DF, v37  }
0x39a: {  	v35 =	vmul.f32 v15, v29;
	v18 =	vsub.s32 $0x5F3759DF, v38;
	v39 =	vmul.f32 v17, v10  }
0x39b: {  	v36 =	vmul.f32 v33, v34;
	v40 =	vmul.f32 v18, v11  }
0x39c: {  	v12 =	vadd.f32 $1.500000000e+00, v35;
	v41 =	vmul.f32 v17, v39  }
0x39d: {  	v13 =	vadd.f32 $1.500000000e+00, v36;
	v42 =	vmul.f32 v18, v40  }
0x39e: {  	v57 =	vmul.f32 v54, v4;
	v12 =	vmul.f32 v15, v12;
	v15 =	vadd.f32 $1.500000000e+00, v41  }
0x39f: {  	v0 =	vmul.f32 v1, v0;
	v13 =	vmul.f32 v33, v13;
	v14 =	vadd.f32 $1.500000000e+00, v42  }
0x3a0: {  	v43 =	vmul.f32 v12, v2;
	v15 =	vmul.f32 v17, v15  }
0x3a1: {  	v44 =	vmul.f32 v13, v8;
	v14 =	vmul.f32 v18, v14  }
0x3a2: {  	v45 =	vld [tilespmem:$0xFF70];
	v19 =	vmul.f32 v43, v12;
	v47 =	vmul.f32 v15, v10  }
0x3a3: {  	v20 =	vmul.f32 v44, v13;
	v48 =	vmul.f32 v14, v11  }
0x3a4: {  	v3 =	vmul.f32 v26, v5;
	v46 =	vadd.f32 $1.500000000e+00, v19;
	v49 =	vmul.f32 v47, v15  }
0x3a5: {  	v6 =	vmul.f32 v6, v7;
	v20 =	vadd.f32 $1.500000000e+00, v20;
	v51 =	vmul.f32 v48, v14  }
0x3a6: {  	v9 =	vmul.f32 v16, v9;
	v12 =	vmul.f32 v46, v12;
	v18 =	vadd.f32 $1.500000000e+00, v49  }
0x3a7: {  	v50 =	vld [tilespmem:$0xFF80];
	v17 =	vmul.f32 v45, v4;
	v13 =	vmul.f32 v20, v13;
	v53 =	vadd.f32 $1.500000000e+00, v51  }
0x3a8: {  	v2 =	vmul.f32 v12, v2;
	v15 =	vmul.f32 v18, v15  }
0x3a9: {  	v55 =	vld [tilespmem:$0xFFA0];
	v52 =	vmul.f32 v13, v8;
	v8 =	vmul.f32 v53, v14  }
0x3aa: {  	v2 =	vmul.f32 v2, v12;
	v10 =	vmul.f32 v15, v10  }
0x3ab: {  	v1 =	vmul.f32 v52, v13;
	v56 =	vmul.f32 v8, v11  }
0x3ac: {  	v19 =	vmul.f32 v50, v4;
	v2 =	vadd.f32 $1.500000000e+00, v2;
	v10 =	vmul.f32 v10, v15  }
0x3ad: {  	v0 =	vsub.f32 v17, v0;
	v1 =	vadd.f32 $1.500000000e+00, v1;
	v5 =	vmul.f32 v56, v8  }
0x3ae: {  	v4 =	vmul.f32 v55, v4;
	v2 =	vmul.f32 v2, v12;
	v58 =	vadd.f32 $1.500000000e+00, v10  }
0x3af: {  	v3 =	vsub.f32 v19, v3;
	v1 =	vmul.f32 v1, v13;
	v5 =	vadd.f32 $1.500000000e+00, v5  }
0x3b0: {  	v59 =	vsub.f32 v57, v6;
	v0 =	vmul.f32 v2, v0;
	v60 =	vmul.f32 v58, v15  }
0x3b1: {  	v61 =	vsub.f32 v4, v9;
	v1 =	vmul.f32 v1, v3;
	v62 =	vmul.f32 v5, v8  }
0x3b2: {  	s1 =	sshll.u32 s5, $0x7;
	[tilespmem:$0xFFF0] =	vst v0;
	v2 =	vmul.f32 v60, v59  }
0x3b3: {  	s1 =	sor.u32 s8, s1;
	[tilespmem:$0x10000] =	vst v1;
	v63 =	vmul.f32 v62, v61  }
0x3b4: {  	s1 =	sshrl.u32 s1, $0x3;
	[tilespmem:$0x10010] =	vst v2  }
.Ltmp41:
0x3b5: {  	s1 =	sadd.s32 s4, s1;
	[tilespmem:$0x10020] =	vst v63;
	(pc) =	sbr.rel .LBB2_47-.Ltmp41, $4  }
0x3b6: {  	[hbm4b:s1+s7] =	stream.linear.scatter [tilespmem:s11], [sflag:$0x3], $0x40, $0x38;
	[tilespmem:$0x10350] =	vst v63  }
0x3b7: {  	_ =	swait.ge [sflag:s28], $0x40  }
0x3b8: {  	[sflag:s28] =	ssyncset.done $0x0  }
0x3b9: {  	[sflag:s28] =	ssyncadd.s32 $0xFFFFFFC0  }
.LBB2_48:
0x3ba: {  	_ =	sfence.sel $0x180000  }
0x3bb: {  	[bflag:$0x0] =	sbarrier.arrive $0xFFFF  }
0x3bc: {  	_ =	strace $0x90000047  }
0x3bd: {  	[bflag:$0x2] =	sbarrier.arrive $0xFFFF  }
0x3be: {  	s0 =	rddreg [dreg:$0x6]  }
0x3bf: {  	s0 =	sadd.s32 @!p0 $0x100000, s0  }
0x3c0: {  	[sflag:s0] =	ssyncadd.tile.s32 @!p0 $0x1;
	_ =	shalt  }
.Lfunc_end2:
_tile_overlayer_lowered:
.L_overlay_start_2:
0x3c1: {  	(tag) =	ssettag $0x2  }
0x3c2: {  	s0 =	rddreg [dreg:$0x0];
	s2 =	stileid.u32  }
0x3c3: {  	s1 =	rddreg [dreg:$0x1];
	p0 =	sne.s32 s2, $0x0  }
0x3c4: {  	s3 =	rddreg [dreg:$0x2];
	[bflag:$0x3] =	sbarrier.arrive $0xFFFF;
	s2 =	simm.s32 @!p0 $0x1C03  }
0x3c5: {  	[timem:s3], [sflag:s2] =	dma.local @!p0 [hbm:s0], s1  }
0x3c6: {  	s0 =	simm.s32 @!p0 $0x3  }
0x3c7: {  	_ =	swait.ge @!p0 [sflag:s0], s1  }
0x3c8: {  	s1 =	ssub.s32 @!p0 $0x0, s1;
	[sflag:s0] =	ssyncset.done @!p0 $0x0  }
0x3c9: {  	[sflag:s0] =	ssyncadd.s32 @!p0 s1  }
0x3ca: {  	[bflag:$0x3] =	sbarrier.arrive $0xFFFF  }
0x3cb: {  	_ =	shalt  }

</sc_bundles>
